<compile_context>
chip_gen: v7x
topology: tpu7x:2x2x1
jax: 0.10.2.dev20260603
libtpu: 0.0.44.dev20260713+nightly
codegen_flags: <defaults>
</compile_context>

<pallas_src>
import functools

import jax
import jax.numpy as jnp
from jax import lax
from jax.experimental import pallas as pl
from jax.experimental.pallas import tpu as pltpu
from jax.experimental.pallas import tpu_sc as plsc

N_S, N_C, E, D = 8000, 2000, 80000, 128

NC, NS, CHUNK = 2, 16, 256
E_PAD = 81920
NCHW = E_PAD // (NS * CHUNK)
EPW = E_PAD // NS
TS_ROWS, TC_ROWS = 8064, 2048
ZS, ZC = TS_ROWS // NS, TC_ROWS // NS

PER_S, LAST_S = 504, N_S - 15 * 504
PER_C, LAST_C = 128, N_C - 15 * 128


def _mo8(x):
    return pl.multiple_of(x, 8)

_mesh = plsc.VectorSubcoreMesh(core_axis_name="c", subcore_axis_name="s",
                               num_cores=NC, num_subcores=NS)


def _f32(shape):
    return jax.ShapeDtypeStruct(shape, jnp.float32)


LS = 32


@functools.partial(
    pl.kernel,
    out_type=[_f32((N_S, D)), _f32((N_C, D))],
    mesh=_mesh,
    scratch_types=[
        pltpu.VMEM_SHARED((TS_ROWS, D), jnp.float32),
        pltpu.VMEM_SHARED((TC_ROWS, D), jnp.float32),
        pltpu.VMEM((EPW,), jnp.int32),
        pltpu.VMEM((CHUNK, D), jnp.float32),
    ],
)
def _hist(es0, es1, es2, es3, ec0, ec1, ec2, ec3, masks_hbm, zeros_hbm,
          hs, hc, ts_tab, tc_tab, idx_v, ones_v):
    sid = lax.axis_index("s")
    cid = lax.axis_index("c")

    pltpu.sync_copy(zeros_hbm.at[pl.ds(0, ZS)],
                    ts_tab.at[pl.ds(_mo8(sid * ZS), ZS)])
    pltpu.sync_copy(zeros_hbm.at[pl.ds(0, ZC)],
                    tc_tab.at[pl.ds(_mo8(sid * ZC), ZC)])
    plsc.subcore_barrier()

    def hist(e1d, table, g):
        pltpu.sync_copy(masks_hbm.at[pl.ds(g * CHUNK, CHUNK)], ones_v)
        pltpu.sync_copy(e1d.at[pl.ds(pl.multiple_of(sid * EPW, 256), EPW)],
                        idx_v)

        @pl.loop(0, NCHW)
        def _(j):
            sl = pl.ds(pl.multiple_of(j * CHUNK, 256), CHUNK)
            pltpu.sync_copy(ones_v, table.at[idx_v.at[sl]], add=True)

    @pl.when(cid == 0)
    def _():
        hist(es0, ts_tab, 0)
        hist(es1, ts_tab, 1)
        hist(es2, ts_tab, 2)
        hist(es3, ts_tab, 3)

    @pl.when(cid == 1)
    def _():
        hist(ec0, tc_tab, 0)
        hist(ec1, tc_tab, 1)
        hist(ec2, tc_tab, 2)
        hist(ec3, tc_tab, 3)

    plsc.subcore_barrier()

    def rd(table, out, per, last):
        @pl.when(sid < NS - 1)
        def _():
            off = _mo8(sid * per)
            pltpu.sync_copy(table.at[pl.ds(off, per)], out.at[pl.ds(off, per)])

        @pl.when(sid == NS - 1)
        def _():
            off = (NS - 1) * per
            pltpu.sync_copy(table.at[pl.ds(off, last)],
                            out.at[pl.ds(off, last)])

    @pl.when(cid == 0)
    def _():
        rd(ts_tab, hs, PER_S, LAST_S)

    @pl.when(cid == 1)
    def _():
        rd(tc_tab, hc, PER_C, LAST_C)


CH_A = 128
NCH_A = EPW // CH_A


@functools.partial(
    pl.kernel,
    out_type=[_f32((N_S, D)), _f32((N_C, D)),
              _f32((N_S, D)), _f32((N_C, D))],
    mesh=_mesh,
    scratch_types=[
        pltpu.VMEM_SHARED((TS_ROWS, D), jnp.float32),
        pltpu.VMEM_SHARED((TC_ROWS, D), jnp.float32),
        pltpu.VMEM((EPW,), jnp.int32),
        pltpu.VMEM((EPW,), jnp.int32),
        pltpu.VMEM((CH_A, D), jnp.float32),
        pltpu.VMEM((CH_A, D), jnp.float32),
        pltpu.SemaphoreType.DMA,
        pltpu.SemaphoreType.DMA,
    ],
)
def _aggregate(y_ss, y_sc, y_cs, y_cc,
               ss_s, ss_d, sc_s, sc_d, cs_s, cs_d, cc_s, cc_d,
               zeros_hbm,
               agg_ss, agg_sc, agg_cs, agg_cc,
               tab, stage, sidx, didx, rows0, rows1,
               sem0, sem1):
    sid = lax.axis_index("s")
    cid = lax.axis_index("c")

    def stripes(per, last, fn):
        @pl.when(sid < NS - 1)
        def _():
            fn(_mo8(sid * per), per)

        @pl.when(sid == NS - 1)
        def _():
            fn((NS - 1) * per, last)

    def rd(out, per, last):
        def f(off, sz):
            pltpu.sync_copy(tab.at[pl.ds(off, sz)], out.at[pl.ds(off, sz)])
        stripes(per, last, f)

    def load_stage(y_hbm):
        def f(off, sz):
            pltpu.sync_copy(y_hbm.at[pl.ds(off, sz)],
                            stage.at[pl.ds(off, sz)])
        stripes(PER_C, LAST_C, f)

    def do_rel(src, s1d, d1d):
        base = pl.ds(pl.multiple_of(sid * EPW, 256), EPW)
        pltpu.sync_copy(s1d.at[base], sidx)
        pltpu.sync_copy(d1d.at[base], didx)

        def g(j):
            return pl.ds(pl.multiple_of(j * CH_A, CH_A), CH_A)

        pltpu.make_async_copy(src.at[sidx.at[g(0)]], rows0, sem0).start()

        @pl.loop(0, NCH_A, step=2)
        def _(j):
            pltpu.make_async_copy(src.at[sidx.at[g(j)]], rows0, sem0).wait()
            pltpu.make_async_copy(src.at[sidx.at[g(j + 1)]], rows1,
                                  sem1).start()
            pltpu.sync_copy(rows0, tab.at[didx.at[g(j)]], add=True)
            pltpu.make_async_copy(src.at[sidx.at[g(j + 1)]], rows1,
                                  sem1).wait()

            @pl.when(j + 2 < NCH_A)
            def _():
                pltpu.make_async_copy(src.at[sidx.at[g(j + 2)]], rows0,
                                      sem0).start()

            pltpu.sync_copy(rows1, tab.at[didx.at[g(j + 1)]], add=True)

    pltpu.sync_copy(zeros_hbm.at[pl.ds(0, ZS)],
                    tab.at[pl.ds(_mo8(sid * ZS), ZS)])

    @pl.when(cid == 1)
    def _():
        load_stage(y_cs)

    plsc.subcore_barrier()

    @pl.when(cid == 0)
    def _():
        do_rel(y_ss, ss_s, ss_d)

    @pl.when(cid == 1)
    def _():
        do_rel(stage, cs_s, cs_d)

    plsc.subcore_barrier()

    @pl.when(cid == 0)
    def _():
        rd(agg_ss, PER_S, LAST_S)
        load_stage(y_cc)

    @pl.when(cid == 1)
    def _():
        rd(agg_cs, PER_S, LAST_S)

    plsc.subcore_barrier()

    pltpu.sync_copy(zeros_hbm.at[pl.ds(0, ZC)],
                    tab.at[pl.ds(_mo8(sid * ZC), ZC)])
    plsc.subcore_barrier()

    @pl.when(cid == 0)
    def _():
        do_rel(stage, cc_s, cc_d)

    @pl.when(cid == 1)
    def _():
        do_rel(y_sc, sc_s, sc_d)

    plsc.subcore_barrier()

    @pl.when(cid == 0)
    def _():
        rd(agg_cc, PER_C, LAST_C)

    @pl.when(cid == 1)
    def _():
        rd(agg_sc, PER_C, LAST_C)


_BLK = 1000


def _norm_col(h_blk, c):
    return lax.rsqrt(jnp.maximum(h_blk[:, c:c + 1], 1.0))


def _prep(feat, h, ca, cb):
    def body(feat_ref, h_ref, ya_ref, yb_ref):
        f = feat_ref[...]
        hv = h_ref[...]
        ya_ref[...] = f * _norm_col(hv, ca)
        yb_ref[...] = f * _norm_col(hv, cb)

    n = feat.shape[0]
    bs_x = pl.BlockSpec((_BLK, D), lambda i: (i, 0))
    return pl.pallas_call(
        body,
        grid=(n // _BLK,),
        in_specs=[bs_x, bs_x],
        out_specs=[bs_x, bs_x],
        out_shape=[_f32((n, D)), _f32((n, D))],
    )(feat, h)


def _dense1(agg_a, agg_b, h, wa, wb, ba, bb, cia, cib, coa, cob):
    def body(aa_ref, ab_ref, h_ref, wa_ref, wb_ref, ba_ref, bb_ref,
             ya_ref, yb_ref):
        hv = h_ref[...]
        a = aa_ref[...] * _norm_col(hv, cia)
        b = ab_ref[...] * _norm_col(hv, cib)
        y = (jnp.dot(a, wa_ref[...], preferred_element_type=jnp.float32)
             + jnp.dot(b, wb_ref[...], preferred_element_type=jnp.float32)
             + ba_ref[...] + bb_ref[...])
        y = jnp.maximum(y, 0.0)
        ya_ref[...] = y * _norm_col(hv, coa)
        yb_ref[...] = y * _norm_col(hv, cob)

    n = agg_a.shape[0]
    bs_x = pl.BlockSpec((_BLK, D), lambda i: (i, 0))
    bs_w = pl.BlockSpec((D, D), lambda i: (0, 0))
    bs_b = pl.BlockSpec((1, D), lambda i: (0, 0))
    return pl.pallas_call(
        body,
        grid=(n // _BLK,),
        in_specs=[bs_x, bs_x, bs_x, bs_w, bs_w, bs_b, bs_b],
        out_specs=[bs_x, bs_x],
        out_shape=[_f32((n, D)), _f32((n, D))],
    )(agg_a, agg_b, h, wa, wb, ba, bb)


def _final_s(agg_a, agg_b, h, wa, wb, ba, bb, cia, cib):
    def body(aa_ref, ab_ref, h_ref, wa_ref, wb_ref, ba_ref, bb_ref, out_ref):
        i = pl.program_id(0)
        hv = h_ref[...]
        a = aa_ref[...] * _norm_col(hv, cia)
        b = ab_ref[...] * _norm_col(hv, cib)
        y = (jnp.dot(a, wa_ref[...], preferred_element_type=jnp.float32)
             + jnp.dot(b, wb_ref[...], preferred_element_type=jnp.float32)
             + ba_ref[...] + bb_ref[...])
        m = jnp.max(y, axis=0, keepdims=True)

        @pl.when(i == 0)
        def _():
            out_ref[...] = m

        @pl.when(i > 0)
        def _():
            out_ref[...] = jnp.maximum(out_ref[...], m)

    bs_x = pl.BlockSpec((_BLK, D), lambda i: (i, 0))
    bs_w = pl.BlockSpec((D, D), lambda i: (0, 0))
    bs_b = pl.BlockSpec((1, D), lambda i: (0, 0))
    return pl.pallas_call(
        body,
        grid=(N_S // _BLK,),
        in_specs=[bs_x, bs_x, bs_x, bs_w, bs_w, bs_b, bs_b],
        out_specs=pl.BlockSpec((1, D), lambda i: (0, 0)),
        out_shape=_f32((1, D)),
    )(agg_a, agg_b, h, wa, wb, ba, bb)


def _final_c(agg_a, agg_b, h, wa, wb, ba, bb, cia, cib):
    def body(aa_ref, ab_ref, h_ref, wa_ref, wb_ref, ba_ref, bb_ref, out_ref):
        hv = h_ref[...]
        a = aa_ref[...] * _norm_col(hv, cia)
        b = ab_ref[...] * _norm_col(hv, cib)
        out_ref[...] = (
            jnp.dot(a, wa_ref[...], preferred_element_type=jnp.float32)
            + jnp.dot(b, wb_ref[...], preferred_element_type=jnp.float32)
            + ba_ref[...] + bb_ref[...])

    bs_x = pl.BlockSpec((_BLK, D), lambda i: (i, 0))
    bs_w = pl.BlockSpec((D, D), lambda i: (0, 0))
    bs_b = pl.BlockSpec((1, D), lambda i: (0, 0))
    return pl.pallas_call(
        body,
        grid=(N_C // _BLK,),
        in_specs=[bs_x, bs_x, bs_x, bs_w, bs_w, bs_b, bs_b],
        out_specs=bs_x,
        out_shape=_f32((N_C, D)),
    )(agg_a, agg_b, h, wa, wb, ba, bb)


def kernel(feat_sentence, feat_context, ss_src, ss_dst, sc_src, sc_dst,
           cs_src, cs_dst, cc_src, cc_dst,
           W1_ss, b1_ss, W1_sc, b1_sc, W1_cs, b1_cs, W1_cc, b1_cc,
           W2_ss, b2_ss, W2_sc, b2_sc, W2_cs, b2_cs, W2_cc, b2_cc):
    def pad2d(idx, fill):
        idx = idx.astype(jnp.int32)
        pad = jnp.full((E_PAD - E,), fill, jnp.int32)
        return jnp.concatenate([idx, pad])


    ss_sd, ss_d2 = pad2d(ss_src, N_S), pad2d(ss_dst, N_S)
    sc_sd, sc_d2 = pad2d(sc_src, N_S), pad2d(sc_dst, N_C)
    cs_sd, cs_d2 = pad2d(cs_src, N_C), pad2d(cs_dst, N_S)
    cc_sd, cc_d2 = pad2d(cc_src, N_C), pad2d(cc_dst, N_C)
    ss_s2, sc_s2 = pad2d(ss_src, 0), pad2d(sc_src, 0)
    cs_s2, cc_s2 = pad2d(cs_src, 0), pad2d(cc_src, 0)

    lane = jnp.arange(D)[None, :]
    grp = jnp.arange(4)[:, None]
    masks = ((lane >= grp * LS) & (lane < (grp + 1) * LS)).astype(jnp.float32)
    masks_hbm = jnp.repeat(masks, CHUNK, axis=0)
    zeros128 = jnp.zeros((ZS, D), jnp.float32)

    hs, hc = _hist(ss_d2, ss_sd, sc_sd, cs_d2,
                   sc_d2, cs_sd, cc_sd, cc_d2, masks_hbm, zeros128)

    y_ss, y_sc = _prep(feat_sentence, hs, 1 * LS, 2 * LS)
    y_cs, y_cc = _prep(feat_context, hc, 1 * LS, 2 * LS)

    agg_ss, agg_sc, agg_cs, agg_cc = _aggregate(
        y_ss, y_sc, y_cs, y_cc,
        ss_s2, ss_d2, sc_s2, sc_d2, cs_s2, cs_d2, cc_s2, cc_d2, zeros128)

    b1_ss_r, b1_sc_r = b1_ss.reshape(1, D), b1_sc.reshape(1, D)
    b1_cs_r, b1_cc_r = b1_cs.reshape(1, D), b1_cc.reshape(1, D)
    b2_ss_r, b2_sc_r = b2_ss.reshape(1, D), b2_sc.reshape(1, D)
    b2_cs_r, b2_cc_r = b2_cs.reshape(1, D), b2_cc.reshape(1, D)

    y2_ss, y2_sc = _dense1(agg_ss, agg_cs, hs,
                           W1_ss, W1_cs, b1_ss_r, b1_cs_r,
                           0 * LS, 3 * LS, 1 * LS, 2 * LS)
    y2_cs, y2_cc = _dense1(agg_sc, agg_cc, hc,
                           W1_sc, W1_cc, b1_sc_r, b1_cc_r,
                           0 * LS, 3 * LS, 1 * LS, 2 * LS)

    agg2_ss, agg2_sc, agg2_cs, agg2_cc = _aggregate(
        y2_ss, y2_sc, y2_cs, y2_cc,
        ss_s2, ss_d2, sc_s2, sc_d2, cs_s2, cs_d2, cc_s2, cc_d2, zeros128)

    doc = _final_s(agg2_ss, agg2_cs, hs,
                   W2_ss, W2_cs, b2_ss_r, b2_cs_r, 0 * LS, 3 * LS)
    h_c = _final_c(agg2_sc, agg2_cc, hc,
                   W2_sc, W2_cc, b2_sc_r, b2_cc_r, 0 * LS, 3 * LS)
    return (doc, h_c)

# --- scband reference (transcript-rebuilt; emitter-appended) ---
"""Pipeline reference for scband-hetero-classifier-87857851007505 (READ-ONLY COPY).

The authoritative reference and input builder live on the scoring server;
editing this copy changes nothing except your own understanding.
"""

import jax, jax.numpy as jnp
import numpy as np

N_S, N_C, E, D, H = 8000, 2000, 80000, 128, 128
RELS = ['ss', 'sc', 'cs', 'cc']


def _graph_conv(x_src, src, dst, n_src, n_dst, W, b):
    # DGL GraphConv with norm='both': symmetric degree normalization,
    # aggregate-then-transform (in_feats == out_feats path).
    ones = jnp.ones(src.shape[0], dtype=x_src.dtype)
    deg_out = jnp.zeros((n_src,), x_src.dtype).at[src].add(ones)
    deg_in = jnp.zeros((n_dst,), x_src.dtype).at[dst].add(ones)
    norm_src = jax.lax.rsqrt(jnp.maximum(deg_out, 1.0))
    norm_dst = jax.lax.rsqrt(jnp.maximum(deg_in, 1.0))
    h = x_src * norm_src[:, None]
    agg = jnp.zeros((n_dst, x_src.shape[1]), x_src.dtype).at[dst].add(h[src])
    agg = agg * norm_dst[:, None]
    return agg @ W + b


def _rgcn_layer(h_s, h_c, edges, p):
    # HeteroGraphConv with aggregate='sum': per-dst-type sum over relations.
    ss_src, ss_dst, sc_src, sc_dst, cs_src, cs_dst, cc_src, cc_dst = edges
    n_s, n_c = h_s.shape[0], h_c.shape[0]
    out_s = _graph_conv(h_s, ss_src, ss_dst, n_s, n_s, *p['ss']) + _graph_conv(h_c, cs_src, cs_dst, n_c, n_s, *p['cs'])
    out_c = _graph_conv(h_s, sc_src, sc_dst, n_s, n_c, *p['sc']) + _graph_conv(h_c, cc_src, cc_dst, n_c, n_c, *p['cc'])
    return out_s, out_c


def setup_inputs(seed: int = 0):
    key = jax.random.key(seed)
    ks = jax.random.split(key, 40)
    inp = {}
    inp['feat_sentence'] = jax.random.normal(ks[0], (N_S, D), jnp.float32)
    inp['feat_context'] = jax.random.normal(ks[1], (N_C, D), jnp.float32)
    src_sizes = {'ss': N_S, 'sc': N_S, 'cs': N_C, 'cc': N_C}
    dst_sizes = {'ss': N_S, 'sc': N_C, 'cs': N_S, 'cc': N_C}
    i = 2
    for rel in RELS:
        inp[rel + '_src'] = jax.random.randint(ks[i], (E,), 0, src_sizes[rel]); i += 1
        inp[rel + '_dst'] = jax.random.randint(ks[i], (E,), 0, dst_sizes[rel]); i += 1
    s1 = 1.0 / np.sqrt(D)
    s2 = 1.0 / np.sqrt(H)
    for rel in RELS:
        inp['W1_' + rel] = jax.random.normal(ks[i], (D, H), jnp.float32) * s1; i += 1
        inp['b1_' + rel] = jnp.zeros((H,), jnp.float32)
        inp['W2_' + rel] = jax.random.normal(ks[i], (H, H), jnp.float32) * s2; i += 1
        inp['b2_' + rel] = jnp.zeros((H,), jnp.float32)
    return inp


def reference(feat_sentence, feat_context, ss_src, ss_dst, sc_src, sc_dst, cs_src, cs_dst, cc_src, cc_dst,
              W1_ss, b1_ss, W1_sc, b1_sc, W1_cs, b1_cs, W1_cc, b1_cc,
              W2_ss, b2_ss, W2_sc, b2_sc, W2_cs, b2_cs, W2_cc, b2_cc):
    edges = (ss_src, ss_dst, sc_src, sc_dst, cs_src, cs_dst, cc_src, cc_dst)
    p1 = {'ss': (W1_ss, b1_ss), 'sc': (W1_sc, b1_sc), 'cs': (W1_cs, b1_cs), 'cc': (W1_cc, b1_cc)}
    p2 = {'ss': (W2_ss, b2_ss), 'sc': (W2_sc, b2_sc), 'cs': (W2_cs, b2_cs), 'cc': (W2_cc, b2_cc)}
    h_s, h_c = _rgcn_layer(feat_sentence, feat_context, edges, p1)
    # ReLU then dropout (dropout is identity in eval mode)
    h_s = jax.nn.relu(h_s)
    h_c = jax.nn.relu(h_c)
    h_s, h_c = _rgcn_layer(h_s, h_c, edges, p2)
    # dgl.max_nodes over 'sentence' nodes (single graph in batch -> [1, H])
    document_feature = jnp.max(h_s, axis=0, keepdims=True)
    return (document_feature, h_c)

if __name__ == "__main__":
    import jax
    _d = setup_inputs()
    print(jax.jit(kernel)(*tuple(_d.values())))

</pallas_src>

<mosaic_0001>
#map = affine_map<(d0, d1) -> (0, 0)>
#map1 = affine_map<(d0, d1) -> (0)>
module attributes {stable_mosaic.version = 14 : i64} {
  func.func @_aggregate(%arg0: i32, %arg1: i32, %arg2: memref<8000x128xf32, #tpu.memory_space<hbm>>, %arg3: memref<8000x128xf32, #tpu.memory_space<hbm>>, %arg4: memref<2000x128xf32, #tpu.memory_space<hbm>>, %arg5: memref<2000x128xf32, #tpu.memory_space<hbm>>, %arg6: memref<81920xi32, #tpu.memory_space<hbm>>, %arg7: memref<81920xi32, #tpu.memory_space<hbm>>, %arg8: memref<81920xi32, #tpu.memory_space<hbm>>, %arg9: memref<81920xi32, #tpu.memory_space<hbm>>, %arg10: memref<81920xi32, #tpu.memory_space<hbm>>, %arg11: memref<81920xi32, #tpu.memory_space<hbm>>, %arg12: memref<81920xi32, #tpu.memory_space<hbm>>, %arg13: memref<81920xi32, #tpu.memory_space<hbm>>, %arg14: memref<504x128xf32, #tpu.memory_space<hbm>>, %arg15: memref<8000x128xf32, #tpu.memory_space<hbm>>, %arg16: memref<2000x128xf32, #tpu.memory_space<hbm>>, %arg17: memref<8000x128xf32, #tpu.memory_space<hbm>>, %arg18: memref<2000x128xf32, #tpu.memory_space<hbm>>, %arg19: memref<8064x128xf32, #tpu.memory_space<vmem_shared>>, %arg20: memref<2048x128xf32, #tpu.memory_space<vmem_shared>>, %arg21: memref<5120xi32, #tpu.memory_space<vmem>>, %arg22: memref<5120xi32, #tpu.memory_space<vmem>>, %arg23: memref<128x128xf32, #tpu.memory_space<vmem>>, %arg24: memref<128x128xf32, #tpu.memory_space<vmem>>, %arg25: memref<!tpu.dma_semaphore, #tpu.memory_space<semaphore_mem>>, %arg26: memref<!tpu.dma_semaphore, #tpu.memory_space<semaphore_mem>>) attributes {dimension_semantics = [#tpu.dimension_semantics<core_parallel>, #tpu.dimension_semantics<subcore_parallel>], iteration_bounds = array<i64: 2, 16>, scalar_prefetch = 0 : i64, scratch_operands = 8 : i64, tpu.core_type = #tpu.core_type<sc_vector_subcore>, window_params = [{transform_indices = #map}, {transform_indices = #map}, {transform_indices = #map}, {transform_indices = #map}, {transform_indices = #map1}, {transform_indices = #map1}, {transform_indices = #map1}, {transform_indices = #map1}, {transform_indices = #map1}, {transform_indices = #map1}, {transform_indices = #map1}, {transform_indices = #map1}, {transform_indices = #map}, {transform_indices = #map}, {transform_indices = #map}, {transform_indices = #map}, {transform_indices = #map}]} {
    %mul3A = arith.constant 504 : i32
    %mul3A_0 = arith.muli %arg1, %mul3A : i32
    %multiple_of3A = tpu.assume_multiple %mul3A_0, 8 : i32
    "tpu.region"() ({
      %run_scoped3A = tpu.sem_alloc : memref<!tpu.dma_semaphore, #tpu.memory_space<semaphore_mem>>
      %dma_start3A = arith.constant 0 : i32
      %dma_start3A_50 = tpu.memref_slice %arg19[%multiple_of3A, %dma_start3A] : memref<8064x128xf32, #tpu.memory_space<vmem_shared>> -> memref<504x128xf32, #tpu.memory_space<vmem_shared>>
      %dma_start3A_51 = arith.constant 0 : i32
      %dma_start3A_52 = arith.constant 0 : i32
      %dma_start3A_53 = tpu.memref_slice %arg14[%dma_start3A_51, %dma_start3A_52] : memref<504x128xf32, #tpu.memory_space<hbm>> -> memref<504x128xf32, #tpu.memory_space<hbm>>
      tpu.enqueue_dma source(%dma_start3A_53 : memref<504x128xf32, #tpu.memory_space<hbm>>) target(%dma_start3A_50 : memref<504x128xf32, #tpu.memory_space<vmem_shared>>) target_semaphore(%run_scoped3A : memref<!tpu.dma_semaphore, #tpu.memory_space<semaphore_mem>>)
      %dma_wait3A = arith.constant 0 : i32
      %dma_wait3A_54 = tpu.memref_slice %arg19[%multiple_of3A, %dma_wait3A] : memref<8064x128xf32, #tpu.memory_space<vmem_shared>> -> memref<504x128xf32, #tpu.memory_space<vmem_shared>>
      %dma_wait3A_55 = arith.constant 0 : i32
      %dma_wait3A_56 = arith.constant 0 : i32
      %dma_wait3A_57 = tpu.memref_slice %arg14[%dma_wait3A_55, %dma_wait3A_56] : memref<504x128xf32, #tpu.memory_space<hbm>> -> memref<504x128xf32, #tpu.memory_space<hbm>>
      tpu.wait_dma2 semaphore(%run_scoped3A : memref<!tpu.dma_semaphore, #tpu.memory_space<semaphore_mem>>) src(%dma_wait3A_57 : memref<504x128xf32, #tpu.memory_space<hbm>>) dst(%dma_wait3A_54 : memref<504x128xf32, #tpu.memory_space<vmem_shared>>)
      tpu.yield
    }) : () -> ()
    %eq3A = arith.constant 1 : i32
    %eq3A_1 = arith.cmpi eq, %arg0, %eq3A : i32
    %convert_element_type3A = arith.extui %eq3A_1 : i1 to i32
    %cond3A = arith.constant 0 : i32
    %cond3A_2 = arith.cmpi ne, %convert_element_type3A, %cond3A : i32
    scf.if %cond3A_2 {
      %lt3A = arith.constant 15 : i32
      %lt3A_50 = arith.cmpi slt, %arg1, %lt3A : i32
      %convert_element_type3A_51 = arith.extui %lt3A_50 : i1 to i32
      %cond3A_52 = arith.constant 0 : i32
      %cond3A_53 = arith.cmpi ne, %convert_element_type3A_51, %cond3A_52 : i32
      scf.if %cond3A_53 {
        %mul3A_59 = arith.constant 128 : i32
        %mul3A_60 = arith.muli %arg1, %mul3A_59 : i32
        %multiple_of3A_61 = tpu.assume_multiple %mul3A_60, 8 : i32
        "tpu.region"() ({
          %run_scoped3A = tpu.sem_alloc : memref<!tpu.dma_semaphore, #tpu.memory_space<semaphore_mem>>
          %dma_start3A = arith.constant 0 : i32
          %dma_start3A_62 = tpu.memref_slice %arg20[%multiple_of3A_61, %dma_start3A] : memref<2048x128xf32, #tpu.memory_space<vmem_shared>> -> memref<128x128xf32, #tpu.memory_space<vmem_shared>>
          %dma_start3A_63 = arith.constant 0 : i32
          %dma_start3A_64 = tpu.memref_slice %arg4[%multiple_of3A_61, %dma_start3A_63] : memref<2000x128xf32, #tpu.memory_space<hbm>> -> memref<128x128xf32, #tpu.memory_space<hbm>>
          tpu.enqueue_dma source(%dma_start3A_64 : memref<128x128xf32, #tpu.memory_space<hbm>>) target(%dma_start3A_62 : memref<128x128xf32, #tpu.memory_space<vmem_shared>>) target_semaphore(%run_scoped3A : memref<!tpu.dma_semaphore, #tpu.memory_space<semaphore_mem>>)
          %dma_wait3A = arith.constant 0 : i32
          %dma_wait3A_65 = tpu.memref_slice %arg20[%multiple_of3A_61, %dma_wait3A] : memref<2048x128xf32, #tpu.memory_space<vmem_shared>> -> memref<128x128xf32, #tpu.memory_space<vmem_shared>>
          %dma_wait3A_66 = arith.constant 0 : i32
          %dma_wait3A_67 = tpu.memref_slice %arg4[%multiple_of3A_61, %dma_wait3A_66] : memref<2000x128xf32, #tpu.memory_space<hbm>> -> memref<128x128xf32, #tpu.memory_space<hbm>>
          tpu.wait_dma2 semaphore(%run_scoped3A : memref<!tpu.dma_semaphore, #tpu.memory_space<semaphore_mem>>) src(%dma_wait3A_67 : memref<128x128xf32, #tpu.memory_space<hbm>>) dst(%dma_wait3A_65 : memref<128x128xf32, #tpu.memory_space<vmem_shared>>)
          tpu.yield
        }) : () -> ()
      } else {
      }
      %eq3A_54 = arith.constant 15 : i32
      %eq3A_55 = arith.cmpi eq, %arg1, %eq3A_54 : i32
      %convert_element_type3A_56 = arith.extui %eq3A_55 : i1 to i32
      %cond3A_57 = arith.constant 0 : i32
      %cond3A_58 = arith.cmpi ne, %convert_element_type3A_56, %cond3A_57 : i32
      scf.if %cond3A_58 {
        "tpu.region"() ({
          %run_scoped3A = tpu.sem_alloc : memref<!tpu.dma_semaphore, #tpu.memory_space<semaphore_mem>>
          %dma_start3A = arith.constant 1920 : i32
          %dma_start3A_59 = arith.constant 0 : i32
          %dma_start3A_60 = tpu.memref_slice %arg20[%dma_start3A, %dma_start3A_59] : memref<2048x128xf32, #tpu.memory_space<vmem_shared>> -> memref<80x128xf32, #tpu.memory_space<vmem_shared>>
          %dma_start3A_61 = arith.constant 1920 : i32
          %dma_start3A_62 = arith.constant 0 : i32
          %dma_start3A_63 = tpu.memref_slice %arg4[%dma_start3A_61, %dma_start3A_62] : memref<2000x128xf32, #tpu.memory_space<hbm>> -> memref<80x128xf32, #tpu.memory_space<hbm>>
          tpu.enqueue_dma source(%dma_start3A_63 : memref<80x128xf32, #tpu.memory_space<hbm>>) target(%dma_start3A_60 : memref<80x128xf32, #tpu.memory_space<vmem_shared>>) target_semaphore(%run_scoped3A : memref<!tpu.dma_semaphore, #tpu.memory_space<semaphore_mem>>)
          %dma_wait3A = arith.constant 1920 : i32
          %dma_wait3A_64 = arith.constant 0 : i32
          %dma_wait3A_65 = tpu.memref_slice %arg20[%dma_wait3A, %dma_wait3A_64] : memref<2048x128xf32, #tpu.memory_space<vmem_shared>> -> memref<80x128xf32, #tpu.memory_space<vmem_shared>>
          %dma_wait3A_66 = arith.constant 1920 : i32
          %dma_wait3A_67 = arith.constant 0 : i32
          %dma_wait3A_68 = tpu.memref_slice %arg4[%dma_wait3A_66, %dma_wait3A_67] : memref<2000x128xf32, #tpu.memory_space<hbm>> -> memref<80x128xf32, #tpu.memory_space<hbm>>
          tpu.wait_dma2 semaphore(%run_scoped3A : memref<!tpu.dma_semaphore, #tpu.memory_space<semaphore_mem>>) src(%dma_wait3A_68 : memref<80x128xf32, #tpu.memory_space<hbm>>) dst(%dma_wait3A_65 : memref<80x128xf32, #tpu.memory_space<vmem_shared>>)
          tpu.yield
        }) : () -> ()
      } else {
      }
    } else {
    }
    %barrier3A = arith.constant 0 : index
    tpu.barrier barrier_id(%barrier3A)
    %eq3A_3 = arith.constant 0 : i32
    %eq3A_4 = arith.cmpi eq, %arg0, %eq3A_3 : i32
    %convert_element_type3A_5 = arith.extui %eq3A_4 : i1 to i32
    %cond3A_6 = arith.constant 0 : i32
    %cond3A_7 = arith.cmpi ne, %convert_element_type3A_5, %cond3A_6 : i32
    scf.if %cond3A_7 {
      %mul3A_50 = arith.constant 5120 : i32
      %mul3A_51 = arith.muli %arg1, %mul3A_50 : i32
      %multiple_of3A_52 = tpu.assume_multiple %mul3A_51, 256 : i32
      "tpu.region"() ({
        %run_scoped3A = tpu.sem_alloc : memref<!tpu.dma_semaphore, #tpu.memory_space<semaphore_mem>>
        %dma_start3A_62 = tpu.memref_slice %arg6[%multiple_of3A_52] : memref<81920xi32, #tpu.memory_space<hbm>> -> memref<5120xi32, #tpu.memory_space<hbm>>
        %dma_start3A_63 = tpu.memref_slice %arg6[%multiple_of3A_52] : memref<81920xi32, #tpu.memory_space<hbm>> -> memref<5120xi32, #tpu.memory_space<hbm>>
        tpu.enqueue_dma source(%dma_start3A_63 : memref<5120xi32, #tpu.memory_space<hbm>>) target(%arg21 : memref<5120xi32, #tpu.memory_space<vmem>>) target_semaphore(%run_scoped3A : memref<!tpu.dma_semaphore, #tpu.memory_space<semaphore_mem>>)
        %dma_wait3A = tpu.memref_slice %arg6[%multiple_of3A_52] : memref<81920xi32, #tpu.memory_space<hbm>> -> memref<5120xi32, #tpu.memory_space<hbm>>
        %dma_wait3A_64 = tpu.memref_slice %arg6[%multiple_of3A_52] : memref<81920xi32, #tpu.memory_space<hbm>> -> memref<5120xi32, #tpu.memory_space<hbm>>
        tpu.wait_dma2 semaphore(%run_scoped3A : memref<!tpu.dma_semaphore, #tpu.memory_space<semaphore_mem>>) src(%dma_wait3A_64 : memref<5120xi32, #tpu.memory_space<hbm>>) dst(%arg21 : memref<5120xi32, #tpu.memory_space<vmem>>)
        tpu.yield
      }) : () -> ()
      "tpu.region"() ({
        %run_scoped3A = tpu.sem_alloc : memref<!tpu.dma_semaphore, #tpu.memory_space<semaphore_mem>>
        %dma_start3A_62 = tpu.memref_slice %arg7[%multiple_of3A_52] : memref<81920xi32, #tpu.memory_space<hbm>> -> memref<5120xi32, #tpu.memory_space<hbm>>
        %dma_start3A_63 = tpu.memref_slice %arg7[%multiple_of3A_52] : memref<81920xi32, #tpu.memory_space<hbm>> -> memref<5120xi32, #tpu.memory_space<hbm>>
        tpu.enqueue_dma source(%dma_start3A_63 : memref<5120xi32, #tpu.memory_space<hbm>>) target(%arg22 : memref<5120xi32, #tpu.memory_space<vmem>>) target_semaphore(%run_scoped3A : memref<!tpu.dma_semaphore, #tpu.memory_space<semaphore_mem>>)
        %dma_wait3A = tpu.memref_slice %arg7[%multiple_of3A_52] : memref<81920xi32, #tpu.memory_space<hbm>> -> memref<5120xi32, #tpu.memory_space<hbm>>
        %dma_wait3A_64 = tpu.memref_slice %arg7[%multiple_of3A_52] : memref<81920xi32, #tpu.memory_space<hbm>> -> memref<5120xi32, #tpu.memory_space<hbm>>
        tpu.wait_dma2 semaphore(%run_scoped3A : memref<!tpu.dma_semaphore, #tpu.memory_space<semaphore_mem>>) src(%dma_wait3A_64 : memref<5120xi32, #tpu.memory_space<hbm>>) dst(%arg22 : memref<5120xi32, #tpu.memory_space<vmem>>)
        tpu.yield
      }) : () -> ()
      %multiple_of3A_53 = arith.constant 0 : i32
      %multiple_of3A_54 = tpu.assume_multiple %multiple_of3A_53, 128 : i32
      %dma_start3A = tpu.memref_slice %arg21[%multiple_of3A_54] : memref<5120xi32, #tpu.memory_space<vmem>> -> memref<128xi32, #tpu.memory_space<vmem>>
      %dma_start3A_55 = arith.constant 0 : i32
      %dma_start3A_56 = arith.constant 0 : i32
      %dma_start3A_57 = tpu.memref_slice %arg2[%dma_start3A_55, %dma_start3A_56] : memref<8000x128xf32, #tpu.memory_space<hbm>> -> memref<8000x128xf32, #tpu.memory_space<hbm>>
      tpu.enqueue_indirect_dma source(%dma_start3A_57 : memref<8000x128xf32, #tpu.memory_space<hbm>>) target(%arg23 : memref<128x128xf32, #tpu.memory_space<vmem>>) offsets(%dma_start3A : memref<128xi32, #tpu.memory_space<vmem>>) semaphore(%arg25 : memref<!tpu.dma_semaphore, #tpu.memory_space<semaphore_mem>>)
      %scan3A = arith.constant 0 : i32
      %scan3A_58 = arith.constant 20 : i32
      %scan3A_59 = arith.addi %scan3A, %scan3A_58 : i32
      %scan3A_60 = arith.constant 1 : i32
      scf.for %scan3A_62 = %scan3A to %scan3A_59 step %scan3A_60  : i32 {
        %mul3A_63 = arith.constant 2 : i32
        %mul3A_64 = arith.muli %scan3A_62, %mul3A_63 : i32
        %add3A = arith.constant 0 : i32
        %add3A_65 = arith.addi %add3A, %mul3A_64 : i32
        %mul3A_66 = arith.constant 128 : i32
        %mul3A_67 = arith.muli %add3A_65, %mul3A_66 : i32
        %multiple_of3A_68 = tpu.assume_multiple %mul3A_67, 128 : i32
        %dma_wait3A = tpu.memref_slice %arg21[%multiple_of3A_68] : memref<5120xi32, #tpu.memory_space<vmem>> -> memref<128xi32, #tpu.memory_space<vmem>>
        %dma_wait3A_69 = arith.constant 0 : i32
        %dma_wait3A_70 = arith.constant 0 : i32
        %dma_wait3A_71 = tpu.memref_slice %arg2[%dma_wait3A_69, %dma_wait3A_70] : memref<8000x128xf32, #tpu.memory_space<hbm>> -> memref<8000x128xf32, #tpu.memory_space<hbm>>
        tpu.wait_indirect_dma semaphore(%arg25 : memref<!tpu.dma_semaphore, #tpu.memory_space<semaphore_mem>>) src(%dma_wait3A_71 : memref<8000x128xf32, #tpu.memory_space<hbm>>) dst(%arg23 : memref<128x128xf32, #tpu.memory_space<vmem>>)
        %add3A_72 = arith.constant 1 : i32
        %add3A_73 = arith.addi %add3A_65, %add3A_72 : i32
        %mul3A_74 = arith.constant 128 : i32
        %mul3A_75 = arith.muli %add3A_73, %mul3A_74 : i32
        %multiple_of3A_76 = tpu.assume_multiple %mul3A_75, 128 : i32
        %dma_start3A_77 = tpu.memref_slice %arg21[%multiple_of3A_76] : memref<5120xi32, #tpu.memory_space<vmem>> -> memref<128xi32, #tpu.memory_space<vmem>>
        %dma_start3A_78 = arith.constant 0 : i32
        %dma_start3A_79 = arith.constant 0 : i32
        %dma_start3A_80 = tpu.memref_slice %arg2[%dma_start3A_78, %dma_start3A_79] : memref<8000x128xf32, #tpu.memory_space<hbm>> -> memref<8000x128xf32, #tpu.memory_space<hbm>>
        tpu.enqueue_indirect_dma source(%dma_start3A_80 : memref<8000x128xf32, #tpu.memory_space<hbm>>) target(%arg24 : memref<128x128xf32, #tpu.memory_space<vmem>>) offsets(%dma_start3A_77 : memref<128xi32, #tpu.memory_space<vmem>>) semaphore(%arg26 : memref<!tpu.dma_semaphore, #tpu.memory_space<semaphore_mem>>)
        %mul3A_81 = arith.constant 128 : i32
        %mul3A_82 = arith.muli %add3A_65, %mul3A_81 : i32
        %multiple_of3A_83 = tpu.assume_multiple %mul3A_82, 128 : i32
        "tpu.region"() ({
          %run_scoped3A = tpu.sem_alloc : memref<!tpu.dma_semaphore, #tpu.memory_space<semaphore_mem>>
          %dma_start3A_104 = tpu.memref_slice %arg22[%multiple_of3A_83] : memref<5120xi32, #tpu.memory_space<vmem>> -> memref<128xi32, #tpu.memory_space<vmem>>
          %dma_start3A_105 = arith.constant 0 : i32
          %dma_start3A_106 = arith.constant 0 : i32
          %dma_start3A_107 = tpu.memref_slice %arg19[%dma_start3A_105, %dma_start3A_106] : memref<8064x128xf32, #tpu.memory_space<vmem_shared>> -> memref<8064x128xf32, #tpu.memory_space<vmem_shared>>
          tpu.enqueue_indirect_dma source(%arg23 : memref<128x128xf32, #tpu.memory_space<vmem>>) target(%dma_start3A_107 : memref<8064x128xf32, #tpu.memory_space<vmem_shared>>) offsets(%dma_start3A_104 : memref<128xi32, #tpu.memory_space<vmem>>) semaphore(%run_scoped3A : memref<!tpu.dma_semaphore, #tpu.memory_space<semaphore_mem>>) {add = true}
          %dma_wait3A_108 = tpu.memref_slice %arg22[%multiple_of3A_83] : memref<5120xi32, #tpu.memory_space<vmem>> -> memref<128xi32, #tpu.memory_space<vmem>>
          %dma_wait3A_109 = arith.constant 0 : i32
          %dma_wait3A_110 = arith.constant 0 : i32
          %dma_wait3A_111 = tpu.memref_slice %arg19[%dma_wait3A_109, %dma_wait3A_110] : memref<8064x128xf32, #tpu.memory_space<vmem_shared>> -> memref<8064x128xf32, #tpu.memory_space<vmem_shared>>
          tpu.wait_indirect_dma semaphore(%run_scoped3A : memref<!tpu.dma_semaphore, #tpu.memory_space<semaphore_mem>>) src(%arg23 : memref<128x128xf32, #tpu.memory_space<vmem>>) dst(%dma_wait3A_111 : memref<8064x128xf32, #tpu.memory_space<vmem_shared>>)
          tpu.yield
        }) : () -> ()
        %add3A_84 = arith.constant 1 : i32
        %add3A_85 = arith.addi %add3A_65, %add3A_84 : i32
        %mul3A_86 = arith.constant 128 : i32
        %mul3A_87 = arith.muli %add3A_85, %mul3A_86 : i32
        %multiple_of3A_88 = tpu.assume_multiple %mul3A_87, 128 : i32
        %dma_wait3A_89 = tpu.memref_slice %arg21[%multiple_of3A_88] : memref<5120xi32, #tpu.memory_space<vmem>> -> memref<128xi32, #tpu.memory_space<vmem>>
        %dma_wait3A_90 = arith.constant 0 : i32
        %dma_wait3A_91 = arith.constant 0 : i32
        %dma_wait3A_92 = tpu.memref_slice %arg2[%dma_wait3A_90, %dma_wait3A_91] : memref<8000x128xf32, #tpu.memory_space<hbm>> -> memref<8000x128xf32, #tpu.memory_space<hbm>>
        tpu.wait_indirect_dma semaphore(%arg26 : memref<!tpu.dma_semaphore, #tpu.memory_space<semaphore_mem>>) src(%dma_wait3A_92 : memref<8000x128xf32, #tpu.memory_space<hbm>>) dst(%arg24 : memref<128x128xf32, #tpu.memory_space<vmem>>)
        %add3A_93 = arith.constant 2 : i32
        %add3A_94 = arith.addi %add3A_65, %add3A_93 : i32
        %lt3A = arith.constant 40 : i32
        %lt3A_95 = arith.cmpi slt, %add3A_94, %lt3A : i32
        %convert_element_type3A_96 = arith.extui %lt3A_95 : i1 to i32
        %cond3A_97 = arith.constant 0 : i32
        %cond3A_98 = arith.cmpi ne, %convert_element_type3A_96, %cond3A_97 : i32
        scf.if %cond3A_98 {
          %add3A_104 = arith.constant 2 : i32
          %add3A_105 = arith.addi %add3A_65, %add3A_104 : i32
          %mul3A_106 = arith.constant 128 : i32
          %mul3A_107 = arith.muli %add3A_105, %mul3A_106 : i32
          %multiple_of3A_108 = tpu.assume_multiple %mul3A_107, 128 : i32
          %dma_start3A_109 = tpu.memref_slice %arg21[%multiple_of3A_108] : memref<5120xi32, #tpu.memory_space<vmem>> -> memref<128xi32, #tpu.memory_space<vmem>>
          %dma_start3A_110 = arith.constant 0 : i32
          %dma_start3A_111 = arith.constant 0 : i32
          %dma_start3A_112 = tpu.memref_slice %arg2[%dma_start3A_110, %dma_start3A_111] : memref<8000x128xf32, #tpu.memory_space<hbm>> -> memref<8000x128xf32, #tpu.memory_space<hbm>>
          tpu.enqueue_indirect_dma source(%dma_start3A_112 : memref<8000x128xf32, #tpu.memory_space<hbm>>) target(%arg23 : memref<128x128xf32, #tpu.memory_space<vmem>>) offsets(%dma_start3A_109 : memref<128xi32, #tpu.memory_space<vmem>>) semaphore(%arg25 : memref<!tpu.dma_semaphore, #tpu.memory_space<semaphore_mem>>)
        } else {
        }
        %add3A_99 = arith.constant 1 : i32
        %add3A_100 = arith.addi %add3A_65, %add3A_99 : i32
        %mul3A_101 = arith.constant 128 : i32
        %mul3A_102 = arith.muli %add3A_100, %mul3A_101 : i32
        %multiple_of3A_103 = tpu.assume_multiple %mul3A_102, 128 : i32
        "tpu.region"() ({
          %run_scoped3A = tpu.sem_alloc : memref<!tpu.dma_semaphore, #tpu.memory_space<semaphore_mem>>
          %dma_start3A_104 = tpu.memref_slice %arg22[%multiple_of3A_103] : memref<5120xi32, #tpu.memory_space<vmem>> -> memref<128xi32, #tpu.memory_space<vmem>>
          %dma_start3A_105 = arith.constant 0 : i32
          %dma_start3A_106 = arith.constant 0 : i32
          %dma_start3A_107 = tpu.memref_slice %arg19[%dma_start3A_105, %dma_start3A_106] : memref<8064x128xf32, #tpu.memory_space<vmem_shared>> -> memref<8064x128xf32, #tpu.memory_space<vmem_shared>>
          tpu.enqueue_indirect_dma source(%arg24 : memref<128x128xf32, #tpu.memory_space<vmem>>) target(%dma_start3A_107 : memref<8064x128xf32, #tpu.memory_space<vmem_shared>>) offsets(%dma_start3A_104 : memref<128xi32, #tpu.memory_space<vmem>>) semaphore(%run_scoped3A : memref<!tpu.dma_semaphore, #tpu.memory_space<semaphore_mem>>) {add = true}
          %dma_wait3A_108 = tpu.memref_slice %arg22[%multiple_of3A_103] : memref<5120xi32, #tpu.memory_space<vmem>> -> memref<128xi32, #tpu.memory_space<vmem>>
          %dma_wait3A_109 = arith.constant 0 : i32
          %dma_wait3A_110 = arith.constant 0 : i32
          %dma_wait3A_111 = tpu.memref_slice %arg19[%dma_wait3A_109, %dma_wait3A_110] : memref<8064x128xf32, #tpu.memory_space<vmem_shared>> -> memref<8064x128xf32, #tpu.memory_space<vmem_shared>>
          tpu.wait_indirect_dma semaphore(%run_scoped3A : memref<!tpu.dma_semaphore, #tpu.memory_space<semaphore_mem>>) src(%arg24 : memref<128x128xf32, #tpu.memory_space<vmem>>) dst(%dma_wait3A_111 : memref<8064x128xf32, #tpu.memory_space<vmem_shared>>)
          tpu.yield
        }) : () -> ()
      }
      %scan3A_61 = arith.constant 20 : i32
    } else {
    }
    %eq3A_8 = arith.constant 1 : i32
    %eq3A_9 = arith.cmpi eq, %arg0, %eq3A_8 : i32
    %convert_element_type3A_10 = arith.extui %eq3A_9 : i1 to i32
    %cond3A_11 = arith.constant 0 : i32
    %cond3A_12 = arith.cmpi ne, %convert_element_type3A_10, %cond3A_11 : i32
    scf.if %cond3A_12 {
      %mul3A_50 = arith.constant 5120 : i32
      %mul3A_51 = arith.muli %arg1, %mul3A_50 : i32
      %multiple_of3A_52 = tpu.assume_multiple %mul3A_51, 256 : i32
      "tpu.region"() ({
        %run_scoped3A = tpu.sem_alloc : memref<!tpu.dma_semaphore, #tpu.memory_space<semaphore_mem>>
        %dma_start3A_62 = tpu.memref_slice %arg10[%multiple_of3A_52] : memref<81920xi32, #tpu.memory_space<hbm>> -> memref<5120xi32, #tpu.memory_space<hbm>>
        %dma_start3A_63 = tpu.memref_slice %arg10[%multiple_of3A_52] : memref<81920xi32, #tpu.memory_space<hbm>> -> memref<5120xi32, #tpu.memory_space<hbm>>
        tpu.enqueue_dma source(%dma_start3A_63 : memref<5120xi32, #tpu.memory_space<hbm>>) target(%arg21 : memref<5120xi32, #tpu.memory_space<vmem>>) target_semaphore(%run_scoped3A : memref<!tpu.dma_semaphore, #tpu.memory_space<semaphore_mem>>)
        %dma_wait3A = tpu.memref_slice %arg10[%multiple_of3A_52] : memref<81920xi32, #tpu.memory_space<hbm>> -> memref<5120xi32, #tpu.memory_space<hbm>>
        %dma_wait3A_64 = tpu.memref_slice %arg10[%multiple_of3A_52] : memref<81920xi32, #tpu.memory_space<hbm>> -> memref<5120xi32, #tpu.memory_space<hbm>>
        tpu.wait_dma2 semaphore(%run_scoped3A : memref<!tpu.dma_semaphore, #tpu.memory_space<semaphore_mem>>) src(%dma_wait3A_64 : memref<5120xi32, #tpu.memory_space<hbm>>) dst(%arg21 : memref<5120xi32, #tpu.memory_space<vmem>>)
        tpu.yield
      }) : () -> ()
      "tpu.region"() ({
        %run_scoped3A = tpu.sem_alloc : memref<!tpu.dma_semaphore, #tpu.memory_space<semaphore_mem>>
        %dma_start3A_62 = tpu.memref_slice %arg11[%multiple_of3A_52] : memref<81920xi32, #tpu.memory_space<hbm>> -> memref<5120xi32, #tpu.memory_space<hbm>>
        %dma_start3A_63 = tpu.memref_slice %arg11[%multiple_of3A_52] : memref<81920xi32, #tpu.memory_space<hbm>> -> memref<5120xi32, #tpu.memory_space<hbm>>
        tpu.enqueue_dma source(%dma_start3A_63 : memref<5120xi32, #tpu.memory_space<hbm>>) target(%arg22 : memref<5120xi32, #tpu.memory_space<vmem>>) target_semaphore(%run_scoped3A : memref<!tpu.dma_semaphore, #tpu.memory_space<semaphore_mem>>)
        %dma_wait3A = tpu.memref_slice %arg11[%multiple_of3A_52] : memref<81920xi32, #tpu.memory_space<hbm>> -> memref<5120xi32, #tpu.memory_space<hbm>>
        %dma_wait3A_64 = tpu.memref_slice %arg11[%multiple_of3A_52] : memref<81920xi32, #tpu.memory_space<hbm>> -> memref<5120xi32, #tpu.memory_space<hbm>>
        tpu.wait_dma2 semaphore(%run_scoped3A : memref<!tpu.dma_semaphore, #tpu.memory_space<semaphore_mem>>) src(%dma_wait3A_64 : memref<5120xi32, #tpu.memory_space<hbm>>) dst(%arg22 : memref<5120xi32, #tpu.memory_space<vmem>>)
        tpu.yield
      }) : () -> ()
      %multiple_of3A_53 = arith.constant 0 : i32
      %multiple_of3A_54 = tpu.assume_multiple %multiple_of3A_53, 128 : i32
      %dma_start3A = tpu.memref_slice %arg21[%multiple_of3A_54] : memref<5120xi32, #tpu.memory_space<vmem>> -> memref<128xi32, #tpu.memory_space<vmem>>
      %dma_start3A_55 = arith.constant 0 : i32
      %dma_start3A_56 = arith.constant 0 : i32
      %dma_start3A_57 = tpu.memref_slice %arg20[%dma_start3A_55, %dma_start3A_56] : memref<2048x128xf32, #tpu.memory_space<vmem_shared>> -> memref<2048x128xf32, #tpu.memory_space<vmem_shared>>
      tpu.enqueue_indirect_dma source(%dma_start3A_57 : memref<2048x128xf32, #tpu.memory_space<vmem_shared>>) target(%arg23 : memref<128x128xf32, #tpu.memory_space<vmem>>) offsets(%dma_start3A : memref<128xi32, #tpu.memory_space<vmem>>) semaphore(%arg25 : memref<!tpu.dma_semaphore, #tpu.memory_space<semaphore_mem>>)
      %scan3A = arith.constant 0 : i32
      %scan3A_58 = arith.constant 20 : i32
      %scan3A_59 = arith.addi %scan3A, %scan3A_58 : i32
      %scan3A_60 = arith.constant 1 : i32
      scf.for %scan3A_62 = %scan3A to %scan3A_59 step %scan3A_60  : i32 {
        %mul3A_63 = arith.constant 2 : i32
        %mul3A_64 = arith.muli %scan3A_62, %mul3A_63 : i32
        %add3A = arith.constant 0 : i32
        %add3A_65 = arith.addi %add3A, %mul3A_64 : i32
        %mul3A_66 = arith.constant 128 : i32
        %mul3A_67 = arith.muli %add3A_65, %mul3A_66 : i32
        %multiple_of3A_68 = tpu.assume_multiple %mul3A_67, 128 : i32
        %dma_wait3A = tpu.memref_slice %arg21[%multiple_of3A_68] : memref<5120xi32, #tpu.memory_space<vmem>> -> memref<128xi32, #tpu.memory_space<vmem>>
        %dma_wait3A_69 = arith.constant 0 : i32
        %dma_wait3A_70 = arith.constant 0 : i32
        %dma_wait3A_71 = tpu.memref_slice %arg20[%dma_wait3A_69, %dma_wait3A_70] : memref<2048x128xf32, #tpu.memory_space<vmem_shared>> -> memref<2048x128xf32, #tpu.memory_space<vmem_shared>>
        tpu.wait_indirect_dma semaphore(%arg25 : memref<!tpu.dma_semaphore, #tpu.memory_space<semaphore_mem>>) src(%dma_wait3A_71 : memref<2048x128xf32, #tpu.memory_space<vmem_shared>>) dst(%arg23 : memref<128x128xf32, #tpu.memory_space<vmem>>)
        %add3A_72 = arith.constant 1 : i32
        %add3A_73 = arith.addi %add3A_65, %add3A_72 : i32
        %mul3A_74 = arith.constant 128 : i32
        %mul3A_75 = arith.muli %add3A_73, %mul3A_74 : i32
        %multiple_of3A_76 = tpu.assume_multiple %mul3A_75, 128 : i32
        %dma_start3A_77 = tpu.memref_slice %arg21[%multiple_of3A_76] : memref<5120xi32, #tpu.memory_space<vmem>> -> memref<128xi32, #tpu.memory_space<vmem>>
        %dma_start3A_78 = arith.constant 0 : i32
        %dma_start3A_79 = arith.constant 0 : i32
        %dma_start3A_80 = tpu.memref_slice %arg20[%dma_start3A_78, %dma_start3A_79] : memref<2048x128xf32, #tpu.memory_space<vmem_shared>> -> memref<2048x128xf32, #tpu.memory_space<vmem_shared>>
        tpu.enqueue_indirect_dma source(%dma_start3A_80 : memref<2048x128xf32, #tpu.memory_space<vmem_shared>>) target(%arg24 : memref<128x128xf32, #tpu.memory_space<vmem>>) offsets(%dma_start3A_77 : memref<128xi32, #tpu.memory_space<vmem>>) semaphore(%arg26 : memref<!tpu.dma_semaphore, #tpu.memory_space<semaphore_mem>>)
        %mul3A_81 = arith.constant 128 : i32
        %mul3A_82 = arith.muli %add3A_65, %mul3A_81 : i32
        %multiple_of3A_83 = tpu.assume_multiple %mul3A_82, 128 : i32
        "tpu.region"() ({
          %run_scoped3A = tpu.sem_alloc : memref<!tpu.dma_semaphore, #tpu.memory_space<semaphore_mem>>
          %dma_start3A_104 = tpu.memref_slice %arg22[%multiple_of3A_83] : memref<5120xi32, #tpu.memory_space<vmem>> -> memref<128xi32, #tpu.memory_space<vmem>>
          %dma_start3A_105 = arith.constant 0 : i32
          %dma_start3A_106 = arith.constant 0 : i32
          %dma_start3A_107 = tpu.memref_slice %arg19[%dma_start3A_105, %dma_start3A_106] : memref<8064x128xf32, #tpu.memory_space<vmem_shared>> -> memref<8064x128xf32, #tpu.memory_space<vmem_shared>>
          tpu.enqueue_indirect_dma source(%arg23 : memref<128x128xf32, #tpu.memory_space<vmem>>) target(%dma_start3A_107 : memref<8064x128xf32, #tpu.memory_space<vmem_shared>>) offsets(%dma_start3A_104 : memref<128xi32, #tpu.memory_space<vmem>>) semaphore(%run_scoped3A : memref<!tpu.dma_semaphore, #tpu.memory_space<semaphore_mem>>) {add = true}
          %dma_wait3A_108 = tpu.memref_slice %arg22[%multiple_of3A_83] : memref<5120xi32, #tpu.memory_space<vmem>> -> memref<128xi32, #tpu.memory_space<vmem>>
          %dma_wait3A_109 = arith.constant 0 : i32
          %dma_wait3A_110 = arith.constant 0 : i32
          %dma_wait3A_111 = tpu.memref_slice %arg19[%dma_wait3A_109, %dma_wait3A_110] : memref<8064x128xf32, #tpu.memory_space<vmem_shared>> -> memref<8064x128xf32, #tpu.memory_space<vmem_shared>>
          tpu.wait_indirect_dma semaphore(%run_scoped3A : memref<!tpu.dma_semaphore, #tpu.memory_space<semaphore_mem>>) src(%arg23 : memref<128x128xf32, #tpu.memory_space<vmem>>) dst(%dma_wait3A_111 : memref<8064x128xf32, #tpu.memory_space<vmem_shared>>)
          tpu.yield
        }) : () -> ()
        %add3A_84 = arith.constant 1 : i32
        %add3A_85 = arith.addi %add3A_65, %add3A_84 : i32
        %mul3A_86 = arith.constant 128 : i32
        %mul3A_87 = arith.muli %add3A_85, %mul3A_86 : i32
        %multiple_of3A_88 = tpu.assume_multiple %mul3A_87, 128 : i32
        %dma_wait3A_89 = tpu.memref_slice %arg21[%multiple_of3A_88] : memref<5120xi32, #tpu.memory_space<vmem>> -> memref<128xi32, #tpu.memory_space<vmem>>
        %dma_wait3A_90 = arith.constant 0 : i32
        %dma_wait3A_91 = arith.constant 0 : i32
        %dma_wait3A_92 = tpu.memref_slice %arg20[%dma_wait3A_90, %dma_wait3A_91] : memref<2048x128xf32, #tpu.memory_space<vmem_shared>> -> memref<2048x128xf32, #tpu.memory_space<vmem_shared>>
        tpu.wait_indirect_dma semaphore(%arg26 : memref<!tpu.dma_semaphore, #tpu.memory_space<semaphore_mem>>) src(%dma_wait3A_92 : memref<2048x128xf32, #tpu.memory_space<vmem_shared>>) dst(%arg24 : memref<128x128xf32, #tpu.memory_space<vmem>>)
        %add3A_93 = arith.constant 2 : i32
        %add3A_94 = arith.addi %add3A_65, %add3A_93 : i32
        %lt3A = arith.constant 40 : i32
        %lt3A_95 = arith.cmpi slt, %add3A_94, %lt3A : i32
        %convert_element_type3A_96 = arith.extui %lt3A_95 : i1 to i32
        %cond3A_97 = arith.constant 0 : i32
        %cond3A_98 = arith.cmpi ne, %convert_element_type3A_96, %cond3A_97 : i32
        scf.if %cond3A_98 {
          %add3A_104 = arith.constant 2 : i32
          %add3A_105 = arith.addi %add3A_65, %add3A_104 : i32
          %mul3A_106 = arith.constant 128 : i32
          %mul3A_107 = arith.muli %add3A_105, %mul3A_106 : i32
          %multiple_of3A_108 = tpu.assume_multiple %mul3A_107, 128 : i32
          %dma_start3A_109 = tpu.memref_slice %arg21[%multiple_of3A_108] : memref<5120xi32, #tpu.memory_space<vmem>> -> memref<128xi32, #tpu.memory_space<vmem>>
          %dma_start3A_110 = arith.constant 0 : i32
          %dma_start3A_111 = arith.constant 0 : i32
          %dma_start3A_112 = tpu.memref_slice %arg20[%dma_start3A_110, %dma_start3A_111] : memref<2048x128xf32, #tpu.memory_space<vmem_shared>> -> memref<2048x128xf32, #tpu.memory_space<vmem_shared>>
          tpu.enqueue_indirect_dma source(%dma_start3A_112 : memref<2048x128xf32, #tpu.memory_space<vmem_shared>>) target(%arg23 : memref<128x128xf32, #tpu.memory_space<vmem>>) offsets(%dma_start3A_109 : memref<128xi32, #tpu.memory_space<vmem>>) semaphore(%arg25 : memref<!tpu.dma_semaphore, #tpu.memory_space<semaphore_mem>>)
        } else {
        }
        %add3A_99 = arith.constant 1 : i32
        %add3A_100 = arith.addi %add3A_65, %add3A_99 : i32
        %mul3A_101 = arith.constant 128 : i32
        %mul3A_102 = arith.muli %add3A_100, %mul3A_101 : i32
        %multiple_of3A_103 = tpu.assume_multiple %mul3A_102, 128 : i32
        "tpu.region"() ({
          %run_scoped3A = tpu.sem_alloc : memref<!tpu.dma_semaphore, #tpu.memory_space<semaphore_mem>>
          %dma_start3A_104 = tpu.memref_slice %arg22[%multiple_of3A_103] : memref<5120xi32, #tpu.memory_space<vmem>> -> memref<128xi32, #tpu.memory_space<vmem>>
          %dma_start3A_105 = arith.constant 0 : i32
          %dma_start3A_106 = arith.constant 0 : i32
          %dma_start3A_107 = tpu.memref_slice %arg19[%dma_start3A_105, %dma_start3A_106] : memref<8064x128xf32, #tpu.memory_space<vmem_shared>> -> memref<8064x128xf32, #tpu.memory_space<vmem_shared>>
          tpu.enqueue_indirect_dma source(%arg24 : memref<128x128xf32, #tpu.memory_space<vmem>>) target(%dma_start3A_107 : memref<8064x128xf32, #tpu.memory_space<vmem_shared>>) offsets(%dma_start3A_104 : memref<128xi32, #tpu.memory_space<vmem>>) semaphore(%run_scoped3A : memref<!tpu.dma_semaphore, #tpu.memory_space<semaphore_mem>>) {add = true}
          %dma_wait3A_108 = tpu.memref_slice %arg22[%multiple_of3A_103] : memref<5120xi32, #tpu.memory_space<vmem>> -> memref<128xi32, #tpu.memory_space<vmem>>
          %dma_wait3A_109 = arith.constant 0 : i32
          %dma_wait3A_110 = arith.constant 0 : i32
          %dma_wait3A_111 = tpu.memref_slice %arg19[%dma_wait3A_109, %dma_wait3A_110] : memref<8064x128xf32, #tpu.memory_space<vmem_shared>> -> memref<8064x128xf32, #tpu.memory_space<vmem_shared>>
          tpu.wait_indirect_dma semaphore(%run_scoped3A : memref<!tpu.dma_semaphore, #tpu.memory_space<semaphore_mem>>) src(%arg24 : memref<128x128xf32, #tpu.memory_space<vmem>>) dst(%dma_wait3A_111 : memref<8064x128xf32, #tpu.memory_space<vmem_shared>>)
          tpu.yield
        }) : () -> ()
      }
      %scan3A_61 = arith.constant 20 : i32
    } else {
    }
    %barrier3A_13 = arith.constant 0 : index
    tpu.barrier barrier_id(%barrier3A_13)
    %eq3A_14 = arith.constant 0 : i32
    %eq3A_15 = arith.cmpi eq, %arg0, %eq3A_14 : i32
    %convert_element_type3A_16 = arith.extui %eq3A_15 : i1 to i32
    %cond3A_17 = arith.constant 0 : i32
    %cond3A_18 = arith.cmpi ne, %convert_element_type3A_16, %cond3A_17 : i32
    scf.if %cond3A_18 {
      %lt3A = arith.constant 15 : i32
      %lt3A_50 = arith.cmpi slt, %arg1, %lt3A : i32
      %convert_element_type3A_51 = arith.extui %lt3A_50 : i1 to i32
      %cond3A_52 = arith.constant 0 : i32
      %cond3A_53 = arith.cmpi ne, %convert_element_type3A_51, %cond3A_52 : i32
      scf.if %cond3A_53 {
        %mul3A_69 = arith.constant 504 : i32
        %mul3A_70 = arith.muli %arg1, %mul3A_69 : i32
        %multiple_of3A_71 = tpu.assume_multiple %mul3A_70, 8 : i32
        "tpu.region"() ({
          %run_scoped3A = tpu.sem_alloc : memref<!tpu.dma_semaphore, #tpu.memory_space<semaphore_mem>>
          %dma_start3A = arith.constant 0 : i32
          %dma_start3A_72 = tpu.memref_slice %arg15[%multiple_of3A_71, %dma_start3A] : memref<8000x128xf32, #tpu.memory_space<hbm>> -> memref<504x128xf32, #tpu.memory_space<hbm>>
          %dma_start3A_73 = arith.constant 0 : i32
          %dma_start3A_74 = tpu.memref_slice %arg19[%multiple_of3A_71, %dma_start3A_73] : memref<8064x128xf32, #tpu.memory_space<vmem_shared>> -> memref<504x128xf32, #tpu.memory_space<vmem_shared>>
          tpu.enqueue_dma source(%dma_start3A_74 : memref<504x128xf32, #tpu.memory_space<vmem_shared>>) target(%dma_start3A_72 : memref<504x128xf32, #tpu.memory_space<hbm>>) target_semaphore(%run_scoped3A : memref<!tpu.dma_semaphore, #tpu.memory_space<semaphore_mem>>)
          %dma_wait3A = arith.constant 0 : i32
          %dma_wait3A_75 = tpu.memref_slice %arg15[%multiple_of3A_71, %dma_wait3A] : memref<8000x128xf32, #tpu.memory_space<hbm>> -> memref<504x128xf32, #tpu.memory_space<hbm>>
          %dma_wait3A_76 = arith.constant 0 : i32
          %dma_wait3A_77 = tpu.memref_slice %arg19[%multiple_of3A_71, %dma_wait3A_76] : memref<8064x128xf32, #tpu.memory_space<vmem_shared>> -> memref<504x128xf32, #tpu.memory_space<vmem_shared>>
          tpu.wait_dma2 semaphore(%run_scoped3A : memref<!tpu.dma_semaphore, #tpu.memory_space<semaphore_mem>>) src(%dma_wait3A_77 : memref<504x128xf32, #tpu.memory_space<vmem_shared>>) dst(%dma_wait3A_75 : memref<504x128xf32, #tpu.memory_space<hbm>>)
          tpu.yield
        }) : () -> ()
      } else {
      }
      %eq3A_54 = arith.constant 15 : i32
      %eq3A_55 = arith.cmpi eq, %arg1, %eq3A_54 : i32
      %convert_element_type3A_56 = arith.extui %eq3A_55 : i1 to i32
      %cond3A_57 = arith.constant 0 : i32
      %cond3A_58 = arith.cmpi ne, %convert_element_type3A_56, %cond3A_57 : i32
      scf.if %cond3A_58 {
        "tpu.region"() ({
          %run_scoped3A = tpu.sem_alloc : memref<!tpu.dma_semaphore, #tpu.memory_space<semaphore_mem>>
          %dma_start3A = arith.constant 7560 : i32
          %dma_start3A_69 = arith.constant 0 : i32
          %dma_start3A_70 = tpu.memref_slice %arg15[%dma_start3A, %dma_start3A_69] : memref<8000x128xf32, #tpu.memory_space<hbm>> -> memref<440x128xf32, #tpu.memory_space<hbm>>
          %dma_start3A_71 = arith.constant 7560 : i32
          %dma_start3A_72 = arith.constant 0 : i32
          %dma_start3A_73 = tpu.memref_slice %arg19[%dma_start3A_71, %dma_start3A_72] : memref<8064x128xf32, #tpu.memory_space<vmem_shared>> -> memref<440x128xf32, #tpu.memory_space<vmem_shared>>
          tpu.enqueue_dma source(%dma_start3A_73 : memref<440x128xf32, #tpu.memory_space<vmem_shared>>) target(%dma_start3A_70 : memref<440x128xf32, #tpu.memory_space<hbm>>) target_semaphore(%run_scoped3A : memref<!tpu.dma_semaphore, #tpu.memory_space<semaphore_mem>>)
          %dma_wait3A = arith.constant 7560 : i32
          %dma_wait3A_74 = arith.constant 0 : i32
          %dma_wait3A_75 = tpu.memref_slice %arg15[%dma_wait3A, %dma_wait3A_74] : memref<8000x128xf32, #tpu.memory_space<hbm>> -> memref<440x128xf32, #tpu.memory_space<hbm>>
          %dma_wait3A_76 = arith.constant 7560 : i32
          %dma_wait3A_77 = arith.constant 0 : i32
          %dma_wait3A_78 = tpu.memref_slice %arg19[%dma_wait3A_76, %dma_wait3A_77] : memref<8064x128xf32, #tpu.memory_space<vmem_shared>> -> memref<440x128xf32, #tpu.memory_space<vmem_shared>>
          tpu.wait_dma2 semaphore(%run_scoped3A : memref<!tpu.dma_semaphore, #tpu.memory_space<semaphore_mem>>) src(%dma_wait3A_78 : memref<440x128xf32, #tpu.memory_space<vmem_shared>>) dst(%dma_wait3A_75 : memref<440x128xf32, #tpu.memory_space<hbm>>)
          tpu.yield
        }) : () -> ()
      } else {
      }
      %lt3A_59 = arith.constant 15 : i32
      %lt3A_60 = arith.cmpi slt, %arg1, %lt3A_59 : i32
      %convert_element_type3A_61 = arith.extui %lt3A_60 : i1 to i32
      %cond3A_62 = arith.constant 0 : i32
      %cond3A_63 = arith.cmpi ne, %convert_element_type3A_61, %cond3A_62 : i32
      scf.if %cond3A_63 {
        %mul3A_69 = arith.constant 128 : i32
        %mul3A_70 = arith.muli %arg1, %mul3A_69 : i32
        %multiple_of3A_71 = tpu.assume_multiple %mul3A_70, 8 : i32
        "tpu.region"() ({
          %run_scoped3A = tpu.sem_alloc : memref<!tpu.dma_semaphore, #tpu.memory_space<semaphore_mem>>
          %dma_start3A = arith.constant 0 : i32
          %dma_start3A_72 = tpu.memref_slice %arg20[%multiple_of3A_71, %dma_start3A] : memref<2048x128xf32, #tpu.memory_space<vmem_shared>> -> memref<128x128xf32, #tpu.memory_space<vmem_shared>>
          %dma_start3A_73 = arith.constant 0 : i32
          %dma_start3A_74 = tpu.memref_slice %arg5[%multiple_of3A_71, %dma_start3A_73] : memref<2000x128xf32, #tpu.memory_space<hbm>> -> memref<128x128xf32, #tpu.memory_space<hbm>>
          tpu.enqueue_dma source(%dma_start3A_74 : memref<128x128xf32, #tpu.memory_space<hbm>>) target(%dma_start3A_72 : memref<128x128xf32, #tpu.memory_space<vmem_shared>>) target_semaphore(%run_scoped3A : memref<!tpu.dma_semaphore, #tpu.memory_space<semaphore_mem>>)
          %dma_wait3A = arith.constant 0 : i32
          %dma_wait3A_75 = tpu.memref_slice %arg20[%multiple_of3A_71, %dma_wait3A] : memref<2048x128xf32, #tpu.memory_space<vmem_shared>> -> memref<128x128xf32, #tpu.memory_space<vmem_shared>>
          %dma_wait3A_76 = arith.constant 0 : i32
          %dma_wait3A_77 = tpu.memref_slice %arg5[%multiple_of3A_71, %dma_wait3A_76] : memref<2000x128xf32, #tpu.memory_space<hbm>> -> memref<128x128xf32, #tpu.memory_space<hbm>>
          tpu.wait_dma2 semaphore(%run_scoped3A : memref<!tpu.dma_semaphore, #tpu.memory_space<semaphore_mem>>) src(%dma_wait3A_77 : memref<128x128xf32, #tpu.memory_space<hbm>>) dst(%dma_wait3A_75 : memref<128x128xf32, #tpu.memory_space<vmem_shared>>)
          tpu.yield
        }) : () -> ()
      } else {
      }
      %eq3A_64 = arith.constant 15 : i32
      %eq3A_65 = arith.cmpi eq, %arg1, %eq3A_64 : i32
      %convert_element_type3A_66 = arith.extui %eq3A_65 : i1 to i32
      %cond3A_67 = arith.constant 0 : i32
      %cond3A_68 = arith.cmpi ne, %convert_element_type3A_66, %cond3A_67 : i32
      scf.if %cond3A_68 {
        "tpu.region"() ({
          %run_scoped3A = tpu.sem_alloc : memref<!tpu.dma_semaphore, #tpu.memory_space<semaphore_mem>>
          %dma_start3A = arith.constant 1920 : i32
          %dma_start3A_69 = arith.constant 0 : i32
          %dma_start3A_70 = tpu.memref_slice %arg20[%dma_start3A, %dma_start3A_69] : memref<2048x128xf32, #tpu.memory_space<vmem_shared>> -> memref<80x128xf32, #tpu.memory_space<vmem_shared>>
          %dma_start3A_71 = arith.constant 1920 : i32
          %dma_start3A_72 = arith.constant 0 : i32
          %dma_start3A_73 = tpu.memref_slice %arg5[%dma_start3A_71, %dma_start3A_72] : memref<2000x128xf32, #tpu.memory_space<hbm>> -> memref<80x128xf32, #tpu.memory_space<hbm>>
          tpu.enqueue_dma source(%dma_start3A_73 : memref<80x128xf32, #tpu.memory_space<hbm>>) target(%dma_start3A_70 : memref<80x128xf32, #tpu.memory_space<vmem_shared>>) target_semaphore(%run_scoped3A : memref<!tpu.dma_semaphore, #tpu.memory_space<semaphore_mem>>)
          %dma_wait3A = arith.constant 1920 : i32
          %dma_wait3A_74 = arith.constant 0 : i32
          %dma_wait3A_75 = tpu.memref_slice %arg20[%dma_wait3A, %dma_wait3A_74] : memref<2048x128xf32, #tpu.memory_space<vmem_shared>> -> memref<80x128xf32, #tpu.memory_space<vmem_shared>>
          %dma_wait3A_76 = arith.constant 1920 : i32
          %dma_wait3A_77 = arith.constant 0 : i32
          %dma_wait3A_78 = tpu.memref_slice %arg5[%dma_wait3A_76, %dma_wait3A_77] : memref<2000x128xf32, #tpu.memory_space<hbm>> -> memref<80x128xf32, #tpu.memory_space<hbm>>
          tpu.wait_dma2 semaphore(%run_scoped3A : memref<!tpu.dma_semaphore, #tpu.memory_space<semaphore_mem>>) src(%dma_wait3A_78 : memref<80x128xf32, #tpu.memory_space<hbm>>) dst(%dma_wait3A_75 : memref<80x128xf32, #tpu.memory_space<vmem_shared>>)
          tpu.yield
        }) : () -> ()
      } else {
      }
    } else {
    }
    %eq3A_19 = arith.constant 1 : i32
    %eq3A_20 = arith.cmpi eq, %arg0, %eq3A_19 : i32
    %convert_element_type3A_21 = arith.extui %eq3A_20 : i1 to i32
    %cond3A_22 = arith.constant 0 : i32
    %cond3A_23 = arith.cmpi ne, %convert_element_type3A_21, %cond3A_22 : i32
    scf.if %cond3A_23 {
      %lt3A = arith.constant 15 : i32
      %lt3A_50 = arith.cmpi slt, %arg1, %lt3A : i32
      %convert_element_type3A_51 = arith.extui %lt3A_50 : i1 to i32
      %cond3A_52 = arith.constant 0 : i32
      %cond3A_53 = arith.cmpi ne, %convert_element_type3A_51, %cond3A_52 : i32
      scf.if %cond3A_53 {
        %mul3A_59 = arith.constant 504 : i32
        %mul3A_60 = arith.muli %arg1, %mul3A_59 : i32
        %multiple_of3A_61 = tpu.assume_multiple %mul3A_60, 8 : i32
        "tpu.region"() ({
          %run_scoped3A = tpu.sem_alloc : memref<!tpu.dma_semaphore, #tpu.memory_space<semaphore_mem>>
          %dma_start3A = arith.constant 0 : i32
          %dma_start3A_62 = tpu.memref_slice %arg17[%multiple_of3A_61, %dma_start3A] : memref<8000x128xf32, #tpu.memory_space<hbm>> -> memref<504x128xf32, #tpu.memory_space<hbm>>
          %dma_start3A_63 = arith.constant 0 : i32
          %dma_start3A_64 = tpu.memref_slice %arg19[%multiple_of3A_61, %dma_start3A_63] : memref<8064x128xf32, #tpu.memory_space<vmem_shared>> -> memref<504x128xf32, #tpu.memory_space<vmem_shared>>
          tpu.enqueue_dma source(%dma_start3A_64 : memref<504x128xf32, #tpu.memory_space<vmem_shared>>) target(%dma_start3A_62 : memref<504x128xf32, #tpu.memory_space<hbm>>) target_semaphore(%run_scoped3A : memref<!tpu.dma_semaphore, #tpu.memory_space<semaphore_mem>>)
          %dma_wait3A = arith.constant 0 : i32
          %dma_wait3A_65 = tpu.memref_slice %arg17[%multiple_of3A_61, %dma_wait3A] : memref<8000x128xf32, #tpu.memory_space<hbm>> -> memref<504x128xf32, #tpu.memory_space<hbm>>
          %dma_wait3A_66 = arith.constant 0 : i32
          %dma_wait3A_67 = tpu.memref_slice %arg19[%multiple_of3A_61, %dma_wait3A_66] : memref<8064x128xf32, #tpu.memory_space<vmem_shared>> -> memref<504x128xf32, #tpu.memory_space<vmem_shared>>
          tpu.wait_dma2 semaphore(%run_scoped3A : memref<!tpu.dma_semaphore, #tpu.memory_space<semaphore_mem>>) src(%dma_wait3A_67 : memref<504x128xf32, #tpu.memory_space<vmem_shared>>) dst(%dma_wait3A_65 : memref<504x128xf32, #tpu.memory_space<hbm>>)
          tpu.yield
        }) : () -> ()
      } else {
      }
      %eq3A_54 = arith.constant 15 : i32
      %eq3A_55 = arith.cmpi eq, %arg1, %eq3A_54 : i32
      %convert_element_type3A_56 = arith.extui %eq3A_55 : i1 to i32
      %cond3A_57 = arith.constant 0 : i32
      %cond3A_58 = arith.cmpi ne, %convert_element_type3A_56, %cond3A_57 : i32
      scf.if %cond3A_58 {
        "tpu.region"() ({
          %run_scoped3A = tpu.sem_alloc : memref<!tpu.dma_semaphore, #tpu.memory_space<semaphore_mem>>
          %dma_start3A = arith.constant 7560 : i32
          %dma_start3A_59 = arith.constant 0 : i32
          %dma_start3A_60 = tpu.memref_slice %arg17[%dma_start3A, %dma_start3A_59] : memref<8000x128xf32, #tpu.memory_space<hbm>> -> memref<440x128xf32, #tpu.memory_space<hbm>>
          %dma_start3A_61 = arith.constant 7560 : i32
          %dma_start3A_62 = arith.constant 0 : i32
          %dma_start3A_63 = tpu.memref_slice %arg19[%dma_start3A_61, %dma_start3A_62] : memref<8064x128xf32, #tpu.memory_space<vmem_shared>> -> memref<440x128xf32, #tpu.memory_space<vmem_shared>>
          tpu.enqueue_dma source(%dma_start3A_63 : memref<440x128xf32, #tpu.memory_space<vmem_shared>>) target(%dma_start3A_60 : memref<440x128xf32, #tpu.memory_space<hbm>>) target_semaphore(%run_scoped3A : memref<!tpu.dma_semaphore, #tpu.memory_space<semaphore_mem>>)
          %dma_wait3A = arith.constant 7560 : i32
          %dma_wait3A_64 = arith.constant 0 : i32
          %dma_wait3A_65 = tpu.memref_slice %arg17[%dma_wait3A, %dma_wait3A_64] : memref<8000x128xf32, #tpu.memory_space<hbm>> -> memref<440x128xf32, #tpu.memory_space<hbm>>
          %dma_wait3A_66 = arith.constant 7560 : i32
          %dma_wait3A_67 = arith.constant 0 : i32
          %dma_wait3A_68 = tpu.memref_slice %arg19[%dma_wait3A_66, %dma_wait3A_67] : memref<8064x128xf32, #tpu.memory_space<vmem_shared>> -> memref<440x128xf32, #tpu.memory_space<vmem_shared>>
          tpu.wait_dma2 semaphore(%run_scoped3A : memref<!tpu.dma_semaphore, #tpu.memory_space<semaphore_mem>>) src(%dma_wait3A_68 : memref<440x128xf32, #tpu.memory_space<vmem_shared>>) dst(%dma_wait3A_65 : memref<440x128xf32, #tpu.memory_space<hbm>>)
          tpu.yield
        }) : () -> ()
      } else {
      }
    } else {
    }
    %barrier3A_24 = arith.constant 0 : index
    tpu.barrier barrier_id(%barrier3A_24)
    %mul3A_25 = arith.constant 128 : i32
    %mul3A_26 = arith.muli %arg1, %mul3A_25 : i32
    %multiple_of3A_27 = tpu.assume_multiple %mul3A_26, 8 : i32
    "tpu.region"() ({
      %run_scoped3A = tpu.sem_alloc : memref<!tpu.dma_semaphore, #tpu.memory_space<semaphore_mem>>
      %dma_start3A = arith.constant 0 : i32
      %dma_start3A_50 = tpu.memref_slice %arg19[%multiple_of3A_27, %dma_start3A] : memref<8064x128xf32, #tpu.memory_space<vmem_shared>> -> memref<128x128xf32, #tpu.memory_space<vmem_shared>>
      %dma_start3A_51 = arith.constant 0 : i32
      %dma_start3A_52 = arith.constant 0 : i32
      %dma_start3A_53 = tpu.memref_slice %arg14[%dma_start3A_51, %dma_start3A_52] : memref<504x128xf32, #tpu.memory_space<hbm>> -> memref<128x128xf32, #tpu.memory_space<hbm>>
      tpu.enqueue_dma source(%dma_start3A_53 : memref<128x128xf32, #tpu.memory_space<hbm>>) target(%dma_start3A_50 : memref<128x128xf32, #tpu.memory_space<vmem_shared>>) target_semaphore(%run_scoped3A : memref<!tpu.dma_semaphore, #tpu.memory_space<semaphore_mem>>)
      %dma_wait3A = arith.constant 0 : i32
      %dma_wait3A_54 = tpu.memref_slice %arg19[%multiple_of3A_27, %dma_wait3A] : memref<8064x128xf32, #tpu.memory_space<vmem_shared>> -> memref<128x128xf32, #tpu.memory_space<vmem_shared>>
      %dma_wait3A_55 = arith.constant 0 : i32
      %dma_wait3A_56 = arith.constant 0 : i32
      %dma_wait3A_57 = tpu.memref_slice %arg14[%dma_wait3A_55, %dma_wait3A_56] : memref<504x128xf32, #tpu.memory_space<hbm>> -> memref<128x128xf32, #tpu.memory_space<hbm>>
      tpu.wait_dma2 semaphore(%run_scoped3A : memref<!tpu.dma_semaphore, #tpu.memory_space<semaphore_mem>>) src(%dma_wait3A_57 : memref<128x128xf32, #tpu.memory_space<hbm>>) dst(%dma_wait3A_54 : memref<128x128xf32, #tpu.memory_space<vmem_shared>>)
      tpu.yield
    }) : () -> ()
    %barrier3A_28 = arith.constant 0 : index
    tpu.barrier barrier_id(%barrier3A_28)
    %eq3A_29 = arith.constant 0 : i32
    %eq3A_30 = arith.cmpi eq, %arg0, %eq3A_29 : i32
    %convert_element_type3A_31 = arith.extui %eq3A_30 : i1 to i32
    %cond3A_32 = arith.constant 0 : i32
    %cond3A_33 = arith.cmpi ne, %convert_element_type3A_31, %cond3A_32 : i32
    scf.if %cond3A_33 {
      %mul3A_50 = arith.constant 5120 : i32
      %mul3A_51 = arith.muli %arg1, %mul3A_50 : i32
      %multiple_of3A_52 = tpu.assume_multiple %mul3A_51, 256 : i32
      "tpu.region"() ({
        %run_scoped3A = tpu.sem_alloc : memref<!tpu.dma_semaphore, #tpu.memory_space<semaphore_mem>>
        %dma_start3A_62 = tpu.memref_slice %arg12[%multiple_of3A_52] : memref<81920xi32, #tpu.memory_space<hbm>> -> memref<5120xi32, #tpu.memory_space<hbm>>
        %dma_start3A_63 = tpu.memref_slice %arg12[%multiple_of3A_52] : memref<81920xi32, #tpu.memory_space<hbm>> -> memref<5120xi32, #tpu.memory_space<hbm>>
        tpu.enqueue_dma source(%dma_start3A_63 : memref<5120xi32, #tpu.memory_space<hbm>>) target(%arg21 : memref<5120xi32, #tpu.memory_space<vmem>>) target_semaphore(%run_scoped3A : memref<!tpu.dma_semaphore, #tpu.memory_space<semaphore_mem>>)
        %dma_wait3A = tpu.memref_slice %arg12[%multiple_of3A_52] : memref<81920xi32, #tpu.memory_space<hbm>> -> memref<5120xi32, #tpu.memory_space<hbm>>
        %dma_wait3A_64 = tpu.memref_slice %arg12[%multiple_of3A_52] : memref<81920xi32, #tpu.memory_space<hbm>> -> memref<5120xi32, #tpu.memory_space<hbm>>
        tpu.wait_dma2 semaphore(%run_scoped3A : memref<!tpu.dma_semaphore, #tpu.memory_space<semaphore_mem>>) src(%dma_wait3A_64 : memref<5120xi32, #tpu.memory_space<hbm>>) dst(%arg21 : memref<5120xi32, #tpu.memory_space<vmem>>)
        tpu.yield
      }) : () -> ()
      "tpu.region"() ({
        %run_scoped3A = tpu.sem_alloc : memref<!tpu.dma_semaphore, #tpu.memory_space<semaphore_mem>>
        %dma_start3A_62 = tpu.memref_slice %arg13[%multiple_of3A_52] : memref<81920xi32, #tpu.memory_space<hbm>> -> memref<5120xi32, #tpu.memory_space<hbm>>
        %dma_start3A_63 = tpu.memref_slice %arg13[%multiple_of3A_52] : memref<81920xi32, #tpu.memory_space<hbm>> -> memref<5120xi32, #tpu.memory_space<hbm>>
        tpu.enqueue_dma source(%dma_start3A_63 : memref<5120xi32, #tpu.memory_space<hbm>>) target(%arg22 : memref<5120xi32, #tpu.memory_space<vmem>>) target_semaphore(%run_scoped3A : memref<!tpu.dma_semaphore, #tpu.memory_space<semaphore_mem>>)
        %dma_wait3A = tpu.memref_slice %arg13[%multiple_of3A_52] : memref<81920xi32, #tpu.memory_space<hbm>> -> memref<5120xi32, #tpu.memory_space<hbm>>
        %dma_wait3A_64 = tpu.memref_slice %arg13[%multiple_of3A_52] : memref<81920xi32, #tpu.memory_space<hbm>> -> memref<5120xi32, #tpu.memory_space<hbm>>
        tpu.wait_dma2 semaphore(%run_scoped3A : memref<!tpu.dma_semaphore, #tpu.memory_space<semaphore_mem>>) src(%dma_wait3A_64 : memref<5120xi32, #tpu.memory_space<hbm>>) dst(%arg22 : memref<5120xi32, #tpu.memory_space<vmem>>)
        tpu.yield
      }) : () -> ()
      %multiple_of3A_53 = arith.constant 0 : i32
      %multiple_of3A_54 = tpu.assume_multiple %multiple_of3A_53, 128 : i32
      %dma_start3A = tpu.memref_slice %arg21[%multiple_of3A_54] : memref<5120xi32, #tpu.memory_space<vmem>> -> memref<128xi32, #tpu.memory_space<vmem>>
      %dma_start3A_55 = arith.constant 0 : i32
      %dma_start3A_56 = arith.constant 0 : i32
      %dma_start3A_57 = tpu.memref_slice %arg20[%dma_start3A_55, %dma_start3A_56] : memref<2048x128xf32, #tpu.memory_space<vmem_shared>> -> memref<2048x128xf32, #tpu.memory_space<vmem_shared>>
      tpu.enqueue_indirect_dma source(%dma_start3A_57 : memref<2048x128xf32, #tpu.memory_space<vmem_shared>>) target(%arg23 : memref<128x128xf32, #tpu.memory_space<vmem>>) offsets(%dma_start3A : memref<128xi32, #tpu.memory_space<vmem>>) semaphore(%arg25 : memref<!tpu.dma_semaphore, #tpu.memory_space<semaphore_mem>>)
      %scan3A = arith.constant 0 : i32
      %scan3A_58 = arith.constant 20 : i32
      %scan3A_59 = arith.addi %scan3A, %scan3A_58 : i32
      %scan3A_60 = arith.constant 1 : i32
      scf.for %scan3A_62 = %scan3A to %scan3A_59 step %scan3A_60  : i32 {
        %mul3A_63 = arith.constant 2 : i32
        %mul3A_64 = arith.muli %scan3A_62, %mul3A_63 : i32
        %add3A = arith.constant 0 : i32
        %add3A_65 = arith.addi %add3A, %mul3A_64 : i32
        %mul3A_66 = arith.constant 128 : i32
        %mul3A_67 = arith.muli %add3A_65, %mul3A_66 : i32
        %multiple_of3A_68 = tpu.assume_multiple %mul3A_67, 128 : i32
        %dma_wait3A = tpu.memref_slice %arg21[%multiple_of3A_68] : memref<5120xi32, #tpu.memory_space<vmem>> -> memref<128xi32, #tpu.memory_space<vmem>>
        %dma_wait3A_69 = arith.constant 0 : i32
        %dma_wait3A_70 = arith.constant 0 : i32
        %dma_wait3A_71 = tpu.memref_slice %arg20[%dma_wait3A_69, %dma_wait3A_70] : memref<2048x128xf32, #tpu.memory_space<vmem_shared>> -> memref<2048x128xf32, #tpu.memory_space<vmem_shared>>
        tpu.wait_indirect_dma semaphore(%arg25 : memref<!tpu.dma_semaphore, #tpu.memory_space<semaphore_mem>>) src(%dma_wait3A_71 : memref<2048x128xf32, #tpu.memory_space<vmem_shared>>) dst(%arg23 : memref<128x128xf32, #tpu.memory_space<vmem>>)
        %add3A_72 = arith.constant 1 : i32
        %add3A_73 = arith.addi %add3A_65, %add3A_72 : i32
        %mul3A_74 = arith.constant 128 : i32
        %mul3A_75 = arith.muli %add3A_73, %mul3A_74 : i32
        %multiple_of3A_76 = tpu.assume_multiple %mul3A_75, 128 : i32
        %dma_start3A_77 = tpu.memref_slice %arg21[%multiple_of3A_76] : memref<5120xi32, #tpu.memory_space<vmem>> -> memref<128xi32, #tpu.memory_space<vmem>>
        %dma_start3A_78 = arith.constant 0 : i32
        %dma_start3A_79 = arith.constant 0 : i32
        %dma_start3A_80 = tpu.memref_slice %arg20[%dma_start3A_78, %dma_start3A_79] : memref<2048x128xf32, #tpu.memory_space<vmem_shared>> -> memref<2048x128xf32, #tpu.memory_space<vmem_shared>>
        tpu.enqueue_indirect_dma source(%dma_start3A_80 : memref<2048x128xf32, #tpu.memory_space<vmem_shared>>) target(%arg24 : memref<128x128xf32, #tpu.memory_space<vmem>>) offsets(%dma_start3A_77 : memref<128xi32, #tpu.memory_space<vmem>>) semaphore(%arg26 : memref<!tpu.dma_semaphore, #tpu.memory_space<semaphore_mem>>)
        %mul3A_81 = arith.constant 128 : i32
        %mul3A_82 = arith.muli %add3A_65, %mul3A_81 : i32
        %multiple_of3A_83 = tpu.assume_multiple %mul3A_82, 128 : i32
        "tpu.region"() ({
          %run_scoped3A = tpu.sem_alloc : memref<!tpu.dma_semaphore, #tpu.memory_space<semaphore_mem>>
          %dma_start3A_104 = tpu.memref_slice %arg22[%multiple_of3A_83] : memref<5120xi32, #tpu.memory_space<vmem>> -> memref<128xi32, #tpu.memory_space<vmem>>
          %dma_start3A_105 = arith.constant 0 : i32
          %dma_start3A_106 = arith.constant 0 : i32
          %dma_start3A_107 = tpu.memref_slice %arg19[%dma_start3A_105, %dma_start3A_106] : memref<8064x128xf32, #tpu.memory_space<vmem_shared>> -> memref<8064x128xf32, #tpu.memory_space<vmem_shared>>
          tpu.enqueue_indirect_dma source(%arg23 : memref<128x128xf32, #tpu.memory_space<vmem>>) target(%dma_start3A_107 : memref<8064x128xf32, #tpu.memory_space<vmem_shared>>) offsets(%dma_start3A_104 : memref<128xi32, #tpu.memory_space<vmem>>) semaphore(%run_scoped3A : memref<!tpu.dma_semaphore, #tpu.memory_space<semaphore_mem>>) {add = true}
          %dma_wait3A_108 = tpu.memref_slice %arg22[%multiple_of3A_83] : memref<5120xi32, #tpu.memory_space<vmem>> -> memref<128xi32, #tpu.memory_space<vmem>>
          %dma_wait3A_109 = arith.constant 0 : i32
          %dma_wait3A_110 = arith.constant 0 : i32
          %dma_wait3A_111 = tpu.memref_slice %arg19[%dma_wait3A_109, %dma_wait3A_110] : memref<8064x128xf32, #tpu.memory_space<vmem_shared>> -> memref<8064x128xf32, #tpu.memory_space<vmem_shared>>
          tpu.wait_indirect_dma semaphore(%run_scoped3A : memref<!tpu.dma_semaphore, #tpu.memory_space<semaphore_mem>>) src(%arg23 : memref<128x128xf32, #tpu.memory_space<vmem>>) dst(%dma_wait3A_111 : memref<8064x128xf32, #tpu.memory_space<vmem_shared>>)
          tpu.yield
        }) : () -> ()
        %add3A_84 = arith.constant 1 : i32
        %add3A_85 = arith.addi %add3A_65, %add3A_84 : i32
        %mul3A_86 = arith.constant 128 : i32
        %mul3A_87 = arith.muli %add3A_85, %mul3A_86 : i32
        %multiple_of3A_88 = tpu.assume_multiple %mul3A_87, 128 : i32
        %dma_wait3A_89 = tpu.memref_slice %arg21[%multiple_of3A_88] : memref<5120xi32, #tpu.memory_space<vmem>> -> memref<128xi32, #tpu.memory_space<vmem>>
        %dma_wait3A_90 = arith.constant 0 : i32
        %dma_wait3A_91 = arith.constant 0 : i32
        %dma_wait3A_92 = tpu.memref_slice %arg20[%dma_wait3A_90, %dma_wait3A_91] : memref<2048x128xf32, #tpu.memory_space<vmem_shared>> -> memref<2048x128xf32, #tpu.memory_space<vmem_shared>>
        tpu.wait_indirect_dma semaphore(%arg26 : memref<!tpu.dma_semaphore, #tpu.memory_space<semaphore_mem>>) src(%dma_wait3A_92 : memref<2048x128xf32, #tpu.memory_space<vmem_shared>>) dst(%arg24 : memref<128x128xf32, #tpu.memory_space<vmem>>)
        %add3A_93 = arith.constant 2 : i32
        %add3A_94 = arith.addi %add3A_65, %add3A_93 : i32
        %lt3A = arith.constant 40 : i32
        %lt3A_95 = arith.cmpi slt, %add3A_94, %lt3A : i32
        %convert_element_type3A_96 = arith.extui %lt3A_95 : i1 to i32
        %cond3A_97 = arith.constant 0 : i32
        %cond3A_98 = arith.cmpi ne, %convert_element_type3A_96, %cond3A_97 : i32
        scf.if %cond3A_98 {
          %add3A_104 = arith.constant 2 : i32
          %add3A_105 = arith.addi %add3A_65, %add3A_104 : i32
          %mul3A_106 = arith.constant 128 : i32
          %mul3A_107 = arith.muli %add3A_105, %mul3A_106 : i32
          %multiple_of3A_108 = tpu.assume_multiple %mul3A_107, 128 : i32
          %dma_start3A_109 = tpu.memref_slice %arg21[%multiple_of3A_108] : memref<5120xi32, #tpu.memory_space<vmem>> -> memref<128xi32, #tpu.memory_space<vmem>>
          %dma_start3A_110 = arith.constant 0 : i32
          %dma_start3A_111 = arith.constant 0 : i32
          %dma_start3A_112 = tpu.memref_slice %arg20[%dma_start3A_110, %dma_start3A_111] : memref<2048x128xf32, #tpu.memory_space<vmem_shared>> -> memref<2048x128xf32, #tpu.memory_space<vmem_shared>>
          tpu.enqueue_indirect_dma source(%dma_start3A_112 : memref<2048x128xf32, #tpu.memory_space<vmem_shared>>) target(%arg23 : memref<128x128xf32, #tpu.memory_space<vmem>>) offsets(%dma_start3A_109 : memref<128xi32, #tpu.memory_space<vmem>>) semaphore(%arg25 : memref<!tpu.dma_semaphore, #tpu.memory_space<semaphore_mem>>)
        } else {
        }
        %add3A_99 = arith.constant 1 : i32
        %add3A_100 = arith.addi %add3A_65, %add3A_99 : i32
        %mul3A_101 = arith.constant 128 : i32
        %mul3A_102 = arith.muli %add3A_100, %mul3A_101 : i32
        %multiple_of3A_103 = tpu.assume_multiple %mul3A_102, 128 : i32
        "tpu.region"() ({
          %run_scoped3A = tpu.sem_alloc : memref<!tpu.dma_semaphore, #tpu.memory_space<semaphore_mem>>
          %dma_start3A_104 = tpu.memref_slice %arg22[%multiple_of3A_103] : memref<5120xi32, #tpu.memory_space<vmem>> -> memref<128xi32, #tpu.memory_space<vmem>>
          %dma_start3A_105 = arith.constant 0 : i32
          %dma_start3A_106 = arith.constant 0 : i32
          %dma_start3A_107 = tpu.memref_slice %arg19[%dma_start3A_105, %dma_start3A_106] : memref<8064x128xf32, #tpu.memory_space<vmem_shared>> -> memref<8064x128xf32, #tpu.memory_space<vmem_shared>>
          tpu.enqueue_indirect_dma source(%arg24 : memref<128x128xf32, #tpu.memory_space<vmem>>) target(%dma_start3A_107 : memref<8064x128xf32, #tpu.memory_space<vmem_shared>>) offsets(%dma_start3A_104 : memref<128xi32, #tpu.memory_space<vmem>>) semaphore(%run_scoped3A : memref<!tpu.dma_semaphore, #tpu.memory_space<semaphore_mem>>) {add = true}
          %dma_wait3A_108 = tpu.memref_slice %arg22[%multiple_of3A_103] : memref<5120xi32, #tpu.memory_space<vmem>> -> memref<128xi32, #tpu.memory_space<vmem>>
          %dma_wait3A_109 = arith.constant 0 : i32
          %dma_wait3A_110 = arith.constant 0 : i32
          %dma_wait3A_111 = tpu.memref_slice %arg19[%dma_wait3A_109, %dma_wait3A_110] : memref<8064x128xf32, #tpu.memory_space<vmem_shared>> -> memref<8064x128xf32, #tpu.memory_space<vmem_shared>>
          tpu.wait_indirect_dma semaphore(%run_scoped3A : memref<!tpu.dma_semaphore, #tpu.memory_space<semaphore_mem>>) src(%arg24 : memref<128x128xf32, #tpu.memory_space<vmem>>) dst(%dma_wait3A_111 : memref<8064x128xf32, #tpu.memory_space<vmem_shared>>)
          tpu.yield
        }) : () -> ()
      }
      %scan3A_61 = arith.constant 20 : i32
    } else {
    }
    %eq3A_34 = arith.constant 1 : i32
    %eq3A_35 = arith.cmpi eq, %arg0, %eq3A_34 : i32
    %convert_element_type3A_36 = arith.extui %eq3A_35 : i1 to i32
    %cond3A_37 = arith.constant 0 : i32
    %cond3A_38 = arith.cmpi ne, %convert_element_type3A_36, %cond3A_37 : i32
    scf.if %cond3A_38 {
      %mul3A_50 = arith.constant 5120 : i32
      %mul3A_51 = arith.muli %arg1, %mul3A_50 : i32
      %multiple_of3A_52 = tpu.assume_multiple %mul3A_51, 256 : i32
      "tpu.region"() ({
        %run_scoped3A = tpu.sem_alloc : memref<!tpu.dma_semaphore, #tpu.memory_space<semaphore_mem>>
        %dma_start3A_62 = tpu.memref_slice %arg8[%multiple_of3A_52] : memref<81920xi32, #tpu.memory_space<hbm>> -> memref<5120xi32, #tpu.memory_space<hbm>>
        %dma_start3A_63 = tpu.memref_slice %arg8[%multiple_of3A_52] : memref<81920xi32, #tpu.memory_space<hbm>> -> memref<5120xi32, #tpu.memory_space<hbm>>
        tpu.enqueue_dma source(%dma_start3A_63 : memref<5120xi32, #tpu.memory_space<hbm>>) target(%arg21 : memref<5120xi32, #tpu.memory_space<vmem>>) target_semaphore(%run_scoped3A : memref<!tpu.dma_semaphore, #tpu.memory_space<semaphore_mem>>)
        %dma_wait3A = tpu.memref_slice %arg8[%multiple_of3A_52] : memref<81920xi32, #tpu.memory_space<hbm>> -> memref<5120xi32, #tpu.memory_space<hbm>>
        %dma_wait3A_64 = tpu.memref_slice %arg8[%multiple_of3A_52] : memref<81920xi32, #tpu.memory_space<hbm>> -> memref<5120xi32, #tpu.memory_space<hbm>>
        tpu.wait_dma2 semaphore(%run_scoped3A : memref<!tpu.dma_semaphore, #tpu.memory_space<semaphore_mem>>) src(%dma_wait3A_64 : memref<5120xi32, #tpu.memory_space<hbm>>) dst(%arg21 : memref<5120xi32, #tpu.memory_space<vmem>>)
        tpu.yield
      }) : () -> ()
      "tpu.region"() ({
        %run_scoped3A = tpu.sem_alloc : memref<!tpu.dma_semaphore, #tpu.memory_space<semaphore_mem>>
        %dma_start3A_62 = tpu.memref_slice %arg9[%multiple_of3A_52] : memref<81920xi32, #tpu.memory_space<hbm>> -> memref<5120xi32, #tpu.memory_space<hbm>>
        %dma_start3A_63 = tpu.memref_slice %arg9[%multiple_of3A_52] : memref<81920xi32, #tpu.memory_space<hbm>> -> memref<5120xi32, #tpu.memory_space<hbm>>
        tpu.enqueue_dma source(%dma_start3A_63 : memref<5120xi32, #tpu.memory_space<hbm>>) target(%arg22 : memref<5120xi32, #tpu.memory_space<vmem>>) target_semaphore(%run_scoped3A : memref<!tpu.dma_semaphore, #tpu.memory_space<semaphore_mem>>)
        %dma_wait3A = tpu.memref_slice %arg9[%multiple_of3A_52] : memref<81920xi32, #tpu.memory_space<hbm>> -> memref<5120xi32, #tpu.memory_space<hbm>>
        %dma_wait3A_64 = tpu.memref_slice %arg9[%multiple_of3A_52] : memref<81920xi32, #tpu.memory_space<hbm>> -> memref<5120xi32, #tpu.memory_space<hbm>>
        tpu.wait_dma2 semaphore(%run_scoped3A : memref<!tpu.dma_semaphore, #tpu.memory_space<semaphore_mem>>) src(%dma_wait3A_64 : memref<5120xi32, #tpu.memory_space<hbm>>) dst(%arg22 : memref<5120xi32, #tpu.memory_space<vmem>>)
        tpu.yield
      }) : () -> ()
      %multiple_of3A_53 = arith.constant 0 : i32
      %multiple_of3A_54 = tpu.assume_multiple %multiple_of3A_53, 128 : i32
      %dma_start3A = tpu.memref_slice %arg21[%multiple_of3A_54] : memref<5120xi32, #tpu.memory_space<vmem>> -> memref<128xi32, #tpu.memory_space<vmem>>
      %dma_start3A_55 = arith.constant 0 : i32
      %dma_start3A_56 = arith.constant 0 : i32
      %dma_start3A_57 = tpu.memref_slice %arg3[%dma_start3A_55, %dma_start3A_56] : memref<8000x128xf32, #tpu.memory_space<hbm>> -> memref<8000x128xf32, #tpu.memory_space<hbm>>
      tpu.enqueue_indirect_dma source(%dma_start3A_57 : memref<8000x128xf32, #tpu.memory_space<hbm>>) target(%arg23 : memref<128x128xf32, #tpu.memory_space<vmem>>) offsets(%dma_start3A : memref<128xi32, #tpu.memory_space<vmem>>) semaphore(%arg25 : memref<!tpu.dma_semaphore, #tpu.memory_space<semaphore_mem>>)
      %scan3A = arith.constant 0 : i32
      %scan3A_58 = arith.constant 20 : i32
      %scan3A_59 = arith.addi %scan3A, %scan3A_58 : i32
      %scan3A_60 = arith.constant 1 : i32
      scf.for %scan3A_62 = %scan3A to %scan3A_59 step %scan3A_60  : i32 {
        %mul3A_63 = arith.constant 2 : i32
        %mul3A_64 = arith.muli %scan3A_62, %mul3A_63 : i32
        %add3A = arith.constant 0 : i32
        %add3A_65 = arith.addi %add3A, %mul3A_64 : i32
        %mul3A_66 = arith.constant 128 : i32
        %mul3A_67 = arith.muli %add3A_65, %mul3A_66 : i32
        %multiple_of3A_68 = tpu.assume_multiple %mul3A_67, 128 : i32
        %dma_wait3A = tpu.memref_slice %arg21[%multiple_of3A_68] : memref<5120xi32, #tpu.memory_space<vmem>> -> memref<128xi32, #tpu.memory_space<vmem>>
        %dma_wait3A_69 = arith.constant 0 : i32
        %dma_wait3A_70 = arith.constant 0 : i32
        %dma_wait3A_71 = tpu.memref_slice %arg3[%dma_wait3A_69, %dma_wait3A_70] : memref<8000x128xf32, #tpu.memory_space<hbm>> -> memref<8000x128xf32, #tpu.memory_space<hbm>>
        tpu.wait_indirect_dma semaphore(%arg25 : memref<!tpu.dma_semaphore, #tpu.memory_space<semaphore_mem>>) src(%dma_wait3A_71 : memref<8000x128xf32, #tpu.memory_space<hbm>>) dst(%arg23 : memref<128x128xf32, #tpu.memory_space<vmem>>)
        %add3A_72 = arith.constant 1 : i32
        %add3A_73 = arith.addi %add3A_65, %add3A_72 : i32
        %mul3A_74 = arith.constant 128 : i32
        %mul3A_75 = arith.muli %add3A_73, %mul3A_74 : i32
        %multiple_of3A_76 = tpu.assume_multiple %mul3A_75, 128 : i32
        %dma_start3A_77 = tpu.memref_slice %arg21[%multiple_of3A_76] : memref<5120xi32, #tpu.memory_space<vmem>> -> memref<128xi32, #tpu.memory_space<vmem>>
        %dma_start3A_78 = arith.constant 0 : i32
        %dma_start3A_79 = arith.constant 0 : i32
        %dma_start3A_80 = tpu.memref_slice %arg3[%dma_start3A_78, %dma_start3A_79] : memref<8000x128xf32, #tpu.memory_space<hbm>> -> memref<8000x128xf32, #tpu.memory_space<hbm>>
        tpu.enqueue_indirect_dma source(%dma_start3A_80 : memref<8000x128xf32, #tpu.memory_space<hbm>>) target(%arg24 : memref<128x128xf32, #tpu.memory_space<vmem>>) offsets(%dma_start3A_77 : memref<128xi32, #tpu.memory_space<vmem>>) semaphore(%arg26 : memref<!tpu.dma_semaphore, #tpu.memory_space<semaphore_mem>>)
        %mul3A_81 = arith.constant 128 : i32
        %mul3A_82 = arith.muli %add3A_65, %mul3A_81 : i32
        %multiple_of3A_83 = tpu.assume_multiple %mul3A_82, 128 : i32
        "tpu.region"() ({
          %run_scoped3A = tpu.sem_alloc : memref<!tpu.dma_semaphore, #tpu.memory_space<semaphore_mem>>
          %dma_start3A_104 = tpu.memref_slice %arg22[%multiple_of3A_83] : memref<5120xi32, #tpu.memory_space<vmem>> -> memref<128xi32, #tpu.memory_space<vmem>>
          %dma_start3A_105 = arith.constant 0 : i32
          %dma_start3A_106 = arith.constant 0 : i32
          %dma_start3A_107 = tpu.memref_slice %arg19[%dma_start3A_105, %dma_start3A_106] : memref<8064x128xf32, #tpu.memory_space<vmem_shared>> -> memref<8064x128xf32, #tpu.memory_space<vmem_shared>>
          tpu.enqueue_indirect_dma source(%arg23 : memref<128x128xf32, #tpu.memory_space<vmem>>) target(%dma_start3A_107 : memref<8064x128xf32, #tpu.memory_space<vmem_shared>>) offsets(%dma_start3A_104 : memref<128xi32, #tpu.memory_space<vmem>>) semaphore(%run_scoped3A : memref<!tpu.dma_semaphore, #tpu.memory_space<semaphore_mem>>) {add = true}
          %dma_wait3A_108 = tpu.memref_slice %arg22[%multiple_of3A_83] : memref<5120xi32, #tpu.memory_space<vmem>> -> memref<128xi32, #tpu.memory_space<vmem>>
          %dma_wait3A_109 = arith.constant 0 : i32
          %dma_wait3A_110 = arith.constant 0 : i32
          %dma_wait3A_111 = tpu.memref_slice %arg19[%dma_wait3A_109, %dma_wait3A_110] : memref<8064x128xf32, #tpu.memory_space<vmem_shared>> -> memref<8064x128xf32, #tpu.memory_space<vmem_shared>>
          tpu.wait_indirect_dma semaphore(%run_scoped3A : memref<!tpu.dma_semaphore, #tpu.memory_space<semaphore_mem>>) src(%arg23 : memref<128x128xf32, #tpu.memory_space<vmem>>) dst(%dma_wait3A_111 : memref<8064x128xf32, #tpu.memory_space<vmem_shared>>)
          tpu.yield
        }) : () -> ()
        %add3A_84 = arith.constant 1 : i32
        %add3A_85 = arith.addi %add3A_65, %add3A_84 : i32
        %mul3A_86 = arith.constant 128 : i32
        %mul3A_87 = arith.muli %add3A_85, %mul3A_86 : i32
        %multiple_of3A_88 = tpu.assume_multiple %mul3A_87, 128 : i32
        %dma_wait3A_89 = tpu.memref_slice %arg21[%multiple_of3A_88] : memref<5120xi32, #tpu.memory_space<vmem>> -> memref<128xi32, #tpu.memory_space<vmem>>
        %dma_wait3A_90 = arith.constant 0 : i32
        %dma_wait3A_91 = arith.constant 0 : i32
        %dma_wait3A_92 = tpu.memref_slice %arg3[%dma_wait3A_90, %dma_wait3A_91] : memref<8000x128xf32, #tpu.memory_space<hbm>> -> memref<8000x128xf32, #tpu.memory_space<hbm>>
        tpu.wait_indirect_dma semaphore(%arg26 : memref<!tpu.dma_semaphore, #tpu.memory_space<semaphore_mem>>) src(%dma_wait3A_92 : memref<8000x128xf32, #tpu.memory_space<hbm>>) dst(%arg24 : memref<128x128xf32, #tpu.memory_space<vmem>>)
        %add3A_93 = arith.constant 2 : i32
        %add3A_94 = arith.addi %add3A_65, %add3A_93 : i32
        %lt3A = arith.constant 40 : i32
        %lt3A_95 = arith.cmpi slt, %add3A_94, %lt3A : i32
        %convert_element_type3A_96 = arith.extui %lt3A_95 : i1 to i32
        %cond3A_97 = arith.constant 0 : i32
        %cond3A_98 = arith.cmpi ne, %convert_element_type3A_96, %cond3A_97 : i32
        scf.if %cond3A_98 {
          %add3A_104 = arith.constant 2 : i32
          %add3A_105 = arith.addi %add3A_65, %add3A_104 : i32
          %mul3A_106 = arith.constant 128 : i32
          %mul3A_107 = arith.muli %add3A_105, %mul3A_106 : i32
          %multiple_of3A_108 = tpu.assume_multiple %mul3A_107, 128 : i32
          %dma_start3A_109 = tpu.memref_slice %arg21[%multiple_of3A_108] : memref<5120xi32, #tpu.memory_space<vmem>> -> memref<128xi32, #tpu.memory_space<vmem>>
          %dma_start3A_110 = arith.constant 0 : i32
          %dma_start3A_111 = arith.constant 0 : i32
          %dma_start3A_112 = tpu.memref_slice %arg3[%dma_start3A_110, %dma_start3A_111] : memref<8000x128xf32, #tpu.memory_space<hbm>> -> memref<8000x128xf32, #tpu.memory_space<hbm>>
          tpu.enqueue_indirect_dma source(%dma_start3A_112 : memref<8000x128xf32, #tpu.memory_space<hbm>>) target(%arg23 : memref<128x128xf32, #tpu.memory_space<vmem>>) offsets(%dma_start3A_109 : memref<128xi32, #tpu.memory_space<vmem>>) semaphore(%arg25 : memref<!tpu.dma_semaphore, #tpu.memory_space<semaphore_mem>>)
        } else {
        }
        %add3A_99 = arith.constant 1 : i32
        %add3A_100 = arith.addi %add3A_65, %add3A_99 : i32
        %mul3A_101 = arith.constant 128 : i32
        %mul3A_102 = arith.muli %add3A_100, %mul3A_101 : i32
        %multiple_of3A_103 = tpu.assume_multiple %mul3A_102, 128 : i32
        "tpu.region"() ({
          %run_scoped3A = tpu.sem_alloc : memref<!tpu.dma_semaphore, #tpu.memory_space<semaphore_mem>>
          %dma_start3A_104 = tpu.memref_slice %arg22[%multiple_of3A_103] : memref<5120xi32, #tpu.memory_space<vmem>> -> memref<128xi32, #tpu.memory_space<vmem>>
          %dma_start3A_105 = arith.constant 0 : i32
          %dma_start3A_106 = arith.constant 0 : i32
          %dma_start3A_107 = tpu.memref_slice %arg19[%dma_start3A_105, %dma_start3A_106] : memref<8064x128xf32, #tpu.memory_space<vmem_shared>> -> memref<8064x128xf32, #tpu.memory_space<vmem_shared>>
          tpu.enqueue_indirect_dma source(%arg24 : memref<128x128xf32, #tpu.memory_space<vmem>>) target(%dma_start3A_107 : memref<8064x128xf32, #tpu.memory_space<vmem_shared>>) offsets(%dma_start3A_104 : memref<128xi32, #tpu.memory_space<vmem>>) semaphore(%run_scoped3A : memref<!tpu.dma_semaphore, #tpu.memory_space<semaphore_mem>>) {add = true}
          %dma_wait3A_108 = tpu.memref_slice %arg22[%multiple_of3A_103] : memref<5120xi32, #tpu.memory_space<vmem>> -> memref<128xi32, #tpu.memory_space<vmem>>
          %dma_wait3A_109 = arith.constant 0 : i32
          %dma_wait3A_110 = arith.constant 0 : i32
          %dma_wait3A_111 = tpu.memref_slice %arg19[%dma_wait3A_109, %dma_wait3A_110] : memref<8064x128xf32, #tpu.memory_space<vmem_shared>> -> memref<8064x128xf32, #tpu.memory_space<vmem_shared>>
          tpu.wait_indirect_dma semaphore(%run_scoped3A : memref<!tpu.dma_semaphore, #tpu.memory_space<semaphore_mem>>) src(%arg24 : memref<128x128xf32, #tpu.memory_space<vmem>>) dst(%dma_wait3A_111 : memref<8064x128xf32, #tpu.memory_space<vmem_shared>>)
          tpu.yield
        }) : () -> ()
      }
      %scan3A_61 = arith.constant 20 : i32
    } else {
    }
    %barrier3A_39 = arith.constant 0 : index
    tpu.barrier barrier_id(%barrier3A_39)
    %eq3A_40 = arith.constant 0 : i32
    %eq3A_41 = arith.cmpi eq, %arg0, %eq3A_40 : i32
    %convert_element_type3A_42 = arith.extui %eq3A_41 : i1 to i32
    %cond3A_43 = arith.constant 0 : i32
    %cond3A_44 = arith.cmpi ne, %convert_element_type3A_42, %cond3A_43 : i32
    scf.if %cond3A_44 {
      %lt3A = arith.constant 15 : i32
      %lt3A_50 = arith.cmpi slt, %arg1, %lt3A : i32
      %convert_element_type3A_51 = arith.extui %lt3A_50 : i1 to i32
      %cond3A_52 = arith.constant 0 : i32
      %cond3A_53 = arith.cmpi ne, %convert_element_type3A_51, %cond3A_52 : i32
      scf.if %cond3A_53 {
        %mul3A_59 = arith.constant 128 : i32
        %mul3A_60 = arith.muli %arg1, %mul3A_59 : i32
        %multiple_of3A_61 = tpu.assume_multiple %mul3A_60, 8 : i32
        "tpu.region"() ({
          %run_scoped3A = tpu.sem_alloc : memref<!tpu.dma_semaphore, #tpu.memory_space<semaphore_mem>>
          %dma_start3A = arith.constant 0 : i32
          %dma_start3A_62 = tpu.memref_slice %arg18[%multiple_of3A_61, %dma_start3A] : memref<2000x128xf32, #tpu.memory_space<hbm>> -> memref<128x128xf32, #tpu.memory_space<hbm>>
          %dma_start3A_63 = arith.constant 0 : i32
          %dma_start3A_64 = tpu.memref_slice %arg19[%multiple_of3A_61, %dma_start3A_63] : memref<8064x128xf32, #tpu.memory_space<vmem_shared>> -> memref<128x128xf32, #tpu.memory_space<vmem_shared>>
          tpu.enqueue_dma source(%dma_start3A_64 : memref<128x128xf32, #tpu.memory_space<vmem_shared>>) target(%dma_start3A_62 : memref<128x128xf32, #tpu.memory_space<hbm>>) target_semaphore(%run_scoped3A : memref<!tpu.dma_semaphore, #tpu.memory_space<semaphore_mem>>)
          %dma_wait3A = arith.constant 0 : i32
          %dma_wait3A_65 = tpu.memref_slice %arg18[%multiple_of3A_61, %dma_wait3A] : memref<2000x128xf32, #tpu.memory_space<hbm>> -> memref<128x128xf32, #tpu.memory_space<hbm>>
          %dma_wait3A_66 = arith.constant 0 : i32
          %dma_wait3A_67 = tpu.memref_slice %arg19[%multiple_of3A_61, %dma_wait3A_66] : memref<8064x128xf32, #tpu.memory_space<vmem_shared>> -> memref<128x128xf32, #tpu.memory_space<vmem_shared>>
          tpu.wait_dma2 semaphore(%run_scoped3A : memref<!tpu.dma_semaphore, #tpu.memory_space<semaphore_mem>>) src(%dma_wait3A_67 : memref<128x128xf32, #tpu.memory_space<vmem_shared>>) dst(%dma_wait3A_65 : memref<128x128xf32, #tpu.memory_space<hbm>>)
          tpu.yield
        }) : () -> ()
      } else {
      }
      %eq3A_54 = arith.constant 15 : i32
      %eq3A_55 = arith.cmpi eq, %arg1, %eq3A_54 : i32
      %convert_element_type3A_56 = arith.extui %eq3A_55 : i1 to i32
      %cond3A_57 = arith.constant 0 : i32
      %cond3A_58 = arith.cmpi ne, %convert_element_type3A_56, %cond3A_57 : i32
      scf.if %cond3A_58 {
        "tpu.region"() ({
          %run_scoped3A = tpu.sem_alloc : memref<!tpu.dma_semaphore, #tpu.memory_space<semaphore_mem>>
          %dma_start3A = arith.constant 1920 : i32
          %dma_start3A_59 = arith.constant 0 : i32
          %dma_start3A_60 = tpu.memref_slice %arg18[%dma_start3A, %dma_start3A_59] : memref<2000x128xf32, #tpu.memory_space<hbm>> -> memref<80x128xf32, #tpu.memory_space<hbm>>
          %dma_start3A_61 = arith.constant 1920 : i32
          %dma_start3A_62 = arith.constant 0 : i32
          %dma_start3A_63 = tpu.memref_slice %arg19[%dma_start3A_61, %dma_start3A_62] : memref<8064x128xf32, #tpu.memory_space<vmem_shared>> -> memref<80x128xf32, #tpu.memory_space<vmem_shared>>
          tpu.enqueue_dma source(%dma_start3A_63 : memref<80x128xf32, #tpu.memory_space<vmem_shared>>) target(%dma_start3A_60 : memref<80x128xf32, #tpu.memory_space<hbm>>) target_semaphore(%run_scoped3A : memref<!tpu.dma_semaphore, #tpu.memory_space<semaphore_mem>>)
          %dma_wait3A = arith.constant 1920 : i32
          %dma_wait3A_64 = arith.constant 0 : i32
          %dma_wait3A_65 = tpu.memref_slice %arg18[%dma_wait3A, %dma_wait3A_64] : memref<2000x128xf32, #tpu.memory_space<hbm>> -> memref<80x128xf32, #tpu.memory_space<hbm>>
          %dma_wait3A_66 = arith.constant 1920 : i32
          %dma_wait3A_67 = arith.constant 0 : i32
          %dma_wait3A_68 = tpu.memref_slice %arg19[%dma_wait3A_66, %dma_wait3A_67] : memref<8064x128xf32, #tpu.memory_space<vmem_shared>> -> memref<80x128xf32, #tpu.memory_space<vmem_shared>>
          tpu.wait_dma2 semaphore(%run_scoped3A : memref<!tpu.dma_semaphore, #tpu.memory_space<semaphore_mem>>) src(%dma_wait3A_68 : memref<80x128xf32, #tpu.memory_space<vmem_shared>>) dst(%dma_wait3A_65 : memref<80x128xf32, #tpu.memory_space<hbm>>)
          tpu.yield
        }) : () -> ()
      } else {
      }
    } else {
    }
    %eq3A_45 = arith.constant 1 : i32
    %eq3A_46 = arith.cmpi eq, %arg0, %eq3A_45 : i32
    %convert_element_type3A_47 = arith.extui %eq3A_46 : i1 to i32
    %cond3A_48 = arith.constant 0 : i32
    %cond3A_49 = arith.cmpi ne, %convert_element_type3A_47, %cond3A_48 : i32
    scf.if %cond3A_49 {
      %lt3A = arith.constant 15 : i32
      %lt3A_50 = arith.cmpi slt, %arg1, %lt3A : i32
      %convert_element_type3A_51 = arith.extui %lt3A_50 : i1 to i32
      %cond3A_52 = arith.constant 0 : i32
      %cond3A_53 = arith.cmpi ne, %convert_element_type3A_51, %cond3A_52 : i32
      scf.if %cond3A_53 {
        %mul3A_59 = arith.constant 128 : i32
        %mul3A_60 = arith.muli %arg1, %mul3A_59 : i32
        %multiple_of3A_61 = tpu.assume_multiple %mul3A_60, 8 : i32
        "tpu.region"() ({
          %run_scoped3A = tpu.sem_alloc : memref<!tpu.dma_semaphore, #tpu.memory_space<semaphore_mem>>
          %dma_start3A = arith.constant 0 : i32
          %dma_start3A_62 = tpu.memref_slice %arg16[%multiple_of3A_61, %dma_start3A] : memref<2000x128xf32, #tpu.memory_space<hbm>> -> memref<128x128xf32, #tpu.memory_space<hbm>>
          %dma_start3A_63 = arith.constant 0 : i32
          %dma_start3A_64 = tpu.memref_slice %arg19[%multiple_of3A_61, %dma_start3A_63] : memref<8064x128xf32, #tpu.memory_space<vmem_shared>> -> memref<128x128xf32, #tpu.memory_space<vmem_shared>>
          tpu.enqueue_dma source(%dma_start3A_64 : memref<128x128xf32, #tpu.memory_space<vmem_shared>>) target(%dma_start3A_62 : memref<128x128xf32, #tpu.memory_space<hbm>>) target_semaphore(%run_scoped3A : memref<!tpu.dma_semaphore, #tpu.memory_space<semaphore_mem>>)
          %dma_wait3A = arith.constant 0 : i32
          %dma_wait3A_65 = tpu.memref_slice %arg16[%multiple_of3A_61, %dma_wait3A] : memref<2000x128xf32, #tpu.memory_space<hbm>> -> memref<128x128xf32, #tpu.memory_space<hbm>>
          %dma_wait3A_66 = arith.constant 0 : i32
          %dma_wait3A_67 = tpu.memref_slice %arg19[%multiple_of3A_61, %dma_wait3A_66] : memref<8064x128xf32, #tpu.memory_space<vmem_shared>> -> memref<128x128xf32, #tpu.memory_space<vmem_shared>>
          tpu.wait_dma2 semaphore(%run_scoped3A : memref<!tpu.dma_semaphore, #tpu.memory_space<semaphore_mem>>) src(%dma_wait3A_67 : memref<128x128xf32, #tpu.memory_space<vmem_shared>>) dst(%dma_wait3A_65 : memref<128x128xf32, #tpu.memory_space<hbm>>)
          tpu.yield
        }) : () -> ()
      } else {
      }
      %eq3A_54 = arith.constant 15 : i32
      %eq3A_55 = arith.cmpi eq, %arg1, %eq3A_54 : i32
      %convert_element_type3A_56 = arith.extui %eq3A_55 : i1 to i32
      %cond3A_57 = arith.constant 0 : i32
      %cond3A_58 = arith.cmpi ne, %convert_element_type3A_56, %cond3A_57 : i32
      scf.if %cond3A_58 {
        "tpu.region"() ({
          %run_scoped3A = tpu.sem_alloc : memref<!tpu.dma_semaphore, #tpu.memory_space<semaphore_mem>>
          %dma_start3A = arith.constant 1920 : i32
          %dma_start3A_59 = arith.constant 0 : i32
          %dma_start3A_60 = tpu.memref_slice %arg16[%dma_start3A, %dma_start3A_59] : memref<2000x128xf32, #tpu.memory_space<hbm>> -> memref<80x128xf32, #tpu.memory_space<hbm>>
          %dma_start3A_61 = arith.constant 1920 : i32
          %dma_start3A_62 = arith.constant 0 : i32
          %dma_start3A_63 = tpu.memref_slice %arg19[%dma_start3A_61, %dma_start3A_62] : memref<8064x128xf32, #tpu.memory_space<vmem_shared>> -> memref<80x128xf32, #tpu.memory_space<vmem_shared>>
          tpu.enqueue_dma source(%dma_start3A_63 : memref<80x128xf32, #tpu.memory_space<vmem_shared>>) target(%dma_start3A_60 : memref<80x128xf32, #tpu.memory_space<hbm>>) target_semaphore(%run_scoped3A : memref<!tpu.dma_semaphore, #tpu.memory_space<semaphore_mem>>)
          %dma_wait3A = arith.constant 1920 : i32
          %dma_wait3A_64 = arith.constant 0 : i32
          %dma_wait3A_65 = tpu.memref_slice %arg16[%dma_wait3A, %dma_wait3A_64] : memref<2000x128xf32, #tpu.memory_space<hbm>> -> memref<80x128xf32, #tpu.memory_space<hbm>>
          %dma_wait3A_66 = arith.constant 1920 : i32
          %dma_wait3A_67 = arith.constant 0 : i32
          %dma_wait3A_68 = tpu.memref_slice %arg19[%dma_wait3A_66, %dma_wait3A_67] : memref<8064x128xf32, #tpu.memory_space<vmem_shared>> -> memref<80x128xf32, #tpu.memory_space<vmem_shared>>
          tpu.wait_dma2 semaphore(%run_scoped3A : memref<!tpu.dma_semaphore, #tpu.memory_space<semaphore_mem>>) src(%dma_wait3A_68 : memref<80x128xf32, #tpu.memory_space<vmem_shared>>) dst(%dma_wait3A_65 : memref<80x128xf32, #tpu.memory_space<hbm>>)
          tpu.yield
        }) : () -> ()
      } else {
      }
    } else {
    }
    return
  }
}

#map = affine_map<(d0, d1) -> (0, 0)>
#map1 = affine_map<(d0, d1) -> (0)>
module attributes {stable_mosaic.version = 14 : i64} {
  func.func @_aggregate(%arg0: i32, %arg1: i32, %arg2: memref<8000x128xf32, #tpu.memory_space<hbm>>, %arg3: memref<8000x128xf32, #tpu.memory_space<hbm>>, %arg4: memref<2000x128xf32, #tpu.memory_space<hbm>>, %arg5: memref<2000x128xf32, #tpu.memory_space<hbm>>, %arg6: memref<81920xi32, #tpu.memory_space<hbm>>, %arg7: memref<81920xi32, #tpu.memory_space<hbm>>, %arg8: memref<81920xi32, #tpu.memory_space<hbm>>, %arg9: memref<81920xi32, #tpu.memory_space<hbm>>, %arg10: memref<81920xi32, #tpu.memory_space<hbm>>, %arg11: memref<81920xi32, #tpu.memory_space<hbm>>, %arg12: memref<81920xi32, #tpu.memory_space<hbm>>, %arg13: memref<81920xi32, #tpu.memory_space<hbm>>, %arg14: memref<504x128xf32, #tpu.memory_space<hbm>>, %arg15: memref<8000x128xf32, #tpu.memory_space<hbm>>, %arg16: memref<2000x128xf32, #tpu.memory_space<hbm>>, %arg17: memref<8000x128xf32, #tpu.memory_space<hbm>>, %arg18: memref<2000x128xf32, #tpu.memory_space<hbm>>, %arg19: memref<8064x128xf32, #tpu.memory_space<vmem_shared>>, %arg20: memref<2048x128xf32, #tpu.memory_space<vmem_shared>>, %arg21: memref<5120xi32, #tpu.memory_space<vmem>>, %arg22: memref<5120xi32, #tpu.memory_space<vmem>>, %arg23: memref<128x128xf32, #tpu.memory_space<vmem>>, %arg24: memref<128x128xf32, #tpu.memory_space<vmem>>, %arg25: memref<!tpu.dma_semaphore, #tpu.memory_space<semaphore_mem>>, %arg26: memref<!tpu.dma_semaphore, #tpu.memory_space<semaphore_mem>>) attributes {dimension_semantics = [#tpu.dimension_semantics<core_parallel>, #tpu.dimension_semantics<subcore_parallel>], iteration_bounds = array<i64: 2, 16>, scalar_prefetch = 0 : i64, scratch_operands = 8 : i64, tpu.core_type = #tpu.core_type<sc_vector_subcore>, window_params = [{transform_indices = #map}, {transform_indices = #map}, {transform_indices = #map}, {transform_indices = #map}, {transform_indices = #map1}, {transform_indices = #map1}, {transform_indices = #map1}, {transform_indices = #map1}, {transform_indices = #map1}, {transform_indices = #map1}, {transform_indices = #map1}, {transform_indices = #map1}, {transform_indices = #map}, {transform_indices = #map}, {transform_indices = #map}, {transform_indices = #map}, {transform_indices = #map}]} {
    %mul3A = arith.constant 504 : i32
    %mul3A_0 = arith.muli %arg1, %mul3A : i32
    %multiple_of3A = tpu.assume_multiple %mul3A_0, 8 : i32
    "tpu.region"() ({
      %run_scoped3A = tpu.sem_alloc : memref<!tpu.dma_semaphore, #tpu.memory_space<semaphore_mem>>
      %dma_start3A = arith.constant 0 : i32
      %dma_start3A_50 = tpu.memref_slice %arg19[%multiple_of3A, %dma_start3A] : memref<8064x128xf32, #tpu.memory_space<vmem_shared>> -> memref<504x128xf32, #tpu.memory_space<vmem_shared>>
      %dma_start3A_51 = arith.constant 0 : i32
      %dma_start3A_52 = arith.constant 0 : i32
      %dma_start3A_53 = tpu.memref_slice %arg14[%dma_start3A_51, %dma_start3A_52] : memref<504x128xf32, #tpu.memory_space<hbm>> -> memref<504x128xf32, #tpu.memory_space<hbm>>
      tpu.enqueue_dma source(%dma_start3A_53 : memref<504x128xf32, #tpu.memory_space<hbm>>) target(%dma_start3A_50 : memref<504x128xf32, #tpu.memory_space<vmem_shared>>) target_semaphore(%run_scoped3A : memref<!tpu.dma_semaphore, #tpu.memory_space<semaphore_mem>>)
      %dma_wait3A = arith.constant 0 : i32
      %dma_wait3A_54 = tpu.memref_slice %arg19[%multiple_of3A, %dma_wait3A] : memref<8064x128xf32, #tpu.memory_space<vmem_shared>> -> memref<504x128xf32, #tpu.memory_space<vmem_shared>>
      %dma_wait3A_55 = arith.constant 0 : i32
      %dma_wait3A_56 = arith.constant 0 : i32
      %dma_wait3A_57 = tpu.memref_slice %arg14[%dma_wait3A_55, %dma_wait3A_56] : memref<504x128xf32, #tpu.memory_space<hbm>> -> memref<504x128xf32, #tpu.memory_space<hbm>>
      tpu.wait_dma2 semaphore(%run_scoped3A : memref<!tpu.dma_semaphore, #tpu.memory_space<semaphore_mem>>) src(%dma_wait3A_57 : memref<504x128xf32, #tpu.memory_space<hbm>>) dst(%dma_wait3A_54 : memref<504x128xf32, #tpu.memory_space<vmem_shared>>)
      tpu.yield
    }) : () -> ()
    %eq3A = arith.constant 1 : i32
    %eq3A_1 = arith.cmpi eq, %arg0, %eq3A : i32
    %convert_element_type3A = arith.extui %eq3A_1 : i1 to i32
    %cond3A = arith.constant 0 : i32
    %cond3A_2 = arith.cmpi ne, %convert_element_type3A, %cond3A : i32
    scf.if %cond3A_2 {
      %lt3A = arith.constant 15 : i32
      %lt3A_50 = arith.cmpi slt, %arg1, %lt3A : i32
      %convert_element_type3A_51 = arith.extui %lt3A_50 : i1 to i32
      %cond3A_52 = arith.constant 0 : i32
      %cond3A_53 = arith.cmpi ne, %convert_element_type3A_51, %cond3A_52 : i32
      scf.if %cond3A_53 {
        %mul3A_59 = arith.constant 128 : i32
        %mul3A_60 = arith.muli %arg1, %mul3A_59 : i32
        %multiple_of3A_61 = tpu.assume_multiple %mul3A_60, 8 : i32
        "tpu.region"() ({
          %run_scoped3A = tpu.sem_alloc : memref<!tpu.dma_semaphore, #tpu.memory_space<semaphore_mem>>
          %dma_start3A = arith.constant 0 : i32
          %dma_start3A_62 = tpu.memref_slice %arg20[%multiple_of3A_61, %dma_start3A] : memref<2048x128xf32, #tpu.memory_space<vmem_shared>> -> memref<128x128xf32, #tpu.memory_space<vmem_shared>>
          %dma_start3A_63 = arith.constant 0 : i32
          %dma_start3A_64 = tpu.memref_slice %arg4[%multiple_of3A_61, %dma_start3A_63] : memref<2000x128xf32, #tpu.memory_space<hbm>> -> memref<128x128xf32, #tpu.memory_space<hbm>>
          tpu.enqueue_dma source(%dma_start3A_64 : memref<128x128xf32, #tpu.memory_space<hbm>>) target(%dma_start3A_62 : memref<128x128xf32, #tpu.memory_space<vmem_shared>>) target_semaphore(%run_scoped3A : memref<!tpu.dma_semaphore, #tpu.memory_space<semaphore_mem>>)
          %dma_wait3A = arith.constant 0 : i32
          %dma_wait3A_65 = tpu.memref_slice %arg20[%multiple_of3A_61, %dma_wait3A] : memref<2048x128xf32, #tpu.memory_space<vmem_shared>> -> memref<128x128xf32, #tpu.memory_space<vmem_shared>>
          %dma_wait3A_66 = arith.constant 0 : i32
          %dma_wait3A_67 = tpu.memref_slice %arg4[%multiple_of3A_61, %dma_wait3A_66] : memref<2000x128xf32, #tpu.memory_space<hbm>> -> memref<128x128xf32, #tpu.memory_space<hbm>>
          tpu.wait_dma2 semaphore(%run_scoped3A : memref<!tpu.dma_semaphore, #tpu.memory_space<semaphore_mem>>) src(%dma_wait3A_67 : memref<128x128xf32, #tpu.memory_space<hbm>>) dst(%dma_wait3A_65 : memref<128x128xf32, #tpu.memory_space<vmem_shared>>)
          tpu.yield
        }) : () -> ()
      } else {
      }
      %eq3A_54 = arith.constant 15 : i32
      %eq3A_55 = arith.cmpi eq, %arg1, %eq3A_54 : i32
      %convert_element_type3A_56 = arith.extui %eq3A_55 : i1 to i32
      %cond3A_57 = arith.constant 0 : i32
      %cond3A_58 = arith.cmpi ne, %convert_element_type3A_56, %cond3A_57 : i32
      scf.if %cond3A_58 {
        "tpu.region"() ({
          %run_scoped3A = tpu.sem_alloc : memref<!tpu.dma_semaphore, #tpu.memory_space<semaphore_mem>>
          %dma_start3A = arith.constant 1920 : i32
          %dma_start3A_59 = arith.constant 0 : i32
          %dma_start3A_60 = tpu.memref_slice %arg20[%dma_start3A, %dma_start3A_59] : memref<2048x128xf32, #tpu.memory_space<vmem_shared>> -> memref<80x128xf32, #tpu.memory_space<vmem_shared>>
          %dma_start3A_61 = arith.constant 1920 : i32
          %dma_start3A_62 = arith.constant 0 : i32
          %dma_start3A_63 = tpu.memref_slice %arg4[%dma_start3A_61, %dma_start3A_62] : memref<2000x128xf32, #tpu.memory_space<hbm>> -> memref<80x128xf32, #tpu.memory_space<hbm>>
          tpu.enqueue_dma source(%dma_start3A_63 : memref<80x128xf32, #tpu.memory_space<hbm>>) target(%dma_start3A_60 : memref<80x128xf32, #tpu.memory_space<vmem_shared>>) target_semaphore(%run_scoped3A : memref<!tpu.dma_semaphore, #tpu.memory_space<semaphore_mem>>)
          %dma_wait3A = arith.constant 1920 : i32
          %dma_wait3A_64 = arith.constant 0 : i32
          %dma_wait3A_65 = tpu.memref_slice %arg20[%dma_wait3A, %dma_wait3A_64] : memref<2048x128xf32, #tpu.memory_space<vmem_shared>> -> memref<80x128xf32, #tpu.memory_space<vmem_shared>>
          %dma_wait3A_66 = arith.constant 1920 : i32
          %dma_wait3A_67 = arith.constant 0 : i32
          %dma_wait3A_68 = tpu.memref_slice %arg4[%dma_wait3A_66, %dma_wait3A_67] : memref<2000x128xf32, #tpu.memory_space<hbm>> -> memref<80x128xf32, #tpu.memory_space<hbm>>
          tpu.wait_dma2 semaphore(%run_scoped3A : memref<!tpu.dma_semaphore, #tpu.memory_space<semaphore_mem>>) src(%dma_wait3A_68 : memref<80x128xf32, #tpu.memory_space<hbm>>) dst(%dma_wait3A_65 : memref<80x128xf32, #tpu.memory_space<vmem_shared>>)
          tpu.yield
        }) : () -> ()
      } else {
      }
    } else {
    }
    %barrier3A = arith.constant 0 : index
    tpu.barrier barrier_id(%barrier3A)
    %eq3A_3 = arith.constant 0 : i32
    %eq3A_4 = arith.cmpi eq, %arg0, %eq3A_3 : i32
    %convert_element_type3A_5 = arith.extui %eq3A_4 : i1 to i32
    %cond3A_6 = arith.constant 0 : i32
    %cond3A_7 = arith.cmpi ne, %convert_element_type3A_5, %cond3A_6 : i32
    scf.if %cond3A_7 {
      %mul3A_50 = arith.constant 5120 : i32
      %mul3A_51 = arith.muli %arg1, %mul3A_50 : i32
      %multiple_of3A_52 = tpu.assume_multiple %mul3A_51, 256 : i32
      "tpu.region"() ({
        %run_scoped3A = tpu.sem_alloc : memref<!tpu.dma_semaphore, #tpu.memory_space<semaphore_mem>>
        %dma_start3A_62 = tpu.memref_slice %arg6[%multiple_of3A_52] : memref<81920xi32, #tpu.memory_space<hbm>> -> memref<5120xi32, #tpu.memory_space<hbm>>
        %dma_start3A_63 = tpu.memref_slice %arg6[%multiple_of3A_52] : memref<81920xi32, #tpu.memory_space<hbm>> -> memref<5120xi32, #tpu.memory_space<hbm>>
        tpu.enqueue_dma source(%dma_start3A_63 : memref<5120xi32, #tpu.memory_space<hbm>>) target(%arg21 : memref<5120xi32, #tpu.memory_space<vmem>>) target_semaphore(%run_scoped3A : memref<!tpu.dma_semaphore, #tpu.memory_space<semaphore_mem>>)
        %dma_wait3A = tpu.memref_slice %arg6[%multiple_of3A_52] : memref<81920xi32, #tpu.memory_space<hbm>> -> memref<5120xi32, #tpu.memory_space<hbm>>
        %dma_wait3A_64 = tpu.memref_slice %arg6[%multiple_of3A_52] : memref<81920xi32, #tpu.memory_space<hbm>> -> memref<5120xi32, #tpu.memory_space<hbm>>
        tpu.wait_dma2 semaphore(%run_scoped3A : memref<!tpu.dma_semaphore, #tpu.memory_space<semaphore_mem>>) src(%dma_wait3A_64 : memref<5120xi32, #tpu.memory_space<hbm>>) dst(%arg21 : memref<5120xi32, #tpu.memory_space<vmem>>)
        tpu.yield
      }) : () -> ()
      "tpu.region"() ({
        %run_scoped3A = tpu.sem_alloc : memref<!tpu.dma_semaphore, #tpu.memory_space<semaphore_mem>>
        %dma_start3A_62 = tpu.memref_slice %arg7[%multiple_of3A_52] : memref<81920xi32, #tpu.memory_space<hbm>> -> memref<5120xi32, #tpu.memory_space<hbm>>
        %dma_start3A_63 = tpu.memref_slice %arg7[%multiple_of3A_52] : memref<81920xi32, #tpu.memory_space<hbm>> -> memref<5120xi32, #tpu.memory_space<hbm>>
        tpu.enqueue_dma source(%dma_start3A_63 : memref<5120xi32, #tpu.memory_space<hbm>>) target(%arg22 : memref<5120xi32, #tpu.memory_space<vmem>>) target_semaphore(%run_scoped3A : memref<!tpu.dma_semaphore, #tpu.memory_space<semaphore_mem>>)
        %dma_wait3A = tpu.memref_slice %arg7[%multiple_of3A_52] : memref<81920xi32, #tpu.memory_space<hbm>> -> memref<5120xi32, #tpu.memory_space<hbm>>
        %dma_wait3A_64 = tpu.memref_slice %arg7[%multiple_of3A_52] : memref<81920xi32, #tpu.memory_space<hbm>> -> memref<5120xi32, #tpu.memory_space<hbm>>
        tpu.wait_dma2 semaphore(%run_scoped3A : memref<!tpu.dma_semaphore, #tpu.memory_space<semaphore_mem>>) src(%dma_wait3A_64 : memref<5120xi32, #tpu.memory_space<hbm>>) dst(%arg22 : memref<5120xi32, #tpu.memory_space<vmem>>)
        tpu.yield
      }) : () -> ()
      %multiple_of3A_53 = arith.constant 0 : i32
      %multiple_of3A_54 = tpu.assume_multiple %multiple_of3A_53, 128 : i32
      %dma_start3A = tpu.memref_slice %arg21[%multiple_of3A_54] : memref<5120xi32, #tpu.memory_space<vmem>> -> memref<128xi32, #tpu.memory_space<vmem>>
      %dma_start3A_55 = arith.constant 0 : i32
      %dma_start3A_56 = arith.constant 0 : i32
      %dma_start3A_57 = tpu.memref_slice %arg2[%dma_start3A_55, %dma_start3A_56] : memref<8000x128xf32, #tpu.memory_space<hbm>> -> memref<8000x128xf32, #tpu.memory_space<hbm>>
      tpu.enqueue_indirect_dma source(%dma_start3A_57 : memref<8000x128xf32, #tpu.memory_space<hbm>>) target(%arg23 : memref<128x128xf32, #tpu.memory_space<vmem>>) offsets(%dma_start3A : memref<128xi32, #tpu.memory_space<vmem>>) semaphore(%arg25 : memref<!tpu.dma_semaphore, #tpu.memory_space<semaphore_mem>>)
      %scan3A = arith.constant 0 : i32
      %scan3A_58 = arith.constant 20 : i32
      %scan3A_59 = arith.addi %scan3A, %scan3A_58 : i32
      %scan3A_60 = arith.constant 1 : i32
      scf.for %scan3A_62 = %scan3A to %scan3A_59 step %scan3A_60  : i32 {
        %mul3A_63 = arith.constant 2 : i32
        %mul3A_64 = arith.muli %scan3A_62, %mul3A_63 : i32
        %add3A = arith.constant 0 : i32
        %add3A_65 = arith.addi %add3A, %mul3A_64 : i32
        %mul3A_66 = arith.constant 128 : i32
        %mul3A_67 = arith.muli %add3A_65, %mul3A_66 : i32
        %multiple_of3A_68 = tpu.assume_multiple %mul3A_67, 128 : i32
        %dma_wait3A = tpu.memref_slice %arg21[%multiple_of3A_68] : memref<5120xi32, #tpu.memory_space<vmem>> -> memref<128xi32, #tpu.memory_space<vmem>>
        %dma_wait3A_69 = arith.constant 0 : i32
        %dma_wait3A_70 = arith.constant 0 : i32
        %dma_wait3A_71 = tpu.memref_slice %arg2[%dma_wait3A_69, %dma_wait3A_70] : memref<8000x128xf32, #tpu.memory_space<hbm>> -> memref<8000x128xf32, #tpu.memory_space<hbm>>
        tpu.wait_indirect_dma semaphore(%arg25 : memref<!tpu.dma_semaphore, #tpu.memory_space<semaphore_mem>>) src(%dma_wait3A_71 : memref<8000x128xf32, #tpu.memory_space<hbm>>) dst(%arg23 : memref<128x128xf32, #tpu.memory_space<vmem>>)
        %add3A_72 = arith.constant 1 : i32
        %add3A_73 = arith.addi %add3A_65, %add3A_72 : i32
        %mul3A_74 = arith.constant 128 : i32
        %mul3A_75 = arith.muli %add3A_73, %mul3A_74 : i32
        %multiple_of3A_76 = tpu.assume_multiple %mul3A_75, 128 : i32
        %dma_start3A_77 = tpu.memref_slice %arg21[%multiple_of3A_76] : memref<5120xi32, #tpu.memory_space<vmem>> -> memref<128xi32, #tpu.memory_space<vmem>>
        %dma_start3A_78 = arith.constant 0 : i32
        %dma_start3A_79 = arith.constant 0 : i32
        %dma_start3A_80 = tpu.memref_slice %arg2[%dma_start3A_78, %dma_start3A_79] : memref<8000x128xf32, #tpu.memory_space<hbm>> -> memref<8000x128xf32, #tpu.memory_space<hbm>>
        tpu.enqueue_indirect_dma source(%dma_start3A_80 : memref<8000x128xf32, #tpu.memory_space<hbm>>) target(%arg24 : memref<128x128xf32, #tpu.memory_space<vmem>>) offsets(%dma_start3A_77 : memref<128xi32, #tpu.memory_space<vmem>>) semaphore(%arg26 : memref<!tpu.dma_semaphore, #tpu.memory_space<semaphore_mem>>)
        %mul3A_81 = arith.constant 128 : i32
        %mul3A_82 = arith.muli %add3A_65, %mul3A_81 : i32
        %multiple_of3A_83 = tpu.assume_multiple %mul3A_82, 128 : i32
        "tpu.region"() ({
          %run_scoped3A = tpu.sem_alloc : memref<!tpu.dma_semaphore, #tpu.memory_space<semaphore_mem>>
          %dma_start3A_104 = tpu.memref_slice %arg22[%multiple_of3A_83] : memref<5120xi32, #tpu.memory_space<vmem>> -> memref<128xi32, #tpu.memory_space<vmem>>
          %dma_start3A_105 = arith.constant 0 : i32
          %dma_start3A_106 = arith.constant 0 : i32
          %dma_start3A_107 = tpu.memref_slice %arg19[%dma_start3A_105, %dma_start3A_106] : memref<8064x128xf32, #tpu.memory_space<vmem_shared>> -> memref<8064x128xf32, #tpu.memory_space<vmem_shared>>
          tpu.enqueue_indirect_dma source(%arg23 : memref<128x128xf32, #tpu.memory_space<vmem>>) target(%dma_start3A_107 : memref<8064x128xf32, #tpu.memory_space<vmem_shared>>) offsets(%dma_start3A_104 : memref<128xi32, #tpu.memory_space<vmem>>) semaphore(%run_scoped3A : memref<!tpu.dma_semaphore, #tpu.memory_space<semaphore_mem>>) {add = true}
          %dma_wait3A_108 = tpu.memref_slice %arg22[%multiple_of3A_83] : memref<5120xi32, #tpu.memory_space<vmem>> -> memref<128xi32, #tpu.memory_space<vmem>>
          %dma_wait3A_109 = arith.constant 0 : i32
          %dma_wait3A_110 = arith.constant 0 : i32
          %dma_wait3A_111 = tpu.memref_slice %arg19[%dma_wait3A_109, %dma_wait3A_110] : memref<8064x128xf32, #tpu.memory_space<vmem_shared>> -> memref<8064x128xf32, #tpu.memory_space<vmem_shared>>
          tpu.wait_indirect_dma semaphore(%run_scoped3A : memref<!tpu.dma_semaphore, #tpu.memory_space<semaphore_mem>>) src(%arg23 : memref<128x128xf32, #tpu.memory_space<vmem>>) dst(%dma_wait3A_111 : memref<8064x128xf32, #tpu.memory_space<vmem_shared>>)
          tpu.yield
        }) : () -> ()
        %add3A_84 = arith.constant 1 : i32
        %add3A_85 = arith.addi %add3A_65, %add3A_84 : i32
        %mul3A_86 = arith.constant 128 : i32
        %mul3A_87 = arith.muli %add3A_85, %mul3A_86 : i32
        %multiple_of3A_88 = tpu.assume_multiple %mul3A_87, 128 : i32
        %dma_wait3A_89 = tpu.memref_slice %arg21[%multiple_of3A_88] : memref<5120xi32, #tpu.memory_space<vmem>> -> memref<128xi32, #tpu.memory_space<vmem>>
        %dma_wait3A_90 = arith.constant 0 : i32
        %dma_wait3A_91 = arith.constant 0 : i32
        %dma_wait3A_92 = tpu.memref_slice %arg2[%dma_wait3A_90, %dma_wait3A_91] : memref<8000x128xf32, #tpu.memory_space<hbm>> -> memref<8000x128xf32, #tpu.memory_space<hbm>>
        tpu.wait_indirect_dma semaphore(%arg26 : memref<!tpu.dma_semaphore, #tpu.memory_space<semaphore_mem>>) src(%dma_wait3A_92 : memref<8000x128xf32, #tpu.memory_space<hbm>>) dst(%arg24 : memref<128x128xf32, #tpu.memory_space<vmem>>)
        %add3A_93 = arith.constant 2 : i32
        %add3A_94 = arith.addi %add3A_65, %add3A_93 : i32
        %lt3A = arith.constant 40 : i32
        %lt3A_95 = arith.cmpi slt, %add3A_94, %lt3A : i32
        %convert_element_type3A_96 = arith.extui %lt3A_95 : i1 to i32
        %cond3A_97 = arith.constant 0 : i32
        %cond3A_98 = arith.cmpi ne, %convert_element_type3A_96, %cond3A_97 : i32
        scf.if %cond3A_98 {
          %add3A_104 = arith.constant 2 : i32
          %add3A_105 = arith.addi %add3A_65, %add3A_104 : i32
          %mul3A_106 = arith.constant 128 : i32
          %mul3A_107 = arith.muli %add3A_105, %mul3A_106 : i32
          %multiple_of3A_108 = tpu.assume_multiple %mul3A_107, 128 : i32
          %dma_start3A_109 = tpu.memref_slice %arg21[%multiple_of3A_108] : memref<5120xi32, #tpu.memory_space<vmem>> -> memref<128xi32, #tpu.memory_space<vmem>>
          %dma_start3A_110 = arith.constant 0 : i32
          %dma_start3A_111 = arith.constant 0 : i32
          %dma_start3A_112 = tpu.memref_slice %arg2[%dma_start3A_110, %dma_start3A_111] : memref<8000x128xf32, #tpu.memory_space<hbm>> -> memref<8000x128xf32, #tpu.memory_space<hbm>>
          tpu.enqueue_indirect_dma source(%dma_start3A_112 : memref<8000x128xf32, #tpu.memory_space<hbm>>) target(%arg23 : memref<128x128xf32, #tpu.memory_space<vmem>>) offsets(%dma_start3A_109 : memref<128xi32, #tpu.memory_space<vmem>>) semaphore(%arg25 : memref<!tpu.dma_semaphore, #tpu.memory_space<semaphore_mem>>)
        } else {
        }
        %add3A_99 = arith.constant 1 : i32
        %add3A_100 = arith.addi %add3A_65, %add3A_99 : i32
        %mul3A_101 = arith.constant 128 : i32
        %mul3A_102 = arith.muli %add3A_100, %mul3A_101 : i32
        %multiple_of3A_103 = tpu.assume_multiple %mul3A_102, 128 : i32
        "tpu.region"() ({
          %run_scoped3A = tpu.sem_alloc : memref<!tpu.dma_semaphore, #tpu.memory_space<semaphore_mem>>
          %dma_start3A_104 = tpu.memref_slice %arg22[%multiple_of3A_103] : memref<5120xi32, #tpu.memory_space<vmem>> -> memref<128xi32, #tpu.memory_space<vmem>>
          %dma_start3A_105 = arith.constant 0 : i32
          %dma_start3A_106 = arith.constant 0 : i32
          %dma_start3A_107 = tpu.memref_slice %arg19[%dma_start3A_105, %dma_start3A_106] : memref<8064x128xf32, #tpu.memory_space<vmem_shared>> -> memref<8064x128xf32, #tpu.memory_space<vmem_shared>>
          tpu.enqueue_indirect_dma source(%arg24 : memref<128x128xf32, #tpu.memory_space<vmem>>) target(%dma_start3A_107 : memref<8064x128xf32, #tpu.memory_space<vmem_shared>>) offsets(%dma_start3A_104 : memref<128xi32, #tpu.memory_space<vmem>>) semaphore(%run_scoped3A : memref<!tpu.dma_semaphore, #tpu.memory_space<semaphore_mem>>) {add = true}
          %dma_wait3A_108 = tpu.memref_slice %arg22[%multiple_of3A_103] : memref<5120xi32, #tpu.memory_space<vmem>> -> memref<128xi32, #tpu.memory_space<vmem>>
          %dma_wait3A_109 = arith.constant 0 : i32
          %dma_wait3A_110 = arith.constant 0 : i32
          %dma_wait3A_111 = tpu.memref_slice %arg19[%dma_wait3A_109, %dma_wait3A_110] : memref<8064x128xf32, #tpu.memory_space<vmem_shared>> -> memref<8064x128xf32, #tpu.memory_space<vmem_shared>>
          tpu.wait_indirect_dma semaphore(%run_scoped3A : memref<!tpu.dma_semaphore, #tpu.memory_space<semaphore_mem>>) src(%arg24 : memref<128x128xf32, #tpu.memory_space<vmem>>) dst(%dma_wait3A_111 : memref<8064x128xf32, #tpu.memory_space<vmem_shared>>)
          tpu.yield
        }) : () -> ()
      }
      %scan3A_61 = arith.constant 20 : i32
    } else {
    }
    %eq3A_8 = arith.constant 1 : i32
    %eq3A_9 = arith.cmpi eq, %arg0, %eq3A_8 : i32
    %convert_element_type3A_10 = arith.extui %eq3A_9 : i1 to i32
    %cond3A_11 = arith.constant 0 : i32
    %cond3A_12 = arith.cmpi ne, %convert_element_type3A_10, %cond3A_11 : i32
    scf.if %cond3A_12 {
      %mul3A_50 = arith.constant 5120 : i32
      %mul3A_51 = arith.muli %arg1, %mul3A_50 : i32
      %multiple_of3A_52 = tpu.assume_multiple %mul3A_51, 256 : i32
      "tpu.region"() ({
        %run_scoped3A = tpu.sem_alloc : memref<!tpu.dma_semaphore, #tpu.memory_space<semaphore_mem>>
        %dma_start3A_62 = tpu.memref_slice %arg10[%multiple_of3A_52] : memref<81920xi32, #tpu.memory_space<hbm>> -> memref<5120xi32, #tpu.memory_space<hbm>>
        %dma_start3A_63 = tpu.memref_slice %arg10[%multiple_of3A_52] : memref<81920xi32, #tpu.memory_space<hbm>> -> memref<5120xi32, #tpu.memory_space<hbm>>
        tpu.enqueue_dma source(%dma_start3A_63 : memref<5120xi32, #tpu.memory_space<hbm>>) target(%arg21 : memref<5120xi32, #tpu.memory_space<vmem>>) target_semaphore(%run_scoped3A : memref<!tpu.dma_semaphore, #tpu.memory_space<semaphore_mem>>)
        %dma_wait3A = tpu.memref_slice %arg10[%multiple_of3A_52] : memref<81920xi32, #tpu.memory_space<hbm>> -> memref<5120xi32, #tpu.memory_space<hbm>>
        %dma_wait3A_64 = tpu.memref_slice %arg10[%multiple_of3A_52] : memref<81920xi32, #tpu.memory_space<hbm>> -> memref<5120xi32, #tpu.memory_space<hbm>>
        tpu.wait_dma2 semaphore(%run_scoped3A : memref<!tpu.dma_semaphore, #tpu.memory_space<semaphore_mem>>) src(%dma_wait3A_64 : memref<5120xi32, #tpu.memory_space<hbm>>) dst(%arg21 : memref<5120xi32, #tpu.memory_space<vmem>>)
        tpu.yield
      }) : () -> ()
      "tpu.region"() ({
        %run_scoped3A = tpu.sem_alloc : memref<!tpu.dma_semaphore, #tpu.memory_space<semaphore_mem>>
        %dma_start3A_62 = tpu.memref_slice %arg11[%multiple_of3A_52] : memref<81920xi32, #tpu.memory_space<hbm>> -> memref<5120xi32, #tpu.memory_space<hbm>>
        %dma_start3A_63 = tpu.memref_slice %arg11[%multiple_of3A_52] : memref<81920xi32, #tpu.memory_space<hbm>> -> memref<5120xi32, #tpu.memory_space<hbm>>
        tpu.enqueue_dma source(%dma_start3A_63 : memref<5120xi32, #tpu.memory_space<hbm>>) target(%arg22 : memref<5120xi32, #tpu.memory_space<vmem>>) target_semaphore(%run_scoped3A : memref<!tpu.dma_semaphore, #tpu.memory_space<semaphore_mem>>)
        %dma_wait3A = tpu.memref_slice %arg11[%multiple_of3A_52] : memref<81920xi32, #tpu.memory_space<hbm>> -> memref<5120xi32, #tpu.memory_space<hbm>>
        %dma_wait3A_64 = tpu.memref_slice %arg11[%multiple_of3A_52] : memref<81920xi32, #tpu.memory_space<hbm>> -> memref<5120xi32, #tpu.memory_space<hbm>>
        tpu.wait_dma2 semaphore(%run_scoped3A : memref<!tpu.dma_semaphore, #tpu.memory_space<semaphore_mem>>) src(%dma_wait3A_64 : memref<5120xi32, #tpu.memory_space<hbm>>) dst(%arg22 : memref<5120xi32, #tpu.memory_space<vmem>>)
        tpu.yield
      }) : () -> ()
      %multiple_of3A_53 = arith.constant 0 : i32
      %multiple_of3A_54 = tpu.assume_multiple %multiple_of3A_53, 128 : i32
      %dma_start3A = tpu.memref_slice %arg21[%multiple_of3A_54] : memref<5120xi32, #tpu.memory_space<vmem>> -> memref<128xi32, #tpu.memory_space<vmem>>
      %dma_start3A_55 = arith.constant 0 : i32
      %dma_start3A_56 = arith.constant 0 : i32
      %dma_start3A_57 = tpu.memref_slice %arg20[%dma_start3A_55, %dma_start3A_56] : memref<2048x128xf32, #tpu.memory_space<vmem_shared>> -> memref<2048x128xf32, #tpu.memory_space<vmem_shared>>
      tpu.enqueue_indirect_dma source(%dma_start3A_57 : memref<2048x128xf32, #tpu.memory_space<vmem_shared>>) target(%arg23 : memref<128x128xf32, #tpu.memory_space<vmem>>) offsets(%dma_start3A : memref<128xi32, #tpu.memory_space<vmem>>) semaphore(%arg25 : memref<!tpu.dma_semaphore, #tpu.memory_space<semaphore_mem>>)
      %scan3A = arith.constant 0 : i32
      %scan3A_58 = arith.constant 20 : i32
      %scan3A_59 = arith.addi %scan3A, %scan3A_58 : i32
      %scan3A_60 = arith.constant 1 : i32
      scf.for %scan3A_62 = %scan3A to %scan3A_59 step %scan3A_60  : i32 {
        %mul3A_63 = arith.constant 2 : i32
        %mul3A_64 = arith.muli %scan3A_62, %mul3A_63 : i32
        %add3A = arith.constant 0 : i32
        %add3A_65 = arith.addi %add3A, %mul3A_64 : i32
        %mul3A_66 = arith.constant 128 : i32
        %mul3A_67 = arith.muli %add3A_65, %mul3A_66 : i32
        %multiple_of3A_68 = tpu.assume_multiple %mul3A_67, 128 : i32
        %dma_wait3A = tpu.memref_slice %arg21[%multiple_of3A_68] : memref<5120xi32, #tpu.memory_space<vmem>> -> memref<128xi32, #tpu.memory_space<vmem>>
        %dma_wait3A_69 = arith.constant 0 : i32
        %dma_wait3A_70 = arith.constant 0 : i32
        %dma_wait3A_71 = tpu.memref_slice %arg20[%dma_wait3A_69, %dma_wait3A_70] : memref<2048x128xf32, #tpu.memory_space<vmem_shared>> -> memref<2048x128xf32, #tpu.memory_space<vmem_shared>>
        tpu.wait_indirect_dma semaphore(%arg25 : memref<!tpu.dma_semaphore, #tpu.memory_space<semaphore_mem>>) src(%dma_wait3A_71 : memref<2048x128xf32, #tpu.memory_space<vmem_shared>>) dst(%arg23 : memref<128x128xf32, #tpu.memory_space<vmem>>)
        %add3A_72 = arith.constant 1 : i32
        %add3A_73 = arith.addi %add3A_65, %add3A_72 : i32
        %mul3A_74 = arith.constant 128 : i32
        %mul3A_75 = arith.muli %add3A_73, %mul3A_74 : i32
        %multiple_of3A_76 = tpu.assume_multiple %mul3A_75, 128 : i32
        %dma_start3A_77 = tpu.memref_slice %arg21[%multiple_of3A_76] : memref<5120xi32, #tpu.memory_space<vmem>> -> memref<128xi32, #tpu.memory_space<vmem>>
        %dma_start3A_78 = arith.constant 0 : i32
        %dma_start3A_79 = arith.constant 0 : i32
        %dma_start3A_80 = tpu.memref_slice %arg20[%dma_start3A_78, %dma_start3A_79] : memref<2048x128xf32, #tpu.memory_space<vmem_shared>> -> memref<2048x128xf32, #tpu.memory_space<vmem_shared>>
        tpu.enqueue_indirect_dma source(%dma_start3A_80 : memref<2048x128xf32, #tpu.memory_space<vmem_shared>>) target(%arg24 : memref<128x128xf32, #tpu.memory_space<vmem>>) offsets(%dma_start3A_77 : memref<128xi32, #tpu.memory_space<vmem>>) semaphore(%arg26 : memref<!tpu.dma_semaphore, #tpu.memory_space<semaphore_mem>>)
        %mul3A_81 = arith.constant 128 : i32
        %mul3A_82 = arith.muli %add3A_65, %mul3A_81 : i32
        %multiple_of3A_83 = tpu.assume_multiple %mul3A_82, 128 : i32
        "tpu.region"() ({
          %run_scoped3A = tpu.sem_alloc : memref<!tpu.dma_semaphore, #tpu.memory_space<semaphore_mem>>
          %dma_start3A_104 = tpu.memref_slice %arg22[%multiple_of3A_83] : memref<5120xi32, #tpu.memory_space<vmem>> -> memref<128xi32, #tpu.memory_space<vmem>>
          %dma_start3A_105 = arith.constant 0 : i32
          %dma_start3A_106 = arith.constant 0 : i32
          %dma_start3A_107 = tpu.memref_slice %arg19[%dma_start3A_105, %dma_start3A_106] : memref<8064x128xf32, #tpu.memory_space<vmem_shared>> -> memref<8064x128xf32, #tpu.memory_space<vmem_shared>>
          tpu.enqueue_indirect_dma source(%arg23 : memref<128x128xf32, #tpu.memory_space<vmem>>) target(%dma_start3A_107 : memref<8064x128xf32, #tpu.memory_space<vmem_shared>>) offsets(%dma_start3A_104 : memref<128xi32, #tpu.memory_space<vmem>>) semaphore(%run_scoped3A : memref<!tpu.dma_semaphore, #tpu.memory_space<semaphore_mem>>) {add = true}
          %dma_wait3A_108 = tpu.memref_slice %arg22[%multiple_of3A_83] : memref<5120xi32, #tpu.memory_space<vmem>> -> memref<128xi32, #tpu.memory_space<vmem>>
          %dma_wait3A_109 = arith.constant 0 : i32
          %dma_wait3A_110 = arith.constant 0 : i32
          %dma_wait3A_111 = tpu.memref_slice %arg19[%dma_wait3A_109, %dma_wait3A_110] : memref<8064x128xf32, #tpu.memory_space<vmem_shared>> -> memref<8064x128xf32, #tpu.memory_space<vmem_shared>>
          tpu.wait_indirect_dma semaphore(%run_scoped3A : memref<!tpu.dma_semaphore, #tpu.memory_space<semaphore_mem>>) src(%arg23 : memref<128x128xf32, #tpu.memory_space<vmem>>) dst(%dma_wait3A_111 : memref<8064x128xf32, #tpu.memory_space<vmem_shared>>)
          tpu.yield
        }) : () -> ()
        %add3A_84 = arith.constant 1 : i32
        %add3A_85 = arith.addi %add3A_65, %add3A_84 : i32
        %mul3A_86 = arith.constant 128 : i32
        %mul3A_87 = arith.muli %add3A_85, %mul3A_86 : i32
        %multiple_of3A_88 = tpu.assume_multiple %mul3A_87, 128 : i32
        %dma_wait3A_89 = tpu.memref_slice %arg21[%multiple_of3A_88] : memref<5120xi32, #tpu.memory_space<vmem>> -> memref<128xi32, #tpu.memory_space<vmem>>
        %dma_wait3A_90 = arith.constant 0 : i32
        %dma_wait3A_91 = arith.constant 0 : i32
        %dma_wait3A_92 = tpu.memref_slice %arg20[%dma_wait3A_90, %dma_wait3A_91] : memref<2048x128xf32, #tpu.memory_space<vmem_shared>> -> memref<2048x128xf32, #tpu.memory_space<vmem_shared>>
        tpu.wait_indirect_dma semaphore(%arg26 : memref<!tpu.dma_semaphore, #tpu.memory_space<semaphore_mem>>) src(%dma_wait3A_92 : memref<2048x128xf32, #tpu.memory_space<vmem_shared>>) dst(%arg24 : memref<128x128xf32, #tpu.memory_space<vmem>>)
        %add3A_93 = arith.constant 2 : i32
        %add3A_94 = arith.addi %add3A_65, %add3A_93 : i32
        %lt3A = arith.constant 40 : i32
        %lt3A_95 = arith.cmpi slt, %add3A_94, %lt3A : i32
        %convert_element_type3A_96 = arith.extui %lt3A_95 : i1 to i32
        %cond3A_97 = arith.constant 0 : i32
        %cond3A_98 = arith.cmpi ne, %convert_element_type3A_96, %cond3A_97 : i32
        scf.if %cond3A_98 {
          %add3A_104 = arith.constant 2 : i32
          %add3A_105 = arith.addi %add3A_65, %add3A_104 : i32
          %mul3A_106 = arith.constant 128 : i32
          %mul3A_107 = arith.muli %add3A_105, %mul3A_106 : i32
          %multiple_of3A_108 = tpu.assume_multiple %mul3A_107, 128 : i32
          %dma_start3A_109 = tpu.memref_slice %arg21[%multiple_of3A_108] : memref<5120xi32, #tpu.memory_space<vmem>> -> memref<128xi32, #tpu.memory_space<vmem>>
          %dma_start3A_110 = arith.constant 0 : i32
          %dma_start3A_111 = arith.constant 0 : i32
          %dma_start3A_112 = tpu.memref_slice %arg20[%dma_start3A_110, %dma_start3A_111] : memref<2048x128xf32, #tpu.memory_space<vmem_shared>> -> memref<2048x128xf32, #tpu.memory_space<vmem_shared>>
          tpu.enqueue_indirect_dma source(%dma_start3A_112 : memref<2048x128xf32, #tpu.memory_space<vmem_shared>>) target(%arg23 : memref<128x128xf32, #tpu.memory_space<vmem>>) offsets(%dma_start3A_109 : memref<128xi32, #tpu.memory_space<vmem>>) semaphore(%arg25 : memref<!tpu.dma_semaphore, #tpu.memory_space<semaphore_mem>>)
        } else {
        }
        %add3A_99 = arith.constant 1 : i32
        %add3A_100 = arith.addi %add3A_65, %add3A_99 : i32
        %mul3A_101 = arith.constant 128 : i32
        %mul3A_102 = arith.muli %add3A_100, %mul3A_101 : i32
        %multiple_of3A_103 = tpu.assume_multiple %mul3A_102, 128 : i32
        "tpu.region"() ({
          %run_scoped3A = tpu.sem_alloc : memref<!tpu.dma_semaphore, #tpu.memory_space<semaphore_mem>>
          %dma_start3A_104 = tpu.memref_slice %arg22[%multiple_of3A_103] : memref<5120xi32, #tpu.memory_space<vmem>> -> memref<128xi32, #tpu.memory_space<vmem>>
          %dma_start3A_105 = arith.constant 0 : i32
          %dma_start3A_106 = arith.constant 0 : i32
          %dma_start3A_107 = tpu.memref_slice %arg19[%dma_start3A_105, %dma_start3A_106] : memref<8064x128xf32, #tpu.memory_space<vmem_shared>> -> memref<8064x128xf32, #tpu.memory_space<vmem_shared>>
          tpu.enqueue_indirect_dma source(%arg24 : memref<128x128xf32, #tpu.memory_space<vmem>>) target(%dma_start3A_107 : memref<8064x128xf32, #tpu.memory_space<vmem_shared>>) offsets(%dma_start3A_104 : memref<128xi32, #tpu.memory_space<vmem>>) semaphore(%run_scoped3A : memref<!tpu.dma_semaphore, #tpu.memory_space<semaphore_mem>>) {add = true}
          %dma_wait3A_108 = tpu.memref_slice %arg22[%multiple_of3A_103] : memref<5120xi32, #tpu.memory_space<vmem>> -> memref<128xi32, #tpu.memory_space<vmem>>
          %dma_wait3A_109 = arith.constant 0 : i32
          %dma_wait3A_110 = arith.constant 0 : i32
          %dma_wait3A_111 = tpu.memref_slice %arg19[%dma_wait3A_109, %dma_wait3A_110] : memref<8064x128xf32, #tpu.memory_space<vmem_shared>> -> memref<8064x128xf32, #tpu.memory_space<vmem_shared>>
          tpu.wait_indirect_dma semaphore(%run_scoped3A : memref<!tpu.dma_semaphore, #tpu.memory_space<semaphore_mem>>) src(%arg24 : memref<128x128xf32, #tpu.memory_space<vmem>>) dst(%dma_wait3A_111 : memref<8064x128xf32, #tpu.memory_space<vmem_shared>>)
          tpu.yield
        }) : () -> ()
      }
      %scan3A_61 = arith.constant 20 : i32
    } else {
    }
    %barrier3A_13 = arith.constant 0 : index
    tpu.barrier barrier_id(%barrier3A_13)
    %eq3A_14 = arith.constant 0 : i32
    %eq3A_15 = arith.cmpi eq, %arg0, %eq3A_14 : i32
    %convert_element_type3A_16 = arith.extui %eq3A_15 : i1 to i32
    %cond3A_17 = arith.constant 0 : i32
    %cond3A_18 = arith.cmpi ne, %convert_element_type3A_16, %cond3A_17 : i32
    scf.if %cond3A_18 {
      %lt3A = arith.constant 15 : i32
      %lt3A_50 = arith.cmpi slt, %arg1, %lt3A : i32
      %convert_element_type3A_51 = arith.extui %lt3A_50 : i1 to i32
      %cond3A_52 = arith.constant 0 : i32
      %cond3A_53 = arith.cmpi ne, %convert_element_type3A_51, %cond3A_52 : i32
      scf.if %cond3A_53 {
        %mul3A_69 = arith.constant 504 : i32
        %mul3A_70 = arith.muli %arg1, %mul3A_69 : i32
        %multiple_of3A_71 = tpu.assume_multiple %mul3A_70, 8 : i32
        "tpu.region"() ({
          %run_scoped3A = tpu.sem_alloc : memref<!tpu.dma_semaphore, #tpu.memory_space<semaphore_mem>>
          %dma_start3A = arith.constant 0 : i32
          %dma_start3A_72 = tpu.memref_slice %arg15[%multiple_of3A_71, %dma_start3A] : memref<8000x128xf32, #tpu.memory_space<hbm>> -> memref<504x128xf32, #tpu.memory_space<hbm>>
          %dma_start3A_73 = arith.constant 0 : i32
          %dma_start3A_74 = tpu.memref_slice %arg19[%multiple_of3A_71, %dma_start3A_73] : memref<8064x128xf32, #tpu.memory_space<vmem_shared>> -> memref<504x128xf32, #tpu.memory_space<vmem_shared>>
          tpu.enqueue_dma source(%dma_start3A_74 : memref<504x128xf32, #tpu.memory_space<vmem_shared>>) target(%dma_start3A_72 : memref<504x128xf32, #tpu.memory_space<hbm>>) target_semaphore(%run_scoped3A : memref<!tpu.dma_semaphore, #tpu.memory_space<semaphore_mem>>)
          %dma_wait3A = arith.constant 0 : i32
          %dma_wait3A_75 = tpu.memref_slice %arg15[%multiple_of3A_71, %dma_wait3A] : memref<8000x128xf32, #tpu.memory_space<hbm>> -> memref<504x128xf32, #tpu.memory_space<hbm>>
          %dma_wait3A_76 = arith.constant 0 : i32
          %dma_wait3A_77 = tpu.memref_slice %arg19[%multiple_of3A_71, %dma_wait3A_76] : memref<8064x128xf32, #tpu.memory_space<vmem_shared>> -> memref<504x128xf32, #tpu.memory_space<vmem_shared>>
          tpu.wait_dma2 semaphore(%run_scoped3A : memref<!tpu.dma_semaphore, #tpu.memory_space<semaphore_mem>>) src(%dma_wait3A_77 : memref<504x128xf32, #tpu.memory_space<vmem_shared>>) dst(%dma_wait3A_75 : memref<504x128xf32, #tpu.memory_space<hbm>>)
          tpu.yield
        }) : () -> ()
      } else {
      }
      %eq3A_54 = arith.constant 15 : i32
      %eq3A_55 = arith.cmpi eq, %arg1, %eq3A_54 : i32
      %convert_element_type3A_56 = arith.extui %eq3A_55 : i1 to i32
      %cond3A_57 = arith.constant 0 : i32
      %cond3A_58 = arith.cmpi ne, %convert_element_type3A_56, %cond3A_57 : i32
      scf.if %cond3A_58 {
        "tpu.region"() ({
          %run_scoped3A = tpu.sem_alloc : memref<!tpu.dma_semaphore, #tpu.memory_space<semaphore_mem>>
          %dma_start3A = arith.constant 7560 : i32
          %dma_start3A_69 = arith.constant 0 : i32
          %dma_start3A_70 = tpu.memref_slice %arg15[%dma_start3A, %dma_start3A_69] : memref<8000x128xf32, #tpu.memory_space<hbm>> -> memref<440x128xf32, #tpu.memory_space<hbm>>
          %dma_start3A_71 = arith.constant 7560 : i32
          %dma_start3A_72 = arith.constant 0 : i32
          %dma_start3A_73 = tpu.memref_slice %arg19[%dma_start3A_71, %dma_start3A_72] : memref<8064x128xf32, #tpu.memory_space<vmem_shared>> -> memref<440x128xf32, #tpu.memory_space<vmem_shared>>
          tpu.enqueue_dma source(%dma_start3A_73 : memref<440x128xf32, #tpu.memory_space<vmem_shared>>) target(%dma_start3A_70 : memref<440x128xf32, #tpu.memory_space<hbm>>) target_semaphore(%run_scoped3A : memref<!tpu.dma_semaphore, #tpu.memory_space<semaphore_mem>>)
          %dma_wait3A = arith.constant 7560 : i32
          %dma_wait3A_74 = arith.constant 0 : i32
          %dma_wait3A_75 = tpu.memref_slice %arg15[%dma_wait3A, %dma_wait3A_74] : memref<8000x128xf32, #tpu.memory_space<hbm>> -> memref<440x128xf32, #tpu.memory_space<hbm>>
          %dma_wait3A_76 = arith.constant 7560 : i32
          %dma_wait3A_77 = arith.constant 0 : i32
          %dma_wait3A_78 = tpu.memref_slice %arg19[%dma_wait3A_76, %dma_wait3A_77] : memref<8064x128xf32, #tpu.memory_space<vmem_shared>> -> memref<440x128xf32, #tpu.memory_space<vmem_shared>>
          tpu.wait_dma2 semaphore(%run_scoped3A : memref<!tpu.dma_semaphore, #tpu.memory_space<semaphore_mem>>) src(%dma_wait3A_78 : memref<440x128xf32, #tpu.memory_space<vmem_shared>>) dst(%dma_wait3A_75 : memref<440x128xf32, #tpu.memory_space<hbm>>)
          tpu.yield
        }) : () -> ()
      } else {
      }
      %lt3A_59 = arith.constant 15 : i32
      %lt3A_60 = arith.cmpi slt, %arg1, %lt3A_59 : i32
      %convert_element_type3A_61 = arith.extui %lt3A_60 : i1 to i32
      %cond3A_62 = arith.constant 0 : i32
      %cond3A_63 = arith.cmpi ne, %convert_element_type3A_61, %cond3A_62 : i32
      scf.if %cond3A_63 {
        %mul3A_69 = arith.constant 128 : i32
        %mul3A_70 = arith.muli %arg1, %mul3A_69 : i32
        %multiple_of3A_71 = tpu.assume_multiple %mul3A_70, 8 : i32
        "tpu.region"() ({
          %run_scoped3A = tpu.sem_alloc : memref<!tpu.dma_semaphore, #tpu.memory_space<semaphore_mem>>
          %dma_start3A = arith.constant 0 : i32
          %dma_start3A_72 = tpu.memref_slice %arg20[%multiple_of3A_71, %dma_start3A] : memref<2048x128xf32, #tpu.memory_space<vmem_shared>> -> memref<128x128xf32, #tpu.memory_space<vmem_shared>>
          %dma_start3A_73 = arith.constant 0 : i32
          %dma_start3A_74 = tpu.memref_slice %arg5[%multiple_of3A_71, %dma_start3A_73] : memref<2000x128xf32, #tpu.memory_space<hbm>> -> memref<128x128xf32, #tpu.memory_space<hbm>>
          tpu.enqueue_dma source(%dma_start3A_74 : memref<128x128xf32, #tpu.memory_space<hbm>>) target(%dma_start3A_72 : memref<128x128xf32, #tpu.memory_space<vmem_shared>>) target_semaphore(%run_scoped3A : memref<!tpu.dma_semaphore, #tpu.memory_space<semaphore_mem>>)
          %dma_wait3A = arith.constant 0 : i32
          %dma_wait3A_75 = tpu.memref_slice %arg20[%multiple_of3A_71, %dma_wait3A] : memref<2048x128xf32, #tpu.memory_space<vmem_shared>> -> memref<128x128xf32, #tpu.memory_space<vmem_shared>>
          %dma_wait3A_76 = arith.constant 0 : i32
          %dma_wait3A_77 = tpu.memref_slice %arg5[%multiple_of3A_71, %dma_wait3A_76] : memref<2000x128xf32, #tpu.memory_space<hbm>> -> memref<128x128xf32, #tpu.memory_space<hbm>>
          tpu.wait_dma2 semaphore(%run_scoped3A : memref<!tpu.dma_semaphore, #tpu.memory_space<semaphore_mem>>) src(%dma_wait3A_77 : memref<128x128xf32, #tpu.memory_space<hbm>>) dst(%dma_wait3A_75 : memref<128x128xf32, #tpu.memory_space<vmem_shared>>)
          tpu.yield
        }) : () -> ()
      } else {
      }
      %eq3A_64 = arith.constant 15 : i32
      %eq3A_65 = arith.cmpi eq, %arg1, %eq3A_64 : i32
      %convert_element_type3A_66 = arith.extui %eq3A_65 : i1 to i32
      %cond3A_67 = arith.constant 0 : i32
      %cond3A_68 = arith.cmpi ne, %convert_element_type3A_66, %cond3A_67 : i32
      scf.if %cond3A_68 {
        "tpu.region"() ({
          %run_scoped3A = tpu.sem_alloc : memref<!tpu.dma_semaphore, #tpu.memory_space<semaphore_mem>>
          %dma_start3A = arith.constant 1920 : i32
          %dma_start3A_69 = arith.constant 0 : i32
          %dma_start3A_70 = tpu.memref_slice %arg20[%dma_start3A, %dma_start3A_69] : memref<2048x128xf32, #tpu.memory_space<vmem_shared>> -> memref<80x128xf32, #tpu.memory_space<vmem_shared>>
          %dma_start3A_71 = arith.constant 1920 : i32
          %dma_start3A_72 = arith.constant 0 : i32
          %dma_start3A_73 = tpu.memref_slice %arg5[%dma_start3A_71, %dma_start3A_72] : memref<2000x128xf32, #tpu.memory_space<hbm>> -> memref<80x128xf32, #tpu.memory_space<hbm>>
          tpu.enqueue_dma source(%dma_start3A_73 : memref<80x128xf32, #tpu.memory_space<hbm>>) target(%dma_start3A_70 : memref<80x128xf32, #tpu.memory_space<vmem_shared>>) target_semaphore(%run_scoped3A : memref<!tpu.dma_semaphore, #tpu.memory_space<semaphore_mem>>)
          %dma_wait3A = arith.constant 1920 : i32
          %dma_wait3A_74 = arith.constant 0 : i32
          %dma_wait3A_75 = tpu.memref_slice %arg20[%dma_wait3A, %dma_wait3A_74] : memref<2048x128xf32, #tpu.memory_space<vmem_shared>> -> memref<80x128xf32, #tpu.memory_space<vmem_shared>>
          %dma_wait3A_76 = arith.constant 1920 : i32
          %dma_wait3A_77 = arith.constant 0 : i32
          %dma_wait3A_78 = tpu.memref_slice %arg5[%dma_wait3A_76, %dma_wait3A_77] : memref<2000x128xf32, #tpu.memory_space<hbm>> -> memref<80x128xf32, #tpu.memory_space<hbm>>
          tpu.wait_dma2 semaphore(%run_scoped3A : memref<!tpu.dma_semaphore, #tpu.memory_space<semaphore_mem>>) src(%dma_wait3A_78 : memref<80x128xf32, #tpu.memory_space<hbm>>) dst(%dma_wait3A_75 : memref<80x128xf32, #tpu.memory_space<vmem_shared>>)
          tpu.yield
        }) : () -> ()
      } else {
      }
    } else {
    }
    %eq3A_19 = arith.constant 1 : i32
    %eq3A_20 = arith.cmpi eq, %arg0, %eq3A_19 : i32
    %convert_element_type3A_21 = arith.extui %eq3A_20 : i1 to i32
    %cond3A_22 = arith.constant 0 : i32
    %cond3A_23 = arith.cmpi ne, %convert_element_type3A_21, %cond3A_22 : i32
    scf.if %cond3A_23 {
      %lt3A = arith.constant 15 : i32
      %lt3A_50 = arith.cmpi slt, %arg1, %lt3A : i32
      %convert_element_type3A_51 = arith.extui %lt3A_50 : i1 to i32
      %cond3A_52 = arith.constant 0 : i32
      %cond3A_53 = arith.cmpi ne, %convert_element_type3A_51, %cond3A_52 : i32
      scf.if %cond3A_53 {
        %mul3A_59 = arith.constant 504 : i32
        %mul3A_60 = arith.muli %arg1, %mul3A_59 : i32
        %multiple_of3A_61 = tpu.assume_multiple %mul3A_60, 8 : i32
        "tpu.region"() ({
          %run_scoped3A = tpu.sem_alloc : memref<!tpu.dma_semaphore, #tpu.memory_space<semaphore_mem>>
          %dma_start3A = arith.constant 0 : i32
          %dma_start3A_62 = tpu.memref_slice %arg17[%multiple_of3A_61, %dma_start3A] : memref<8000x128xf32, #tpu.memory_space<hbm>> -> memref<504x128xf32, #tpu.memory_space<hbm>>
          %dma_start3A_63 = arith.constant 0 : i32
          %dma_start3A_64 = tpu.memref_slice %arg19[%multiple_of3A_61, %dma_start3A_63] : memref<8064x128xf32, #tpu.memory_space<vmem_shared>> -> memref<504x128xf32, #tpu.memory_space<vmem_shared>>
          tpu.enqueue_dma source(%dma_start3A_64 : memref<504x128xf32, #tpu.memory_space<vmem_shared>>) target(%dma_start3A_62 : memref<504x128xf32, #tpu.memory_space<hbm>>) target_semaphore(%run_scoped3A : memref<!tpu.dma_semaphore, #tpu.memory_space<semaphore_mem>>)
          %dma_wait3A = arith.constant 0 : i32
          %dma_wait3A_65 = tpu.memref_slice %arg17[%multiple_of3A_61, %dma_wait3A] : memref<8000x128xf32, #tpu.memory_space<hbm>> -> memref<504x128xf32, #tpu.memory_space<hbm>>
          %dma_wait3A_66 = arith.constant 0 : i32
          %dma_wait3A_67 = tpu.memref_slice %arg19[%multiple_of3A_61, %dma_wait3A_66] : memref<8064x128xf32, #tpu.memory_space<vmem_shared>> -> memref<504x128xf32, #tpu.memory_space<vmem_shared>>
          tpu.wait_dma2 semaphore(%run_scoped3A : memref<!tpu.dma_semaphore, #tpu.memory_space<semaphore_mem>>) src(%dma_wait3A_67 : memref<504x128xf32, #tpu.memory_space<vmem_shared>>) dst(%dma_wait3A_65 : memref<504x128xf32, #tpu.memory_space<hbm>>)
          tpu.yield
        }) : () -> ()
      } else {
      }
      %eq3A_54 = arith.constant 15 : i32
      %eq3A_55 = arith.cmpi eq, %arg1, %eq3A_54 : i32
      %convert_element_type3A_56 = arith.extui %eq3A_55 : i1 to i32
      %cond3A_57 = arith.constant 0 : i32
      %cond3A_58 = arith.cmpi ne, %convert_element_type3A_56, %cond3A_57 : i32
      scf.if %cond3A_58 {
        "tpu.region"() ({
          %run_scoped3A = tpu.sem_alloc : memref<!tpu.dma_semaphore, #tpu.memory_space<semaphore_mem>>
          %dma_start3A = arith.constant 7560 : i32
          %dma_start3A_59 = arith.constant 0 : i32
          %dma_start3A_60 = tpu.memref_slice %arg17[%dma_start3A, %dma_start3A_59] : memref<8000x128xf32, #tpu.memory_space<hbm>> -> memref<440x128xf32, #tpu.memory_space<hbm>>
          %dma_start3A_61 = arith.constant 7560 : i32
          %dma_start3A_62 = arith.constant 0 : i32
          %dma_start3A_63 = tpu.memref_slice %arg19[%dma_start3A_61, %dma_start3A_62] : memref<8064x128xf32, #tpu.memory_space<vmem_shared>> -> memref<440x128xf32, #tpu.memory_space<vmem_shared>>
          tpu.enqueue_dma source(%dma_start3A_63 : memref<440x128xf32, #tpu.memory_space<vmem_shared>>) target(%dma_start3A_60 : memref<440x128xf32, #tpu.memory_space<hbm>>) target_semaphore(%run_scoped3A : memref<!tpu.dma_semaphore, #tpu.memory_space<semaphore_mem>>)
          %dma_wait3A = arith.constant 7560 : i32
          %dma_wait3A_64 = arith.constant 0 : i32
          %dma_wait3A_65 = tpu.memref_slice %arg17[%dma_wait3A, %dma_wait3A_64] : memref<8000x128xf32, #tpu.memory_space<hbm>> -> memref<440x128xf32, #tpu.memory_space<hbm>>
          %dma_wait3A_66 = arith.constant 7560 : i32
          %dma_wait3A_67 = arith.constant 0 : i32
          %dma_wait3A_68 = tpu.memref_slice %arg19[%dma_wait3A_66, %dma_wait3A_67] : memref<8064x128xf32, #tpu.memory_space<vmem_shared>> -> memref<440x128xf32, #tpu.memory_space<vmem_shared>>
          tpu.wait_dma2 semaphore(%run_scoped3A : memref<!tpu.dma_semaphore, #tpu.memory_space<semaphore_mem>>) src(%dma_wait3A_68 : memref<440x128xf32, #tpu.memory_space<vmem_shared>>) dst(%dma_wait3A_65 : memref<440x128xf32, #tpu.memory_space<hbm>>)
          tpu.yield
        }) : () -> ()
      } else {
      }
    } else {
    }
    %barrier3A_24 = arith.constant 0 : index
    tpu.barrier barrier_id(%barrier3A_24)
    %mul3A_25 = arith.constant 128 : i32
    %mul3A_26 = arith.muli %arg1, %mul3A_25 : i32
    %multiple_of3A_27 = tpu.assume_multiple %mul3A_26, 8 : i32
    "tpu.region"() ({
      %run_scoped3A = tpu.sem_alloc : memref<!tpu.dma_semaphore, #tpu.memory_space<semaphore_mem>>
      %dma_start3A = arith.constant 0 : i32
      %dma_start3A_50 = tpu.memref_slice %arg19[%multiple_of3A_27, %dma_start3A] : memref<8064x128xf32, #tpu.memory_space<vmem_shared>> -> memref<128x128xf32, #tpu.memory_space<vmem_shared>>
      %dma_start3A_51 = arith.constant 0 : i32
      %dma_start3A_52 = arith.constant 0 : i32
      %dma_start3A_53 = tpu.memref_slice %arg14[%dma_start3A_51, %dma_start3A_52] : memref<504x128xf32, #tpu.memory_space<hbm>> -> memref<128x128xf32, #tpu.memory_space<hbm>>
      tpu.enqueue_dma source(%dma_start3A_53 : memref<128x128xf32, #tpu.memory_space<hbm>>) target(%dma_start3A_50 : memref<128x128xf32, #tpu.memory_space<vmem_shared>>) target_semaphore(%run_scoped3A : memref<!tpu.dma_semaphore, #tpu.memory_space<semaphore_mem>>)
      %dma_wait3A = arith.constant 0 : i32
      %dma_wait3A_54 = tpu.memref_slice %arg19[%multiple_of3A_27, %dma_wait3A] : memref<8064x128xf32, #tpu.memory_space<vmem_shared>> -> memref<128x128xf32, #tpu.memory_space<vmem_shared>>
      %dma_wait3A_55 = arith.constant 0 : i32
      %dma_wait3A_56 = arith.constant 0 : i32
      %dma_wait3A_57 = tpu.memref_slice %arg14[%dma_wait3A_55, %dma_wait3A_56] : memref<504x128xf32, #tpu.memory_space<hbm>> -> memref<128x128xf32, #tpu.memory_space<hbm>>
      tpu.wait_dma2 semaphore(%run_scoped3A : memref<!tpu.dma_semaphore, #tpu.memory_space<semaphore_mem>>) src(%dma_wait3A_57 : memref<128x128xf32, #tpu.memory_space<hbm>>) dst(%dma_wait3A_54 : memref<128x128xf32, #tpu.memory_space<vmem_shared>>)
      tpu.yield
    }) : () -> ()
    %barrier3A_28 = arith.constant 0 : index
    tpu.barrier barrier_id(%barrier3A_28)
    %eq3A_29 = arith.constant 0 : i32
    %eq3A_30 = arith.cmpi eq, %arg0, %eq3A_29 : i32
    %convert_element_type3A_31 = arith.extui %eq3A_30 : i1 to i32
    %cond3A_32 = arith.constant 0 : i32
    %cond3A_33 = arith.cmpi ne, %convert_element_type3A_31, %cond3A_32 : i32
    scf.if %cond3A_33 {
      %mul3A_50 = arith.constant 5120 : i32
      %mul3A_51 = arith.muli %arg1, %mul3A_50 : i32
      %multiple_of3A_52 = tpu.assume_multiple %mul3A_51, 256 : i32
      "tpu.region"() ({
        %run_scoped3A = tpu.sem_alloc : memref<!tpu.dma_semaphore, #tpu.memory_space<semaphore_mem>>
        %dma_start3A_62 = tpu.memref_slice %arg12[%multiple_of3A_52] : memref<81920xi32, #tpu.memory_space<hbm>> -> memref<5120xi32, #tpu.memory_space<hbm>>
        %dma_start3A_63 = tpu.memref_slice %arg12[%multiple_of3A_52] : memref<81920xi32, #tpu.memory_space<hbm>> -> memref<5120xi32, #tpu.memory_space<hbm>>
        tpu.enqueue_dma source(%dma_start3A_63 : memref<5120xi32, #tpu.memory_space<hbm>>) target(%arg21 : memref<5120xi32, #tpu.memory_space<vmem>>) target_semaphore(%run_scoped3A : memref<!tpu.dma_semaphore, #tpu.memory_space<semaphore_mem>>)
        %dma_wait3A = tpu.memref_slice %arg12[%multiple_of3A_52] : memref<81920xi32, #tpu.memory_space<hbm>> -> memref<5120xi32, #tpu.memory_space<hbm>>
        %dma_wait3A_64 = tpu.memref_slice %arg12[%multiple_of3A_52] : memref<81920xi32, #tpu.memory_space<hbm>> -> memref<5120xi32, #tpu.memory_space<hbm>>
        tpu.wait_dma2 semaphore(%run_scoped3A : memref<!tpu.dma_semaphore, #tpu.memory_space<semaphore_mem>>) src(%dma_wait3A_64 : memref<5120xi32, #tpu.memory_space<hbm>>) dst(%arg21 : memref<5120xi32, #tpu.memory_space<vmem>>)
        tpu.yield
      }) : () -> ()
      "tpu.region"() ({
        %run_scoped3A = tpu.sem_alloc : memref<!tpu.dma_semaphore, #tpu.memory_space<semaphore_mem>>
        %dma_start3A_62 = tpu.memref_slice %arg13[%multiple_of3A_52] : memref<81920xi32, #tpu.memory_space<hbm>> -> memref<5120xi32, #tpu.memory_space<hbm>>
        %dma_start3A_63 = tpu.memref_slice %arg13[%multiple_of3A_52] : memref<81920xi32, #tpu.memory_space<hbm>> -> memref<5120xi32, #tpu.memory_space<hbm>>
        tpu.enqueue_dma source(%dma_start3A_63 : memref<5120xi32, #tpu.memory_space<hbm>>) target(%arg22 : memref<5120xi32, #tpu.memory_space<vmem>>) target_semaphore(%run_scoped3A : memref<!tpu.dma_semaphore, #tpu.memory_space<semaphore_mem>>)
        %dma_wait3A = tpu.memref_slice %arg13[%multiple_of3A_52] : memref<81920xi32, #tpu.memory_space<hbm>> -> memref<5120xi32, #tpu.memory_space<hbm>>
        %dma_wait3A_64 = tpu.memref_slice %arg13[%multiple_of3A_52] : memref<81920xi32, #tpu.memory_space<hbm>> -> memref<5120xi32, #tpu.memory_space<hbm>>
        tpu.wait_dma2 semaphore(%run_scoped3A : memref<!tpu.dma_semaphore, #tpu.memory_space<semaphore_mem>>) src(%dma_wait3A_64 : memref<5120xi32, #tpu.memory_space<hbm>>) dst(%arg22 : memref<5120xi32, #tpu.memory_space<vmem>>)
        tpu.yield
      }) : () -> ()
      %multiple_of3A_53 = arith.constant 0 : i32
      %multiple_of3A_54 = tpu.assume_multiple %multiple_of3A_53, 128 : i32
      %dma_start3A = tpu.memref_slice %arg21[%multiple_of3A_54] : memref<5120xi32, #tpu.memory_space<vmem>> -> memref<128xi32, #tpu.memory_space<vmem>>
      %dma_start3A_55 = arith.constant 0 : i32
      %dma_start3A_56 = arith.constant 0 : i32
      %dma_start3A_57 = tpu.memref_slice %arg20[%dma_start3A_55, %dma_start3A_56] : memref<2048x128xf32, #tpu.memory_space<vmem_shared>> -> memref<2048x128xf32, #tpu.memory_space<vmem_shared>>
      tpu.enqueue_indirect_dma source(%dma_start3A_57 : memref<2048x128xf32, #tpu.memory_space<vmem_shared>>) target(%arg23 : memref<128x128xf32, #tpu.memory_space<vmem>>) offsets(%dma_start3A : memref<128xi32, #tpu.memory_space<vmem>>) semaphore(%arg25 : memref<!tpu.dma_semaphore, #tpu.memory_space<semaphore_mem>>)
      %scan3A = arith.constant 0 : i32
      %scan3A_58 = arith.constant 20 : i32
      %scan3A_59 = arith.addi %scan3A, %scan3A_58 : i32
      %scan3A_60 = arith.constant 1 : i32
      scf.for %scan3A_62 = %scan3A to %scan3A_59 step %scan3A_60  : i32 {
        %mul3A_63 = arith.constant 2 : i32
        %mul3A_64 = arith.muli %scan3A_62, %mul3A_63 : i32
        %add3A = arith.constant 0 : i32
        %add3A_65 = arith.addi %add3A, %mul3A_64 : i32
        %mul3A_66 = arith.constant 128 : i32
        %mul3A_67 = arith.muli %add3A_65, %mul3A_66 : i32
        %multiple_of3A_68 = tpu.assume_multiple %mul3A_67, 128 : i32
        %dma_wait3A = tpu.memref_slice %arg21[%multiple_of3A_68] : memref<5120xi32, #tpu.memory_space<vmem>> -> memref<128xi32, #tpu.memory_space<vmem>>
        %dma_wait3A_69 = arith.constant 0 : i32
        %dma_wait3A_70 = arith.constant 0 : i32
        %dma_wait3A_71 = tpu.memref_slice %arg20[%dma_wait3A_69, %dma_wait3A_70] : memref<2048x128xf32, #tpu.memory_space<vmem_shared>> -> memref<2048x128xf32, #tpu.memory_space<vmem_shared>>
        tpu.wait_indirect_dma semaphore(%arg25 : memref<!tpu.dma_semaphore, #tpu.memory_space<semaphore_mem>>) src(%dma_wait3A_71 : memref<2048x128xf32, #tpu.memory_space<vmem_shared>>) dst(%arg23 : memref<128x128xf32, #tpu.memory_space<vmem>>)
        %add3A_72 = arith.constant 1 : i32
        %add3A_73 = arith.addi %add3A_65, %add3A_72 : i32
        %mul3A_74 = arith.constant 128 : i32
        %mul3A_75 = arith.muli %add3A_73, %mul3A_74 : i32
        %multiple_of3A_76 = tpu.assume_multiple %mul3A_75, 128 : i32
        %dma_start3A_77 = tpu.memref_slice %arg21[%multiple_of3A_76] : memref<5120xi32, #tpu.memory_space<vmem>> -> memref<128xi32, #tpu.memory_space<vmem>>
        %dma_start3A_78 = arith.constant 0 : i32
        %dma_start3A_79 = arith.constant 0 : i32
        %dma_start3A_80 = tpu.memref_slice %arg20[%dma_start3A_78, %dma_start3A_79] : memref<2048x128xf32, #tpu.memory_space<vmem_shared>> -> memref<2048x128xf32, #tpu.memory_space<vmem_shared>>
        tpu.enqueue_indirect_dma source(%dma_start3A_80 : memref<2048x128xf32, #tpu.memory_space<vmem_shared>>) target(%arg24 : memref<128x128xf32, #tpu.memory_space<vmem>>) offsets(%dma_start3A_77 : memref<128xi32, #tpu.memory_space<vmem>>) semaphore(%arg26 : memref<!tpu.dma_semaphore, #tpu.memory_space<semaphore_mem>>)
        %mul3A_81 = arith.constant 128 : i32
        %mul3A_82 = arith.muli %add3A_65, %mul3A_81 : i32
        %multiple_of3A_83 = tpu.assume_multiple %mul3A_82, 128 : i32
        "tpu.region"() ({
          %run_scoped3A = tpu.sem_alloc : memref<!tpu.dma_semaphore, #tpu.memory_space<semaphore_mem>>
          %dma_start3A_104 = tpu.memref_slice %arg22[%multiple_of3A_83] : memref<5120xi32, #tpu.memory_space<vmem>> -> memref<128xi32, #tpu.memory_space<vmem>>
          %dma_start3A_105 = arith.constant 0 : i32
          %dma_start3A_106 = arith.constant 0 : i32
          %dma_start3A_107 = tpu.memref_slice %arg19[%dma_start3A_105, %dma_start3A_106] : memref<8064x128xf32, #tpu.memory_space<vmem_shared>> -> memref<8064x128xf32, #tpu.memory_space<vmem_shared>>
          tpu.enqueue_indirect_dma source(%arg23 : memref<128x128xf32, #tpu.memory_space<vmem>>) target(%dma_start3A_107 : memref<8064x128xf32, #tpu.memory_space<vmem_shared>>) offsets(%dma_start3A_104 : memref<128xi32, #tpu.memory_space<vmem>>) semaphore(%run_scoped3A : memref<!tpu.dma_semaphore, #tpu.memory_space<semaphore_mem>>) {add = true}
          %dma_wait3A_108 = tpu.memref_slice %arg22[%multiple_of3A_83] : memref<5120xi32, #tpu.memory_space<vmem>> -> memref<128xi32, #tpu.memory_space<vmem>>
          %dma_wait3A_109 = arith.constant 0 : i32
          %dma_wait3A_110 = arith.constant 0 : i32
          %dma_wait3A_111 = tpu.memref_slice %arg19[%dma_wait3A_109, %dma_wait3A_110] : memref<8064x128xf32, #tpu.memory_space<vmem_shared>> -> memref<8064x128xf32, #tpu.memory_space<vmem_shared>>
          tpu.wait_indirect_dma semaphore(%run_scoped3A : memref<!tpu.dma_semaphore, #tpu.memory_space<semaphore_mem>>) src(%arg23 : memref<128x128xf32, #tpu.memory_space<vmem>>) dst(%dma_wait3A_111 : memref<8064x128xf32, #tpu.memory_space<vmem_shared>>)
          tpu.yield
        }) : () -> ()
        %add3A_84 = arith.constant 1 : i32
        %add3A_85 = arith.addi %add3A_65, %add3A_84 : i32
        %mul3A_86 = arith.constant 128 : i32
        %mul3A_87 = arith.muli %add3A_85, %mul3A_86 : i32
        %multiple_of3A_88 = tpu.assume_multiple %mul3A_87, 128 : i32
        %dma_wait3A_89 = tpu.memref_slice %arg21[%multiple_of3A_88] : memref<5120xi32, #tpu.memory_space<vmem>> -> memref<128xi32, #tpu.memory_space<vmem>>
        %dma_wait3A_90 = arith.constant 0 : i32
        %dma_wait3A_91 = arith.constant 0 : i32
        %dma_wait3A_92 = tpu.memref_slice %arg20[%dma_wait3A_90, %dma_wait3A_91] : memref<2048x128xf32, #tpu.memory_space<vmem_shared>> -> memref<2048x128xf32, #tpu.memory_space<vmem_shared>>
        tpu.wait_indirect_dma semaphore(%arg26 : memref<!tpu.dma_semaphore, #tpu.memory_space<semaphore_mem>>) src(%dma_wait3A_92 : memref<2048x128xf32, #tpu.memory_space<vmem_shared>>) dst(%arg24 : memref<128x128xf32, #tpu.memory_space<vmem>>)
        %add3A_93 = arith.constant 2 : i32
        %add3A_94 = arith.addi %add3A_65, %add3A_93 : i32
        %lt3A = arith.constant 40 : i32
        %lt3A_95 = arith.cmpi slt, %add3A_94, %lt3A : i32
        %convert_element_type3A_96 = arith.extui %lt3A_95 : i1 to i32
        %cond3A_97 = arith.constant 0 : i32
        %cond3A_98 = arith.cmpi ne, %convert_element_type3A_96, %cond3A_97 : i32
        scf.if %cond3A_98 {
          %add3A_104 = arith.constant 2 : i32
          %add3A_105 = arith.addi %add3A_65, %add3A_104 : i32
          %mul3A_106 = arith.constant 128 : i32
          %mul3A_107 = arith.muli %add3A_105, %mul3A_106 : i32
          %multiple_of3A_108 = tpu.assume_multiple %mul3A_107, 128 : i32
          %dma_start3A_109 = tpu.memref_slice %arg21[%multiple_of3A_108] : memref<5120xi32, #tpu.memory_space<vmem>> -> memref<128xi32, #tpu.memory_space<vmem>>
          %dma_start3A_110 = arith.constant 0 : i32
          %dma_start3A_111 = arith.constant 0 : i32
          %dma_start3A_112 = tpu.memref_slice %arg20[%dma_start3A_110, %dma_start3A_111] : memref<2048x128xf32, #tpu.memory_space<vmem_shared>> -> memref<2048x128xf32, #tpu.memory_space<vmem_shared>>
          tpu.enqueue_indirect_dma source(%dma_start3A_112 : memref<2048x128xf32, #tpu.memory_space<vmem_shared>>) target(%arg23 : memref<128x128xf32, #tpu.memory_space<vmem>>) offsets(%dma_start3A_109 : memref<128xi32, #tpu.memory_space<vmem>>) semaphore(%arg25 : memref<!tpu.dma_semaphore, #tpu.memory_space<semaphore_mem>>)
        } else {
        }
        %add3A_99 = arith.constant 1 : i32
        %add3A_100 = arith.addi %add3A_65, %add3A_99 : i32
        %mul3A_101 = arith.constant 128 : i32
        %mul3A_102 = arith.muli %add3A_100, %mul3A_101 : i32
        %multiple_of3A_103 = tpu.assume_multiple %mul3A_102, 128 : i32
        "tpu.region"() ({
          %run_scoped3A = tpu.sem_alloc : memref<!tpu.dma_semaphore, #tpu.memory_space<semaphore_mem>>
          %dma_start3A_104 = tpu.memref_slice %arg22[%multiple_of3A_103] : memref<5120xi32, #tpu.memory_space<vmem>> -> memref<128xi32, #tpu.memory_space<vmem>>
          %dma_start3A_105 = arith.constant 0 : i32
          %dma_start3A_106 = arith.constant 0 : i32
          %dma_start3A_107 = tpu.memref_slice %arg19[%dma_start3A_105, %dma_start3A_106] : memref<8064x128xf32, #tpu.memory_space<vmem_shared>> -> memref<8064x128xf32, #tpu.memory_space<vmem_shared>>
          tpu.enqueue_indirect_dma source(%arg24 : memref<128x128xf32, #tpu.memory_space<vmem>>) target(%dma_start3A_107 : memref<8064x128xf32, #tpu.memory_space<vmem_shared>>) offsets(%dma_start3A_104 : memref<128xi32, #tpu.memory_space<vmem>>) semaphore(%run_scoped3A : memref<!tpu.dma_semaphore, #tpu.memory_space<semaphore_mem>>) {add = true}
          %dma_wait3A_108 = tpu.memref_slice %arg22[%multiple_of3A_103] : memref<5120xi32, #tpu.memory_space<vmem>> -> memref<128xi32, #tpu.memory_space<vmem>>
          %dma_wait3A_109 = arith.constant 0 : i32
          %dma_wait3A_110 = arith.constant 0 : i32
          %dma_wait3A_111 = tpu.memref_slice %arg19[%dma_wait3A_109, %dma_wait3A_110] : memref<8064x128xf32, #tpu.memory_space<vmem_shared>> -> memref<8064x128xf32, #tpu.memory_space<vmem_shared>>
          tpu.wait_indirect_dma semaphore(%run_scoped3A : memref<!tpu.dma_semaphore, #tpu.memory_space<semaphore_mem>>) src(%arg24 : memref<128x128xf32, #tpu.memory_space<vmem>>) dst(%dma_wait3A_111 : memref<8064x128xf32, #tpu.memory_space<vmem_shared>>)
          tpu.yield
        }) : () -> ()
      }
      %scan3A_61 = arith.constant 20 : i32
    } else {
    }
    %eq3A_34 = arith.constant 1 : i32
    %eq3A_35 = arith.cmpi eq, %arg0, %eq3A_34 : i32
    %convert_element_type3A_36 = arith.extui %eq3A_35 : i1 to i32
    %cond3A_37 = arith.constant 0 : i32
    %cond3A_38 = arith.cmpi ne, %convert_element_type3A_36, %cond3A_37 : i32
    scf.if %cond3A_38 {
      %mul3A_50 = arith.constant 5120 : i32
      %mul3A_51 = arith.muli %arg1, %mul3A_50 : i32
      %multiple_of3A_52 = tpu.assume_multiple %mul3A_51, 256 : i32
      "tpu.region"() ({
        %run_scoped3A = tpu.sem_alloc : memref<!tpu.dma_semaphore, #tpu.memory_space<semaphore_mem>>
        %dma_start3A_62 = tpu.memref_slice %arg8[%multiple_of3A_52] : memref<81920xi32, #tpu.memory_space<hbm>> -> memref<5120xi32, #tpu.memory_space<hbm>>
        %dma_start3A_63 = tpu.memref_slice %arg8[%multiple_of3A_52] : memref<81920xi32, #tpu.memory_space<hbm>> -> memref<5120xi32, #tpu.memory_space<hbm>>
        tpu.enqueue_dma source(%dma_start3A_63 : memref<5120xi32, #tpu.memory_space<hbm>>) target(%arg21 : memref<5120xi32, #tpu.memory_space<vmem>>) target_semaphore(%run_scoped3A : memref<!tpu.dma_semaphore, #tpu.memory_space<semaphore_mem>>)
        %dma_wait3A = tpu.memref_slice %arg8[%multiple_of3A_52] : memref<81920xi32, #tpu.memory_space<hbm>> -> memref<5120xi32, #tpu.memory_space<hbm>>
        %dma_wait3A_64 = tpu.memref_slice %arg8[%multiple_of3A_52] : memref<81920xi32, #tpu.memory_space<hbm>> -> memref<5120xi32, #tpu.memory_space<hbm>>
        tpu.wait_dma2 semaphore(%run_scoped3A : memref<!tpu.dma_semaphore, #tpu.memory_space<semaphore_mem>>) src(%dma_wait3A_64 : memref<5120xi32, #tpu.memory_space<hbm>>) dst(%arg21 : memref<5120xi32, #tpu.memory_space<vmem>>)
        tpu.yield
      }) : () -> ()
      "tpu.region"() ({
        %run_scoped3A = tpu.sem_alloc : memref<!tpu.dma_semaphore, #tpu.memory_space<semaphore_mem>>
        %dma_start3A_62 = tpu.memref_slice %arg9[%multiple_of3A_52] : memref<81920xi32, #tpu.memory_space<hbm>> -> memref<5120xi32, #tpu.memory_space<hbm>>
        %dma_start3A_63 = tpu.memref_slice %arg9[%multiple_of3A_52] : memref<81920xi32, #tpu.memory_space<hbm>> -> memref<5120xi32, #tpu.memory_space<hbm>>
        tpu.enqueue_dma source(%dma_start3A_63 : memref<5120xi32, #tpu.memory_space<hbm>>) target(%arg22 : memref<5120xi32, #tpu.memory_space<vmem>>) target_semaphore(%run_scoped3A : memref<!tpu.dma_semaphore, #tpu.memory_space<semaphore_mem>>)
        %dma_wait3A = tpu.memref_slice %arg9[%multiple_of3A_52] : memref<81920xi32, #tpu.memory_space<hbm>> -> memref<5120xi32, #tpu.memory_space<hbm>>
        %dma_wait3A_64 = tpu.memref_slice %arg9[%multiple_of3A_52] : memref<81920xi32, #tpu.memory_space<hbm>> -> memref<5120xi32, #tpu.memory_space<hbm>>
        tpu.wait_dma2 semaphore(%run_scoped3A : memref<!tpu.dma_semaphore, #tpu.memory_space<semaphore_mem>>) src(%dma_wait3A_64 : memref<5120xi32, #tpu.memory_space<hbm>>) dst(%arg22 : memref<5120xi32, #tpu.memory_space<vmem>>)
        tpu.yield
      }) : () -> ()
      %multiple_of3A_53 = arith.constant 0 : i32
      %multiple_of3A_54 = tpu.assume_multiple %multiple_of3A_53, 128 : i32
      %dma_start3A = tpu.memref_slice %arg21[%multiple_of3A_54] : memref<5120xi32, #tpu.memory_space<vmem>> -> memref<128xi32, #tpu.memory_space<vmem>>
      %dma_start3A_55 = arith.constant 0 : i32
      %dma_start3A_56 = arith.constant 0 : i32
      %dma_start3A_57 = tpu.memref_slice %arg3[%dma_start3A_55, %dma_start3A_56] : memref<8000x128xf32, #tpu.memory_space<hbm>> -> memref<8000x128xf32, #tpu.memory_space<hbm>>
      tpu.enqueue_indirect_dma source(%dma_start3A_57 : memref<8000x128xf32, #tpu.memory_space<hbm>>) target(%arg23 : memref<128x128xf32, #tpu.memory_space<vmem>>) offsets(%dma_start3A : memref<128xi32, #tpu.memory_space<vmem>>) semaphore(%arg25 : memref<!tpu.dma_semaphore, #tpu.memory_space<semaphore_mem>>)
      %scan3A = arith.constant 0 : i32
      %scan3A_58 = arith.constant 20 : i32
      %scan3A_59 = arith.addi %scan3A, %scan3A_58 : i32
      %scan3A_60 = arith.constant 1 : i32
      scf.for %scan3A_62 = %scan3A to %scan3A_59 step %scan3A_60  : i32 {
        %mul3A_63 = arith.constant 2 : i32
        %mul3A_64 = arith.muli %scan3A_62, %mul3A_63 : i32
        %add3A = arith.constant 0 : i32
        %add3A_65 = arith.addi %add3A, %mul3A_64 : i32
        %mul3A_66 = arith.constant 128 : i32
        %mul3A_67 = arith.muli %add3A_65, %mul3A_66 : i32
        %multiple_of3A_68 = tpu.assume_multiple %mul3A_67, 128 : i32
        %dma_wait3A = tpu.memref_slice %arg21[%multiple_of3A_68] : memref<5120xi32, #tpu.memory_space<vmem>> -> memref<128xi32, #tpu.memory_space<vmem>>
        %dma_wait3A_69 = arith.constant 0 : i32
        %dma_wait3A_70 = arith.constant 0 : i32
        %dma_wait3A_71 = tpu.memref_slice %arg3[%dma_wait3A_69, %dma_wait3A_70] : memref<8000x128xf32, #tpu.memory_space<hbm>> -> memref<8000x128xf32, #tpu.memory_space<hbm>>
        tpu.wait_indirect_dma semaphore(%arg25 : memref<!tpu.dma_semaphore, #tpu.memory_space<semaphore_mem>>) src(%dma_wait3A_71 : memref<8000x128xf32, #tpu.memory_space<hbm>>) dst(%arg23 : memref<128x128xf32, #tpu.memory_space<vmem>>)
        %add3A_72 = arith.constant 1 : i32
        %add3A_73 = arith.addi %add3A_65, %add3A_72 : i32
        %mul3A_74 = arith.constant 128 : i32
        %mul3A_75 = arith.muli %add3A_73, %mul3A_74 : i32
        %multiple_of3A_76 = tpu.assume_multiple %mul3A_75, 128 : i32
        %dma_start3A_77 = tpu.memref_slice %arg21[%multiple_of3A_76] : memref<5120xi32, #tpu.memory_space<vmem>> -> memref<128xi32, #tpu.memory_space<vmem>>
        %dma_start3A_78 = arith.constant 0 : i32
        %dma_start3A_79 = arith.constant 0 : i32
        %dma_start3A_80 = tpu.memref_slice %arg3[%dma_start3A_78, %dma_start3A_79] : memref<8000x128xf32, #tpu.memory_space<hbm>> -> memref<8000x128xf32, #tpu.memory_space<hbm>>
        tpu.enqueue_indirect_dma source(%dma_start3A_80 : memref<8000x128xf32, #tpu.memory_space<hbm>>) target(%arg24 : memref<128x128xf32, #tpu.memory_space<vmem>>) offsets(%dma_start3A_77 : memref<128xi32, #tpu.memory_space<vmem>>) semaphore(%arg26 : memref<!tpu.dma_semaphore, #tpu.memory_space<semaphore_mem>>)
        %mul3A_81 = arith.constant 128 : i32
        %mul3A_82 = arith.muli %add3A_65, %mul3A_81 : i32
        %multiple_of3A_83 = tpu.assume_multiple %mul3A_82, 128 : i32
        "tpu.region"() ({
          %run_scoped3A = tpu.sem_alloc : memref<!tpu.dma_semaphore, #tpu.memory_space<semaphore_mem>>
          %dma_start3A_104 = tpu.memref_slice %arg22[%multiple_of3A_83] : memref<5120xi32, #tpu.memory_space<vmem>> -> memref<128xi32, #tpu.memory_space<vmem>>
          %dma_start3A_105 = arith.constant 0 : i32
          %dma_start3A_106 = arith.constant 0 : i32
          %dma_start3A_107 = tpu.memref_slice %arg19[%dma_start3A_105, %dma_start3A_106] : memref<8064x128xf32, #tpu.memory_space<vmem_shared>> -> memref<8064x128xf32, #tpu.memory_space<vmem_shared>>
          tpu.enqueue_indirect_dma source(%arg23 : memref<128x128xf32, #tpu.memory_space<vmem>>) target(%dma_start3A_107 : memref<8064x128xf32, #tpu.memory_space<vmem_shared>>) offsets(%dma_start3A_104 : memref<128xi32, #tpu.memory_space<vmem>>) semaphore(%run_scoped3A : memref<!tpu.dma_semaphore, #tpu.memory_space<semaphore_mem>>) {add = true}
          %dma_wait3A_108 = tpu.memref_slice %arg22[%multiple_of3A_83] : memref<5120xi32, #tpu.memory_space<vmem>> -> memref<128xi32, #tpu.memory_space<vmem>>
          %dma_wait3A_109 = arith.constant 0 : i32
          %dma_wait3A_110 = arith.constant 0 : i32
          %dma_wait3A_111 = tpu.memref_slice %arg19[%dma_wait3A_109, %dma_wait3A_110] : memref<8064x128xf32, #tpu.memory_space<vmem_shared>> -> memref<8064x128xf32, #tpu.memory_space<vmem_shared>>
          tpu.wait_indirect_dma semaphore(%run_scoped3A : memref<!tpu.dma_semaphore, #tpu.memory_space<semaphore_mem>>) src(%arg23 : memref<128x128xf32, #tpu.memory_space<vmem>>) dst(%dma_wait3A_111 : memref<8064x128xf32, #tpu.memory_space<vmem_shared>>)
          tpu.yield
        }) : () -> ()
        %add3A_84 = arith.constant 1 : i32
        %add3A_85 = arith.addi %add3A_65, %add3A_84 : i32
        %mul3A_86 = arith.constant 128 : i32
        %mul3A_87 = arith.muli %add3A_85, %mul3A_86 : i32
        %multiple_of3A_88 = tpu.assume_multiple %mul3A_87, 128 : i32
        %dma_wait3A_89 = tpu.memref_slice %arg21[%multiple_of3A_88] : memref<5120xi32, #tpu.memory_space<vmem>> -> memref<128xi32, #tpu.memory_space<vmem>>
        %dma_wait3A_90 = arith.constant 0 : i32
        %dma_wait3A_91 = arith.constant 0 : i32
        %dma_wait3A_92 = tpu.memref_slice %arg3[%dma_wait3A_90, %dma_wait3A_91] : memref<8000x128xf32, #tpu.memory_space<hbm>> -> memref<8000x128xf32, #tpu.memory_space<hbm>>
        tpu.wait_indirect_dma semaphore(%arg26 : memref<!tpu.dma_semaphore, #tpu.memory_space<semaphore_mem>>) src(%dma_wait3A_92 : memref<8000x128xf32, #tpu.memory_space<hbm>>) dst(%arg24 : memref<128x128xf32, #tpu.memory_space<vmem>>)
        %add3A_93 = arith.constant 2 : i32
        %add3A_94 = arith.addi %add3A_65, %add3A_93 : i32
        %lt3A = arith.constant 40 : i32
        %lt3A_95 = arith.cmpi slt, %add3A_94, %lt3A : i32
        %convert_element_type3A_96 = arith.extui %lt3A_95 : i1 to i32
        %cond3A_97 = arith.constant 0 : i32
        %cond3A_98 = arith.cmpi ne, %convert_element_type3A_96, %cond3A_97 : i32
        scf.if %cond3A_98 {
          %add3A_104 = arith.constant 2 : i32
          %add3A_105 = arith.addi %add3A_65, %add3A_104 : i32
          %mul3A_106 = arith.constant 128 : i32
          %mul3A_107 = arith.muli %add3A_105, %mul3A_106 : i32
          %multiple_of3A_108 = tpu.assume_multiple %mul3A_107, 128 : i32
          %dma_start3A_109 = tpu.memref_slice %arg21[%multiple_of3A_108] : memref<5120xi32, #tpu.memory_space<vmem>> -> memref<128xi32, #tpu.memory_space<vmem>>
          %dma_start3A_110 = arith.constant 0 : i32
          %dma_start3A_111 = arith.constant 0 : i32
          %dma_start3A_112 = tpu.memref_slice %arg3[%dma_start3A_110, %dma_start3A_111] : memref<8000x128xf32, #tpu.memory_space<hbm>> -> memref<8000x128xf32, #tpu.memory_space<hbm>>
          tpu.enqueue_indirect_dma source(%dma_start3A_112 : memref<8000x128xf32, #tpu.memory_space<hbm>>) target(%arg23 : memref<128x128xf32, #tpu.memory_space<vmem>>) offsets(%dma_start3A_109 : memref<128xi32, #tpu.memory_space<vmem>>) semaphore(%arg25 : memref<!tpu.dma_semaphore, #tpu.memory_space<semaphore_mem>>)
        } else {
        }
        %add3A_99 = arith.constant 1 : i32
        %add3A_100 = arith.addi %add3A_65, %add3A_99 : i32
        %mul3A_101 = arith.constant 128 : i32
        %mul3A_102 = arith.muli %add3A_100, %mul3A_101 : i32
        %multiple_of3A_103 = tpu.assume_multiple %mul3A_102, 128 : i32
        "tpu.region"() ({
          %run_scoped3A = tpu.sem_alloc : memref<!tpu.dma_semaphore, #tpu.memory_space<semaphore_mem>>
          %dma_start3A_104 = tpu.memref_slice %arg22[%multiple_of3A_103] : memref<5120xi32, #tpu.memory_space<vmem>> -> memref<128xi32, #tpu.memory_space<vmem>>
          %dma_start3A_105 = arith.constant 0 : i32
          %dma_start3A_106 = arith.constant 0 : i32
          %dma_start3A_107 = tpu.memref_slice %arg19[%dma_start3A_105, %dma_start3A_106] : memref<8064x128xf32, #tpu.memory_space<vmem_shared>> -> memref<8064x128xf32, #tpu.memory_space<vmem_shared>>
          tpu.enqueue_indirect_dma source(%arg24 : memref<128x128xf32, #tpu.memory_space<vmem>>) target(%dma_start3A_107 : memref<8064x128xf32, #tpu.memory_space<vmem_shared>>) offsets(%dma_start3A_104 : memref<128xi32, #tpu.memory_space<vmem>>) semaphore(%run_scoped3A : memref<!tpu.dma_semaphore, #tpu.memory_space<semaphore_mem>>) {add = true}
          %dma_wait3A_108 = tpu.memref_slice %arg22[%multiple_of3A_103] : memref<5120xi32, #tpu.memory_space<vmem>> -> memref<128xi32, #tpu.memory_space<vmem>>
          %dma_wait3A_109 = arith.constant 0 : i32
          %dma_wait3A_110 = arith.constant 0 : i32
          %dma_wait3A_111 = tpu.memref_slice %arg19[%dma_wait3A_109, %dma_wait3A_110] : memref<8064x128xf32, #tpu.memory_space<vmem_shared>> -> memref<8064x128xf32, #tpu.memory_space<vmem_shared>>
          tpu.wait_indirect_dma semaphore(%run_scoped3A : memref<!tpu.dma_semaphore, #tpu.memory_space<semaphore_mem>>) src(%arg24 : memref<128x128xf32, #tpu.memory_space<vmem>>) dst(%dma_wait3A_111 : memref<8064x128xf32, #tpu.memory_space<vmem_shared>>)
          tpu.yield
        }) : () -> ()
      }
      %scan3A_61 = arith.constant 20 : i32
    } else {
    }
    %barrier3A_39 = arith.constant 0 : index
    tpu.barrier barrier_id(%barrier3A_39)
    %eq3A_40 = arith.constant 0 : i32
    %eq3A_41 = arith.cmpi eq, %arg0, %eq3A_40 : i32
    %convert_element_type3A_42 = arith.extui %eq3A_41 : i1 to i32
    %cond3A_43 = arith.constant 0 : i32
    %cond3A_44 = arith.cmpi ne, %convert_element_type3A_42, %cond3A_43 : i32
    scf.if %cond3A_44 {
      %lt3A = arith.constant 15 : i32
      %lt3A_50 = arith.cmpi slt, %arg1, %lt3A : i32
      %convert_element_type3A_51 = arith.extui %lt3A_50 : i1 to i32
      %cond3A_52 = arith.constant 0 : i32
      %cond3A_53 = arith.cmpi ne, %convert_element_type3A_51, %cond3A_52 : i32
      scf.if %cond3A_53 {
        %mul3A_59 = arith.constant 128 : i32
        %mul3A_60 = arith.muli %arg1, %mul3A_59 : i32
        %multiple_of3A_61 = tpu.assume_multiple %mul3A_60, 8 : i32
        "tpu.region"() ({
          %run_scoped3A = tpu.sem_alloc : memref<!tpu.dma_semaphore, #tpu.memory_space<semaphore_mem>>
          %dma_start3A = arith.constant 0 : i32
          %dma_start3A_62 = tpu.memref_slice %arg18[%multiple_of3A_61, %dma_start3A] : memref<2000x128xf32, #tpu.memory_space<hbm>> -> memref<128x128xf32, #tpu.memory_space<hbm>>
          %dma_start3A_63 = arith.constant 0 : i32
          %dma_start3A_64 = tpu.memref_slice %arg19[%multiple_of3A_61, %dma_start3A_63] : memref<8064x128xf32, #tpu.memory_space<vmem_shared>> -> memref<128x128xf32, #tpu.memory_space<vmem_shared>>
          tpu.enqueue_dma source(%dma_start3A_64 : memref<128x128xf32, #tpu.memory_space<vmem_shared>>) target(%dma_start3A_62 : memref<128x128xf32, #tpu.memory_space<hbm>>) target_semaphore(%run_scoped3A : memref<!tpu.dma_semaphore, #tpu.memory_space<semaphore_mem>>)
          %dma_wait3A = arith.constant 0 : i32
          %dma_wait3A_65 = tpu.memref_slice %arg18[%multiple_of3A_61, %dma_wait3A] : memref<2000x128xf32, #tpu.memory_space<hbm>> -> memref<128x128xf32, #tpu.memory_space<hbm>>
          %dma_wait3A_66 = arith.constant 0 : i32
          %dma_wait3A_67 = tpu.memref_slice %arg19[%multiple_of3A_61, %dma_wait3A_66] : memref<8064x128xf32, #tpu.memory_space<vmem_shared>> -> memref<128x128xf32, #tpu.memory_space<vmem_shared>>
          tpu.wait_dma2 semaphore(%run_scoped3A : memref<!tpu.dma_semaphore, #tpu.memory_space<semaphore_mem>>) src(%dma_wait3A_67 : memref<128x128xf32, #tpu.memory_space<vmem_shared>>) dst(%dma_wait3A_65 : memref<128x128xf32, #tpu.memory_space<hbm>>)
          tpu.yield
        }) : () -> ()
      } else {
      }
      %eq3A_54 = arith.constant 15 : i32
      %eq3A_55 = arith.cmpi eq, %arg1, %eq3A_54 : i32
      %convert_element_type3A_56 = arith.extui %eq3A_55 : i1 to i32
      %cond3A_57 = arith.constant 0 : i32
      %cond3A_58 = arith.cmpi ne, %convert_element_type3A_56, %cond3A_57 : i32
      scf.if %cond3A_58 {
        "tpu.region"() ({
          %run_scoped3A = tpu.sem_alloc : memref<!tpu.dma_semaphore, #tpu.memory_space<semaphore_mem>>
          %dma_start3A = arith.constant 1920 : i32
          %dma_start3A_59 = arith.constant 0 : i32
          %dma_start3A_60 = tpu.memref_slice %arg18[%dma_start3A, %dma_start3A_59] : memref<2000x128xf32, #tpu.memory_space<hbm>> -> memref<80x128xf32, #tpu.memory_space<hbm>>
          %dma_start3A_61 = arith.constant 1920 : i32
          %dma_start3A_62 = arith.constant 0 : i32
          %dma_start3A_63 = tpu.memref_slice %arg19[%dma_start3A_61, %dma_start3A_62] : memref<8064x128xf32, #tpu.memory_space<vmem_shared>> -> memref<80x128xf32, #tpu.memory_space<vmem_shared>>
          tpu.enqueue_dma source(%dma_start3A_63 : memref<80x128xf32, #tpu.memory_space<vmem_shared>>) target(%dma_start3A_60 : memref<80x128xf32, #tpu.memory_space<hbm>>) target_semaphore(%run_scoped3A : memref<!tpu.dma_semaphore, #tpu.memory_space<semaphore_mem>>)
          %dma_wait3A = arith.constant 1920 : i32
          %dma_wait3A_64 = arith.constant 0 : i32
          %dma_wait3A_65 = tpu.memref_slice %arg18[%dma_wait3A, %dma_wait3A_64] : memref<2000x128xf32, #tpu.memory_space<hbm>> -> memref<80x128xf32, #tpu.memory_space<hbm>>
          %dma_wait3A_66 = arith.constant 1920 : i32
          %dma_wait3A_67 = arith.constant 0 : i32
          %dma_wait3A_68 = tpu.memref_slice %arg19[%dma_wait3A_66, %dma_wait3A_67] : memref<8064x128xf32, #tpu.memory_space<vmem_shared>> -> memref<80x128xf32, #tpu.memory_space<vmem_shared>>
          tpu.wait_dma2 semaphore(%run_scoped3A : memref<!tpu.dma_semaphore, #tpu.memory_space<semaphore_mem>>) src(%dma_wait3A_68 : memref<80x128xf32, #tpu.memory_space<vmem_shared>>) dst(%dma_wait3A_65 : memref<80x128xf32, #tpu.memory_space<hbm>>)
          tpu.yield
        }) : () -> ()
      } else {
      }
    } else {
    }
    %eq3A_45 = arith.constant 1 : i32
    %eq3A_46 = arith.cmpi eq, %arg0, %eq3A_45 : i32
    %convert_element_type3A_47 = arith.extui %eq3A_46 : i1 to i32
    %cond3A_48 = arith.constant 0 : i32
    %cond3A_49 = arith.cmpi ne, %convert_element_type3A_47, %cond3A_48 : i32
    scf.if %cond3A_49 {
      %lt3A = arith.constant 15 : i32
      %lt3A_50 = arith.cmpi slt, %arg1, %lt3A : i32
      %convert_element_type3A_51 = arith.extui %lt3A_50 : i1 to i32
      %cond3A_52 = arith.constant 0 : i32
      %cond3A_53 = arith.cmpi ne, %convert_element_type3A_51, %cond3A_52 : i32
      scf.if %cond3A_53 {
        %mul3A_59 = arith.constant 128 : i32
        %mul3A_60 = arith.muli %arg1, %mul3A_59 : i32
        %multiple_of3A_61 = tpu.assume_multiple %mul3A_60, 8 : i32
        "tpu.region"() ({
          %run_scoped3A = tpu.sem_alloc : memref<!tpu.dma_semaphore, #tpu.memory_space<semaphore_mem>>
          %dma_start3A = arith.constant 0 : i32
          %dma_start3A_62 = tpu.memref_slice %arg16[%multiple_of3A_61, %dma_start3A] : memref<2000x128xf32, #tpu.memory_space<hbm>> -> memref<128x128xf32, #tpu.memory_space<hbm>>
          %dma_start3A_63 = arith.constant 0 : i32
          %dma_start3A_64 = tpu.memref_slice %arg19[%multiple_of3A_61, %dma_start3A_63] : memref<8064x128xf32, #tpu.memory_space<vmem_shared>> -> memref<128x128xf32, #tpu.memory_space<vmem_shared>>
          tpu.enqueue_dma source(%dma_start3A_64 : memref<128x128xf32, #tpu.memory_space<vmem_shared>>) target(%dma_start3A_62 : memref<128x128xf32, #tpu.memory_space<hbm>>) target_semaphore(%run_scoped3A : memref<!tpu.dma_semaphore, #tpu.memory_space<semaphore_mem>>)
          %dma_wait3A = arith.constant 0 : i32
          %dma_wait3A_65 = tpu.memref_slice %arg16[%multiple_of3A_61, %dma_wait3A] : memref<2000x128xf32, #tpu.memory_space<hbm>> -> memref<128x128xf32, #tpu.memory_space<hbm>>
          %dma_wait3A_66 = arith.constant 0 : i32
          %dma_wait3A_67 = tpu.memref_slice %arg19[%multiple_of3A_61, %dma_wait3A_66] : memref<8064x128xf32, #tpu.memory_space<vmem_shared>> -> memref<128x128xf32, #tpu.memory_space<vmem_shared>>
          tpu.wait_dma2 semaphore(%run_scoped3A : memref<!tpu.dma_semaphore, #tpu.memory_space<semaphore_mem>>) src(%dma_wait3A_67 : memref<128x128xf32, #tpu.memory_space<vmem_shared>>) dst(%dma_wait3A_65 : memref<128x128xf32, #tpu.memory_space<hbm>>)
          tpu.yield
        }) : () -> ()
      } else {
      }
      %eq3A_54 = arith.constant 15 : i32
      %eq3A_55 = arith.cmpi eq, %arg1, %eq3A_54 : i32
      %convert_element_type3A_56 = arith.extui %eq3A_55 : i1 to i32
      %cond3A_57 = arith.constant 0 : i32
      %cond3A_58 = arith.cmpi ne, %convert_element_type3A_56, %cond3A_57 : i32
      scf.if %cond3A_58 {
        "tpu.region"() ({
          %run_scoped3A = tpu.sem_alloc : memref<!tpu.dma_semaphore, #tpu.memory_space<semaphore_mem>>
          %dma_start3A = arith.constant 1920 : i32
          %dma_start3A_59 = arith.constant 0 : i32
          %dma_start3A_60 = tpu.memref_slice %arg16[%dma_start3A, %dma_start3A_59] : memref<2000x128xf32, #tpu.memory_space<hbm>> -> memref<80x128xf32, #tpu.memory_space<hbm>>
          %dma_start3A_61 = arith.constant 1920 : i32
          %dma_start3A_62 = arith.constant 0 : i32
          %dma_start3A_63 = tpu.memref_slice %arg19[%dma_start3A_61, %dma_start3A_62] : memref<8064x128xf32, #tpu.memory_space<vmem_shared>> -> memref<80x128xf32, #tpu.memory_space<vmem_shared>>
          tpu.enqueue_dma source(%dma_start3A_63 : memref<80x128xf32, #tpu.memory_space<vmem_shared>>) target(%dma_start3A_60 : memref<80x128xf32, #tpu.memory_space<hbm>>) target_semaphore(%run_scoped3A : memref<!tpu.dma_semaphore, #tpu.memory_space<semaphore_mem>>)
          %dma_wait3A = arith.constant 1920 : i32
          %dma_wait3A_64 = arith.constant 0 : i32
          %dma_wait3A_65 = tpu.memref_slice %arg16[%dma_wait3A, %dma_wait3A_64] : memref<2000x128xf32, #tpu.memory_space<hbm>> -> memref<80x128xf32, #tpu.memory_space<hbm>>
          %dma_wait3A_66 = arith.constant 1920 : i32
          %dma_wait3A_67 = arith.constant 0 : i32
          %dma_wait3A_68 = tpu.memref_slice %arg19[%dma_wait3A_66, %dma_wait3A_67] : memref<8064x128xf32, #tpu.memory_space<vmem_shared>> -> memref<80x128xf32, #tpu.memory_space<vmem_shared>>
          tpu.wait_dma2 semaphore(%run_scoped3A : memref<!tpu.dma_semaphore, #tpu.memory_space<semaphore_mem>>) src(%dma_wait3A_68 : memref<80x128xf32, #tpu.memory_space<vmem_shared>>) dst(%dma_wait3A_65 : memref<80x128xf32, #tpu.memory_space<hbm>>)
          tpu.yield
        }) : () -> ()
      } else {
      }
    } else {
    }
    return
  }
}

#map = affine_map<(d0, d1) -> (0)>
#map1 = affine_map<(d0, d1) -> (0, 0)>
module attributes {stable_mosaic.version = 14 : i64} {
  func.func @_hist(%arg0: i32, %arg1: i32, %arg2: memref<81920xi32, #tpu.memory_space<hbm>>, %arg3: memref<81920xi32, #tpu.memory_space<hbm>>, %arg4: memref<81920xi32, #tpu.memory_space<hbm>>, %arg5: memref<81920xi32, #tpu.memory_space<hbm>>, %arg6: memref<81920xi32, #tpu.memory_space<hbm>>, %arg7: memref<81920xi32, #tpu.memory_space<hbm>>, %arg8: memref<81920xi32, #tpu.memory_space<hbm>>, %arg9: memref<81920xi32, #tpu.memory_space<hbm>>, %arg10: memref<1024x128xf32, #tpu.memory_space<hbm>>, %arg11: memref<504x128xf32, #tpu.memory_space<hbm>>, %arg12: memref<8000x128xf32, #tpu.memory_space<hbm>>, %arg13: memref<2000x128xf32, #tpu.memory_space<hbm>>, %arg14: memref<8064x128xf32, #tpu.memory_space<vmem_shared>>, %arg15: memref<2048x128xf32, #tpu.memory_space<vmem_shared>>, %arg16: memref<5120xi32, #tpu.memory_space<vmem>>, %arg17: memref<256x128xf32, #tpu.memory_space<vmem>>) attributes {dimension_semantics = [#tpu.dimension_semantics<core_parallel>, #tpu.dimension_semantics<subcore_parallel>], iteration_bounds = array<i64: 2, 16>, scalar_prefetch = 0 : i64, scratch_operands = 4 : i64, tpu.core_type = #tpu.core_type<sc_vector_subcore>, window_params = [{transform_indices = #map}, {transform_indices = #map}, {transform_indices = #map}, {transform_indices = #map}, {transform_indices = #map}, {transform_indices = #map}, {transform_indices = #map}, {transform_indices = #map}, {transform_indices = #map1}, {transform_indices = #map1}, {transform_indices = #map1}, {transform_indices = #map1}]} {
    %mul3A = arith.constant 504 : i32
    %mul3A_0 = arith.muli %arg1, %mul3A : i32
    %multiple_of3A = tpu.assume_multiple %mul3A_0, 8 : i32
    "tpu.region"() ({
      %run_scoped3A = tpu.sem_alloc : memref<!tpu.dma_semaphore, #tpu.memory_space<semaphore_mem>>
      %dma_start3A = arith.constant 0 : i32
      %dma_start3A_22 = tpu.memref_slice %arg14[%multiple_of3A, %dma_start3A] : memref<8064x128xf32, #tpu.memory_space<vmem_shared>> -> memref<504x128xf32, #tpu.memory_space<vmem_shared>>
      %dma_start3A_23 = arith.constant 0 : i32
      %dma_start3A_24 = arith.constant 0 : i32
      %dma_start3A_25 = tpu.memref_slice %arg11[%dma_start3A_23, %dma_start3A_24] : memref<504x128xf32, #tpu.memory_space<hbm>> -> memref<504x128xf32, #tpu.memory_space<hbm>>
      tpu.enqueue_dma source(%dma_start3A_25 : memref<504x128xf32, #tpu.memory_space<hbm>>) target(%dma_start3A_22 : memref<504x128xf32, #tpu.memory_space<vmem_shared>>) target_semaphore(%run_scoped3A : memref<!tpu.dma_semaphore, #tpu.memory_space<semaphore_mem>>)
      %dma_wait3A = arith.constant 0 : i32
      %dma_wait3A_26 = tpu.memref_slice %arg14[%multiple_of3A, %dma_wait3A] : memref<8064x128xf32, #tpu.memory_space<vmem_shared>> -> memref<504x128xf32, #tpu.memory_space<vmem_shared>>
      %dma_wait3A_27 = arith.constant 0 : i32
      %dma_wait3A_28 = arith.constant 0 : i32
      %dma_wait3A_29 = tpu.memref_slice %arg11[%dma_wait3A_27, %dma_wait3A_28] : memref<504x128xf32, #tpu.memory_space<hbm>> -> memref<504x128xf32, #tpu.memory_space<hbm>>
      tpu.wait_dma2 semaphore(%run_scoped3A : memref<!tpu.dma_semaphore, #tpu.memory_space<semaphore_mem>>) src(%dma_wait3A_29 : memref<504x128xf32, #tpu.memory_space<hbm>>) dst(%dma_wait3A_26 : memref<504x128xf32, #tpu.memory_space<vmem_shared>>)
      tpu.yield
    }) : () -> ()
    %mul3A_1 = arith.constant 128 : i32
    %mul3A_2 = arith.muli %arg1, %mul3A_1 : i32
    %multiple_of3A_3 = tpu.assume_multiple %mul3A_2, 8 : i32
    "tpu.region"() ({
      %run_scoped3A = tpu.sem_alloc : memref<!tpu.dma_semaphore, #tpu.memory_space<semaphore_mem>>
      %dma_start3A = arith.constant 0 : i32
      %dma_start3A_22 = tpu.memref_slice %arg15[%multiple_of3A_3, %dma_start3A] : memref<2048x128xf32, #tpu.memory_space<vmem_shared>> -> memref<128x128xf32, #tpu.memory_space<vmem_shared>>
      %dma_start3A_23 = arith.constant 0 : i32
      %dma_start3A_24 = arith.constant 0 : i32
      %dma_start3A_25 = tpu.memref_slice %arg11[%dma_start3A_23, %dma_start3A_24] : memref<504x128xf32, #tpu.memory_space<hbm>> -> memref<128x128xf32, #tpu.memory_space<hbm>>
      tpu.enqueue_dma source(%dma_start3A_25 : memref<128x128xf32, #tpu.memory_space<hbm>>) target(%dma_start3A_22 : memref<128x128xf32, #tpu.memory_space<vmem_shared>>) target_semaphore(%run_scoped3A : memref<!tpu.dma_semaphore, #tpu.memory_space<semaphore_mem>>)
      %dma_wait3A = arith.constant 0 : i32
      %dma_wait3A_26 = tpu.memref_slice %arg15[%multiple_of3A_3, %dma_wait3A] : memref<2048x128xf32, #tpu.memory_space<vmem_shared>> -> memref<128x128xf32, #tpu.memory_space<vmem_shared>>
      %dma_wait3A_27 = arith.constant 0 : i32
      %dma_wait3A_28 = arith.constant 0 : i32
      %dma_wait3A_29 = tpu.memref_slice %arg11[%dma_wait3A_27, %dma_wait3A_28] : memref<504x128xf32, #tpu.memory_space<hbm>> -> memref<128x128xf32, #tpu.memory_space<hbm>>
      tpu.wait_dma2 semaphore(%run_scoped3A : memref<!tpu.dma_semaphore, #tpu.memory_space<semaphore_mem>>) src(%dma_wait3A_29 : memref<128x128xf32, #tpu.memory_space<hbm>>) dst(%dma_wait3A_26 : memref<128x128xf32, #tpu.memory_space<vmem_shared>>)
      tpu.yield
    }) : () -> ()
    %barrier3A = arith.constant 0 : index
    tpu.barrier barrier_id(%barrier3A)
    %eq3A = arith.constant 0 : i32
    %eq3A_4 = arith.cmpi eq, %arg0, %eq3A : i32
    %convert_element_type3A = arith.extui %eq3A_4 : i1 to i32
    %cond3A = arith.constant 0 : i32
    %cond3A_5 = arith.cmpi ne, %convert_element_type3A, %cond3A : i32
    scf.if %cond3A_5 {
      "tpu.region"() ({
        %run_scoped3A = tpu.sem_alloc : memref<!tpu.dma_semaphore, #tpu.memory_space<semaphore_mem>>
        %dma_start3A = arith.constant 0 : i32
        %dma_start3A_53 = arith.constant 0 : i32
        %dma_start3A_54 = tpu.memref_slice %arg10[%dma_start3A, %dma_start3A_53] : memref<1024x128xf32, #tpu.memory_space<hbm>> -> memref<256x128xf32, #tpu.memory_space<hbm>>
        %dma_start3A_55 = arith.constant 0 : i32
        %dma_start3A_56 = arith.constant 0 : i32
        %dma_start3A_57 = tpu.memref_slice %arg10[%dma_start3A_55, %dma_start3A_56] : memref<1024x128xf32, #tpu.memory_space<hbm>> -> memref<256x128xf32, #tpu.memory_space<hbm>>
        tpu.enqueue_dma source(%dma_start3A_57 : memref<256x128xf32, #tpu.memory_space<hbm>>) target(%arg17 : memref<256x128xf32, #tpu.memory_space<vmem>>) target_semaphore(%run_scoped3A : memref<!tpu.dma_semaphore, #tpu.memory_space<semaphore_mem>>)
        %dma_wait3A = arith.constant 0 : i32
        %dma_wait3A_58 = arith.constant 0 : i32
        %dma_wait3A_59 = tpu.memref_slice %arg10[%dma_wait3A, %dma_wait3A_58] : memref<1024x128xf32, #tpu.memory_space<hbm>> -> memref<256x128xf32, #tpu.memory_space<hbm>>
        %dma_wait3A_60 = arith.constant 0 : i32
        %dma_wait3A_61 = arith.constant 0 : i32
        %dma_wait3A_62 = tpu.memref_slice %arg10[%dma_wait3A_60, %dma_wait3A_61] : memref<1024x128xf32, #tpu.memory_space<hbm>> -> memref<256x128xf32, #tpu.memory_space<hbm>>
        tpu.wait_dma2 semaphore(%run_scoped3A : memref<!tpu.dma_semaphore, #tpu.memory_space<semaphore_mem>>) src(%dma_wait3A_62 : memref<256x128xf32, #tpu.memory_space<hbm>>) dst(%arg17 : memref<256x128xf32, #tpu.memory_space<vmem>>)
        tpu.yield
      }) : () -> ()
      %mul3A_22 = arith.constant 5120 : i32
      %mul3A_23 = arith.muli %arg1, %mul3A_22 : i32
      %multiple_of3A_24 = tpu.assume_multiple %mul3A_23, 256 : i32
      "tpu.region"() ({
        %run_scoped3A = tpu.sem_alloc : memref<!tpu.dma_semaphore, #tpu.memory_space<semaphore_mem>>
        %dma_start3A = tpu.memref_slice %arg2[%multiple_of3A_24] : memref<81920xi32, #tpu.memory_space<hbm>> -> memref<5120xi32, #tpu.memory_space<hbm>>
        %dma_start3A_53 = tpu.memref_slice %arg2[%multiple_of3A_24] : memref<81920xi32, #tpu.memory_space<hbm>> -> memref<5120xi32, #tpu.memory_space<hbm>>
        tpu.enqueue_dma source(%dma_start3A_53 : memref<5120xi32, #tpu.memory_space<hbm>>) target(%arg16 : memref<5120xi32, #tpu.memory_space<vmem>>) target_semaphore(%run_scoped3A : memref<!tpu.dma_semaphore, #tpu.memory_space<semaphore_mem>>)
        %dma_wait3A = tpu.memref_slice %arg2[%multiple_of3A_24] : memref<81920xi32, #tpu.memory_space<hbm>> -> memref<5120xi32, #tpu.memory_space<hbm>>
        %dma_wait3A_54 = tpu.memref_slice %arg2[%multiple_of3A_24] : memref<81920xi32, #tpu.memory_space<hbm>> -> memref<5120xi32, #tpu.memory_space<hbm>>
        tpu.wait_dma2 semaphore(%run_scoped3A : memref<!tpu.dma_semaphore, #tpu.memory_space<semaphore_mem>>) src(%dma_wait3A_54 : memref<5120xi32, #tpu.memory_space<hbm>>) dst(%arg16 : memref<5120xi32, #tpu.memory_space<vmem>>)
        tpu.yield
      }) : () -> ()
      %scan3A = arith.constant 0 : i32
      %scan3A_25 = arith.constant 20 : i32
      %scan3A_26 = arith.addi %scan3A, %scan3A_25 : i32
      %scan3A_27 = arith.constant 1 : i32
      scf.for %scan3A_53 = %scan3A to %scan3A_26 step %scan3A_27  : i32 {
        %mul3A_54 = arith.constant 1 : i32
        %mul3A_55 = arith.muli %scan3A_53, %mul3A_54 : i32
        %add3A = arith.constant 0 : i32
        %add3A_56 = arith.addi %add3A, %mul3A_55 : i32
        %mul3A_57 = arith.constant 256 : i32
        %mul3A_58 = arith.muli %add3A_56, %mul3A_57 : i32
        %multiple_of3A_59 = tpu.assume_multiple %mul3A_58, 256 : i32
        "tpu.region"() ({
          %run_scoped3A = tpu.sem_alloc : memref<!tpu.dma_semaphore, #tpu.memory_space<semaphore_mem>>
          %dma_start3A = tpu.memref_slice %arg16[%multiple_of3A_59] : memref<5120xi32, #tpu.memory_space<vmem>> -> memref<256xi32, #tpu.memory_space<vmem>>
          %dma_start3A_60 = arith.constant 0 : i32
          %dma_start3A_61 = arith.constant 0 : i32
          %dma_start3A_62 = tpu.memref_slice %arg14[%dma_start3A_60, %dma_start3A_61] : memref<8064x128xf32, #tpu.memory_space<vmem_shared>> -> memref<8064x128xf32, #tpu.memory_space<vmem_shared>>
          tpu.enqueue_indirect_dma source(%arg17 : memref<256x128xf32, #tpu.memory_space<vmem>>) target(%dma_start3A_62 : memref<8064x128xf32, #tpu.memory_space<vmem_shared>>) offsets(%dma_start3A : memref<256xi32, #tpu.memory_space<vmem>>) semaphore(%run_scoped3A : memref<!tpu.dma_semaphore, #tpu.memory_space<semaphore_mem>>) {add = true}
          %dma_wait3A = tpu.memref_slice %arg16[%multiple_of3A_59] : memref<5120xi32, #tpu.memory_space<vmem>> -> memref<256xi32, #tpu.memory_space<vmem>>
          %dma_wait3A_63 = arith.constant 0 : i32
          %dma_wait3A_64 = arith.constant 0 : i32
          %dma_wait3A_65 = tpu.memref_slice %arg14[%dma_wait3A_63, %dma_wait3A_64] : memref<8064x128xf32, #tpu.memory_space<vmem_shared>> -> memref<8064x128xf32, #tpu.memory_space<vmem_shared>>
          tpu.wait_indirect_dma semaphore(%run_scoped3A : memref<!tpu.dma_semaphore, #tpu.memory_space<semaphore_mem>>) src(%arg17 : memref<256x128xf32, #tpu.memory_space<vmem>>) dst(%dma_wait3A_65 : memref<8064x128xf32, #tpu.memory_space<vmem_shared>>)
          tpu.yield
        }) : () -> ()
      }
      %scan3A_28 = arith.constant 20 : i32
      "tpu.region"() ({
        %run_scoped3A = tpu.sem_alloc : memref<!tpu.dma_semaphore, #tpu.memory_space<semaphore_mem>>
        %dma_start3A = arith.constant 256 : i32
        %dma_start3A_53 = arith.constant 0 : i32
        %dma_start3A_54 = tpu.memref_slice %arg10[%dma_start3A, %dma_start3A_53] : memref<1024x128xf32, #tpu.memory_space<hbm>> -> memref<256x128xf32, #tpu.memory_space<hbm>>
        %dma_start3A_55 = arith.constant 256 : i32
        %dma_start3A_56 = arith.constant 0 : i32
        %dma_start3A_57 = tpu.memref_slice %arg10[%dma_start3A_55, %dma_start3A_56] : memref<1024x128xf32, #tpu.memory_space<hbm>> -> memref<256x128xf32, #tpu.memory_space<hbm>>
        tpu.enqueue_dma source(%dma_start3A_57 : memref<256x128xf32, #tpu.memory_space<hbm>>) target(%arg17 : memref<256x128xf32, #tpu.memory_space<vmem>>) target_semaphore(%run_scoped3A : memref<!tpu.dma_semaphore, #tpu.memory_space<semaphore_mem>>)
        %dma_wait3A = arith.constant 256 : i32
        %dma_wait3A_58 = arith.constant 0 : i32
        %dma_wait3A_59 = tpu.memref_slice %arg10[%dma_wait3A, %dma_wait3A_58] : memref<1024x128xf32, #tpu.memory_space<hbm>> -> memref<256x128xf32, #tpu.memory_space<hbm>>
        %dma_wait3A_60 = arith.constant 256 : i32
        %dma_wait3A_61 = arith.constant 0 : i32
        %dma_wait3A_62 = tpu.memref_slice %arg10[%dma_wait3A_60, %dma_wait3A_61] : memref<1024x128xf32, #tpu.memory_space<hbm>> -> memref<256x128xf32, #tpu.memory_space<hbm>>
        tpu.wait_dma2 semaphore(%run_scoped3A : memref<!tpu.dma_semaphore, #tpu.memory_space<semaphore_mem>>) src(%dma_wait3A_62 : memref<256x128xf32, #tpu.memory_space<hbm>>) dst(%arg17 : memref<256x128xf32, #tpu.memory_space<vmem>>)
        tpu.yield
      }) : () -> ()
      %mul3A_29 = arith.constant 5120 : i32
      %mul3A_30 = arith.muli %arg1, %mul3A_29 : i32
      %multiple_of3A_31 = tpu.assume_multiple %mul3A_30, 256 : i32
      "tpu.region"() ({
        %run_scoped3A = tpu.sem_alloc : memref<!tpu.dma_semaphore, #tpu.memory_space<semaphore_mem>>
        %dma_start3A = tpu.memref_slice %arg3[%multiple_of3A_31] : memref<81920xi32, #tpu.memory_space<hbm>> -> memref<5120xi32, #tpu.memory_space<hbm>>
        %dma_start3A_53 = tpu.memref_slice %arg3[%multiple_of3A_31] : memref<81920xi32, #tpu.memory_space<hbm>> -> memref<5120xi32, #tpu.memory_space<hbm>>
        tpu.enqueue_dma source(%dma_start3A_53 : memref<5120xi32, #tpu.memory_space<hbm>>) target(%arg16 : memref<5120xi32, #tpu.memory_space<vmem>>) target_semaphore(%run_scoped3A : memref<!tpu.dma_semaphore, #tpu.memory_space<semaphore_mem>>)
        %dma_wait3A = tpu.memref_slice %arg3[%multiple_of3A_31] : memref<81920xi32, #tpu.memory_space<hbm>> -> memref<5120xi32, #tpu.memory_space<hbm>>
        %dma_wait3A_54 = tpu.memref_slice %arg3[%multiple_of3A_31] : memref<81920xi32, #tpu.memory_space<hbm>> -> memref<5120xi32, #tpu.memory_space<hbm>>
        tpu.wait_dma2 semaphore(%run_scoped3A : memref<!tpu.dma_semaphore, #tpu.memory_space<semaphore_mem>>) src(%dma_wait3A_54 : memref<5120xi32, #tpu.memory_space<hbm>>) dst(%arg16 : memref<5120xi32, #tpu.memory_space<vmem>>)
        tpu.yield
      }) : () -> ()
      %scan3A_32 = arith.constant 0 : i32
      %scan3A_33 = arith.constant 20 : i32
      %scan3A_34 = arith.addi %scan3A_32, %scan3A_33 : i32
      %scan3A_35 = arith.constant 1 : i32
      scf.for %scan3A_53 = %scan3A_32 to %scan3A_34 step %scan3A_35  : i32 {
        %mul3A_54 = arith.constant 1 : i32
        %mul3A_55 = arith.muli %scan3A_53, %mul3A_54 : i32
        %add3A = arith.constant 0 : i32
        %add3A_56 = arith.addi %add3A, %mul3A_55 : i32
        %mul3A_57 = arith.constant 256 : i32
        %mul3A_58 = arith.muli %add3A_56, %mul3A_57 : i32
        %multiple_of3A_59 = tpu.assume_multiple %mul3A_58, 256 : i32
        "tpu.region"() ({
          %run_scoped3A = tpu.sem_alloc : memref<!tpu.dma_semaphore, #tpu.memory_space<semaphore_mem>>
          %dma_start3A = tpu.memref_slice %arg16[%multiple_of3A_59] : memref<5120xi32, #tpu.memory_space<vmem>> -> memref<256xi32, #tpu.memory_space<vmem>>
          %dma_start3A_60 = arith.constant 0 : i32
          %dma_start3A_61 = arith.constant 0 : i32
          %dma_start3A_62 = tpu.memref_slice %arg14[%dma_start3A_60, %dma_start3A_61] : memref<8064x128xf32, #tpu.memory_space<vmem_shared>> -> memref<8064x128xf32, #tpu.memory_space<vmem_shared>>
          tpu.enqueue_indirect_dma source(%arg17 : memref<256x128xf32, #tpu.memory_space<vmem>>) target(%dma_start3A_62 : memref<8064x128xf32, #tpu.memory_space<vmem_shared>>) offsets(%dma_start3A : memref<256xi32, #tpu.memory_space<vmem>>) semaphore(%run_scoped3A : memref<!tpu.dma_semaphore, #tpu.memory_space<semaphore_mem>>) {add = true}
          %dma_wait3A = tpu.memref_slice %arg16[%multiple_of3A_59] : memref<5120xi32, #tpu.memory_space<vmem>> -> memref<256xi32, #tpu.memory_space<vmem>>
          %dma_wait3A_63 = arith.constant 0 : i32
          %dma_wait3A_64 = arith.constant 0 : i32
          %dma_wait3A_65 = tpu.memref_slice %arg14[%dma_wait3A_63, %dma_wait3A_64] : memref<8064x128xf32, #tpu.memory_space<vmem_shared>> -> memref<8064x128xf32, #tpu.memory_space<vmem_shared>>
          tpu.wait_indirect_dma semaphore(%run_scoped3A : memref<!tpu.dma_semaphore, #tpu.memory_space<semaphore_mem>>) src(%arg17 : memref<256x128xf32, #tpu.memory_space<vmem>>) dst(%dma_wait3A_65 : memref<8064x128xf32, #tpu.memory_space<vmem_shared>>)
          tpu.yield
        }) : () -> ()
      }
      %scan3A_36 = arith.constant 20 : i32
      "tpu.region"() ({
        %run_scoped3A = tpu.sem_alloc : memref<!tpu.dma_semaphore, #tpu.memory_space<semaphore_mem>>
        %dma_start3A = arith.constant 512 : i32
        %dma_start3A_53 = arith.constant 0 : i32
        %dma_start3A_54 = tpu.memref_slice %arg10[%dma_start3A, %dma_start3A_53] : memref<1024x128xf32, #tpu.memory_space<hbm>> -> memref<256x128xf32, #tpu.memory_space<hbm>>
        %dma_start3A_55 = arith.constant 512 : i32
        %dma_start3A_56 = arith.constant 0 : i32
        %dma_start3A_57 = tpu.memref_slice %arg10[%dma_start3A_55, %dma_start3A_56] : memref<1024x128xf32, #tpu.memory_space<hbm>> -> memref<256x128xf32, #tpu.memory_space<hbm>>
        tpu.enqueue_dma source(%dma_start3A_57 : memref<256x128xf32, #tpu.memory_space<hbm>>) target(%arg17 : memref<256x128xf32, #tpu.memory_space<vmem>>) target_semaphore(%run_scoped3A : memref<!tpu.dma_semaphore, #tpu.memory_space<semaphore_mem>>)
        %dma_wait3A = arith.constant 512 : i32
        %dma_wait3A_58 = arith.constant 0 : i32
        %dma_wait3A_59 = tpu.memref_slice %arg10[%dma_wait3A, %dma_wait3A_58] : memref<1024x128xf32, #tpu.memory_space<hbm>> -> memref<256x128xf32, #tpu.memory_space<hbm>>
        %dma_wait3A_60 = arith.constant 512 : i32
        %dma_wait3A_61 = arith.constant 0 : i32
        %dma_wait3A_62 = tpu.memref_slice %arg10[%dma_wait3A_60, %dma_wait3A_61] : memref<1024x128xf32, #tpu.memory_space<hbm>> -> memref<256x128xf32, #tpu.memory_space<hbm>>
        tpu.wait_dma2 semaphore(%run_scoped3A : memref<!tpu.dma_semaphore, #tpu.memory_space<semaphore_mem>>) src(%dma_wait3A_62 : memref<256x128xf32, #tpu.memory_space<hbm>>) dst(%arg17 : memref<256x128xf32, #tpu.memory_space<vmem>>)
        tpu.yield
      }) : () -> ()
      %mul3A_37 = arith.constant 5120 : i32
      %mul3A_38 = arith.muli %arg1, %mul3A_37 : i32
      %multiple_of3A_39 = tpu.assume_multiple %mul3A_38, 256 : i32
      "tpu.region"() ({
        %run_scoped3A = tpu.sem_alloc : memref<!tpu.dma_semaphore, #tpu.memory_space<semaphore_mem>>
        %dma_start3A = tpu.memref_slice %arg4[%multiple_of3A_39] : memref<81920xi32, #tpu.memory_space<hbm>> -> memref<5120xi32, #tpu.memory_space<hbm>>
        %dma_start3A_53 = tpu.memref_slice %arg4[%multiple_of3A_39] : memref<81920xi32, #tpu.memory_space<hbm>> -> memref<5120xi32, #tpu.memory_space<hbm>>
        tpu.enqueue_dma source(%dma_start3A_53 : memref<5120xi32, #tpu.memory_space<hbm>>) target(%arg16 : memref<5120xi32, #tpu.memory_space<vmem>>) target_semaphore(%run_scoped3A : memref<!tpu.dma_semaphore, #tpu.memory_space<semaphore_mem>>)
        %dma_wait3A = tpu.memref_slice %arg4[%multiple_of3A_39] : memref<81920xi32, #tpu.memory_space<hbm>> -> memref<5120xi32, #tpu.memory_space<hbm>>
        %dma_wait3A_54 = tpu.memref_slice %arg4[%multiple_of3A_39] : memref<81920xi32, #tpu.memory_space<hbm>> -> memref<5120xi32, #tpu.memory_space<hbm>>
        tpu.wait_dma2 semaphore(%run_scoped3A : memref<!tpu.dma_semaphore, #tpu.memory_space<semaphore_mem>>) src(%dma_wait3A_54 : memref<5120xi32, #tpu.memory_space<hbm>>) dst(%arg16 : memref<5120xi32, #tpu.memory_space<vmem>>)
        tpu.yield
      }) : () -> ()
      %scan3A_40 = arith.constant 0 : i32
      %scan3A_41 = arith.constant 20 : i32
      %scan3A_42 = arith.addi %scan3A_40, %scan3A_41 : i32
      %scan3A_43 = arith.constant 1 : i32
      scf.for %scan3A_53 = %scan3A_40 to %scan3A_42 step %scan3A_43  : i32 {
        %mul3A_54 = arith.constant 1 : i32
        %mul3A_55 = arith.muli %scan3A_53, %mul3A_54 : i32
        %add3A = arith.constant 0 : i32
        %add3A_56 = arith.addi %add3A, %mul3A_55 : i32
        %mul3A_57 = arith.constant 256 : i32
        %mul3A_58 = arith.muli %add3A_56, %mul3A_57 : i32
        %multiple_of3A_59 = tpu.assume_multiple %mul3A_58, 256 : i32
        "tpu.region"() ({
          %run_scoped3A = tpu.sem_alloc : memref<!tpu.dma_semaphore, #tpu.memory_space<semaphore_mem>>
          %dma_start3A = tpu.memref_slice %arg16[%multiple_of3A_59] : memref<5120xi32, #tpu.memory_space<vmem>> -> memref<256xi32, #tpu.memory_space<vmem>>
          %dma_start3A_60 = arith.constant 0 : i32
          %dma_start3A_61 = arith.constant 0 : i32
          %dma_start3A_62 = tpu.memref_slice %arg14[%dma_start3A_60, %dma_start3A_61] : memref<8064x128xf32, #tpu.memory_space<vmem_shared>> -> memref<8064x128xf32, #tpu.memory_space<vmem_shared>>
          tpu.enqueue_indirect_dma source(%arg17 : memref<256x128xf32, #tpu.memory_space<vmem>>) target(%dma_start3A_62 : memref<8064x128xf32, #tpu.memory_space<vmem_shared>>) offsets(%dma_start3A : memref<256xi32, #tpu.memory_space<vmem>>) semaphore(%run_scoped3A : memref<!tpu.dma_semaphore, #tpu.memory_space<semaphore_mem>>) {add = true}
          %dma_wait3A = tpu.memref_slice %arg16[%multiple_of3A_59] : memref<5120xi32, #tpu.memory_space<vmem>> -> memref<256xi32, #tpu.memory_space<vmem>>
          %dma_wait3A_63 = arith.constant 0 : i32
          %dma_wait3A_64 = arith.constant 0 : i32
          %dma_wait3A_65 = tpu.memref_slice %arg14[%dma_wait3A_63, %dma_wait3A_64] : memref<8064x128xf32, #tpu.memory_space<vmem_shared>> -> memref<8064x128xf32, #tpu.memory_space<vmem_shared>>
          tpu.wait_indirect_dma semaphore(%run_scoped3A : memref<!tpu.dma_semaphore, #tpu.memory_space<semaphore_mem>>) src(%arg17 : memref<256x128xf32, #tpu.memory_space<vmem>>) dst(%dma_wait3A_65 : memref<8064x128xf32, #tpu.memory_space<vmem_shared>>)
          tpu.yield
        }) : () -> ()
      }
      %scan3A_44 = arith.constant 20 : i32
      "tpu.region"() ({
        %run_scoped3A = tpu.sem_alloc : memref<!tpu.dma_semaphore, #tpu.memory_space<semaphore_mem>>
        %dma_start3A = arith.constant 768 : i32
        %dma_start3A_53 = arith.constant 0 : i32
        %dma_start3A_54 = tpu.memref_slice %arg10[%dma_start3A, %dma_start3A_53] : memref<1024x128xf32, #tpu.memory_space<hbm>> -> memref<256x128xf32, #tpu.memory_space<hbm>>
        %dma_start3A_55 = arith.constant 768 : i32
        %dma_start3A_56 = arith.constant 0 : i32
        %dma_start3A_57 = tpu.memref_slice %arg10[%dma_start3A_55, %dma_start3A_56] : memref<1024x128xf32, #tpu.memory_space<hbm>> -> memref<256x128xf32, #tpu.memory_space<hbm>>
        tpu.enqueue_dma source(%dma_start3A_57 : memref<256x128xf32, #tpu.memory_space<hbm>>) target(%arg17 : memref<256x128xf32, #tpu.memory_space<vmem>>) target_semaphore(%run_scoped3A : memref<!tpu.dma_semaphore, #tpu.memory_space<semaphore_mem>>)
        %dma_wait3A = arith.constant 768 : i32
        %dma_wait3A_58 = arith.constant 0 : i32
        %dma_wait3A_59 = tpu.memref_slice %arg10[%dma_wait3A, %dma_wait3A_58] : memref<1024x128xf32, #tpu.memory_space<hbm>> -> memref<256x128xf32, #tpu.memory_space<hbm>>
        %dma_wait3A_60 = arith.constant 768 : i32
        %dma_wait3A_61 = arith.constant 0 : i32
        %dma_wait3A_62 = tpu.memref_slice %arg10[%dma_wait3A_60, %dma_wait3A_61] : memref<1024x128xf32, #tpu.memory_space<hbm>> -> memref<256x128xf32, #tpu.memory_space<hbm>>
        tpu.wait_dma2 semaphore(%run_scoped3A : memref<!tpu.dma_semaphore, #tpu.memory_space<semaphore_mem>>) src(%dma_wait3A_62 : memref<256x128xf32, #tpu.memory_space<hbm>>) dst(%arg17 : memref<256x128xf32, #tpu.memory_space<vmem>>)
        tpu.yield
      }) : () -> ()
      %mul3A_45 = arith.constant 5120 : i32
      %mul3A_46 = arith.muli %arg1, %mul3A_45 : i32
      %multiple_of3A_47 = tpu.assume_multiple %mul3A_46, 256 : i32
      "tpu.region"() ({
        %run_scoped3A = tpu.sem_alloc : memref<!tpu.dma_semaphore, #tpu.memory_space<semaphore_mem>>
        %dma_start3A = tpu.memref_slice %arg5[%multiple_of3A_47] : memref<81920xi32, #tpu.memory_space<hbm>> -> memref<5120xi32, #tpu.memory_space<hbm>>
        %dma_start3A_53 = tpu.memref_slice %arg5[%multiple_of3A_47] : memref<81920xi32, #tpu.memory_space<hbm>> -> memref<5120xi32, #tpu.memory_space<hbm>>
        tpu.enqueue_dma source(%dma_start3A_53 : memref<5120xi32, #tpu.memory_space<hbm>>) target(%arg16 : memref<5120xi32, #tpu.memory_space<vmem>>) target_semaphore(%run_scoped3A : memref<!tpu.dma_semaphore, #tpu.memory_space<semaphore_mem>>)
        %dma_wait3A = tpu.memref_slice %arg5[%multiple_of3A_47] : memref<81920xi32, #tpu.memory_space<hbm>> -> memref<5120xi32, #tpu.memory_space<hbm>>
        %dma_wait3A_54 = tpu.memref_slice %arg5[%multiple_of3A_47] : memref<81920xi32, #tpu.memory_space<hbm>> -> memref<5120xi32, #tpu.memory_space<hbm>>
        tpu.wait_dma2 semaphore(%run_scoped3A : memref<!tpu.dma_semaphore, #tpu.memory_space<semaphore_mem>>) src(%dma_wait3A_54 : memref<5120xi32, #tpu.memory_space<hbm>>) dst(%arg16 : memref<5120xi32, #tpu.memory_space<vmem>>)
        tpu.yield
      }) : () -> ()
      %scan3A_48 = arith.constant 0 : i32
      %scan3A_49 = arith.constant 20 : i32
      %scan3A_50 = arith.addi %scan3A_48, %scan3A_49 : i32
      %scan3A_51 = arith.constant 1 : i32
      scf.for %scan3A_53 = %scan3A_48 to %scan3A_50 step %scan3A_51  : i32 {
        %mul3A_54 = arith.constant 1 : i32
        %mul3A_55 = arith.muli %scan3A_53, %mul3A_54 : i32
        %add3A = arith.constant 0 : i32
        %add3A_56 = arith.addi %add3A, %mul3A_55 : i32
        %mul3A_57 = arith.constant 256 : i32
        %mul3A_58 = arith.muli %add3A_56, %mul3A_57 : i32
        %multiple_of3A_59 = tpu.assume_multiple %mul3A_58, 256 : i32
        "tpu.region"() ({
          %run_scoped3A = tpu.sem_alloc : memref<!tpu.dma_semaphore, #tpu.memory_space<semaphore_mem>>
          %dma_start3A = tpu.memref_slice %arg16[%multiple_of3A_59] : memref<5120xi32, #tpu.memory_space<vmem>> -> memref<256xi32, #tpu.memory_space<vmem>>
          %dma_start3A_60 = arith.constant 0 : i32
          %dma_start3A_61 = arith.constant 0 : i32
          %dma_start3A_62 = tpu.memref_slice %arg14[%dma_start3A_60, %dma_start3A_61] : memref<8064x128xf32, #tpu.memory_space<vmem_shared>> -> memref<8064x128xf32, #tpu.memory_space<vmem_shared>>
          tpu.enqueue_indirect_dma source(%arg17 : memref<256x128xf32, #tpu.memory_space<vmem>>) target(%dma_start3A_62 : memref<8064x128xf32, #tpu.memory_space<vmem_shared>>) offsets(%dma_start3A : memref<256xi32, #tpu.memory_space<vmem>>) semaphore(%run_scoped3A : memref<!tpu.dma_semaphore, #tpu.memory_space<semaphore_mem>>) {add = true}
          %dma_wait3A = tpu.memref_slice %arg16[%multiple_of3A_59] : memref<5120xi32, #tpu.memory_space<vmem>> -> memref<256xi32, #tpu.memory_space<vmem>>
          %dma_wait3A_63 = arith.constant 0 : i32
          %dma_wait3A_64 = arith.constant 0 : i32
          %dma_wait3A_65 = tpu.memref_slice %arg14[%dma_wait3A_63, %dma_wait3A_64] : memref<8064x128xf32, #tpu.memory_space<vmem_shared>> -> memref<8064x128xf32, #tpu.memory_space<vmem_shared>>
          tpu.wait_indirect_dma semaphore(%run_scoped3A : memref<!tpu.dma_semaphore, #tpu.memory_space<semaphore_mem>>) src(%arg17 : memref<256x128xf32, #tpu.memory_space<vmem>>) dst(%dma_wait3A_65 : memref<8064x128xf32, #tpu.memory_space<vmem_shared>>)
          tpu.yield
        }) : () -> ()
      }
      %scan3A_52 = arith.constant 20 : i32
    } else {
    }
    %eq3A_6 = arith.constant 1 : i32
    %eq3A_7 = arith.cmpi eq, %arg0, %eq3A_6 : i32
    %convert_element_type3A_8 = arith.extui %eq3A_7 : i1 to i32
    %cond3A_9 = arith.constant 0 : i32
    %cond3A_10 = arith.cmpi ne, %convert_element_type3A_8, %cond3A_9 : i32
    scf.if %cond3A_10 {
      "tpu.region"() ({
        %run_scoped3A = tpu.sem_alloc : memref<!tpu.dma_semaphore, #tpu.memory_space<semaphore_mem>>
        %dma_start3A = arith.constant 0 : i32
        %dma_start3A_53 = arith.constant 0 : i32
        %dma_start3A_54 = tpu.memref_slice %arg10[%dma_start3A, %dma_start3A_53] : memref<1024x128xf32, #tpu.memory_space<hbm>> -> memref<256x128xf32, #tpu.memory_space<hbm>>
        %dma_start3A_55 = arith.constant 0 : i32
        %dma_start3A_56 = arith.constant 0 : i32
        %dma_start3A_57 = tpu.memref_slice %arg10[%dma_start3A_55, %dma_start3A_56] : memref<1024x128xf32, #tpu.memory_space<hbm>> -> memref<256x128xf32, #tpu.memory_space<hbm>>
        tpu.enqueue_dma source(%dma_start3A_57 : memref<256x128xf32, #tpu.memory_space<hbm>>) target(%arg17 : memref<256x128xf32, #tpu.memory_space<vmem>>) target_semaphore(%run_scoped3A : memref<!tpu.dma_semaphore, #tpu.memory_space<semaphore_mem>>)
        %dma_wait3A = arith.constant 0 : i32
        %dma_wait3A_58 = arith.constant 0 : i32
        %dma_wait3A_59 = tpu.memref_slice %arg10[%dma_wait3A, %dma_wait3A_58] : memref<1024x128xf32, #tpu.memory_space<hbm>> -> memref<256x128xf32, #tpu.memory_space<hbm>>
        %dma_wait3A_60 = arith.constant 0 : i32
        %dma_wait3A_61 = arith.constant 0 : i32
        %dma_wait3A_62 = tpu.memref_slice %arg10[%dma_wait3A_60, %dma_wait3A_61] : memref<1024x128xf32, #tpu.memory_space<hbm>> -> memref<256x128xf32, #tpu.memory_space<hbm>>
        tpu.wait_dma2 semaphore(%run_scoped3A : memref<!tpu.dma_semaphore, #tpu.memory_space<semaphore_mem>>) src(%dma_wait3A_62 : memref<256x128xf32, #tpu.memory_space<hbm>>) dst(%arg17 : memref<256x128xf32, #tpu.memory_space<vmem>>)
        tpu.yield
      }) : () -> ()
      %mul3A_22 = arith.constant 5120 : i32
      %mul3A_23 = arith.muli %arg1, %mul3A_22 : i32
      %multiple_of3A_24 = tpu.assume_multiple %mul3A_23, 256 : i32
      "tpu.region"() ({
        %run_scoped3A = tpu.sem_alloc : memref<!tpu.dma_semaphore, #tpu.memory_space<semaphore_mem>>
        %dma_start3A = tpu.memref_slice %arg6[%multiple_of3A_24] : memref<81920xi32, #tpu.memory_space<hbm>> -> memref<5120xi32, #tpu.memory_space<hbm>>
        %dma_start3A_53 = tpu.memref_slice %arg6[%multiple_of3A_24] : memref<81920xi32, #tpu.memory_space<hbm>> -> memref<5120xi32, #tpu.memory_space<hbm>>
        tpu.enqueue_dma source(%dma_start3A_53 : memref<5120xi32, #tpu.memory_space<hbm>>) target(%arg16 : memref<5120xi32, #tpu.memory_space<vmem>>) target_semaphore(%run_scoped3A : memref<!tpu.dma_semaphore, #tpu.memory_space<semaphore_mem>>)
        %dma_wait3A = tpu.memref_slice %arg6[%multiple_of3A_24] : memref<81920xi32, #tpu.memory_space<hbm>> -> memref<5120xi32, #tpu.memory_space<hbm>>
        %dma_wait3A_54 = tpu.memref_slice %arg6[%multiple_of3A_24] : memref<81920xi32, #tpu.memory_space<hbm>> -> memref<5120xi32, #tpu.memory_space<hbm>>
        tpu.wait_dma2 semaphore(%run_scoped3A : memref<!tpu.dma_semaphore, #tpu.memory_space<semaphore_mem>>) src(%dma_wait3A_54 : memref<5120xi32, #tpu.memory_space<hbm>>) dst(%arg16 : memref<5120xi32, #tpu.memory_space<vmem>>)
        tpu.yield
      }) : () -> ()
      %scan3A = arith.constant 0 : i32
      %scan3A_25 = arith.constant 20 : i32
      %scan3A_26 = arith.addi %scan3A, %scan3A_25 : i32
      %scan3A_27 = arith.constant 1 : i32
      scf.for %scan3A_53 = %scan3A to %scan3A_26 step %scan3A_27  : i32 {
        %mul3A_54 = arith.constant 1 : i32
        %mul3A_55 = arith.muli %scan3A_53, %mul3A_54 : i32
        %add3A = arith.constant 0 : i32
        %add3A_56 = arith.addi %add3A, %mul3A_55 : i32
        %mul3A_57 = arith.constant 256 : i32
        %mul3A_58 = arith.muli %add3A_56, %mul3A_57 : i32
        %multiple_of3A_59 = tpu.assume_multiple %mul3A_58, 256 : i32
        "tpu.region"() ({
          %run_scoped3A = tpu.sem_alloc : memref<!tpu.dma_semaphore, #tpu.memory_space<semaphore_mem>>
          %dma_start3A = tpu.memref_slice %arg16[%multiple_of3A_59] : memref<5120xi32, #tpu.memory_space<vmem>> -> memref<256xi32, #tpu.memory_space<vmem>>
          %dma_start3A_60 = arith.constant 0 : i32
          %dma_start3A_61 = arith.constant 0 : i32
          %dma_start3A_62 = tpu.memref_slice %arg15[%dma_start3A_60, %dma_start3A_61] : memref<2048x128xf32, #tpu.memory_space<vmem_shared>> -> memref<2048x128xf32, #tpu.memory_space<vmem_shared>>
          tpu.enqueue_indirect_dma source(%arg17 : memref<256x128xf32, #tpu.memory_space<vmem>>) target(%dma_start3A_62 : memref<2048x128xf32, #tpu.memory_space<vmem_shared>>) offsets(%dma_start3A : memref<256xi32, #tpu.memory_space<vmem>>) semaphore(%run_scoped3A : memref<!tpu.dma_semaphore, #tpu.memory_space<semaphore_mem>>) {add = true}
          %dma_wait3A = tpu.memref_slice %arg16[%multiple_of3A_59] : memref<5120xi32, #tpu.memory_space<vmem>> -> memref<256xi32, #tpu.memory_space<vmem>>
          %dma_wait3A_63 = arith.constant 0 : i32
          %dma_wait3A_64 = arith.constant 0 : i32
          %dma_wait3A_65 = tpu.memref_slice %arg15[%dma_wait3A_63, %dma_wait3A_64] : memref<2048x128xf32, #tpu.memory_space<vmem_shared>> -> memref<2048x128xf32, #tpu.memory_space<vmem_shared>>
          tpu.wait_indirect_dma semaphore(%run_scoped3A : memref<!tpu.dma_semaphore, #tpu.memory_space<semaphore_mem>>) src(%arg17 : memref<256x128xf32, #tpu.memory_space<vmem>>) dst(%dma_wait3A_65 : memref<2048x128xf32, #tpu.memory_space<vmem_shared>>)
          tpu.yield
        }) : () -> ()
      }
      %scan3A_28 = arith.constant 20 : i32
      "tpu.region"() ({
        %run_scoped3A = tpu.sem_alloc : memref<!tpu.dma_semaphore, #tpu.memory_space<semaphore_mem>>
        %dma_start3A = arith.constant 256 : i32
        %dma_start3A_53 = arith.constant 0 : i32
        %dma_start3A_54 = tpu.memref_slice %arg10[%dma_start3A, %dma_start3A_53] : memref<1024x128xf32, #tpu.memory_space<hbm>> -> memref<256x128xf32, #tpu.memory_space<hbm>>
        %dma_start3A_55 = arith.constant 256 : i32
        %dma_start3A_56 = arith.constant 0 : i32
        %dma_start3A_57 = tpu.memref_slice %arg10[%dma_start3A_55, %dma_start3A_56] : memref<1024x128xf32, #tpu.memory_space<hbm>> -> memref<256x128xf32, #tpu.memory_space<hbm>>
        tpu.enqueue_dma source(%dma_start3A_57 : memref<256x128xf32, #tpu.memory_space<hbm>>) target(%arg17 : memref<256x128xf32, #tpu.memory_space<vmem>>) target_semaphore(%run_scoped3A : memref<!tpu.dma_semaphore, #tpu.memory_space<semaphore_mem>>)
        %dma_wait3A = arith.constant 256 : i32
        %dma_wait3A_58 = arith.constant 0 : i32
        %dma_wait3A_59 = tpu.memref_slice %arg10[%dma_wait3A, %dma_wait3A_58] : memref<1024x128xf32, #tpu.memory_space<hbm>> -> memref<256x128xf32, #tpu.memory_space<hbm>>
        %dma_wait3A_60 = arith.constant 256 : i32
        %dma_wait3A_61 = arith.constant 0 : i32
        %dma_wait3A_62 = tpu.memref_slice %arg10[%dma_wait3A_60, %dma_wait3A_61] : memref<1024x128xf32, #tpu.memory_space<hbm>> -> memref<256x128xf32, #tpu.memory_space<hbm>>
        tpu.wait_dma2 semaphore(%run_scoped3A : memref<!tpu.dma_semaphore, #tpu.memory_space<semaphore_mem>>) src(%dma_wait3A_62 : memref<256x128xf32, #tpu.memory_space<hbm>>) dst(%arg17 : memref<256x128xf32, #tpu.memory_space<vmem>>)
        tpu.yield
      }) : () -> ()
      %mul3A_29 = arith.constant 5120 : i32
      %mul3A_30 = arith.muli %arg1, %mul3A_29 : i32
      %multiple_of3A_31 = tpu.assume_multiple %mul3A_30, 256 : i32
      "tpu.region"() ({
        %run_scoped3A = tpu.sem_alloc : memref<!tpu.dma_semaphore, #tpu.memory_space<semaphore_mem>>
        %dma_start3A = tpu.memref_slice %arg7[%multiple_of3A_31] : memref<81920xi32, #tpu.memory_space<hbm>> -> memref<5120xi32, #tpu.memory_space<hbm>>
        %dma_start3A_53 = tpu.memref_slice %arg7[%multiple_of3A_31] : memref<81920xi32, #tpu.memory_space<hbm>> -> memref<5120xi32, #tpu.memory_space<hbm>>
        tpu.enqueue_dma source(%dma_start3A_53 : memref<5120xi32, #tpu.memory_space<hbm>>) target(%arg16 : memref<5120xi32, #tpu.memory_space<vmem>>) target_semaphore(%run_scoped3A : memref<!tpu.dma_semaphore, #tpu.memory_space<semaphore_mem>>)
        %dma_wait3A = tpu.memref_slice %arg7[%multiple_of3A_31] : memref<81920xi32, #tpu.memory_space<hbm>> -> memref<5120xi32, #tpu.memory_space<hbm>>
        %dma_wait3A_54 = tpu.memref_slice %arg7[%multiple_of3A_31] : memref<81920xi32, #tpu.memory_space<hbm>> -> memref<5120xi32, #tpu.memory_space<hbm>>
        tpu.wait_dma2 semaphore(%run_scoped3A : memref<!tpu.dma_semaphore, #tpu.memory_space<semaphore_mem>>) src(%dma_wait3A_54 : memref<5120xi32, #tpu.memory_space<hbm>>) dst(%arg16 : memref<5120xi32, #tpu.memory_space<vmem>>)
        tpu.yield
      }) : () -> ()
      %scan3A_32 = arith.constant 0 : i32
      %scan3A_33 = arith.constant 20 : i32
      %scan3A_34 = arith.addi %scan3A_32, %scan3A_33 : i32
      %scan3A_35 = arith.constant 1 : i32
      scf.for %scan3A_53 = %scan3A_32 to %scan3A_34 step %scan3A_35  : i32 {
        %mul3A_54 = arith.constant 1 : i32
        %mul3A_55 = arith.muli %scan3A_53, %mul3A_54 : i32
        %add3A = arith.constant 0 : i32
        %add3A_56 = arith.addi %add3A, %mul3A_55 : i32
        %mul3A_57 = arith.constant 256 : i32
        %mul3A_58 = arith.muli %add3A_56, %mul3A_57 : i32
        %multiple_of3A_59 = tpu.assume_multiple %mul3A_58, 256 : i32
        "tpu.region"() ({
          %run_scoped3A = tpu.sem_alloc : memref<!tpu.dma_semaphore, #tpu.memory_space<semaphore_mem>>
          %dma_start3A = tpu.memref_slice %arg16[%multiple_of3A_59] : memref<5120xi32, #tpu.memory_space<vmem>> -> memref<256xi32, #tpu.memory_space<vmem>>
          %dma_start3A_60 = arith.constant 0 : i32
          %dma_start3A_61 = arith.constant 0 : i32
          %dma_start3A_62 = tpu.memref_slice %arg15[%dma_start3A_60, %dma_start3A_61] : memref<2048x128xf32, #tpu.memory_space<vmem_shared>> -> memref<2048x128xf32, #tpu.memory_space<vmem_shared>>
          tpu.enqueue_indirect_dma source(%arg17 : memref<256x128xf32, #tpu.memory_space<vmem>>) target(%dma_start3A_62 : memref<2048x128xf32, #tpu.memory_space<vmem_shared>>) offsets(%dma_start3A : memref<256xi32, #tpu.memory_space<vmem>>) semaphore(%run_scoped3A : memref<!tpu.dma_semaphore, #tpu.memory_space<semaphore_mem>>) {add = true}
          %dma_wait3A = tpu.memref_slice %arg16[%multiple_of3A_59] : memref<5120xi32, #tpu.memory_space<vmem>> -> memref<256xi32, #tpu.memory_space<vmem>>
          %dma_wait3A_63 = arith.constant 0 : i32
          %dma_wait3A_64 = arith.constant 0 : i32
          %dma_wait3A_65 = tpu.memref_slice %arg15[%dma_wait3A_63, %dma_wait3A_64] : memref<2048x128xf32, #tpu.memory_space<vmem_shared>> -> memref<2048x128xf32, #tpu.memory_space<vmem_shared>>
          tpu.wait_indirect_dma semaphore(%run_scoped3A : memref<!tpu.dma_semaphore, #tpu.memory_space<semaphore_mem>>) src(%arg17 : memref<256x128xf32, #tpu.memory_space<vmem>>) dst(%dma_wait3A_65 : memref<2048x128xf32, #tpu.memory_space<vmem_shared>>)
          tpu.yield
        }) : () -> ()
      }
      %scan3A_36 = arith.constant 20 : i32
      "tpu.region"() ({
        %run_scoped3A = tpu.sem_alloc : memref<!tpu.dma_semaphore, #tpu.memory_space<semaphore_mem>>
        %dma_start3A = arith.constant 512 : i32
        %dma_start3A_53 = arith.constant 0 : i32
        %dma_start3A_54 = tpu.memref_slice %arg10[%dma_start3A, %dma_start3A_53] : memref<1024x128xf32, #tpu.memory_space<hbm>> -> memref<256x128xf32, #tpu.memory_space<hbm>>
        %dma_start3A_55 = arith.constant 512 : i32
        %dma_start3A_56 = arith.constant 0 : i32
        %dma_start3A_57 = tpu.memref_slice %arg10[%dma_start3A_55, %dma_start3A_56] : memref<1024x128xf32, #tpu.memory_space<hbm>> -> memref<256x128xf32, #tpu.memory_space<hbm>>
        tpu.enqueue_dma source(%dma_start3A_57 : memref<256x128xf32, #tpu.memory_space<hbm>>) target(%arg17 : memref<256x128xf32, #tpu.memory_space<vmem>>) target_semaphore(%run_scoped3A : memref<!tpu.dma_semaphore, #tpu.memory_space<semaphore_mem>>)
        %dma_wait3A = arith.constant 512 : i32
        %dma_wait3A_58 = arith.constant 0 : i32
        %dma_wait3A_59 = tpu.memref_slice %arg10[%dma_wait3A, %dma_wait3A_58] : memref<1024x128xf32, #tpu.memory_space<hbm>> -> memref<256x128xf32, #tpu.memory_space<hbm>>
        %dma_wait3A_60 = arith.constant 512 : i32
        %dma_wait3A_61 = arith.constant 0 : i32
        %dma_wait3A_62 = tpu.memref_slice %arg10[%dma_wait3A_60, %dma_wait3A_61] : memref<1024x128xf32, #tpu.memory_space<hbm>> -> memref<256x128xf32, #tpu.memory_space<hbm>>
        tpu.wait_dma2 semaphore(%run_scoped3A : memref<!tpu.dma_semaphore, #tpu.memory_space<semaphore_mem>>) src(%dma_wait3A_62 : memref<256x128xf32, #tpu.memory_space<hbm>>) dst(%arg17 : memref<256x128xf32, #tpu.memory_space<vmem>>)
        tpu.yield
      }) : () -> ()
      %mul3A_37 = arith.constant 5120 : i32
      %mul3A_38 = arith.muli %arg1, %mul3A_37 : i32
      %multiple_of3A_39 = tpu.assume_multiple %mul3A_38, 256 : i32
      "tpu.region"() ({
        %run_scoped3A = tpu.sem_alloc : memref<!tpu.dma_semaphore, #tpu.memory_space<semaphore_mem>>
        %dma_start3A = tpu.memref_slice %arg8[%multiple_of3A_39] : memref<81920xi32, #tpu.memory_space<hbm>> -> memref<5120xi32, #tpu.memory_space<hbm>>
        %dma_start3A_53 = tpu.memref_slice %arg8[%multiple_of3A_39] : memref<81920xi32, #tpu.memory_space<hbm>> -> memref<5120xi32, #tpu.memory_space<hbm>>
        tpu.enqueue_dma source(%dma_start3A_53 : memref<5120xi32, #tpu.memory_space<hbm>>) target(%arg16 : memref<5120xi32, #tpu.memory_space<vmem>>) target_semaphore(%run_scoped3A : memref<!tpu.dma_semaphore, #tpu.memory_space<semaphore_mem>>)
        %dma_wait3A = tpu.memref_slice %arg8[%multiple_of3A_39] : memref<81920xi32, #tpu.memory_space<hbm>> -> memref<5120xi32, #tpu.memory_space<hbm>>
        %dma_wait3A_54 = tpu.memref_slice %arg8[%multiple_of3A_39] : memref<81920xi32, #tpu.memory_space<hbm>> -> memref<5120xi32, #tpu.memory_space<hbm>>
        tpu.wait_dma2 semaphore(%run_scoped3A : memref<!tpu.dma_semaphore, #tpu.memory_space<semaphore_mem>>) src(%dma_wait3A_54 : memref<5120xi32, #tpu.memory_space<hbm>>) dst(%arg16 : memref<5120xi32, #tpu.memory_space<vmem>>)
        tpu.yield
      }) : () -> ()
      %scan3A_40 = arith.constant 0 : i32
      %scan3A_41 = arith.constant 20 : i32
      %scan3A_42 = arith.addi %scan3A_40, %scan3A_41 : i32
      %scan3A_43 = arith.constant 1 : i32
      scf.for %scan3A_53 = %scan3A_40 to %scan3A_42 step %scan3A_43  : i32 {
        %mul3A_54 = arith.constant 1 : i32
        %mul3A_55 = arith.muli %scan3A_53, %mul3A_54 : i32
        %add3A = arith.constant 0 : i32
        %add3A_56 = arith.addi %add3A, %mul3A_55 : i32
        %mul3A_57 = arith.constant 256 : i32
        %mul3A_58 = arith.muli %add3A_56, %mul3A_57 : i32
        %multiple_of3A_59 = tpu.assume_multiple %mul3A_58, 256 : i32
        "tpu.region"() ({
          %run_scoped3A = tpu.sem_alloc : memref<!tpu.dma_semaphore, #tpu.memory_space<semaphore_mem>>
          %dma_start3A = tpu.memref_slice %arg16[%multiple_of3A_59] : memref<5120xi32, #tpu.memory_space<vmem>> -> memref<256xi32, #tpu.memory_space<vmem>>
          %dma_start3A_60 = arith.constant 0 : i32
          %dma_start3A_61 = arith.constant 0 : i32
          %dma_start3A_62 = tpu.memref_slice %arg15[%dma_start3A_60, %dma_start3A_61] : memref<2048x128xf32, #tpu.memory_space<vmem_shared>> -> memref<2048x128xf32, #tpu.memory_space<vmem_shared>>
          tpu.enqueue_indirect_dma source(%arg17 : memref<256x128xf32, #tpu.memory_space<vmem>>) target(%dma_start3A_62 : memref<2048x128xf32, #tpu.memory_space<vmem_shared>>) offsets(%dma_start3A : memref<256xi32, #tpu.memory_space<vmem>>) semaphore(%run_scoped3A : memref<!tpu.dma_semaphore, #tpu.memory_space<semaphore_mem>>) {add = true}
          %dma_wait3A = tpu.memref_slice %arg16[%multiple_of3A_59] : memref<5120xi32, #tpu.memory_space<vmem>> -> memref<256xi32, #tpu.memory_space<vmem>>
          %dma_wait3A_63 = arith.constant 0 : i32
          %dma_wait3A_64 = arith.constant 0 : i32
          %dma_wait3A_65 = tpu.memref_slice %arg15[%dma_wait3A_63, %dma_wait3A_64] : memref<2048x128xf32, #tpu.memory_space<vmem_shared>> -> memref<2048x128xf32, #tpu.memory_space<vmem_shared>>
          tpu.wait_indirect_dma semaphore(%run_scoped3A : memref<!tpu.dma_semaphore, #tpu.memory_space<semaphore_mem>>) src(%arg17 : memref<256x128xf32, #tpu.memory_space<vmem>>) dst(%dma_wait3A_65 : memref<2048x128xf32, #tpu.memory_space<vmem_shared>>)
          tpu.yield
        }) : () -> ()
      }
      %scan3A_44 = arith.constant 20 : i32
      "tpu.region"() ({
        %run_scoped3A = tpu.sem_alloc : memref<!tpu.dma_semaphore, #tpu.memory_space<semaphore_mem>>
        %dma_start3A = arith.constant 768 : i32
        %dma_start3A_53 = arith.constant 0 : i32
        %dma_start3A_54 = tpu.memref_slice %arg10[%dma_start3A, %dma_start3A_53] : memref<1024x128xf32, #tpu.memory_space<hbm>> -> memref<256x128xf32, #tpu.memory_space<hbm>>
        %dma_start3A_55 = arith.constant 768 : i32
        %dma_start3A_56 = arith.constant 0 : i32
        %dma_start3A_57 = tpu.memref_slice %arg10[%dma_start3A_55, %dma_start3A_56] : memref<1024x128xf32, #tpu.memory_space<hbm>> -> memref<256x128xf32, #tpu.memory_space<hbm>>
        tpu.enqueue_dma source(%dma_start3A_57 : memref<256x128xf32, #tpu.memory_space<hbm>>) target(%arg17 : memref<256x128xf32, #tpu.memory_space<vmem>>) target_semaphore(%run_scoped3A : memref<!tpu.dma_semaphore, #tpu.memory_space<semaphore_mem>>)
        %dma_wait3A = arith.constant 768 : i32
        %dma_wait3A_58 = arith.constant 0 : i32
        %dma_wait3A_59 = tpu.memref_slice %arg10[%dma_wait3A, %dma_wait3A_58] : memref<1024x128xf32, #tpu.memory_space<hbm>> -> memref<256x128xf32, #tpu.memory_space<hbm>>
        %dma_wait3A_60 = arith.constant 768 : i32
        %dma_wait3A_61 = arith.constant 0 : i32
        %dma_wait3A_62 = tpu.memref_slice %arg10[%dma_wait3A_60, %dma_wait3A_61] : memref<1024x128xf32, #tpu.memory_space<hbm>> -> memref<256x128xf32, #tpu.memory_space<hbm>>
        tpu.wait_dma2 semaphore(%run_scoped3A : memref<!tpu.dma_semaphore, #tpu.memory_space<semaphore_mem>>) src(%dma_wait3A_62 : memref<256x128xf32, #tpu.memory_space<hbm>>) dst(%arg17 : memref<256x128xf32, #tpu.memory_space<vmem>>)
        tpu.yield
      }) : () -> ()
      %mul3A_45 = arith.constant 5120 : i32
      %mul3A_46 = arith.muli %arg1, %mul3A_45 : i32
      %multiple_of3A_47 = tpu.assume_multiple %mul3A_46, 256 : i32
      "tpu.region"() ({
        %run_scoped3A = tpu.sem_alloc : memref<!tpu.dma_semaphore, #tpu.memory_space<semaphore_mem>>
        %dma_start3A = tpu.memref_slice %arg9[%multiple_of3A_47] : memref<81920xi32, #tpu.memory_space<hbm>> -> memref<5120xi32, #tpu.memory_space<hbm>>
        %dma_start3A_53 = tpu.memref_slice %arg9[%multiple_of3A_47] : memref<81920xi32, #tpu.memory_space<hbm>> -> memref<5120xi32, #tpu.memory_space<hbm>>
        tpu.enqueue_dma source(%dma_start3A_53 : memref<5120xi32, #tpu.memory_space<hbm>>) target(%arg16 : memref<5120xi32, #tpu.memory_space<vmem>>) target_semaphore(%run_scoped3A : memref<!tpu.dma_semaphore, #tpu.memory_space<semaphore_mem>>)
        %dma_wait3A = tpu.memref_slice %arg9[%multiple_of3A_47] : memref<81920xi32, #tpu.memory_space<hbm>> -> memref<5120xi32, #tpu.memory_space<hbm>>
        %dma_wait3A_54 = tpu.memref_slice %arg9[%multiple_of3A_47] : memref<81920xi32, #tpu.memory_space<hbm>> -> memref<5120xi32, #tpu.memory_space<hbm>>
        tpu.wait_dma2 semaphore(%run_scoped3A : memref<!tpu.dma_semaphore, #tpu.memory_space<semaphore_mem>>) src(%dma_wait3A_54 : memref<5120xi32, #tpu.memory_space<hbm>>) dst(%arg16 : memref<5120xi32, #tpu.memory_space<vmem>>)
        tpu.yield
      }) : () -> ()
      %scan3A_48 = arith.constant 0 : i32
      %scan3A_49 = arith.constant 20 : i32
      %scan3A_50 = arith.addi %scan3A_48, %scan3A_49 : i32
      %scan3A_51 = arith.constant 1 : i32
      scf.for %scan3A_53 = %scan3A_48 to %scan3A_50 step %scan3A_51  : i32 {
        %mul3A_54 = arith.constant 1 : i32
        %mul3A_55 = arith.muli %scan3A_53, %mul3A_54 : i32
        %add3A = arith.constant 0 : i32
        %add3A_56 = arith.addi %add3A, %mul3A_55 : i32
        %mul3A_57 = arith.constant 256 : i32
        %mul3A_58 = arith.muli %add3A_56, %mul3A_57 : i32
        %multiple_of3A_59 = tpu.assume_multiple %mul3A_58, 256 : i32
        "tpu.region"() ({
          %run_scoped3A = tpu.sem_alloc : memref<!tpu.dma_semaphore, #tpu.memory_space<semaphore_mem>>
          %dma_start3A = tpu.memref_slice %arg16[%multiple_of3A_59] : memref<5120xi32, #tpu.memory_space<vmem>> -> memref<256xi32, #tpu.memory_space<vmem>>
          %dma_start3A_60 = arith.constant 0 : i32
          %dma_start3A_61 = arith.constant 0 : i32
          %dma_start3A_62 = tpu.memref_slice %arg15[%dma_start3A_60, %dma_start3A_61] : memref<2048x128xf32, #tpu.memory_space<vmem_shared>> -> memref<2048x128xf32, #tpu.memory_space<vmem_shared>>
          tpu.enqueue_indirect_dma source(%arg17 : memref<256x128xf32, #tpu.memory_space<vmem>>) target(%dma_start3A_62 : memref<2048x128xf32, #tpu.memory_space<vmem_shared>>) offsets(%dma_start3A : memref<256xi32, #tpu.memory_space<vmem>>) semaphore(%run_scoped3A : memref<!tpu.dma_semaphore, #tpu.memory_space<semaphore_mem>>) {add = true}
          %dma_wait3A = tpu.memref_slice %arg16[%multiple_of3A_59] : memref<5120xi32, #tpu.memory_space<vmem>> -> memref<256xi32, #tpu.memory_space<vmem>>
          %dma_wait3A_63 = arith.constant 0 : i32
          %dma_wait3A_64 = arith.constant 0 : i32
          %dma_wait3A_65 = tpu.memref_slice %arg15[%dma_wait3A_63, %dma_wait3A_64] : memref<2048x128xf32, #tpu.memory_space<vmem_shared>> -> memref<2048x128xf32, #tpu.memory_space<vmem_shared>>
          tpu.wait_indirect_dma semaphore(%run_scoped3A : memref<!tpu.dma_semaphore, #tpu.memory_space<semaphore_mem>>) src(%arg17 : memref<256x128xf32, #tpu.memory_space<vmem>>) dst(%dma_wait3A_65 : memref<2048x128xf32, #tpu.memory_space<vmem_shared>>)
          tpu.yield
        }) : () -> ()
      }
      %scan3A_52 = arith.constant 20 : i32
    } else {
    }
    %barrier3A_11 = arith.constant 0 : index
    tpu.barrier barrier_id(%barrier3A_11)
    %eq3A_12 = arith.constant 0 : i32
    %eq3A_13 = arith.cmpi eq, %arg0, %eq3A_12 : i32
    %convert_element_type3A_14 = arith.extui %eq3A_13 : i1 to i32
    %cond3A_15 = arith.constant 0 : i32
    %cond3A_16 = arith.cmpi ne, %convert_element_type3A_14, %cond3A_15 : i32
    scf.if %cond3A_16 {
      %lt3A = arith.constant 15 : i32
      %lt3A_22 = arith.cmpi slt, %arg1, %lt3A : i32
      %convert_element_type3A_23 = arith.extui %lt3A_22 : i1 to i32
      %cond3A_24 = arith.constant 0 : i32
      %cond3A_25 = arith.cmpi ne, %convert_element_type3A_23, %cond3A_24 : i32
      scf.if %cond3A_25 {
        %mul3A_31 = arith.constant 504 : i32
        %mul3A_32 = arith.muli %arg1, %mul3A_31 : i32
        %multiple_of3A_33 = tpu.assume_multiple %mul3A_32, 8 : i32
        "tpu.region"() ({
          %run_scoped3A = tpu.sem_alloc : memref<!tpu.dma_semaphore, #tpu.memory_space<semaphore_mem>>
          %dma_start3A = arith.constant 0 : i32
          %dma_start3A_34 = tpu.memref_slice %arg12[%multiple_of3A_33, %dma_start3A] : memref<8000x128xf32, #tpu.memory_space<hbm>> -> memref<504x128xf32, #tpu.memory_space<hbm>>
          %dma_start3A_35 = arith.constant 0 : i32
          %dma_start3A_36 = tpu.memref_slice %arg14[%multiple_of3A_33, %dma_start3A_35] : memref<8064x128xf32, #tpu.memory_space<vmem_shared>> -> memref<504x128xf32, #tpu.memory_space<vmem_shared>>
          tpu.enqueue_dma source(%dma_start3A_36 : memref<504x128xf32, #tpu.memory_space<vmem_shared>>) target(%dma_start3A_34 : memref<504x128xf32, #tpu.memory_space<hbm>>) target_semaphore(%run_scoped3A : memref<!tpu.dma_semaphore, #tpu.memory_space<semaphore_mem>>)
          %dma_wait3A = arith.constant 0 : i32
          %dma_wait3A_37 = tpu.memref_slice %arg12[%multiple_of3A_33, %dma_wait3A] : memref<8000x128xf32, #tpu.memory_space<hbm>> -> memref<504x128xf32, #tpu.memory_space<hbm>>
          %dma_wait3A_38 = arith.constant 0 : i32
          %dma_wait3A_39 = tpu.memref_slice %arg14[%multiple_of3A_33, %dma_wait3A_38] : memref<8064x128xf32, #tpu.memory_space<vmem_shared>> -> memref<504x128xf32, #tpu.memory_space<vmem_shared>>
          tpu.wait_dma2 semaphore(%run_scoped3A : memref<!tpu.dma_semaphore, #tpu.memory_space<semaphore_mem>>) src(%dma_wait3A_39 : memref<504x128xf32, #tpu.memory_space<vmem_shared>>) dst(%dma_wait3A_37 : memref<504x128xf32, #tpu.memory_space<hbm>>)
          tpu.yield
        }) : () -> ()
      } else {
      }
      %eq3A_26 = arith.constant 15 : i32
      %eq3A_27 = arith.cmpi eq, %arg1, %eq3A_26 : i32
      %convert_element_type3A_28 = arith.extui %eq3A_27 : i1 to i32
      %cond3A_29 = arith.constant 0 : i32
      %cond3A_30 = arith.cmpi ne, %convert_element_type3A_28, %cond3A_29 : i32
      scf.if %cond3A_30 {
        "tpu.region"() ({
          %run_scoped3A = tpu.sem_alloc : memref<!tpu.dma_semaphore, #tpu.memory_space<semaphore_mem>>
          %dma_start3A = arith.constant 7560 : i32
          %dma_start3A_31 = arith.constant 0 : i32
          %dma_start3A_32 = tpu.memref_slice %arg12[%dma_start3A, %dma_start3A_31] : memref<8000x128xf32, #tpu.memory_space<hbm>> -> memref<440x128xf32, #tpu.memory_space<hbm>>
          %dma_start3A_33 = arith.constant 7560 : i32
          %dma_start3A_34 = arith.constant 0 : i32
          %dma_start3A_35 = tpu.memref_slice %arg14[%dma_start3A_33, %dma_start3A_34] : memref<8064x128xf32, #tpu.memory_space<vmem_shared>> -> memref<440x128xf32, #tpu.memory_space<vmem_shared>>
          tpu.enqueue_dma source(%dma_start3A_35 : memref<440x128xf32, #tpu.memory_space<vmem_shared>>) target(%dma_start3A_32 : memref<440x128xf32, #tpu.memory_space<hbm>>) target_semaphore(%run_scoped3A : memref<!tpu.dma_semaphore, #tpu.memory_space<semaphore_mem>>)
          %dma_wait3A = arith.constant 7560 : i32
          %dma_wait3A_36 = arith.constant 0 : i32
          %dma_wait3A_37 = tpu.memref_slice %arg12[%dma_wait3A, %dma_wait3A_36] : memref<8000x128xf32, #tpu.memory_space<hbm>> -> memref<440x128xf32, #tpu.memory_space<hbm>>
          %dma_wait3A_38 = arith.constant 7560 : i32
          %dma_wait3A_39 = arith.constant 0 : i32
          %dma_wait3A_40 = tpu.memref_slice %arg14[%dma_wait3A_38, %dma_wait3A_39] : memref<8064x128xf32, #tpu.memory_space<vmem_shared>> -> memref<440x128xf32, #tpu.memory_space<vmem_shared>>
          tpu.wait_dma2 semaphore(%run_scoped3A : memref<!tpu.dma_semaphore, #tpu.memory_space<semaphore_mem>>) src(%dma_wait3A_40 : memref<440x128xf32, #tpu.memory_space<vmem_shared>>) dst(%dma_wait3A_37 : memref<440x128xf32, #tpu.memory_space<hbm>>)
          tpu.yield
        }) : () -> ()
      } else {
      }
    } else {
    }
    %eq3A_17 = arith.constant 1 : i32
    %eq3A_18 = arith.cmpi eq, %arg0, %eq3A_17 : i32
    %convert_element_type3A_19 = arith.extui %eq3A_18 : i1 to i32
    %cond3A_20 = arith.constant 0 : i32
    %cond3A_21 = arith.cmpi ne, %convert_element_type3A_19, %cond3A_20 : i32
    scf.if %cond3A_21 {
      %lt3A = arith.constant 15 : i32
      %lt3A_22 = arith.cmpi slt, %arg1, %lt3A : i32
      %convert_element_type3A_23 = arith.extui %lt3A_22 : i1 to i32
      %cond3A_24 = arith.constant 0 : i32
      %cond3A_25 = arith.cmpi ne, %convert_element_type3A_23, %cond3A_24 : i32
      scf.if %cond3A_25 {
        %mul3A_31 = arith.constant 128 : i32
        %mul3A_32 = arith.muli %arg1, %mul3A_31 : i32
        %multiple_of3A_33 = tpu.assume_multiple %mul3A_32, 8 : i32
        "tpu.region"() ({
          %run_scoped3A = tpu.sem_alloc : memref<!tpu.dma_semaphore, #tpu.memory_space<semaphore_mem>>
          %dma_start3A = arith.constant 0 : i32
          %dma_start3A_34 = tpu.memref_slice %arg13[%multiple_of3A_33, %dma_start3A] : memref<2000x128xf32, #tpu.memory_space<hbm>> -> memref<128x128xf32, #tpu.memory_space<hbm>>
          %dma_start3A_35 = arith.constant 0 : i32
          %dma_start3A_36 = tpu.memref_slice %arg15[%multiple_of3A_33, %dma_start3A_35] : memref<2048x128xf32, #tpu.memory_space<vmem_shared>> -> memref<128x128xf32, #tpu.memory_space<vmem_shared>>
          tpu.enqueue_dma source(%dma_start3A_36 : memref<128x128xf32, #tpu.memory_space<vmem_shared>>) target(%dma_start3A_34 : memref<128x128xf32, #tpu.memory_space<hbm>>) target_semaphore(%run_scoped3A : memref<!tpu.dma_semaphore, #tpu.memory_space<semaphore_mem>>)
          %dma_wait3A = arith.constant 0 : i32
          %dma_wait3A_37 = tpu.memref_slice %arg13[%multiple_of3A_33, %dma_wait3A] : memref<2000x128xf32, #tpu.memory_space<hbm>> -> memref<128x128xf32, #tpu.memory_space<hbm>>
          %dma_wait3A_38 = arith.constant 0 : i32
          %dma_wait3A_39 = tpu.memref_slice %arg15[%multiple_of3A_33, %dma_wait3A_38] : memref<2048x128xf32, #tpu.memory_space<vmem_shared>> -> memref<128x128xf32, #tpu.memory_space<vmem_shared>>
          tpu.wait_dma2 semaphore(%run_scoped3A : memref<!tpu.dma_semaphore, #tpu.memory_space<semaphore_mem>>) src(%dma_wait3A_39 : memref<128x128xf32, #tpu.memory_space<vmem_shared>>) dst(%dma_wait3A_37 : memref<128x128xf32, #tpu.memory_space<hbm>>)
          tpu.yield
        }) : () -> ()
      } else {
      }
      %eq3A_26 = arith.constant 15 : i32
      %eq3A_27 = arith.cmpi eq, %arg1, %eq3A_26 : i32
      %convert_element_type3A_28 = arith.extui %eq3A_27 : i1 to i32
      %cond3A_29 = arith.constant 0 : i32
      %cond3A_30 = arith.cmpi ne, %convert_element_type3A_28, %cond3A_29 : i32
      scf.if %cond3A_30 {
        "tpu.region"() ({
          %run_scoped3A = tpu.sem_alloc : memref<!tpu.dma_semaphore, #tpu.memory_space<semaphore_mem>>
          %dma_start3A = arith.constant 1920 : i32
          %dma_start3A_31 = arith.constant 0 : i32
          %dma_start3A_32 = tpu.memref_slice %arg13[%dma_start3A, %dma_start3A_31] : memref<2000x128xf32, #tpu.memory_space<hbm>> -> memref<80x128xf32, #tpu.memory_space<hbm>>
          %dma_start3A_33 = arith.constant 1920 : i32
          %dma_start3A_34 = arith.constant 0 : i32
          %dma_start3A_35 = tpu.memref_slice %arg15[%dma_start3A_33, %dma_start3A_34] : memref<2048x128xf32, #tpu.memory_space<vmem_shared>> -> memref<80x128xf32, #tpu.memory_space<vmem_shared>>
          tpu.enqueue_dma source(%dma_start3A_35 : memref<80x128xf32, #tpu.memory_space<vmem_shared>>) target(%dma_start3A_32 : memref<80x128xf32, #tpu.memory_space<hbm>>) target_semaphore(%run_scoped3A : memref<!tpu.dma_semaphore, #tpu.memory_space<semaphore_mem>>)
          %dma_wait3A = arith.constant 1920 : i32
          %dma_wait3A_36 = arith.constant 0 : i32
          %dma_wait3A_37 = tpu.memref_slice %arg13[%dma_wait3A, %dma_wait3A_36] : memref<2000x128xf32, #tpu.memory_space<hbm>> -> memref<80x128xf32, #tpu.memory_space<hbm>>
          %dma_wait3A_38 = arith.constant 1920 : i32
          %dma_wait3A_39 = arith.constant 0 : i32
          %dma_wait3A_40 = tpu.memref_slice %arg15[%dma_wait3A_38, %dma_wait3A_39] : memref<2048x128xf32, #tpu.memory_space<vmem_shared>> -> memref<80x128xf32, #tpu.memory_space<vmem_shared>>
          tpu.wait_dma2 semaphore(%run_scoped3A : memref<!tpu.dma_semaphore, #tpu.memory_space<semaphore_mem>>) src(%dma_wait3A_40 : memref<80x128xf32, #tpu.memory_space<vmem_shared>>) dst(%dma_wait3A_37 : memref<80x128xf32, #tpu.memory_space<hbm>>)
          tpu.yield
        }) : () -> ()
      } else {
      }
    } else {
    }
    return
  }
}

module attributes {stable_mosaic.version = 14 : i64} {
  func.func @body(%arg0: i32, %arg1: memref<1000x128xf32, #tpu.memory_space<vmem>>, %arg2: memref<1000x128xf32, #tpu.memory_space<vmem>>, %arg3: memref<1000x128xf32, #tpu.memory_space<vmem>>, %arg4: memref<1000x128xf32, #tpu.memory_space<vmem>>) attributes {dimension_semantics = [#tpu.dimension_semantics<arbitrary>], iteration_bounds = array<i64: 2>, scalar_prefetch = 0 : i64, scratch_operands = 0 : i64, tpu.core_type = #tpu.core_type<tc>, window_params = [{transform_indices = @transform_0, window_bounds = array<i64: 1000, 128>}, {transform_indices = @transform_1, window_bounds = array<i64: 1000, 128>}, {transform_indices = @transform_2, window_bounds = array<i64: 1000, 128>}, {transform_indices = @transform_3, window_bounds = array<i64: 1000, 128>}]} {
    %get3A = arith.constant 0 : index
    %get3A_0 = arith.constant 0 : index
    %get3A_1 = vector.load %arg1[%get3A, %get3A_0] : memref<1000x128xf32, #tpu.memory_space<vmem>>, vector<1000x128xf32>
    %get3A_2 = arith.constant 0 : index
    %get3A_3 = arith.constant 0 : index
    %get3A_4 = vector.load %arg2[%get3A_2, %get3A_3] : memref<1000x128xf32, #tpu.memory_space<vmem>>, vector<1000x128xf32>
    %slice3A = vector.extract_strided_slice %get3A_4 {offsets = [0, 32], sizes = [1000, 1], strides = [1, 1]} : vector<1000x128xf32> to vector<1000x1xf32>
    %max3A = arith.constant 1.000000e+00 : f32
    %max3A_5 = vector.broadcast %max3A : f32 to vector<1000x1xf32>
    %max3A_6 = arith.maximumf %slice3A, %max3A_5 : vector<1000x1xf32>
    %rsqrt3A = math.rsqrt %max3A_6 : vector<1000x1xf32>
    %mul3A = vector.broadcast %rsqrt3A : vector<1000x1xf32> to vector<1000x128xf32>
    %mul3A_7 = arith.mulf %get3A_1, %mul3A : vector<1000x128xf32>
    %swap3A = arith.constant 0 : index
    %swap3A_8 = arith.constant 0 : index
    %swap3A_9 = vector.load %arg3[%swap3A, %swap3A_8] : memref<1000x128xf32, #tpu.memory_space<vmem>>, vector<1000x128xf32>
    tpu.vector_store %arg3[%swap3A, %swap3A_8], %mul3A_7 {strides = array<i32>} : memref<1000x128xf32, #tpu.memory_space<vmem>>, vector<1000x128xf32>,
    %slice3A_10 = vector.extract_strided_slice %get3A_4 {offsets = [0, 64], sizes = [1000, 1], strides = [1, 1]} : vector<1000x128xf32> to vector<1000x1xf32>
    %max3A_11 = arith.constant 1.000000e+00 : f32
    %max3A_12 = vector.broadcast %max3A_11 : f32 to vector<1000x1xf32>
    %max3A_13 = arith.maximumf %slice3A_10, %max3A_12 : vector<1000x1xf32>
    %rsqrt3A_14 = math.rsqrt %max3A_13 : vector<1000x1xf32>
    %mul3A_15 = vector.broadcast %rsqrt3A_14 : vector<1000x1xf32> to vector<1000x128xf32>
    %mul3A_16 = arith.mulf %get3A_1, %mul3A_15 : vector<1000x128xf32>
    %swap3A_17 = arith.constant 0 : index
    %swap3A_18 = arith.constant 0 : index
    %swap3A_19 = vector.load %arg4[%swap3A_17, %swap3A_18] : memref<1000x128xf32, #tpu.memory_space<vmem>>, vector<1000x128xf32>
    tpu.vector_store %arg4[%swap3A_17, %swap3A_18], %mul3A_16 {strides = array<i32>} : memref<1000x128xf32, #tpu.memory_space<vmem>>, vector<1000x128xf32>,
    return
  }
  func.func @transform_0(%arg0: i32) -> (i32, i32) {
    %c0_i32 = arith.constant 0 : i32
    %c0_i32_0 = arith.constant 0 : i32
    return %arg0, %c0_i32 : i32, i32
  }
  func.func @transform_1(%arg0: i32) -> (i32, i32) {
    %c0_i32 = arith.constant 0 : i32
    %c0_i32_0 = arith.constant 0 : i32
    return %arg0, %c0_i32 : i32, i32
  }
  func.func @transform_2(%arg0: i32) -> (i32, i32) {
    %c0_i32 = arith.constant 0 : i32
    %c0_i32_0 = arith.constant 0 : i32
    return %arg0, %c0_i32 : i32, i32
  }
  func.func @transform_3(%arg0: i32) -> (i32, i32) {
    %c0_i32 = arith.constant 0 : i32
    %c0_i32_0 = arith.constant 0 : i32
    return %arg0, %c0_i32 : i32, i32
  }
}

module attributes {stable_mosaic.version = 14 : i64} {
  func.func @body(%arg0: i32, %arg1: memref<1000x128xf32, #tpu.memory_space<vmem>>, %arg2: memref<1000x128xf32, #tpu.memory_space<vmem>>, %arg3: memref<1000x128xf32, #tpu.memory_space<vmem>>, %arg4: memref<1000x128xf32, #tpu.memory_space<vmem>>) attributes {dimension_semantics = [#tpu.dimension_semantics<arbitrary>], iteration_bounds = array<i64: 8>, scalar_prefetch = 0 : i64, scratch_operands = 0 : i64, tpu.core_type = #tpu.core_type<tc>, window_params = [{transform_indices = @transform_0, window_bounds = array<i64: 1000, 128>}, {transform_indices = @transform_1, window_bounds = array<i64: 1000, 128>}, {transform_indices = @transform_2, window_bounds = array<i64: 1000, 128>}, {transform_indices = @transform_3, window_bounds = array<i64: 1000, 128>}]} {
    %get3A = arith.constant 0 : index
    %get3A_0 = arith.constant 0 : index
    %get3A_1 = vector.load %arg1[%get3A, %get3A_0] : memref<1000x128xf32, #tpu.memory_space<vmem>>, vector<1000x128xf32>
    %get3A_2 = arith.constant 0 : index
    %get3A_3 = arith.constant 0 : index
    %get3A_4 = vector.load %arg2[%get3A_2, %get3A_3] : memref<1000x128xf32, #tpu.memory_space<vmem>>, vector<1000x128xf32>
    %slice3A = vector.extract_strided_slice %get3A_4 {offsets = [0, 32], sizes = [1000, 1], strides = [1, 1]} : vector<1000x128xf32> to vector<1000x1xf32>
    %max3A = arith.constant 1.000000e+00 : f32
    %max3A_5 = vector.broadcast %max3A : f32 to vector<1000x1xf32>
    %max3A_6 = arith.maximumf %slice3A, %max3A_5 : vector<1000x1xf32>
    %rsqrt3A = math.rsqrt %max3A_6 : vector<1000x1xf32>
    %mul3A = vector.broadcast %rsqrt3A : vector<1000x1xf32> to vector<1000x128xf32>
    %mul3A_7 = arith.mulf %get3A_1, %mul3A : vector<1000x128xf32>
    %swap3A = arith.constant 0 : index
    %swap3A_8 = arith.constant 0 : index
    %swap3A_9 = vector.load %arg3[%swap3A, %swap3A_8] : memref<1000x128xf32, #tpu.memory_space<vmem>>, vector<1000x128xf32>
    tpu.vector_store %arg3[%swap3A, %swap3A_8], %mul3A_7 {strides = array<i32>} : memref<1000x128xf32, #tpu.memory_space<vmem>>, vector<1000x128xf32>,
    %slice3A_10 = vector.extract_strided_slice %get3A_4 {offsets = [0, 64], sizes = [1000, 1], strides = [1, 1]} : vector<1000x128xf32> to vector<1000x1xf32>
    %max3A_11 = arith.constant 1.000000e+00 : f32
    %max3A_12 = vector.broadcast %max3A_11 : f32 to vector<1000x1xf32>
    %max3A_13 = arith.maximumf %slice3A_10, %max3A_12 : vector<1000x1xf32>
    %rsqrt3A_14 = math.rsqrt %max3A_13 : vector<1000x1xf32>
    %mul3A_15 = vector.broadcast %rsqrt3A_14 : vector<1000x1xf32> to vector<1000x128xf32>
    %mul3A_16 = arith.mulf %get3A_1, %mul3A_15 : vector<1000x128xf32>
    %swap3A_17 = arith.constant 0 : index
    %swap3A_18 = arith.constant 0 : index
    %swap3A_19 = vector.load %arg4[%swap3A_17, %swap3A_18] : memref<1000x128xf32, #tpu.memory_space<vmem>>, vector<1000x128xf32>
    tpu.vector_store %arg4[%swap3A_17, %swap3A_18], %mul3A_16 {strides = array<i32>} : memref<1000x128xf32, #tpu.memory_space<vmem>>, vector<1000x128xf32>,
    return
  }
  func.func @transform_0(%arg0: i32) -> (i32, i32) {
    %c0_i32 = arith.constant 0 : i32
    %c0_i32_0 = arith.constant 0 : i32
    return %arg0, %c0_i32 : i32, i32
  }
  func.func @transform_1(%arg0: i32) -> (i32, i32) {
    %c0_i32 = arith.constant 0 : i32
    %c0_i32_0 = arith.constant 0 : i32
    return %arg0, %c0_i32 : i32, i32
  }
  func.func @transform_2(%arg0: i32) -> (i32, i32) {
    %c0_i32 = arith.constant 0 : i32
    %c0_i32_0 = arith.constant 0 : i32
    return %arg0, %c0_i32 : i32, i32
  }
  func.func @transform_3(%arg0: i32) -> (i32, i32) {
    %c0_i32 = arith.constant 0 : i32
    %c0_i32_0 = arith.constant 0 : i32
    return %arg0, %c0_i32 : i32, i32
  }
}

module attributes {stable_mosaic.version = 14 : i64} {
  func.func @body(%arg0: i32, %arg1: memref<1000x128xf32, #tpu.memory_space<vmem>>, %arg2: memref<1000x128xf32, #tpu.memory_space<vmem>>, %arg3: memref<1000x128xf32, #tpu.memory_space<vmem>>, %arg4: memref<128x128xf32, #tpu.memory_space<vmem>>, %arg5: memref<128x128xf32, #tpu.memory_space<vmem>>, %arg6: memref<1x128xf32, #tpu.memory_space<vmem>>, %arg7: memref<1x128xf32, #tpu.memory_space<vmem>>, %arg8: memref<1000x128xf32, #tpu.memory_space<vmem>>, %arg9: memref<1000x128xf32, #tpu.memory_space<vmem>>) attributes {dimension_semantics = [#tpu.dimension_semantics<arbitrary>], iteration_bounds = array<i64: 8>, scalar_prefetch = 0 : i64, scratch_operands = 0 : i64, tpu.core_type = #tpu.core_type<tc>, window_params = [{transform_indices = @transform_0, window_bounds = array<i64: 1000, 128>}, {transform_indices = @transform_1, window_bounds = array<i64: 1000, 128>}, {transform_indices = @transform_2, window_bounds = array<i64: 1000, 128>}, {pipeline_mode = #tpu.pipeline_mode<synchronous>, transform_indices = @transform_3, window_bounds = array<i64: 128, 128>}, {pipeline_mode = #tpu.pipeline_mode<synchronous>, transform_indices = @transform_4, window_bounds = array<i64: 128, 128>}, {pipeline_mode = #tpu.pipeline_mode<synchronous>, transform_indices = @transform_5, window_bounds = array<i64: 1, 128>}, {pipeline_mode = #tpu.pipeline_mode<synchronous>, transform_indices = @transform_6, window_bounds = array<i64: 1, 128>}, {transform_indices = @transform_7, window_bounds = array<i64: 1000, 128>}, {transform_indices = @transform_8, window_bounds = array<i64: 1000, 128>}]} {
    %get3A = arith.constant 0 : index
    %get3A_0 = arith.constant 0 : index
    %get3A_1 = vector.load %arg3[%get3A, %get3A_0] : memref<1000x128xf32, #tpu.memory_space<vmem>>, vector<1000x128xf32>
    %get3A_2 = arith.constant 0 : index
    %get3A_3 = arith.constant 0 : index
    %get3A_4 = vector.load %arg1[%get3A_2, %get3A_3] : memref<1000x128xf32, #tpu.memory_space<vmem>>, vector<1000x128xf32>
    %slice3A = vector.extract_strided_slice %get3A_1 {offsets = [0, 0], sizes = [1000, 1], strides = [1, 1]} : vector<1000x128xf32> to vector<1000x1xf32>
    %max3A = arith.constant 1.000000e+00 : f32
    %max3A_5 = vector.broadcast %max3A : f32 to vector<1000x1xf32>
    %max3A_6 = arith.maximumf %slice3A, %max3A_5 : vector<1000x1xf32>
    %rsqrt3A = math.rsqrt %max3A_6 : vector<1000x1xf32>
    %mul3A = vector.broadcast %rsqrt3A : vector<1000x1xf32> to vector<1000x128xf32>
    %mul3A_7 = arith.mulf %get3A_4, %mul3A : vector<1000x128xf32>
    %get3A_8 = arith.constant 0 : index
    %get3A_9 = arith.constant 0 : index
    %get3A_10 = vector.load %arg2[%get3A_8, %get3A_9] : memref<1000x128xf32, #tpu.memory_space<vmem>>, vector<1000x128xf32>
    %slice3A_11 = vector.extract_strided_slice %get3A_1 {offsets = [0, 96], sizes = [1000, 1], strides = [1, 1]} : vector<1000x128xf32> to vector<1000x1xf32>
    %max3A_12 = arith.constant 1.000000e+00 : f32
    %max3A_13 = vector.broadcast %max3A_12 : f32 to vector<1000x1xf32>
    %max3A_14 = arith.maximumf %slice3A_11, %max3A_13 : vector<1000x1xf32>
    %rsqrt3A_15 = math.rsqrt %max3A_14 : vector<1000x1xf32>
    %mul3A_16 = vector.broadcast %rsqrt3A_15 : vector<1000x1xf32> to vector<1000x128xf32>
    %mul3A_17 = arith.mulf %get3A_10, %mul3A_16 : vector<1000x128xf32>
    %get3A_18 = arith.constant 0 : index
    %get3A_19 = arith.constant 0 : index
    %get3A_20 = vector.load %arg4[%get3A_18, %get3A_19] : memref<128x128xf32, #tpu.memory_space<vmem>>, vector<128x128xf32>
    %dot_general3A = arith.constant dense<0.000000e+00> : vector<1000x128xf32>
    %dot_general3A_21 = tpu.matmul %mul3A_7, %get3A_20, %dot_general3A {dimension_numbers = #tpu.dot_dimension_numbers<[1], [0], [0], [1], [0, 0, 1, 1], [], []>, transpose_lhs_hint = false} : vector<1000x128xf32>, vector<128x128xf32>, vector<1000x128xf32> -> vector<1000x128xf32>
    %get3A_22 = arith.constant 0 : index
    %get3A_23 = arith.constant 0 : index
    %get3A_24 = vector.load %arg5[%get3A_22, %get3A_23] : memref<128x128xf32, #tpu.memory_space<vmem>>, vector<128x128xf32>
    %dot_general3A_25 = arith.constant dense<0.000000e+00> : vector<1000x128xf32>
    %dot_general3A_26 = tpu.matmul %mul3A_17, %get3A_24, %dot_general3A_25 {dimension_numbers = #tpu.dot_dimension_numbers<[1], [0], [0], [1], [0, 0, 1, 1], [], []>, transpose_lhs_hint = false} : vector<1000x128xf32>, vector<128x128xf32>, vector<1000x128xf32> -> vector<1000x128xf32>
    %add3A = arith.addf %dot_general3A_21, %dot_general3A_26 : vector<1000x128xf32>
    %get3A_27 = arith.constant 0 : index
    %get3A_28 = arith.constant 0 : index
    %get3A_29 = vector.load %arg6[%get3A_27, %get3A_28] : memref<1x128xf32, #tpu.memory_space<vmem>>, vector<1x128xf32>
    %add3A_30 = vector.broadcast %get3A_29 : vector<1x128xf32> to vector<1000x128xf32>
    %add3A_31 = arith.addf %add3A, %add3A_30 : vector<1000x128xf32>
    %get3A_32 = arith.constant 0 : index
    %get3A_33 = arith.constant 0 : index
    %get3A_34 = vector.load %arg7[%get3A_32, %get3A_33] : memref<1x128xf32, #tpu.memory_space<vmem>>, vector<1x128xf32>
    %add3A_35 = vector.broadcast %get3A_34 : vector<1x128xf32> to vector<1000x128xf32>
    %add3A_36 = arith.addf %add3A_31, %add3A_35 : vector<1000x128xf32>
    %max3A_37 = arith.constant 0.000000e+00 : f32
    %max3A_38 = vector.broadcast %max3A_37 : f32 to vector<1000x128xf32>
    %max3A_39 = arith.maximumf %add3A_36, %max3A_38 : vector<1000x128xf32>
    %slice3A_40 = vector.extract_strided_slice %get3A_1 {offsets = [0, 32], sizes = [1000, 1], strides = [1, 1]} : vector<1000x128xf32> to vector<1000x1xf32>
    %max3A_41 = arith.constant 1.000000e+00 : f32
    %max3A_42 = vector.broadcast %max3A_41 : f32 to vector<1000x1xf32>
    %max3A_43 = arith.maximumf %slice3A_40, %max3A_42 : vector<1000x1xf32>
    %rsqrt3A_44 = math.rsqrt %max3A_43 : vector<1000x1xf32>
    %mul3A_45 = vector.broadcast %rsqrt3A_44 : vector<1000x1xf32> to vector<1000x128xf32>
    %mul3A_46 = arith.mulf %max3A_39, %mul3A_45 : vector<1000x128xf32>
    %swap3A = arith.constant 0 : index
    %swap3A_47 = arith.constant 0 : index
    %swap3A_48 = vector.load %arg8[%swap3A, %swap3A_47] : memref<1000x128xf32, #tpu.memory_space<vmem>>, vector<1000x128xf32>
    tpu.vector_store %arg8[%swap3A, %swap3A_47], %mul3A_46 {strides = array<i32>} : memref<1000x128xf32, #tpu.memory_space<vmem>>, vector<1000x128xf32>,
    %slice3A_49 = vector.extract_strided_slice %get3A_1 {offsets = [0, 64], sizes = [1000, 1], strides = [1, 1]} : vector<1000x128xf32> to vector<1000x1xf32>
    %max3A_50 = arith.constant 1.000000e+00 : f32
    %max3A_51 = vector.broadcast %max3A_50 : f32 to vector<1000x1xf32>
    %max3A_52 = arith.maximumf %slice3A_49, %max3A_51 : vector<1000x1xf32>
    %rsqrt3A_53 = math.rsqrt %max3A_52 : vector<1000x1xf32>
    %mul3A_54 = vector.broadcast %rsqrt3A_53 : vector<1000x1xf32> to vector<1000x128xf32>
    %mul3A_55 = arith.mulf %max3A_39, %mul3A_54 : vector<1000x128xf32>
    %swap3A_56 = arith.constant 0 : index
    %swap3A_57 = arith.constant 0 : index
    %swap3A_58 = vector.load %arg9[%swap3A_56, %swap3A_57] : memref<1000x128xf32, #tpu.memory_space<vmem>>, vector<1000x128xf32>
    tpu.vector_store %arg9[%swap3A_56, %swap3A_57], %mul3A_55 {strides = array<i32>} : memref<1000x128xf32, #tpu.memory_space<vmem>>, vector<1000x128xf32>,
    return
  }
  func.func @transform_0(%arg0: i32) -> (i32, i32) {
    %c0_i32 = arith.constant 0 : i32
    %c0_i32_0 = arith.constant 0 : i32
    return %arg0, %c0_i32 : i32, i32
  }
  func.func @transform_1(%arg0: i32) -> (i32, i32) {
    %c0_i32 = arith.constant 0 : i32
    %c0_i32_0 = arith.constant 0 : i32
    return %arg0, %c0_i32 : i32, i32
  }
  func.func @transform_2(%arg0: i32) -> (i32, i32) {
    %c0_i32 = arith.constant 0 : i32
    %c0_i32_0 = arith.constant 0 : i32
    return %arg0, %c0_i32 : i32, i32
  }
  func.func @transform_3(%arg0: i32) -> (i32, i32) {
    %c0_i32 = arith.constant 0 : i32
    %c0_i32_0 = arith.constant 0 : i32
    %c0_i32_1 = arith.constant 0 : i32
    return %c0_i32, %c0_i32_0 : i32, i32
  }
  func.func @transform_4(%arg0: i32) -> (i32, i32) {
    %c0_i32 = arith.constant 0 : i32
    %c0_i32_0 = arith.constant 0 : i32
    %c0_i32_1 = arith.constant 0 : i32
    return %c0_i32, %c0_i32_0 : i32, i32
  }
  func.func @transform_5(%arg0: i32) -> (i32, i32) {
    %c0_i32 = arith.constant 0 : i32
    %c0_i32_0 = arith.constant 0 : i32
    %c0_i32_1 = arith.constant 0 : i32
    return %c0_i32, %c0_i32_0 : i32, i32
  }
  func.func @transform_6(%arg0: i32) -> (i32, i32) {
    %c0_i32 = arith.constant 0 : i32
    %c0_i32_0 = arith.constant 0 : i32
    %c0_i32_1 = arith.constant 0 : i32
    return %c0_i32, %c0_i32_0 : i32, i32
  }
  func.func @transform_7(%arg0: i32) -> (i32, i32) {
    %c0_i32 = arith.constant 0 : i32
    %c0_i32_0 = arith.constant 0 : i32
    return %arg0, %c0_i32 : i32, i32
  }
  func.func @transform_8(%arg0: i32) -> (i32, i32) {
    %c0_i32 = arith.constant 0 : i32
    %c0_i32_0 = arith.constant 0 : i32
    return %arg0, %c0_i32 : i32, i32
  }
}

module attributes {stable_mosaic.version = 14 : i64} {
  func.func @body(%arg0: i32, %arg1: memref<1000x128xf32, #tpu.memory_space<vmem>>, %arg2: memref<1000x128xf32, #tpu.memory_space<vmem>>, %arg3: memref<1000x128xf32, #tpu.memory_space<vmem>>, %arg4: memref<128x128xf32, #tpu.memory_space<vmem>>, %arg5: memref<128x128xf32, #tpu.memory_space<vmem>>, %arg6: memref<1x128xf32, #tpu.memory_space<vmem>>, %arg7: memref<1x128xf32, #tpu.memory_space<vmem>>, %arg8: memref<1000x128xf32, #tpu.memory_space<vmem>>, %arg9: memref<1000x128xf32, #tpu.memory_space<vmem>>) attributes {dimension_semantics = [#tpu.dimension_semantics<arbitrary>], iteration_bounds = array<i64: 2>, scalar_prefetch = 0 : i64, scratch_operands = 0 : i64, tpu.core_type = #tpu.core_type<tc>, window_params = [{transform_indices = @transform_0, window_bounds = array<i64: 1000, 128>}, {transform_indices = @transform_1, window_bounds = array<i64: 1000, 128>}, {transform_indices = @transform_2, window_bounds = array<i64: 1000, 128>}, {pipeline_mode = #tpu.pipeline_mode<synchronous>, transform_indices = @transform_3, window_bounds = array<i64: 128, 128>}, {pipeline_mode = #tpu.pipeline_mode<synchronous>, transform_indices = @transform_4, window_bounds = array<i64: 128, 128>}, {pipeline_mode = #tpu.pipeline_mode<synchronous>, transform_indices = @transform_5, window_bounds = array<i64: 1, 128>}, {pipeline_mode = #tpu.pipeline_mode<synchronous>, transform_indices = @transform_6, window_bounds = array<i64: 1, 128>}, {transform_indices = @transform_7, window_bounds = array<i64: 1000, 128>}, {transform_indices = @transform_8, window_bounds = array<i64: 1000, 128>}]} {
    %get3A = arith.constant 0 : index
    %get3A_0 = arith.constant 0 : index
    %get3A_1 = vector.load %arg3[%get3A, %get3A_0] : memref<1000x128xf32, #tpu.memory_space<vmem>>, vector<1000x128xf32>
    %get3A_2 = arith.constant 0 : index
    %get3A_3 = arith.constant 0 : index
    %get3A_4 = vector.load %arg1[%get3A_2, %get3A_3] : memref<1000x128xf32, #tpu.memory_space<vmem>>, vector<1000x128xf32>
    %slice3A = vector.extract_strided_slice %get3A_1 {offsets = [0, 0], sizes = [1000, 1], strides = [1, 1]} : vector<1000x128xf32> to vector<1000x1xf32>
    %max3A = arith.constant 1.000000e+00 : f32
    %max3A_5 = vector.broadcast %max3A : f32 to vector<1000x1xf32>
    %max3A_6 = arith.maximumf %slice3A, %max3A_5 : vector<1000x1xf32>
    %rsqrt3A = math.rsqrt %max3A_6 : vector<1000x1xf32>
    %mul3A = vector.broadcast %rsqrt3A : vector<1000x1xf32> to vector<1000x128xf32>
    %mul3A_7 = arith.mulf %get3A_4, %mul3A : vector<1000x128xf32>
    %get3A_8 = arith.constant 0 : index
    %get3A_9 = arith.constant 0 : index
    %get3A_10 = vector.load %arg2[%get3A_8, %get3A_9] : memref<1000x128xf32, #tpu.memory_space<vmem>>, vector<1000x128xf32>
    %slice3A_11 = vector.extract_strided_slice %get3A_1 {offsets = [0, 96], sizes = [1000, 1], strides = [1, 1]} : vector<1000x128xf32> to vector<1000x1xf32>
    %max3A_12 = arith.constant 1.000000e+00 : f32
    %max3A_13 = vector.broadcast %max3A_12 : f32 to vector<1000x1xf32>
    %max3A_14 = arith.maximumf %slice3A_11, %max3A_13 : vector<1000x1xf32>
    %rsqrt3A_15 = math.rsqrt %max3A_14 : vector<1000x1xf32>
    %mul3A_16 = vector.broadcast %rsqrt3A_15 : vector<1000x1xf32> to vector<1000x128xf32>
    %mul3A_17 = arith.mulf %get3A_10, %mul3A_16 : vector<1000x128xf32>
    %get3A_18 = arith.constant 0 : index
    %get3A_19 = arith.constant 0 : index
    %get3A_20 = vector.load %arg4[%get3A_18, %get3A_19] : memref<128x128xf32, #tpu.memory_space<vmem>>, vector<128x128xf32>
    %dot_general3A = arith.constant dense<0.000000e+00> : vector<1000x128xf32>
    %dot_general3A_21 = tpu.matmul %mul3A_7, %get3A_20, %dot_general3A {dimension_numbers = #tpu.dot_dimension_numbers<[1], [0], [0], [1], [0, 0, 1, 1], [], []>, transpose_lhs_hint = false} : vector<1000x128xf32>, vector<128x128xf32>, vector<1000x128xf32> -> vector<1000x128xf32>
    %get3A_22 = arith.constant 0 : index
    %get3A_23 = arith.constant 0 : index
    %get3A_24 = vector.load %arg5[%get3A_22, %get3A_23] : memref<128x128xf32, #tpu.memory_space<vmem>>, vector<128x128xf32>
    %dot_general3A_25 = arith.constant dense<0.000000e+00> : vector<1000x128xf32>
    %dot_general3A_26 = tpu.matmul %mul3A_17, %get3A_24, %dot_general3A_25 {dimension_numbers = #tpu.dot_dimension_numbers<[1], [0], [0], [1], [0, 0, 1, 1], [], []>, transpose_lhs_hint = false} : vector<1000x128xf32>, vector<128x128xf32>, vector<1000x128xf32> -> vector<1000x128xf32>
    %add3A = arith.addf %dot_general3A_21, %dot_general3A_26 : vector<1000x128xf32>
    %get3A_27 = arith.constant 0 : index
    %get3A_28 = arith.constant 0 : index
    %get3A_29 = vector.load %arg6[%get3A_27, %get3A_28] : memref<1x128xf32, #tpu.memory_space<vmem>>, vector<1x128xf32>
    %add3A_30 = vector.broadcast %get3A_29 : vector<1x128xf32> to vector<1000x128xf32>
    %add3A_31 = arith.addf %add3A, %add3A_30 : vector<1000x128xf32>
    %get3A_32 = arith.constant 0 : index
    %get3A_33 = arith.constant 0 : index
    %get3A_34 = vector.load %arg7[%get3A_32, %get3A_33] : memref<1x128xf32, #tpu.memory_space<vmem>>, vector<1x128xf32>
    %add3A_35 = vector.broadcast %get3A_34 : vector<1x128xf32> to vector<1000x128xf32>
    %add3A_36 = arith.addf %add3A_31, %add3A_35 : vector<1000x128xf32>
    %max3A_37 = arith.constant 0.000000e+00 : f32
    %max3A_38 = vector.broadcast %max3A_37 : f32 to vector<1000x128xf32>
    %max3A_39 = arith.maximumf %add3A_36, %max3A_38 : vector<1000x128xf32>
    %slice3A_40 = vector.extract_strided_slice %get3A_1 {offsets = [0, 32], sizes = [1000, 1], strides = [1, 1]} : vector<1000x128xf32> to vector<1000x1xf32>
    %max3A_41 = arith.constant 1.000000e+00 : f32
    %max3A_42 = vector.broadcast %max3A_41 : f32 to vector<1000x1xf32>
    %max3A_43 = arith.maximumf %slice3A_40, %max3A_42 : vector<1000x1xf32>
    %rsqrt3A_44 = math.rsqrt %max3A_43 : vector<1000x1xf32>
    %mul3A_45 = vector.broadcast %rsqrt3A_44 : vector<1000x1xf32> to vector<1000x128xf32>
    %mul3A_46 = arith.mulf %max3A_39, %mul3A_45 : vector<1000x128xf32>
    %swap3A = arith.constant 0 : index
    %swap3A_47 = arith.constant 0 : index
    %swap3A_48 = vector.load %arg8[%swap3A, %swap3A_47] : memref<1000x128xf32, #tpu.memory_space<vmem>>, vector<1000x128xf32>
    tpu.vector_store %arg8[%swap3A, %swap3A_47], %mul3A_46 {strides = array<i32>} : memref<1000x128xf32, #tpu.memory_space<vmem>>, vector<1000x128xf32>,
    %slice3A_49 = vector.extract_strided_slice %get3A_1 {offsets = [0, 64], sizes = [1000, 1], strides = [1, 1]} : vector<1000x128xf32> to vector<1000x1xf32>
    %max3A_50 = arith.constant 1.000000e+00 : f32
    %max3A_51 = vector.broadcast %max3A_50 : f32 to vector<1000x1xf32>
    %max3A_52 = arith.maximumf %slice3A_49, %max3A_51 : vector<1000x1xf32>
    %rsqrt3A_53 = math.rsqrt %max3A_52 : vector<1000x1xf32>
    %mul3A_54 = vector.broadcast %rsqrt3A_53 : vector<1000x1xf32> to vector<1000x128xf32>
    %mul3A_55 = arith.mulf %max3A_39, %mul3A_54 : vector<1000x128xf32>
    %swap3A_56 = arith.constant 0 : index
    %swap3A_57 = arith.constant 0 : index
    %swap3A_58 = vector.load %arg9[%swap3A_56, %swap3A_57] : memref<1000x128xf32, #tpu.memory_space<vmem>>, vector<1000x128xf32>
    tpu.vector_store %arg9[%swap3A_56, %swap3A_57], %mul3A_55 {strides = array<i32>} : memref<1000x128xf32, #tpu.memory_space<vmem>>, vector<1000x128xf32>,
    return
  }
  func.func @transform_0(%arg0: i32) -> (i32, i32) {
    %c0_i32 = arith.constant 0 : i32
    %c0_i32_0 = arith.constant 0 : i32
    return %arg0, %c0_i32 : i32, i32
  }
  func.func @transform_1(%arg0: i32) -> (i32, i32) {
    %c0_i32 = arith.constant 0 : i32
    %c0_i32_0 = arith.constant 0 : i32
    return %arg0, %c0_i32 : i32, i32
  }
  func.func @transform_2(%arg0: i32) -> (i32, i32) {
    %c0_i32 = arith.constant 0 : i32
    %c0_i32_0 = arith.constant 0 : i32
    return %arg0, %c0_i32 : i32, i32
  }
  func.func @transform_3(%arg0: i32) -> (i32, i32) {
    %c0_i32 = arith.constant 0 : i32
    %c0_i32_0 = arith.constant 0 : i32
    %c0_i32_1 = arith.constant 0 : i32
    return %c0_i32, %c0_i32_0 : i32, i32
  }
  func.func @transform_4(%arg0: i32) -> (i32, i32) {
    %c0_i32 = arith.constant 0 : i32
    %c0_i32_0 = arith.constant 0 : i32
    %c0_i32_1 = arith.constant 0 : i32
    return %c0_i32, %c0_i32_0 : i32, i32
  }
  func.func @transform_5(%arg0: i32) -> (i32, i32) {
    %c0_i32 = arith.constant 0 : i32
    %c0_i32_0 = arith.constant 0 : i32
    %c0_i32_1 = arith.constant 0 : i32
    return %c0_i32, %c0_i32_0 : i32, i32
  }
  func.func @transform_6(%arg0: i32) -> (i32, i32) {
    %c0_i32 = arith.constant 0 : i32
    %c0_i32_0 = arith.constant 0 : i32
    %c0_i32_1 = arith.constant 0 : i32
    return %c0_i32, %c0_i32_0 : i32, i32
  }
  func.func @transform_7(%arg0: i32) -> (i32, i32) {
    %c0_i32 = arith.constant 0 : i32
    %c0_i32_0 = arith.constant 0 : i32
    return %arg0, %c0_i32 : i32, i32
  }
  func.func @transform_8(%arg0: i32) -> (i32, i32) {
    %c0_i32 = arith.constant 0 : i32
    %c0_i32_0 = arith.constant 0 : i32
    return %arg0, %c0_i32 : i32, i32
  }
}

module attributes {stable_mosaic.version = 14 : i64} {
  func.func @body(%arg0: i32, %arg1: memref<1000x128xf32, #tpu.memory_space<vmem>>, %arg2: memref<1000x128xf32, #tpu.memory_space<vmem>>, %arg3: memref<1000x128xf32, #tpu.memory_space<vmem>>, %arg4: memref<128x128xf32, #tpu.memory_space<vmem>>, %arg5: memref<128x128xf32, #tpu.memory_space<vmem>>, %arg6: memref<1x128xf32, #tpu.memory_space<vmem>>, %arg7: memref<1x128xf32, #tpu.memory_space<vmem>>, %arg8: memref<1000x128xf32, #tpu.memory_space<vmem>>) attributes {dimension_semantics = [#tpu.dimension_semantics<arbitrary>], iteration_bounds = array<i64: 2>, scalar_prefetch = 0 : i64, scratch_operands = 0 : i64, tpu.core_type = #tpu.core_type<tc>, window_params = [{transform_indices = @transform_0, window_bounds = array<i64: 1000, 128>}, {transform_indices = @transform_1, window_bounds = array<i64: 1000, 128>}, {transform_indices = @transform_2, window_bounds = array<i64: 1000, 128>}, {pipeline_mode = #tpu.pipeline_mode<synchronous>, transform_indices = @transform_3, window_bounds = array<i64: 128, 128>}, {pipeline_mode = #tpu.pipeline_mode<synchronous>, transform_indices = @transform_4, window_bounds = array<i64: 128, 128>}, {pipeline_mode = #tpu.pipeline_mode<synchronous>, transform_indices = @transform_5, window_bounds = array<i64: 1, 128>}, {pipeline_mode = #tpu.pipeline_mode<synchronous>, transform_indices = @transform_6, window_bounds = array<i64: 1, 128>}, {transform_indices = @transform_7, window_bounds = array<i64: 1000, 128>}]} {
    %get3A = arith.constant 0 : index
    %get3A_0 = arith.constant 0 : index
    %get3A_1 = vector.load %arg3[%get3A, %get3A_0] : memref<1000x128xf32, #tpu.memory_space<vmem>>, vector<1000x128xf32>
    %get3A_2 = arith.constant 0 : index
    %get3A_3 = arith.constant 0 : index
    %get3A_4 = vector.load %arg1[%get3A_2, %get3A_3] : memref<1000x128xf32, #tpu.memory_space<vmem>>, vector<1000x128xf32>
    %slice3A = vector.extract_strided_slice %get3A_1 {offsets = [0, 0], sizes = [1000, 1], strides = [1, 1]} : vector<1000x128xf32> to vector<1000x1xf32>
    %max3A = arith.constant 1.000000e+00 : f32
    %max3A_5 = vector.broadcast %max3A : f32 to vector<1000x1xf32>
    %max3A_6 = arith.maximumf %slice3A, %max3A_5 : vector<1000x1xf32>
    %rsqrt3A = math.rsqrt %max3A_6 : vector<1000x1xf32>
    %mul3A = vector.broadcast %rsqrt3A : vector<1000x1xf32> to vector<1000x128xf32>
    %mul3A_7 = arith.mulf %get3A_4, %mul3A : vector<1000x128xf32>
    %get3A_8 = arith.constant 0 : index
    %get3A_9 = arith.constant 0 : index
    %get3A_10 = vector.load %arg2[%get3A_8, %get3A_9] : memref<1000x128xf32, #tpu.memory_space<vmem>>, vector<1000x128xf32>
    %slice3A_11 = vector.extract_strided_slice %get3A_1 {offsets = [0, 96], sizes = [1000, 1], strides = [1, 1]} : vector<1000x128xf32> to vector<1000x1xf32>
    %max3A_12 = arith.constant 1.000000e+00 : f32
    %max3A_13 = vector.broadcast %max3A_12 : f32 to vector<1000x1xf32>
    %max3A_14 = arith.maximumf %slice3A_11, %max3A_13 : vector<1000x1xf32>
    %rsqrt3A_15 = math.rsqrt %max3A_14 : vector<1000x1xf32>
    %mul3A_16 = vector.broadcast %rsqrt3A_15 : vector<1000x1xf32> to vector<1000x128xf32>
    %mul3A_17 = arith.mulf %get3A_10, %mul3A_16 : vector<1000x128xf32>
    %get3A_18 = arith.constant 0 : index
    %get3A_19 = arith.constant 0 : index
    %get3A_20 = vector.load %arg4[%get3A_18, %get3A_19] : memref<128x128xf32, #tpu.memory_space<vmem>>, vector<128x128xf32>
    %dot_general3A = arith.constant dense<0.000000e+00> : vector<1000x128xf32>
    %dot_general3A_21 = tpu.matmul %mul3A_7, %get3A_20, %dot_general3A {dimension_numbers = #tpu.dot_dimension_numbers<[1], [0], [0], [1], [0, 0, 1, 1], [], []>, transpose_lhs_hint = false} : vector<1000x128xf32>, vector<128x128xf32>, vector<1000x128xf32> -> vector<1000x128xf32>
    %get3A_22 = arith.constant 0 : index
    %get3A_23 = arith.constant 0 : index
    %get3A_24 = vector.load %arg5[%get3A_22, %get3A_23] : memref<128x128xf32, #tpu.memory_space<vmem>>, vector<128x128xf32>
    %dot_general3A_25 = arith.constant dense<0.000000e+00> : vector<1000x128xf32>
    %dot_general3A_26 = tpu.matmul %mul3A_17, %get3A_24, %dot_general3A_25 {dimension_numbers = #tpu.dot_dimension_numbers<[1], [0], [0], [1], [0, 0, 1, 1], [], []>, transpose_lhs_hint = false} : vector<1000x128xf32>, vector<128x128xf32>, vector<1000x128xf32> -> vector<1000x128xf32>
    %add3A = arith.addf %dot_general3A_21, %dot_general3A_26 : vector<1000x128xf32>
    %get3A_27 = arith.constant 0 : index
    %get3A_28 = arith.constant 0 : index
    %get3A_29 = vector.load %arg6[%get3A_27, %get3A_28] : memref<1x128xf32, #tpu.memory_space<vmem>>, vector<1x128xf32>
    %add3A_30 = vector.broadcast %get3A_29 : vector<1x128xf32> to vector<1000x128xf32>
    %add3A_31 = arith.addf %add3A, %add3A_30 : vector<1000x128xf32>
    %get3A_32 = arith.constant 0 : index
    %get3A_33 = arith.constant 0 : index
    %get3A_34 = vector.load %arg7[%get3A_32, %get3A_33] : memref<1x128xf32, #tpu.memory_space<vmem>>, vector<1x128xf32>
    %add3A_35 = vector.broadcast %get3A_34 : vector<1x128xf32> to vector<1000x128xf32>
    %add3A_36 = arith.addf %add3A_31, %add3A_35 : vector<1000x128xf32>
    %swap3A = arith.constant 0 : index
    %swap3A_37 = arith.constant 0 : index
    %swap3A_38 = vector.load %arg8[%swap3A, %swap3A_37] : memref<1000x128xf32, #tpu.memory_space<vmem>>, vector<1000x128xf32>
    tpu.vector_store %arg8[%swap3A, %swap3A_37], %add3A_36 {strides = array<i32>} : memref<1000x128xf32, #tpu.memory_space<vmem>>, vector<1000x128xf32>,
    return
  }
  func.func @transform_0(%arg0: i32) -> (i32, i32) {
    %c0_i32 = arith.constant 0 : i32
    %c0_i32_0 = arith.constant 0 : i32
    return %arg0, %c0_i32 : i32, i32
  }
  func.func @transform_1(%arg0: i32) -> (i32, i32) {
    %c0_i32 = arith.constant 0 : i32
    %c0_i32_0 = arith.constant 0 : i32
    return %arg0, %c0_i32 : i32, i32
  }
  func.func @transform_2(%arg0: i32) -> (i32, i32) {
    %c0_i32 = arith.constant 0 : i32
    %c0_i32_0 = arith.constant 0 : i32
    return %arg0, %c0_i32 : i32, i32
  }
  func.func @transform_3(%arg0: i32) -> (i32, i32) {
    %c0_i32 = arith.constant 0 : i32
    %c0_i32_0 = arith.constant 0 : i32
    %c0_i32_1 = arith.constant 0 : i32
    return %c0_i32, %c0_i32_0 : i32, i32
  }
  func.func @transform_4(%arg0: i32) -> (i32, i32) {
    %c0_i32 = arith.constant 0 : i32
    %c0_i32_0 = arith.constant 0 : i32
    %c0_i32_1 = arith.constant 0 : i32
    return %c0_i32, %c0_i32_0 : i32, i32
  }
  func.func @transform_5(%arg0: i32) -> (i32, i32) {
    %c0_i32 = arith.constant 0 : i32
    %c0_i32_0 = arith.constant 0 : i32
    %c0_i32_1 = arith.constant 0 : i32
    return %c0_i32, %c0_i32_0 : i32, i32
  }
  func.func @transform_6(%arg0: i32) -> (i32, i32) {
    %c0_i32 = arith.constant 0 : i32
    %c0_i32_0 = arith.constant 0 : i32
    %c0_i32_1 = arith.constant 0 : i32
    return %c0_i32, %c0_i32_0 : i32, i32
  }
  func.func @transform_7(%arg0: i32) -> (i32, i32) {
    %c0_i32 = arith.constant 0 : i32
    %c0_i32_0 = arith.constant 0 : i32
    return %arg0, %c0_i32 : i32, i32
  }
}

module attributes {stable_mosaic.version = 14 : i64} {
  func.func @body(%arg0: i32, %arg1: memref<1000x128xf32, #tpu.memory_space<vmem>>, %arg2: memref<1000x128xf32, #tpu.memory_space<vmem>>, %arg3: memref<1000x128xf32, #tpu.memory_space<vmem>>, %arg4: memref<128x128xf32, #tpu.memory_space<vmem>>, %arg5: memref<128x128xf32, #tpu.memory_space<vmem>>, %arg6: memref<1x128xf32, #tpu.memory_space<vmem>>, %arg7: memref<1x128xf32, #tpu.memory_space<vmem>>, %arg8: memref<1x128xf32, #tpu.memory_space<vmem>>) attributes {dimension_semantics = [#tpu.dimension_semantics<arbitrary>], iteration_bounds = array<i64: 8>, scalar_prefetch = 0 : i64, scratch_operands = 0 : i64, tpu.core_type = #tpu.core_type<tc>, window_params = [{transform_indices = @transform_0, window_bounds = array<i64: 1000, 128>}, {transform_indices = @transform_1, window_bounds = array<i64: 1000, 128>}, {transform_indices = @transform_2, window_bounds = array<i64: 1000, 128>}, {pipeline_mode = #tpu.pipeline_mode<synchronous>, transform_indices = @transform_3, window_bounds = array<i64: 128, 128>}, {pipeline_mode = #tpu.pipeline_mode<synchronous>, transform_indices = @transform_4, window_bounds = array<i64: 128, 128>}, {pipeline_mode = #tpu.pipeline_mode<synchronous>, transform_indices = @transform_5, window_bounds = array<i64: 1, 128>}, {pipeline_mode = #tpu.pipeline_mode<synchronous>, transform_indices = @transform_6, window_bounds = array<i64: 1, 128>}, {pipeline_mode = #tpu.pipeline_mode<synchronous>, transform_indices = @transform_7, window_bounds = array<i64: 1, 128>}]} {
    %get3A = arith.constant 0 : index
    %get3A_0 = arith.constant 0 : index
    %get3A_1 = vector.load %arg3[%get3A, %get3A_0] : memref<1000x128xf32, #tpu.memory_space<vmem>>, vector<1000x128xf32>
    %get3A_2 = arith.constant 0 : index
    %get3A_3 = arith.constant 0 : index
    %get3A_4 = vector.load %arg1[%get3A_2, %get3A_3] : memref<1000x128xf32, #tpu.memory_space<vmem>>, vector<1000x128xf32>
    %slice3A = vector.extract_strided_slice %get3A_1 {offsets = [0, 0], sizes = [1000, 1], strides = [1, 1]} : vector<1000x128xf32> to vector<1000x1xf32>
    %max3A = arith.constant 1.000000e+00 : f32
    %max3A_5 = vector.broadcast %max3A : f32 to vector<1000x1xf32>
    %max3A_6 = arith.maximumf %slice3A, %max3A_5 : vector<1000x1xf32>
    %rsqrt3A = math.rsqrt %max3A_6 : vector<1000x1xf32>
    %mul3A = vector.broadcast %rsqrt3A : vector<1000x1xf32> to vector<1000x128xf32>
    %mul3A_7 = arith.mulf %get3A_4, %mul3A : vector<1000x128xf32>
    %get3A_8 = arith.constant 0 : index
    %get3A_9 = arith.constant 0 : index
    %get3A_10 = vector.load %arg2[%get3A_8, %get3A_9] : memref<1000x128xf32, #tpu.memory_space<vmem>>, vector<1000x128xf32>
    %slice3A_11 = vector.extract_strided_slice %get3A_1 {offsets = [0, 96], sizes = [1000, 1], strides = [1, 1]} : vector<1000x128xf32> to vector<1000x1xf32>
    %max3A_12 = arith.constant 1.000000e+00 : f32
    %max3A_13 = vector.broadcast %max3A_12 : f32 to vector<1000x1xf32>
    %max3A_14 = arith.maximumf %slice3A_11, %max3A_13 : vector<1000x1xf32>
    %rsqrt3A_15 = math.rsqrt %max3A_14 : vector<1000x1xf32>
    %mul3A_16 = vector.broadcast %rsqrt3A_15 : vector<1000x1xf32> to vector<1000x128xf32>
    %mul3A_17 = arith.mulf %get3A_10, %mul3A_16 : vector<1000x128xf32>
    %get3A_18 = arith.constant 0 : index
    %get3A_19 = arith.constant 0 : index
    %get3A_20 = vector.load %arg4[%get3A_18, %get3A_19] : memref<128x128xf32, #tpu.memory_space<vmem>>, vector<128x128xf32>
    %dot_general3A = arith.constant dense<0.000000e+00> : vector<1000x128xf32>
    %dot_general3A_21 = tpu.matmul %mul3A_7, %get3A_20, %dot_general3A {dimension_numbers = #tpu.dot_dimension_numbers<[1], [0], [0], [1], [0, 0, 1, 1], [], []>, transpose_lhs_hint = false} : vector<1000x128xf32>, vector<128x128xf32>, vector<1000x128xf32> -> vector<1000x128xf32>
    %get3A_22 = arith.constant 0 : index
    %get3A_23 = arith.constant 0 : index
    %get3A_24 = vector.load %arg5[%get3A_22, %get3A_23] : memref<128x128xf32, #tpu.memory_space<vmem>>, vector<128x128xf32>
    %dot_general3A_25 = arith.constant dense<0.000000e+00> : vector<1000x128xf32>
    %dot_general3A_26 = tpu.matmul %mul3A_17, %get3A_24, %dot_general3A_25 {dimension_numbers = #tpu.dot_dimension_numbers<[1], [0], [0], [1], [0, 0, 1, 1], [], []>, transpose_lhs_hint = false} : vector<1000x128xf32>, vector<128x128xf32>, vector<1000x128xf32> -> vector<1000x128xf32>
    %add3A = arith.addf %dot_general3A_21, %dot_general3A_26 : vector<1000x128xf32>
    %get3A_27 = arith.constant 0 : index
    %get3A_28 = arith.constant 0 : index
    %get3A_29 = vector.load %arg6[%get3A_27, %get3A_28] : memref<1x128xf32, #tpu.memory_space<vmem>>, vector<1x128xf32>
    %add3A_30 = vector.broadcast %get3A_29 : vector<1x128xf32> to vector<1000x128xf32>
    %add3A_31 = arith.addf %add3A, %add3A_30 : vector<1000x128xf32>
    %get3A_32 = arith.constant 0 : index
    %get3A_33 = arith.constant 0 : index
    %get3A_34 = vector.load %arg7[%get3A_32, %get3A_33] : memref<1x128xf32, #tpu.memory_space<vmem>>, vector<1x128xf32>
    %add3A_35 = vector.broadcast %get3A_34 : vector<1x128xf32> to vector<1000x128xf32>
    %add3A_36 = arith.addf %add3A_31, %add3A_35 : vector<1000x128xf32>
    %reduce_max3A = arith.constant dense<0xFF800000> : vector<128xf32>
    %reduce_max3A_37 = vector.multi_reduction <maximumf>, %add3A_36, %reduce_max3A [0] : vector<1000x128xf32> to vector<128xf32>
    %broadcast_in_dim3A = vector.shape_cast %reduce_max3A_37 : vector<128xf32> to vector<1x128xf32>
    %eq3A = arith.constant 0 : i32
    %eq3A_38 = arith.cmpi eq, %arg0, %eq3A : i32
    %convert_element_type3A = arith.extui %eq3A_38 : i1 to i32
    %cond3A = arith.constant 0 : i32
    %cond3A_39 = arith.cmpi ne, %convert_element_type3A, %cond3A : i32
    scf.if %cond3A_39 {
      %swap3A = arith.constant 0 : index
      %swap3A_44 = arith.constant 0 : index
      %swap3A_45 = vector.load %arg8[%swap3A, %swap3A_44] : memref<1x128xf32, #tpu.memory_space<vmem>>, vector<1x128xf32>
      tpu.vector_store %arg8[%swap3A, %swap3A_44], %broadcast_in_dim3A {strides = array<i32>} : memref<1x128xf32, #tpu.memory_space<vmem>>, vector<1x128xf32>,
    } else {
    }
    %gt3A = arith.constant 0 : i32
    %gt3A_40 = arith.cmpi sgt, %arg0, %gt3A : i32
    %convert_element_type3A_41 = arith.extui %gt3A_40 : i1 to i32
    %cond3A_42 = arith.constant 0 : i32
    %cond3A_43 = arith.cmpi ne, %convert_element_type3A_41, %cond3A_42 : i32
    scf.if %cond3A_43 {
      %get3A_44 = arith.constant 0 : index
      %get3A_45 = arith.constant 0 : index
      %get3A_46 = vector.load %arg8[%get3A_44, %get3A_45] : memref<1x128xf32, #tpu.memory_space<vmem>>, vector<1x128xf32>
      %max3A_47 = arith.maximumf %get3A_46, %broadcast_in_dim3A : vector<1x128xf32>
      %swap3A = arith.constant 0 : index
      %swap3A_48 = arith.constant 0 : index
      %swap3A_49 = vector.load %arg8[%swap3A, %swap3A_48] : memref<1x128xf32, #tpu.memory_space<vmem>>, vector<1x128xf32>
      tpu.vector_store %arg8[%swap3A, %swap3A_48], %max3A_47 {strides = array<i32>} : memref<1x128xf32, #tpu.memory_space<vmem>>, vector<1x128xf32>,
    } else {
    }
    return
  }
  func.func @transform_0(%arg0: i32) -> (i32, i32) {
    %c0_i32 = arith.constant 0 : i32
    %c0_i32_0 = arith.constant 0 : i32
    return %arg0, %c0_i32 : i32, i32
  }
  func.func @transform_1(%arg0: i32) -> (i32, i32) {
    %c0_i32 = arith.constant 0 : i32
    %c0_i32_0 = arith.constant 0 : i32
    return %arg0, %c0_i32 : i32, i32
  }
  func.func @transform_2(%arg0: i32) -> (i32, i32) {
    %c0_i32 = arith.constant 0 : i32
    %c0_i32_0 = arith.constant 0 : i32
    return %arg0, %c0_i32 : i32, i32
  }
  func.func @transform_3(%arg0: i32) -> (i32, i32) {
    %c0_i32 = arith.constant 0 : i32
    %c0_i32_0 = arith.constant 0 : i32
    %c0_i32_1 = arith.constant 0 : i32
    return %c0_i32, %c0_i32_0 : i32, i32
  }
  func.func @transform_4(%arg0: i32) -> (i32, i32) {
    %c0_i32 = arith.constant 0 : i32
    %c0_i32_0 = arith.constant 0 : i32
    %c0_i32_1 = arith.constant 0 : i32
    return %c0_i32, %c0_i32_0 : i32, i32
  }
  func.func @transform_5(%arg0: i32) -> (i32, i32) {
    %c0_i32 = arith.constant 0 : i32
    %c0_i32_0 = arith.constant 0 : i32
    %c0_i32_1 = arith.constant 0 : i32
    return %c0_i32, %c0_i32_0 : i32, i32
  }
  func.func @transform_6(%arg0: i32) -> (i32, i32) {
    %c0_i32 = arith.constant 0 : i32
    %c0_i32_0 = arith.constant 0 : i32
    %c0_i32_1 = arith.constant 0 : i32
    return %c0_i32, %c0_i32_0 : i32, i32
  }
  func.func @transform_7(%arg0: i32) -> (i32, i32) {
    %c0_i32 = arith.constant 0 : i32
    %c0_i32_0 = arith.constant 0 : i32
    %c0_i32_1 = arith.constant 0 : i32
    return %c0_i32, %c0_i32_0 : i32, i32
  }
}

</mosaic_0001>

<sc_bundles>
// kernel: kernel.11.cloned.1.call-start
scs
__scs_entry_jumppad:
0x0: {  	(pc) =	sbr.rel $0x88, $3  }
0x1: {  	(tag) =	ssettag $0x0;
	lr =	simm.s32 $0x1  }
0x2: {  	[smem:$0x3F87] =	sst lr;
	_ =	strace $0xD0000000  }
0x3: {  	_ = 	snop  }
0x4: {  	_ = 	snop  }
0x5: {  	_ = 	snop  }
0x6: {  	_ = 	snop  }
0x7: {  	_ = 	snop  }
__scs_overlays_trampoline_lowered:
0x8: {  	[smem:$0x3F96] =	sst s0  }
0x9: {  	[smem:$0x3F97] =	sst s1  }
0xa: {  	[smem:$0x3F98] =	sst s2  }
0xb: {  	[smem:$0x3F99] =	sst s3  }
0xc: {  	[smem:$0x3F9A] =	sst s4  }
0xd: {  	[smem:$0x3F9B] =	sst s5  }
0xe: {  	[smem:$0x3F9C] =	sst s6  }
0xf: {  	[smem:$0x3F9D] =	sst s7  }
0x10: {  	[smem:$0x3F9E] =	sst s8  }
0x11: {  	[smem:$0x3F9F] =	sst s9;
	s0 =	simm.s32 @!p0 $0x0  }
0x12: {  	s1 =	sld [smem:$0x3F85];
	s0 =	simm.s32 @p0 $0x1  }
0x13: {  	[smem:$0x3FA0] =	sst s0;
	s0 =	simm.s32 @!p1 $0x0  }
0x14: {  	s2 =	sld [smem:$0x3F84];
	s0 =	simm.s32 @p1 $0x1  }
0x15: {  	[smem:$0x3FA1] =	sst s0;
	s0 =	simm.s32 @!p2 $0x0  }
0x16: {  	s3 =	sld [smem:$0x3FDB];
	s0 =	simm.s32 @p2 $0x1  }
0x17: {  	s4 =	simm.s32 $0x1BF5;
	[smem:$0x3FA3] =	sst s0  }
0x18: {  	s0 =	sld [smem:$0x3F86];
	_ =	swait.ge [sflag:s4], $0x0  }
0x19: {  	s7 =	sld [smem:$0x3F87]  }
0x1a: {  	s8 =	sadd.s32 $0xFFFFE003, lr  }
0x1b: {  	s9 =	sadd.s32 $0xFFFFFEF7, lr;
	s5 =	simm.s32 $0xFFFFFFFF;
	p2 =	slt.u32 s8, $0xFFFFF086  }
0x1c: {  	p1 =	slt.u32 s9, $0xF7A;
	s5 =	simm.s32 @!p2 $0x0  }
0x1d: {  	s5 =	simm.s32 @p1 $0x1;
	p0 =	seq.s32 s7, s2  }
0x1e: {  	s7 =	smul.u32 @!p0 $0xF7A, s2;
	p2 =	seq.s32 @!p0 s5, $0x0  }
0x1f: {  	s9 =	smul.u32 $0xF7A, s1;
	s8 =	simm.s32 @!p0 $0x1BF5;
	p2 =	por !p2, p0  }
0x20: {  	[sflag:s8] =	ssyncset.s32 @!p0 $0xFFFFF086;
	s6 =	sadd.s32 @!p0 s3, s7;
	s7 =	simm.s32 @!p0 $0x108  }
0x21: {  	s3 =	sadd.s32 s3, s9;
	s6 =	sadd.s32 @!p0 $0x88, s6;
	s7 =	simm.s32 @p2 $0x1082  }
0x22: {  	[simem:s7], [sflag:s8] =	dma.local @!p0 [hbm:s6], $0xF7A  }
0x23: {  	s9 =	sor.u32 $0xD0000000, s2;
	s6 =	simm.s32 $0x108;
	_ =	swait.ge @!p0 [sflag:s8], $0x0  }
0x24: {  	s3 =	sadd.s32 $0x88, s3;
	s6 =	simm.s32 @!p1 $0x1082;
	[sflag:s4] =	ssyncset.s32 $0xFFFFF086  }
0x25: {  	[simem:s6], [sflag:s4] =	dma.local [hbm:s3], $0xF7A  }
0x26: {  	[smem:$0x3F87] =	sst s1;
	(tag) =	ssettag s2;
	_ =	strace s9  }
0x27: {  	s1 =	sld [smem:$0x3F97]  }
0x28: {  	s2 =	sld [smem:$0x3F98]  }
0x29: {  	s4 =	sld [smem:$0x3F9A]  }
0x2a: {  	p0 =	seq.s32 s5, $0x0;
	s5 =	sld [smem:$0x3F9B]  }
0x2b: {  	s6 =	sld [smem:$0x3F9C]  }
0x2c: {  	s7 =	sld [smem:$0x3F9D]  }
0x2d: {  	s3 =	simm.s32 $0x108;
	s8 =	sld [smem:$0x3F9E]  }
0x2e: {  	s3 =	simm.s32 @!p0 $0x1082;
	s9 =	sld [smem:$0x3F9F]  }
0x2f: {  	lr =	sadd.s32 s0, s3;
	s0 =	sld [smem:$0x3F96]  }
0x30: {  	s3 =	sld [smem:$0x3F99]  }
0x31: {  	[smem:$0x3FA2] =	sst s10  }
0x32: {  	s10 =	sld [smem:$0x3FA0];
	_ =	sdelay $0x3  }
0x33: {  	p0 =	seq.s32 s10, $0x1;
	s10 =	sld [smem:$0x3FA2];
	_ =	sdelay $0x3  }
0x34: {  	[smem:$0x3FA2] =	sst s10  }
0x35: {  	s10 =	sld [smem:$0x3FA1];
	_ =	sdelay $0x3  }
0x36: {  	p1 =	seq.s32 s10, $0x1;
	s10 =	sld [smem:$0x3FA2];
	_ =	sdelay $0x3  }
0x37: {  	[smem:$0x3FA2] =	sst s10  }
0x38: {  	s10 =	sld [smem:$0x3FA3]  }
0x39: {  	_ = 	snop;
	(pc) =	sbr.ind lr, $3  }
0x3a: {  	_ = 	snop  }
0x3b: {  	_ = 	snop  }
0x3c: {  	p2 =	seq.s32 s10, $0x1;
	s10 =	sld [smem:$0x3FA2]  }
0x3d: {  	_ =	shalt  }
0x3e: {  	_ =	shalt  }
0x3f: {  	_ =	shalt  }
0x40: {  	_ =	shalt  }
0x41: {  	_ =	shalt  }
0x42: {  	_ =	shalt  }
0x43: {  	_ =	shalt  }
0x44: {  	_ =	shalt  }
0x45: {  	_ =	shalt  }
0x46: {  	_ =	shalt  }
0x47: {  	_ =	shalt  }
0x48: {  	_ =	shalt  }
0x49: {  	_ =	shalt  }
0x4a: {  	_ =	shalt  }
0x4b: {  	_ =	shalt  }
0x4c: {  	_ =	shalt  }
0x4d: {  	_ =	shalt  }
0x4e: {  	_ =	shalt  }
0x4f: {  	_ =	shalt  }
0x50: {  	_ =	shalt  }
0x51: {  	_ =	shalt  }
0x52: {  	_ =	shalt  }
0x53: {  	_ =	shalt  }
0x54: {  	_ =	shalt  }
0x55: {  	_ =	shalt  }
0x56: {  	_ =	shalt  }
0x57: {  	_ =	shalt  }
0x58: {  	_ =	shalt  }
0x59: {  	_ =	shalt  }
0x5a: {  	_ =	shalt  }
0x5b: {  	_ =	shalt  }
0x5c: {  	_ =	shalt  }
0x5d: {  	_ =	shalt  }
0x5e: {  	_ =	shalt  }
0x5f: {  	_ =	shalt  }
0x60: {  	_ =	shalt  }
0x61: {  	_ =	shalt  }
0x62: {  	_ =	shalt  }
0x63: {  	_ =	shalt  }
0x64: {  	_ =	shalt  }
0x65: {  	_ =	shalt  }
0x66: {  	_ =	shalt  }
0x67: {  	_ =	shalt  }
0x68: {  	_ =	shalt  }
0x69: {  	_ =	shalt  }
0x6a: {  	_ =	shalt  }
0x6b: {  	_ =	shalt  }
0x6c: {  	_ =	shalt  }
0x6d: {  	_ =	shalt  }
0x6e: {  	_ =	shalt  }
0x6f: {  	_ =	shalt  }
0x70: {  	_ =	shalt  }
0x71: {  	_ =	shalt  }
0x72: {  	_ =	shalt  }
0x73: {  	_ =	shalt  }
0x74: {  	_ =	shalt  }
0x75: {  	_ =	shalt  }
0x76: {  	_ =	shalt  }
0x77: {  	_ =	shalt  }
0x78: {  	_ =	shalt  }
0x79: {  	_ =	shalt  }
0x7a: {  	_ =	shalt  }
0x7b: {  	_ =	shalt  }
0x7c: {  	_ =	shalt  }
0x7d: {  	_ =	shalt  }
0x7e: {  	_ =	shalt  }
0x7f: {  	_ =	shalt  }
0x80: {  	_ =	shalt  }
0x81: {  	_ =	shalt  }
0x82: {  	_ =	shalt  }
0x83: {  	_ =	shalt  }
0x84: {  	_ =	shalt  }
0x85: {  	_ =	shalt  }
0x86: {  	_ =	shalt  }
0x87: {  	_ =	shalt  }
.Lfunc_end0:
.L_simem_size_0:
called_computation_lowered:
.L_overlay_start_0:
0x88: {  	s2 =	sld [smem:$0x3FD9]  }
0x89: {  	s3 =	sld [smem:$0x3FFE];
	_ =	sdelay $0x1  }
0x8a: {  	s1 =	srdreg.scid  }
0x8b: {  	s0 =	sand.u32 $0x1, s1  }
0x8c: {  	s14 =	sshll.u32 s0, $0xA;
	s2 =	sadd.s32 s3, s2  }
0x8d: {  	s2 =	sadd.s32 s2, s14  }
0x8e: {  	[smem:$0x3FAE] =	sst s2  }
0x8f: {  	_ = 	snop  }
0x90: {  	s2 =	sld [smem:$0x3FD0];
	_ =	sdelay $0x2  }
0x91: {  	s15 =	simm.s32 $0xA;
	s4 =	simm.s32 $0x10  }
0x92: {  	[smem:s4], [sflag:s15] =	dma.local [hbm:s2], $0x1  }
0x93: {  	_ =	swait.eq [sflag:s15], $0x1  }
0x94: {  	[sflag:s15] =	ssyncset.done $0x0  }
0x95: {  	[sflag:s15] =	ssyncadd.s32 $0xFFFFFFFF  }
0x96: {  	s16 =	sld [smem:$0x11];
	(tm) =	ssettm $0x1  }
0x97: {  	s17 =	sld [smem:$0x3FFB];
	_ =	sdelay $0x3  }
0x98: {  	_ =	strace s17  }
0x99: {  	s3 =	sld [smem:$0x3FFC];
	_ =	sdelay $0x3  }
0x9a: {  	_ =	strace s3  }
0x9b: {  	s3 =	sld [smem:$0x3FFD];
	_ =	sdelay $0x3  }
0x9c: {  	_ =	strace s3  }
0x9d: {  	_ =	strace $0x8FFFFFFF  }
0x9e: {  	s18 =	sld [smem:$0x3FDB];
	_ =	sdelay $0x1  }
0x9f: {  	s19 =	simm.s32 $_scs_section_size  }
0xa0: {  	s5 =	simm.s32 $_size__tile_overlayer_lowered;
	s6 =	simm.s32 $_tile_overlayer_lowered  }
0xa1: {  	s22 =	simm.s32 $0x1BFF;
	s21 =	sshll.u32 s6, $0x1;
	s3 =	sadd.s32 s19, s18  }
0xa2: {  	s7 =	simm.s32 $0x0;
	s20 =	sshll.u32 s5, $0x1;
	s5 =	sadd.s32 s21, s3  }
0xa3: {  	[timem:s7], [sflag:s22] =	dma.local [hbm:s5], s20  }
0xa4: {  	_ =	swait.ge [sflag:s22], s20  }
0xa5: {  	s4 =	ssub.s32 $0x0, s20;
	[sflag:s22] =	ssyncset.done $0x0  }
0xa6: {  	[sflag:s22] =	ssyncadd.s32 s4;
	_ =	sdelay $0x1  }
0xa7: {  	s23 =	simm.s32 $0x1B8B  }
0xa8: {  	_ =	swait.ge [sflag:s23], $0x1  }
0xa9: {  	[sflag:s23] =	ssyncset.done $0x0  }
0xaa: {  	s25 =	simm.s32 $0x1B8E;
	s24 =	sld [smem:$0x3FFE];
	[sflag:s23] =	ssyncadd.s32 $0xFFFFFFFF  }
0xab: {  	s26 =	simm.s32 $execute0_lowered;
	[smem:$0x3FD2] =	sst s25  }
0xac: {  	s5 =	sshll.u32 s26, $0x1;
	_ =	strace $0x80000046;
	[dreg:$0x1] =	wrdreg $0xFFFFFFFF  }
0xad: {  	s28 =	simm.s32 $_size_execute0_lowered;
	s3 =	sadd.s32 s3, s5;
	[dreg:$0x0] =	wrdreg $0x0  }
0xae: {  	s5 =	sshll.u32 s28, $0x1;
	[dreg:$0x2] =	wrdreg s3  }
0xaf: {  	[dreg:$0x3] =	wrdreg s5  }
0xb0: {  	[dreg:$0x4] =	wrdreg $0xC0  }
0xb1: {  	_ =	task [dreg:s7], $0x5FFFF  }
0xb2: {  	[dreg:$0x1] =	wrdreg $0xFFFFFFFF  }
0xb3: {  	[dreg:$0x0] =	wrdreg $0x60  }
0xb4: {  	[dreg:$0x2] =	wrdreg s24  }
0xb5: {  	[dreg:$0x3] =	wrdreg s16  }
0xb6: {  	[dreg:$0x4] =	wrdreg $0x0  }
0xb7: {  	[dreg:$0x5] =	wrdreg $0xFC000  }
0xb8: {  	[dreg:$0x6] =	wrdreg $0x9  }
0xb9: {  	_ =	task.clear_ibuf [dreg:s7], $0x7FFFF;
	_ =	strace $0x90000046  }
0xba: {  	s29 =	simm.s32 $0x9;
	_ =	strace $0x80000048  }
0xbb: {  	_ =	swait.ge [sflag:s29], $0x1  }
0xbc: {  	[sflag:s29] =	ssyncadd.s32 $0xFFFFFFFF  }
0xbd: {  	_ =	strace $0x90000048  }
0xbe: {  	_ =	sfence  }
0xbf: {  	s30 =	sld [smem:$0x0];
	_ =	sdelay $0x2  }
0xc0: {  	s31 =	sshll.u32 s1, $0xD;
	s1 =	sshrl.u32 s1, $0x2  }
0xc1: {  	s3 =	sand.u32 $0x4000, s31;
	s1 =	sadd.s32 s1, s30  }
0xc2: {  	s0 =	sor.u32 s3, s0;
	s1 =	sshll.u32 s1, $0x11  }
0xc3: {  	s0 =	sor.u32 s1, s0  }
0xc4: {  	s0 =	sadd.s32 $0x8F2B, s0  }
0xc5: {  	[sflag:s0] =	ssyncadd.remote.s32 $0x1  }
0xc6: {  	_ =	sfence.sel $0xFFFF  }
0xc7: {  	[dreg:$0x0] =	wrdreg $0xFFFFFFFF;
	(pc) =	sbr.abs _section_cstart, $3  }
0xc8: {  	[dreg:$0x1] =	wrdreg $0xFFFFFFFF  }
0xc9: {  	_ =	task.clear_ibuf [dreg:s7], $0x2FFFF;
	_ =	strace $0x9FFFFFFF  }
0xca: {  	(tm) =	ssettm $0x7FFFFFFF  }
0xcb: {  	_ =	shalt  }
tec
execute0_lowered:
.L_overlay_start_1:
0x0: {  	(tag) =	ssettag $0x1  }
0x1: {  	s0 =	rddreg [dreg:$0x0]  }
0x2: {  	s15 =	rddreg [dreg:$0x1]  }
0x3: {  	s3 =	rddreg [dreg:$0x2]  }
0x4: {  	s4 =	rddreg [dreg:$0x3];
	s14 =	stileid.u32  }
0x5: {  	s5 =	simm.s32 $0x0;
	s2 =	srdreg.scid;
	s29 =	simm.s32 $0x1  }
0x6: {  	s30 =	simm.s32 $0x15000;
	s31 =	simm.s32 $0x13C00;
	s28 =	simm.s32 $0x14F00  }
0x7: {  	s1 =	smul.u32 $0x280, s14;
	[smem:$0x7FF] =	sst s5;
	s2 =	sand.u32 $0x1, s2  }
0x8: {  	s6 =	sadd.s32 $0x25600, s0;
	s7 =	smul.u32 $0x1F80, s14;
	s9 =	sshll.u32 s14, $0xB  }
0x9: {  	s11 =	smul.u32 $0x3F000, s14;
	s24 =	sshll.u32 s14, $0x6;
	s25 =	sshll.u32 s14, $0xE  }
0xa: {  	s20 =	sadd.s32 $0x2EE00, s0;
	p1 =	seq.s32 s14, $0xF;
	s14 =	simm.s32 $0x14100  }
0xb: {  	_ =	strace $0x80000047;
	[dreg:$0x7] =	wrdreg s6;
	s8 =	ssub.s32 $0x2, s2  }
0xc: {  	s13 =	sadd.s32 s9, s0;
	s26 =	sadd.s32 s25, s4;
	[dreg:$0xe] =	wrdreg s20  }
0xd: {  	p0 =	sne.s32 s2, $0x0;
	s25 =	sadd.s32 $0x2000, s15;
	s20 =	simm.s32 $0x14700  }
0xe: {  	s2 =	simm.s32 $0x14C00;
	s1 =	sadd.s32 s1, s0;
	[dreg:$0x6] =	wrdreg s26  }
0xf: {  	s23 =	sshrl.u32 s11, $0x2;
	s11 =	sadd.s32 $0x1000, s15;
	[dreg:$0x17] =	wrdreg s25  }
0x10: {  	s10 =	sshrl.u32 s8, $0x1;
	s19 =	sadd.s32 $0x27600, s13;
	[dreg:$0x9] =	wrdreg s11  }
0x11: {  	s12 =	sadd.s32 s7, s0;
	s0 =	sadd.s32 $0x4CC80, s0;
	[dreg:$0xd] =	wrdreg s19  }
0x12: {  	s26 =	sadd.s32 $0x3000, s15;
	s13 =	simm.s32 $0x14000;
	[dreg:$0x14] =	wrdreg s0  }
0x13: {  	s15 =	simm.s32 $0x14200;
	s9 =	sadd.s32 $0xC600, s1;
	[dreg:$0x18] =	wrdreg s26  }
0x14: {  	s25 =	simm.s32 $0x14B00;
	s16 =	sadd.s32 $0x1DE00, s1;
	[dreg:$0x8] =	wrdreg s9  }
0x15: {  	s10 =	ssub.s32 s8, s10;
	s17 =	sadd.s32 $0x1B600, s1;
	[dreg:$0xa] =	wrdreg s16  }
0x16: {  	s7 =	sadd.s32 s23, s3;
	s18 =	sadd.s32 $0xEE00, s1;
	[dreg:$0xb] =	wrdreg s17  }
0x17: {  	s8 =	sor.u32 $0x1C01, s24;
	s21 =	sadd.s32 $0x7600, s1;
	[dreg:$0xc] =	wrdreg s18  }
0x18: {  	s11 =	sadd.s32 $0x3C000, s4;
	s22 =	sadd.s32 $0x13E00, s1;
	[dreg:$0xf] =	wrdreg s21  }
0x19: {  	s23 =	sadd.s32 $0x11600, s1;
	s1 =	sadd.s32 $0x9E00, s1;
	[dreg:$0x10] =	wrdreg s22  }
0x1a: {  	s24 =	sadd.s32 $0x2F400, s12;
	s12 =	simm.s32 $0x13F00;
	[dreg:$0x11] =	wrdreg s23  }
0x1b: {  	s19 =	simm.s32 $0x14600;
	s26 =	simm.s32 $0x14E00;
	[dreg:$0x12] =	wrdreg s1  }
0x1c: {  	[dreg:$0x13] =	wrdreg s24;
	s1 =	sadd.s32 $0xEC400, s3;
	s23 =	smax.u32 s10, $0x1  }
.Ltmp0:
0x1d: {  	s10 =	simm.s32 $0x13E00;
	s16 =	simm.s32 $0x14300;
	(pc) =	sbr.rel .LBB2_1-.Ltmp0, $4  }
0x1e: {  	s17 =	simm.s32 $0x14400;
	s18 =	simm.s32 $0x14500;
	s21 =	simm.s32 $0x14800  }
0x1f: {  	s22 =	simm.s32 $0x14900;
	[dreg:$0x5] =	wrdreg s7;
	s0 =	sshrl.u32 @p1 s1, $0x3  }
0x20: {  	s24 =	simm.s32 $0x14A00;
	[dreg:$0x15] =	wrdreg s0;
	s0 =	sshrl.u32 @p1 s11, $0x3  }
0x21: {  	s11 =	simm.s32 $0x14D00;
	[dreg:$0x16] =	wrdreg s0;
	s0 =	simm.s32 $0x100  }
.LBB2_3:
0x22: {  	s1 =	rddreg [dreg:$0x8]  }
0x23: {  	[tilespmem:s31], [sflag:$0x1] =	stream.linear.gather [hbm4b:s1+s5], $0x1400, $0x38;
	[tilespmem:$0x1D000] =	vst v63  }
0x24: {  	_ =	swait.ge [sflag:s29], $0x1400  }
0x25: {  	[sflag:s29] =	ssyncset.done $0x0  }
0x26: {  	[sflag:s29] =	ssyncadd.s32 $0xFFFFEC00  }
0x27: {  	[spmem:s4] =	stream.indirect.scatter.add.f32 [tilespmem:s30], [sflag:$0x1], $0x80, s31, s0, $0xb8;
	[tilespmem:$0x1D000] =	vst v63  }
0x28: {  	_ =	swait.ge [sflag:s29], $0x8000  }
0x29: {  	[sflag:s29] =	ssyncset.done $0x0  }
0x2a: {  	s7 =	simm.s32 $0x13D00;
	[sflag:s29] =	ssyncadd.s32 $0xFFFF8000  }
0x2b: {  	[spmem:s4] =	stream.indirect.scatter.add.f32 [tilespmem:s30], [sflag:$0x1], $0x80, s7, s0, $0xb8;
	[tilespmem:$0x1D000] =	vst v63  }
0x2c: {  	_ =	swait.ge [sflag:s29], $0x8000  }
0x2d: {  	[sflag:s29] =	ssyncset.done $0x0  }
0x2e: {  	[sflag:s29] =	ssyncadd.s32 $0xFFFF8000  }
0x2f: {  	[spmem:s4] =	stream.indirect.scatter.add.f32 [tilespmem:s30], [sflag:$0x1], $0x80, s10, s0, $0xb8;
	[tilespmem:$0x1D000] =	vst v63  }
0x30: {  	_ =	swait.ge [sflag:s29], $0x8000  }
0x31: {  	[sflag:s29] =	ssyncset.done $0x0  }
0x32: {  	[sflag:s29] =	ssyncadd.s32 $0xFFFF8000  }
0x33: {  	[spmem:s4] =	stream.indirect.scatter.add.f32 [tilespmem:s30], [sflag:$0x1], $0x80, s12, s0, $0xb8;
	[tilespmem:$0x1D000] =	vst v63  }
0x34: {  	_ =	swait.ge [sflag:s29], $0x8000  }
0x35: {  	[sflag:s29] =	ssyncset.done $0x0  }
0x36: {  	[sflag:s29] =	ssyncadd.s32 $0xFFFF8000  }
0x37: {  	[spmem:s4] =	stream.indirect.scatter.add.f32 [tilespmem:s30], [sflag:$0x1], $0x80, s13, s0, $0xb8;
	[tilespmem:$0x1D000] =	vst v63  }
0x38: {  	_ =	swait.ge [sflag:s29], $0x8000  }
0x39: {  	[sflag:s29] =	ssyncset.done $0x0  }
0x3a: {  	[sflag:s29] =	ssyncadd.s32 $0xFFFF8000  }
0x3b: {  	[spmem:s4] =	stream.indirect.scatter.add.f32 [tilespmem:s30], [sflag:$0x1], $0x80, s14, s0, $0xb8;
	[tilespmem:$0x1D000] =	vst v63  }
0x3c: {  	_ =	swait.ge [sflag:s29], $0x8000  }
0x3d: {  	[sflag:s29] =	ssyncset.done $0x0  }
0x3e: {  	[sflag:s29] =	ssyncadd.s32 $0xFFFF8000  }
0x3f: {  	[spmem:s4] =	stream.indirect.scatter.add.f32 [tilespmem:s30], [sflag:$0x1], $0x80, s15, s0, $0xb8;
	[tilespmem:$0x1D000] =	vst v63  }
0x40: {  	_ =	swait.ge [sflag:s29], $0x8000  }
0x41: {  	[sflag:s29] =	ssyncset.done $0x0  }
0x42: {  	[sflag:s29] =	ssyncadd.s32 $0xFFFF8000  }
0x43: {  	[spmem:s4] =	stream.indirect.scatter.add.f32 [tilespmem:s30], [sflag:$0x1], $0x80, s16, s0, $0xb8;
	[tilespmem:$0x1D000] =	vst v63  }
0x44: {  	_ =	swait.ge [sflag:s29], $0x8000  }
0x45: {  	[sflag:s29] =	ssyncset.done $0x0  }
0x46: {  	[sflag:s29] =	ssyncadd.s32 $0xFFFF8000  }
0x47: {  	[spmem:s4] =	stream.indirect.scatter.add.f32 [tilespmem:s30], [sflag:$0x1], $0x80, s17, s0, $0xb8;
	[tilespmem:$0x1D000] =	vst v63  }
0x48: {  	_ =	swait.ge [sflag:s29], $0x8000  }
0x49: {  	[sflag:s29] =	ssyncset.done $0x0  }
0x4a: {  	[sflag:s29] =	ssyncadd.s32 $0xFFFF8000  }
0x4b: {  	[spmem:s4] =	stream.indirect.scatter.add.f32 [tilespmem:s30], [sflag:$0x1], $0x80, s18, s0, $0xb8;
	[tilespmem:$0x1D000] =	vst v63  }
0x4c: {  	_ =	swait.ge [sflag:s29], $0x8000  }
0x4d: {  	[sflag:s29] =	ssyncset.done $0x0  }
0x4e: {  	[sflag:s29] =	ssyncadd.s32 $0xFFFF8000  }
0x4f: {  	[spmem:s4] =	stream.indirect.scatter.add.f32 [tilespmem:s30], [sflag:$0x1], $0x80, s19, s0, $0xb8;
	[tilespmem:$0x1D000] =	vst v63  }
0x50: {  	_ =	swait.ge [sflag:s29], $0x8000  }
0x51: {  	[sflag:s29] =	ssyncset.done $0x0  }
0x52: {  	[sflag:s29] =	ssyncadd.s32 $0xFFFF8000  }
0x53: {  	[spmem:s4] =	stream.indirect.scatter.add.f32 [tilespmem:s30], [sflag:$0x1], $0x80, s20, s0, $0xb8;
	[tilespmem:$0x1D000] =	vst v63  }
0x54: {  	_ =	swait.ge [sflag:s29], $0x8000  }
0x55: {  	[sflag:s29] =	ssyncset.done $0x0  }
0x56: {  	[sflag:s29] =	ssyncadd.s32 $0xFFFF8000  }
0x57: {  	[spmem:s4] =	stream.indirect.scatter.add.f32 [tilespmem:s30], [sflag:$0x1], $0x80, s21, s0, $0xb8;
	[tilespmem:$0x1D000] =	vst v63  }
0x58: {  	_ =	swait.ge [sflag:s29], $0x8000  }
0x59: {  	[sflag:s29] =	ssyncset.done $0x0  }
0x5a: {  	[sflag:s29] =	ssyncadd.s32 $0xFFFF8000  }
0x5b: {  	[spmem:s4] =	stream.indirect.scatter.add.f32 [tilespmem:s30], [sflag:$0x1], $0x80, s22, s0, $0xb8;
	[tilespmem:$0x1D000] =	vst v63  }
0x5c: {  	_ =	swait.ge [sflag:s29], $0x8000  }
0x5d: {  	[sflag:s29] =	ssyncset.done $0x0  }
0x5e: {  	[sflag:s29] =	ssyncadd.s32 $0xFFFF8000  }
0x5f: {  	[spmem:s4] =	stream.indirect.scatter.add.f32 [tilespmem:s30], [sflag:$0x1], $0x80, s24, s0, $0xb8;
	[tilespmem:$0x1D000] =	vst v63  }
0x60: {  	_ =	swait.ge [sflag:s29], $0x8000  }
0x61: {  	[sflag:s29] =	ssyncset.done $0x0  }
0x62: {  	[sflag:s29] =	ssyncadd.s32 $0xFFFF8000  }
0x63: {  	[spmem:s4] =	stream.indirect.scatter.add.f32 [tilespmem:s30], [sflag:$0x1], $0x80, s25, s0, $0xb8;
	[tilespmem:$0x1D000] =	vst v63  }
0x64: {  	_ =	swait.ge [sflag:s29], $0x8000  }
0x65: {  	[sflag:s29] =	ssyncset.done $0x0  }
0x66: {  	[sflag:s29] =	ssyncadd.s32 $0xFFFF8000  }
0x67: {  	[spmem:s4] =	stream.indirect.scatter.add.f32 [tilespmem:s30], [sflag:$0x1], $0x80, s2, s0, $0xb8;
	[tilespmem:$0x1D000] =	vst v63  }
0x68: {  	_ =	swait.ge [sflag:s29], $0x8000  }
0x69: {  	[sflag:s29] =	ssyncset.done $0x0  }
0x6a: {  	[sflag:s29] =	ssyncadd.s32 $0xFFFF8000  }
0x6b: {  	[spmem:s4] =	stream.indirect.scatter.add.f32 [tilespmem:s30], [sflag:$0x1], $0x80, s11, s0, $0xb8;
	[tilespmem:$0x1D000] =	vst v63  }
0x6c: {  	_ =	swait.ge [sflag:s29], $0x8000  }
0x6d: {  	[sflag:s29] =	ssyncset.done $0x0  }
0x6e: {  	[sflag:s29] =	ssyncadd.s32 $0xFFFF8000  }
0x6f: {  	[spmem:s4] =	stream.indirect.scatter.add.f32 [tilespmem:s30], [sflag:$0x1], $0x80, s26, s0, $0xb8;
	[tilespmem:$0x1D000] =	vst v63  }
0x70: {  	_ =	swait.ge [sflag:s29], $0x8000  }
0x71: {  	[sflag:s29] =	ssyncset.done $0x0  }
0x72: {  	[sflag:s29] =	ssyncadd.s32 $0xFFFF8000  }
0x73: {  	[spmem:s4] =	stream.indirect.scatter.add.f32 [tilespmem:s30], [sflag:$0x1], $0x80, s28, s0, $0xb8;
	[tilespmem:$0x1D000] =	vst v63  }
0x74: {  	_ =	swait.ge [sflag:s29], $0x8000  }
0x75: {  	[sflag:s29] =	ssyncset.done $0x0  }
0x76: {  	s9 =	rddreg [dreg:$0x9];
	[sflag:s29] =	ssyncadd.s32 $0xFFFF8000  }
0x77: {  	[tilespmem:s30], [sflag:$0x1] =	stream.linear.gather [hbm4b:s9+s5], $0x8000, $0x38;
	[tilespmem:$0x1D000] =	vst v63  }
0x78: {  	_ =	swait.ge [sflag:s29], $0x8000  }
0x79: {  	[sflag:s29] =	ssyncset.done $0x0  }
0x7a: {  	s9 =	rddreg [dreg:$0xa];
	[sflag:s29] =	ssyncadd.s32 $0xFFFF8000  }
0x7b: {  	[tilespmem:s31], [sflag:$0x1] =	stream.linear.gather [hbm4b:s9+s5], $0x1400, $0x38;
	[tilespmem:$0x1D000] =	vst v63  }
0x7c: {  	_ =	swait.ge [sflag:s29], $0x1400  }
0x7d: {  	[sflag:s29] =	ssyncset.done $0x0  }
0x7e: {  	[sflag:s29] =	ssyncadd.s32 $0xFFFFEC00  }
0x7f: {  	[spmem:s4] =	stream.indirect.scatter.add.f32 [tilespmem:s30], [sflag:$0x1], $0x80, s31, s0, $0xb8;
	[tilespmem:$0x1D000] =	vst v63  }
0x80: {  	_ =	swait.ge [sflag:s29], $0x8000  }
0x81: {  	[sflag:s29] =	ssyncset.done $0x0  }
0x82: {  	[sflag:s29] =	ssyncadd.s32 $0xFFFF8000  }
0x83: {  	[spmem:s4] =	stream.indirect.scatter.add.f32 [tilespmem:s30], [sflag:$0x1], $0x80, s7, s0, $0xb8;
	[tilespmem:$0x1D000] =	vst v63  }
0x84: {  	_ =	swait.ge [sflag:s29], $0x8000  }
0x85: {  	[sflag:s29] =	ssyncset.done $0x0  }
0x86: {  	[sflag:s29] =	ssyncadd.s32 $0xFFFF8000  }
0x87: {  	[spmem:s4] =	stream.indirect.scatter.add.f32 [tilespmem:s30], [sflag:$0x1], $0x80, s10, s0, $0xb8;
	[tilespmem:$0x1D000] =	vst v63  }
0x88: {  	_ =	swait.ge [sflag:s29], $0x8000  }
0x89: {  	[sflag:s29] =	ssyncset.done $0x0  }
0x8a: {  	[sflag:s29] =	ssyncadd.s32 $0xFFFF8000  }
0x8b: {  	[spmem:s4] =	stream.indirect.scatter.add.f32 [tilespmem:s30], [sflag:$0x1], $0x80, s12, s0, $0xb8;
	[tilespmem:$0x1D000] =	vst v63  }
0x8c: {  	_ =	swait.ge [sflag:s29], $0x8000  }
0x8d: {  	[sflag:s29] =	ssyncset.done $0x0  }
0x8e: {  	[sflag:s29] =	ssyncadd.s32 $0xFFFF8000  }
0x8f: {  	[spmem:s4] =	stream.indirect.scatter.add.f32 [tilespmem:s30], [sflag:$0x1], $0x80, s13, s0, $0xb8;
	[tilespmem:$0x1D000] =	vst v63  }
0x90: {  	_ =	swait.ge [sflag:s29], $0x8000  }
0x91: {  	[sflag:s29] =	ssyncset.done $0x0  }
0x92: {  	[sflag:s29] =	ssyncadd.s32 $0xFFFF8000  }
0x93: {  	[spmem:s4] =	stream.indirect.scatter.add.f32 [tilespmem:s30], [sflag:$0x1], $0x80, s14, s0, $0xb8;
	[tilespmem:$0x1D000] =	vst v63  }
0x94: {  	_ =	swait.ge [sflag:s29], $0x8000  }
0x95: {  	[sflag:s29] =	ssyncset.done $0x0  }
0x96: {  	[sflag:s29] =	ssyncadd.s32 $0xFFFF8000  }
0x97: {  	[spmem:s4] =	stream.indirect.scatter.add.f32 [tilespmem:s30], [sflag:$0x1], $0x80, s15, s0, $0xb8;
	[tilespmem:$0x1D000] =	vst v63  }
0x98: {  	_ =	swait.ge [sflag:s29], $0x8000  }
0x99: {  	[sflag:s29] =	ssyncset.done $0x0  }
0x9a: {  	[sflag:s29] =	ssyncadd.s32 $0xFFFF8000  }
0x9b: {  	[spmem:s4] =	stream.indirect.scatter.add.f32 [tilespmem:s30], [sflag:$0x1], $0x80, s16, s0, $0xb8;
	[tilespmem:$0x1D000] =	vst v63  }
0x9c: {  	_ =	swait.ge [sflag:s29], $0x8000  }
0x9d: {  	[sflag:s29] =	ssyncset.done $0x0  }
0x9e: {  	[sflag:s29] =	ssyncadd.s32 $0xFFFF8000  }
0x9f: {  	[spmem:s4] =	stream.indirect.scatter.add.f32 [tilespmem:s30], [sflag:$0x1], $0x80, s17, s0, $0xb8;
	[tilespmem:$0x1D000] =	vst v63  }
0xa0: {  	_ =	swait.ge [sflag:s29], $0x8000  }
0xa1: {  	[sflag:s29] =	ssyncset.done $0x0  }
0xa2: {  	[sflag:s29] =	ssyncadd.s32 $0xFFFF8000  }
0xa3: {  	[spmem:s4] =	stream.indirect.scatter.add.f32 [tilespmem:s30], [sflag:$0x1], $0x80, s18, s0, $0xb8;
	[tilespmem:$0x1D000] =	vst v63  }
0xa4: {  	_ =	swait.ge [sflag:s29], $0x8000  }
0xa5: {  	[sflag:s29] =	ssyncset.done $0x0  }
0xa6: {  	[sflag:s29] =	ssyncadd.s32 $0xFFFF8000  }
0xa7: {  	[spmem:s4] =	stream.indirect.scatter.add.f32 [tilespmem:s30], [sflag:$0x1], $0x80, s19, s0, $0xb8;
	[tilespmem:$0x1D000] =	vst v63  }
0xa8: {  	_ =	swait.ge [sflag:s29], $0x8000  }
0xa9: {  	[sflag:s29] =	ssyncset.done $0x0  }
0xaa: {  	[sflag:s29] =	ssyncadd.s32 $0xFFFF8000  }
0xab: {  	[spmem:s4] =	stream.indirect.scatter.add.f32 [tilespmem:s30], [sflag:$0x1], $0x80, s20, s0, $0xb8;
	[tilespmem:$0x1D000] =	vst v63  }
0xac: {  	_ =	swait.ge [sflag:s29], $0x8000  }
0xad: {  	[sflag:s29] =	ssyncset.done $0x0  }
0xae: {  	[sflag:s29] =	ssyncadd.s32 $0xFFFF8000  }
0xaf: {  	[spmem:s4] =	stream.indirect.scatter.add.f32 [tilespmem:s30], [sflag:$0x1], $0x80, s21, s0, $0xb8;
	[tilespmem:$0x1D000] =	vst v63  }
0xb0: {  	_ =	swait.ge [sflag:s29], $0x8000  }
0xb1: {  	[sflag:s29] =	ssyncset.done $0x0  }
0xb2: {  	[sflag:s29] =	ssyncadd.s32 $0xFFFF8000  }
0xb3: {  	[spmem:s4] =	stream.indirect.scatter.add.f32 [tilespmem:s30], [sflag:$0x1], $0x80, s22, s0, $0xb8;
	[tilespmem:$0x1D000] =	vst v63  }
0xb4: {  	_ =	swait.ge [sflag:s29], $0x8000  }
0xb5: {  	[sflag:s29] =	ssyncset.done $0x0  }
0xb6: {  	[sflag:s29] =	ssyncadd.s32 $0xFFFF8000  }
0xb7: {  	[spmem:s4] =	stream.indirect.scatter.add.f32 [tilespmem:s30], [sflag:$0x1], $0x80, s24, s0, $0xb8;
	[tilespmem:$0x1D000] =	vst v63  }
0xb8: {  	_ =	swait.ge [sflag:s29], $0x8000  }
0xb9: {  	[sflag:s29] =	ssyncset.done $0x0  }
0xba: {  	[sflag:s29] =	ssyncadd.s32 $0xFFFF8000  }
0xbb: {  	[spmem:s4] =	stream.indirect.scatter.add.f32 [tilespmem:s30], [sflag:$0x1], $0x80, s25, s0, $0xb8;
	[tilespmem:$0x1D000] =	vst v63  }
0xbc: {  	_ =	swait.ge [sflag:s29], $0x8000  }
0xbd: {  	[sflag:s29] =	ssyncset.done $0x0  }
0xbe: {  	[sflag:s29] =	ssyncadd.s32 $0xFFFF8000  }
0xbf: {  	[spmem:s4] =	stream.indirect.scatter.add.f32 [tilespmem:s30], [sflag:$0x1], $0x80, s2, s0, $0xb8;
	[tilespmem:$0x1D000] =	vst v63  }
0xc0: {  	_ =	swait.ge [sflag:s29], $0x8000  }
0xc1: {  	[sflag:s29] =	ssyncset.done $0x0  }
0xc2: {  	[sflag:s29] =	ssyncadd.s32 $0xFFFF8000  }
0xc3: {  	[spmem:s4] =	stream.indirect.scatter.add.f32 [tilespmem:s30], [sflag:$0x1], $0x80, s11, s0, $0xb8;
	[tilespmem:$0x1D000] =	vst v63  }
0xc4: {  	_ =	swait.ge [sflag:s29], $0x8000  }
0xc5: {  	[sflag:s29] =	ssyncset.done $0x0  }
0xc6: {  	[sflag:s29] =	ssyncadd.s32 $0xFFFF8000  }
0xc7: {  	[spmem:s4] =	stream.indirect.scatter.add.f32 [tilespmem:s30], [sflag:$0x1], $0x80, s26, s0, $0xb8;
	[tilespmem:$0x1D000] =	vst v63  }
0xc8: {  	_ =	swait.ge [sflag:s29], $0x8000  }
0xc9: {  	[sflag:s29] =	ssyncset.done $0x0  }
0xca: {  	[sflag:s29] =	ssyncadd.s32 $0xFFFF8000  }
0xcb: {  	[spmem:s4] =	stream.indirect.scatter.add.f32 [tilespmem:s30], [sflag:$0x1], $0x80, s28, s0, $0xb8;
	[tilespmem:$0x1D000] =	vst v63  }
0xcc: {  	_ =	swait.ge [sflag:s29], $0x8000  }
0xcd: {  	[sflag:s29] =	ssyncset.done $0x0  }
0xce: {  	s9 =	rddreg [dreg:$0x17];
	[sflag:s29] =	ssyncadd.s32 $0xFFFF8000  }
0xcf: {  	[tilespmem:s30], [sflag:$0x1] =	stream.linear.gather [hbm4b:s9+s5], $0x8000, $0x38;
	[tilespmem:$0x1D000] =	vst v63  }
0xd0: {  	_ =	swait.ge [sflag:s29], $0x8000  }
0xd1: {  	[sflag:s29] =	ssyncset.done $0x0  }
0xd2: {  	s9 =	rddreg [dreg:$0xb];
	[sflag:s29] =	ssyncadd.s32 $0xFFFF8000  }
0xd3: {  	[tilespmem:s31], [sflag:$0x1] =	stream.linear.gather [hbm4b:s9+s5], $0x1400, $0x38;
	[tilespmem:$0x1D000] =	vst v63  }
0xd4: {  	_ =	swait.ge [sflag:s29], $0x1400  }
0xd5: {  	[sflag:s29] =	ssyncset.done $0x0  }
0xd6: {  	[sflag:s29] =	ssyncadd.s32 $0xFFFFEC00  }
0xd7: {  	[spmem:s4] =	stream.indirect.scatter.add.f32 [tilespmem:s30], [sflag:$0x1], $0x80, s31, s0, $0xb8;
	[tilespmem:$0x1D000] =	vst v63  }
0xd8: {  	_ =	swait.ge [sflag:s29], $0x8000  }
0xd9: {  	[sflag:s29] =	ssyncset.done $0x0  }
0xda: {  	[sflag:s29] =	ssyncadd.s32 $0xFFFF8000  }
0xdb: {  	[spmem:s4] =	stream.indirect.scatter.add.f32 [tilespmem:s30], [sflag:$0x1], $0x80, s7, s0, $0xb8;
	[tilespmem:$0x1D000] =	vst v63  }
0xdc: {  	_ =	swait.ge [sflag:s29], $0x8000  }
0xdd: {  	[sflag:s29] =	ssyncset.done $0x0  }
0xde: {  	[sflag:s29] =	ssyncadd.s32 $0xFFFF8000  }
0xdf: {  	[spmem:s4] =	stream.indirect.scatter.add.f32 [tilespmem:s30], [sflag:$0x1], $0x80, s10, s0, $0xb8;
	[tilespmem:$0x1D000] =	vst v63  }
0xe0: {  	_ =	swait.ge [sflag:s29], $0x8000  }
0xe1: {  	[sflag:s29] =	ssyncset.done $0x0  }
0xe2: {  	[sflag:s29] =	ssyncadd.s32 $0xFFFF8000  }
0xe3: {  	[spmem:s4] =	stream.indirect.scatter.add.f32 [tilespmem:s30], [sflag:$0x1], $0x80, s12, s0, $0xb8;
	[tilespmem:$0x1D000] =	vst v63  }
0xe4: {  	_ =	swait.ge [sflag:s29], $0x8000  }
0xe5: {  	[sflag:s29] =	ssyncset.done $0x0  }
0xe6: {  	[sflag:s29] =	ssyncadd.s32 $0xFFFF8000  }
0xe7: {  	[spmem:s4] =	stream.indirect.scatter.add.f32 [tilespmem:s30], [sflag:$0x1], $0x80, s13, s0, $0xb8;
	[tilespmem:$0x1D000] =	vst v63  }
0xe8: {  	_ =	swait.ge [sflag:s29], $0x8000  }
0xe9: {  	[sflag:s29] =	ssyncset.done $0x0  }
0xea: {  	[sflag:s29] =	ssyncadd.s32 $0xFFFF8000  }
0xeb: {  	[spmem:s4] =	stream.indirect.scatter.add.f32 [tilespmem:s30], [sflag:$0x1], $0x80, s14, s0, $0xb8;
	[tilespmem:$0x1D000] =	vst v63  }
0xec: {  	_ =	swait.ge [sflag:s29], $0x8000  }
0xed: {  	[sflag:s29] =	ssyncset.done $0x0  }
0xee: {  	[sflag:s29] =	ssyncadd.s32 $0xFFFF8000  }
0xef: {  	[spmem:s4] =	stream.indirect.scatter.add.f32 [tilespmem:s30], [sflag:$0x1], $0x80, s15, s0, $0xb8;
	[tilespmem:$0x1D000] =	vst v63  }
0xf0: {  	_ =	swait.ge [sflag:s29], $0x8000  }
0xf1: {  	[sflag:s29] =	ssyncset.done $0x0  }
0xf2: {  	[sflag:s29] =	ssyncadd.s32 $0xFFFF8000  }
0xf3: {  	[spmem:s4] =	stream.indirect.scatter.add.f32 [tilespmem:s30], [sflag:$0x1], $0x80, s16, s0, $0xb8;
	[tilespmem:$0x1D000] =	vst v63  }
0xf4: {  	_ =	swait.ge [sflag:s29], $0x8000  }
0xf5: {  	[sflag:s29] =	ssyncset.done $0x0  }
0xf6: {  	[sflag:s29] =	ssyncadd.s32 $0xFFFF8000  }
0xf7: {  	[spmem:s4] =	stream.indirect.scatter.add.f32 [tilespmem:s30], [sflag:$0x1], $0x80, s17, s0, $0xb8;
	[tilespmem:$0x1D000] =	vst v63  }
0xf8: {  	_ =	swait.ge [sflag:s29], $0x8000  }
0xf9: {  	[sflag:s29] =	ssyncset.done $0x0  }
0xfa: {  	[sflag:s29] =	ssyncadd.s32 $0xFFFF8000  }
0xfb: {  	[spmem:s4] =	stream.indirect.scatter.add.f32 [tilespmem:s30], [sflag:$0x1], $0x80, s18, s0, $0xb8;
	[tilespmem:$0x1D000] =	vst v63  }
0xfc: {  	_ =	swait.ge [sflag:s29], $0x8000  }
0xfd: {  	[sflag:s29] =	ssyncset.done $0x0  }
0xfe: {  	[sflag:s29] =	ssyncadd.s32 $0xFFFF8000  }
0xff: {  	[spmem:s4] =	stream.indirect.scatter.add.f32 [tilespmem:s30], [sflag:$0x1], $0x80, s19, s0, $0xb8;
	[tilespmem:$0x1D000] =	vst v63  }
0x100: {  	_ =	swait.ge [sflag:s29], $0x8000  }
0x101: {  	[sflag:s29] =	ssyncset.done $0x0  }
0x102: {  	[sflag:s29] =	ssyncadd.s32 $0xFFFF8000  }
0x103: {  	[spmem:s4] =	stream.indirect.scatter.add.f32 [tilespmem:s30], [sflag:$0x1], $0x80, s20, s0, $0xb8;
	[tilespmem:$0x1D000] =	vst v63  }
0x104: {  	_ =	swait.ge [sflag:s29], $0x8000  }
0x105: {  	[sflag:s29] =	ssyncset.done $0x0  }
0x106: {  	[sflag:s29] =	ssyncadd.s32 $0xFFFF8000  }
0x107: {  	[spmem:s4] =	stream.indirect.scatter.add.f32 [tilespmem:s30], [sflag:$0x1], $0x80, s21, s0, $0xb8;
	[tilespmem:$0x1D000] =	vst v63  }
0x108: {  	_ =	swait.ge [sflag:s29], $0x8000  }
0x109: {  	[sflag:s29] =	ssyncset.done $0x0  }
0x10a: {  	[sflag:s29] =	ssyncadd.s32 $0xFFFF8000  }
0x10b: {  	[spmem:s4] =	stream.indirect.scatter.add.f32 [tilespmem:s30], [sflag:$0x1], $0x80, s22, s0, $0xb8;
	[tilespmem:$0x1D000] =	vst v63  }
0x10c: {  	_ =	swait.ge [sflag:s29], $0x8000  }
0x10d: {  	[sflag:s29] =	ssyncset.done $0x0  }
0x10e: {  	[sflag:s29] =	ssyncadd.s32 $0xFFFF8000  }
0x10f: {  	[spmem:s4] =	stream.indirect.scatter.add.f32 [tilespmem:s30], [sflag:$0x1], $0x80, s24, s0, $0xb8;
	[tilespmem:$0x1D000] =	vst v63  }
0x110: {  	_ =	swait.ge [sflag:s29], $0x8000  }
0x111: {  	[sflag:s29] =	ssyncset.done $0x0  }
0x112: {  	[sflag:s29] =	ssyncadd.s32 $0xFFFF8000  }
0x113: {  	[spmem:s4] =	stream.indirect.scatter.add.f32 [tilespmem:s30], [sflag:$0x1], $0x80, s25, s0, $0xb8;
	[tilespmem:$0x1D000] =	vst v63  }
0x114: {  	_ =	swait.ge [sflag:s29], $0x8000  }
0x115: {  	[sflag:s29] =	ssyncset.done $0x0  }
0x116: {  	[sflag:s29] =	ssyncadd.s32 $0xFFFF8000  }
0x117: {  	[spmem:s4] =	stream.indirect.scatter.add.f32 [tilespmem:s30], [sflag:$0x1], $0x80, s2, s0, $0xb8;
	[tilespmem:$0x1D000] =	vst v63  }
0x118: {  	_ =	swait.ge [sflag:s29], $0x8000  }
0x119: {  	[sflag:s29] =	ssyncset.done $0x0  }
0x11a: {  	[sflag:s29] =	ssyncadd.s32 $0xFFFF8000  }
0x11b: {  	[spmem:s4] =	stream.indirect.scatter.add.f32 [tilespmem:s30], [sflag:$0x1], $0x80, s11, s0, $0xb8;
	[tilespmem:$0x1D000] =	vst v63  }
0x11c: {  	_ =	swait.ge [sflag:s29], $0x8000  }
0x11d: {  	[sflag:s29] =	ssyncset.done $0x0  }
0x11e: {  	[sflag:s29] =	ssyncadd.s32 $0xFFFF8000  }
0x11f: {  	[spmem:s4] =	stream.indirect.scatter.add.f32 [tilespmem:s30], [sflag:$0x1], $0x80, s26, s0, $0xb8;
	[tilespmem:$0x1D000] =	vst v63  }
0x120: {  	_ =	swait.ge [sflag:s29], $0x8000  }
0x121: {  	[sflag:s29] =	ssyncset.done $0x0  }
0x122: {  	[sflag:s29] =	ssyncadd.s32 $0xFFFF8000  }
0x123: {  	[spmem:s4] =	stream.indirect.scatter.add.f32 [tilespmem:s30], [sflag:$0x1], $0x80, s28, s0, $0xb8;
	[tilespmem:$0x1D000] =	vst v63  }
0x124: {  	_ =	swait.ge [sflag:s29], $0x8000  }
0x125: {  	[sflag:s29] =	ssyncset.done $0x0  }
0x126: {  	s9 =	rddreg [dreg:$0x18];
	[sflag:s29] =	ssyncadd.s32 $0xFFFF8000  }
0x127: {  	[tilespmem:s30], [sflag:$0x1] =	stream.linear.gather [hbm4b:s9+s5], $0x8000, $0x38;
	[tilespmem:$0x1D000] =	vst v63  }
0x128: {  	_ =	swait.ge [sflag:s29], $0x8000  }
0x129: {  	[sflag:s29] =	ssyncset.done $0x0  }
0x12a: {  	s9 =	rddreg [dreg:$0xc];
	[sflag:s29] =	ssyncadd.s32 $0xFFFF8000  }
0x12b: {  	[tilespmem:s31], [sflag:$0x1] =	stream.linear.gather [hbm4b:s9+s5], $0x1400, $0x38;
	[tilespmem:$0x1D000] =	vst v63  }
0x12c: {  	_ =	swait.ge [sflag:s29], $0x1400  }
0x12d: {  	[sflag:s29] =	ssyncset.done $0x0  }
0x12e: {  	[sflag:s29] =	ssyncadd.s32 $0xFFFFEC00  }
0x12f: {  	[spmem:s4] =	stream.indirect.scatter.add.f32 [tilespmem:s30], [sflag:$0x1], $0x80, s31, s0, $0xb8;
	[tilespmem:$0x1D000] =	vst v63  }
0x130: {  	_ =	swait.ge [sflag:s29], $0x8000  }
0x131: {  	[sflag:s29] =	ssyncset.done $0x0  }
0x132: {  	[sflag:s29] =	ssyncadd.s32 $0xFFFF8000  }
0x133: {  	[spmem:s4] =	stream.indirect.scatter.add.f32 [tilespmem:s30], [sflag:$0x1], $0x80, s7, s0, $0xb8;
	[tilespmem:$0x1D000] =	vst v63  }
0x134: {  	_ =	swait.ge [sflag:s29], $0x8000  }
0x135: {  	[sflag:s29] =	ssyncset.done $0x0  }
0x136: {  	[sflag:s29] =	ssyncadd.s32 $0xFFFF8000  }
0x137: {  	[spmem:s4] =	stream.indirect.scatter.add.f32 [tilespmem:s30], [sflag:$0x1], $0x80, s10, s0, $0xb8;
	[tilespmem:$0x1D000] =	vst v63  }
0x138: {  	_ =	swait.ge [sflag:s29], $0x8000  }
0x139: {  	[sflag:s29] =	ssyncset.done $0x0  }
0x13a: {  	[sflag:s29] =	ssyncadd.s32 $0xFFFF8000  }
0x13b: {  	[spmem:s4] =	stream.indirect.scatter.add.f32 [tilespmem:s30], [sflag:$0x1], $0x80, s12, s0, $0xb8;
	[tilespmem:$0x1D000] =	vst v63  }
0x13c: {  	_ =	swait.ge [sflag:s29], $0x8000  }
0x13d: {  	[sflag:s29] =	ssyncset.done $0x0  }
0x13e: {  	[sflag:s29] =	ssyncadd.s32 $0xFFFF8000  }
0x13f: {  	[spmem:s4] =	stream.indirect.scatter.add.f32 [tilespmem:s30], [sflag:$0x1], $0x80, s13, s0, $0xb8;
	[tilespmem:$0x1D000] =	vst v63  }
0x140: {  	_ =	swait.ge [sflag:s29], $0x8000  }
0x141: {  	[sflag:s29] =	ssyncset.done $0x0  }
0x142: {  	[sflag:s29] =	ssyncadd.s32 $0xFFFF8000  }
0x143: {  	[spmem:s4] =	stream.indirect.scatter.add.f32 [tilespmem:s30], [sflag:$0x1], $0x80, s14, s0, $0xb8;
	[tilespmem:$0x1D000] =	vst v63  }
0x144: {  	_ =	swait.ge [sflag:s29], $0x8000  }
0x145: {  	[sflag:s29] =	ssyncset.done $0x0  }
0x146: {  	[sflag:s29] =	ssyncadd.s32 $0xFFFF8000  }
0x147: {  	[spmem:s4] =	stream.indirect.scatter.add.f32 [tilespmem:s30], [sflag:$0x1], $0x80, s15, s0, $0xb8;
	[tilespmem:$0x1D000] =	vst v63  }
0x148: {  	_ =	swait.ge [sflag:s29], $0x8000  }
0x149: {  	[sflag:s29] =	ssyncset.done $0x0  }
0x14a: {  	[sflag:s29] =	ssyncadd.s32 $0xFFFF8000  }
0x14b: {  	[spmem:s4] =	stream.indirect.scatter.add.f32 [tilespmem:s30], [sflag:$0x1], $0x80, s16, s0, $0xb8;
	[tilespmem:$0x1D000] =	vst v63  }
0x14c: {  	_ =	swait.ge [sflag:s29], $0x8000  }
0x14d: {  	[sflag:s29] =	ssyncset.done $0x0  }
0x14e: {  	[sflag:s29] =	ssyncadd.s32 $0xFFFF8000  }
0x14f: {  	[spmem:s4] =	stream.indirect.scatter.add.f32 [tilespmem:s30], [sflag:$0x1], $0x80, s17, s0, $0xb8;
	[tilespmem:$0x1D000] =	vst v63  }
0x150: {  	_ =	swait.ge [sflag:s29], $0x8000  }
0x151: {  	[sflag:s29] =	ssyncset.done $0x0  }
0x152: {  	[sflag:s29] =	ssyncadd.s32 $0xFFFF8000  }
0x153: {  	[spmem:s4] =	stream.indirect.scatter.add.f32 [tilespmem:s30], [sflag:$0x1], $0x80, s18, s0, $0xb8;
	[tilespmem:$0x1D000] =	vst v63  }
0x154: {  	_ =	swait.ge [sflag:s29], $0x8000  }
0x155: {  	[sflag:s29] =	ssyncset.done $0x0  }
0x156: {  	[sflag:s29] =	ssyncadd.s32 $0xFFFF8000  }
0x157: {  	[spmem:s4] =	stream.indirect.scatter.add.f32 [tilespmem:s30], [sflag:$0x1], $0x80, s19, s0, $0xb8;
	[tilespmem:$0x1D000] =	vst v63  }
0x158: {  	_ =	swait.ge [sflag:s29], $0x8000  }
0x159: {  	[sflag:s29] =	ssyncset.done $0x0  }
0x15a: {  	[sflag:s29] =	ssyncadd.s32 $0xFFFF8000  }
0x15b: {  	[spmem:s4] =	stream.indirect.scatter.add.f32 [tilespmem:s30], [sflag:$0x1], $0x80, s20, s0, $0xb8;
	[tilespmem:$0x1D000] =	vst v63  }
0x15c: {  	_ =	swait.ge [sflag:s29], $0x8000  }
0x15d: {  	[sflag:s29] =	ssyncset.done $0x0  }
0x15e: {  	[sflag:s29] =	ssyncadd.s32 $0xFFFF8000  }
0x15f: {  	[spmem:s4] =	stream.indirect.scatter.add.f32 [tilespmem:s30], [sflag:$0x1], $0x80, s21, s0, $0xb8;
	[tilespmem:$0x1D000] =	vst v63  }
0x160: {  	_ =	swait.ge [sflag:s29], $0x8000  }
0x161: {  	[sflag:s29] =	ssyncset.done $0x0  }
0x162: {  	[sflag:s29] =	ssyncadd.s32 $0xFFFF8000  }
0x163: {  	[spmem:s4] =	stream.indirect.scatter.add.f32 [tilespmem:s30], [sflag:$0x1], $0x80, s22, s0, $0xb8;
	[tilespmem:$0x1D000] =	vst v63  }
0x164: {  	_ =	swait.ge [sflag:s29], $0x8000  }
0x165: {  	[sflag:s29] =	ssyncset.done $0x0  }
0x166: {  	[sflag:s29] =	ssyncadd.s32 $0xFFFF8000  }
0x167: {  	[spmem:s4] =	stream.indirect.scatter.add.f32 [tilespmem:s30], [sflag:$0x1], $0x80, s24, s0, $0xb8;
	[tilespmem:$0x1D000] =	vst v63  }
0x168: {  	_ =	swait.ge [sflag:s29], $0x8000  }
0x169: {  	[sflag:s29] =	ssyncset.done $0x0  }
0x16a: {  	[sflag:s29] =	ssyncadd.s32 $0xFFFF8000  }
0x16b: {  	[spmem:s4] =	stream.indirect.scatter.add.f32 [tilespmem:s30], [sflag:$0x1], $0x80, s25, s0, $0xb8;
	[tilespmem:$0x1D000] =	vst v63  }
0x16c: {  	_ =	swait.ge [sflag:s29], $0x8000  }
0x16d: {  	[sflag:s29] =	ssyncset.done $0x0  }
0x16e: {  	[sflag:s29] =	ssyncadd.s32 $0xFFFF8000  }
0x16f: {  	[spmem:s4] =	stream.indirect.scatter.add.f32 [tilespmem:s30], [sflag:$0x1], $0x80, s2, s0, $0xb8;
	[tilespmem:$0x1D000] =	vst v63  }
0x170: {  	_ =	swait.ge [sflag:s29], $0x8000  }
0x171: {  	[sflag:s29] =	ssyncset.done $0x0  }
0x172: {  	[sflag:s29] =	ssyncadd.s32 $0xFFFF8000  }
0x173: {  	[spmem:s4] =	stream.indirect.scatter.add.f32 [tilespmem:s30], [sflag:$0x1], $0x80, s11, s0, $0xb8;
	[tilespmem:$0x1D000] =	vst v63  }
0x174: {  	_ =	swait.ge [sflag:s29], $0x8000  }
0x175: {  	[sflag:s29] =	ssyncset.done $0x0  }
0x176: {  	[sflag:s29] =	ssyncadd.s32 $0xFFFF8000  }
0x177: {  	[spmem:s4] =	stream.indirect.scatter.add.f32 [tilespmem:s30], [sflag:$0x1], $0x80, s26, s0, $0xb8;
	[tilespmem:$0x1D000] =	vst v63  }
0x178: {  	_ =	swait.ge [sflag:s29], $0x8000  }
0x179: {  	[sflag:s29] =	ssyncset.done $0x0  }
0x17a: {  	[sflag:s29] =	ssyncadd.s32 $0xFFFF8000  }
0x17b: {  	[spmem:s4] =	stream.indirect.scatter.add.f32 [tilespmem:s30], [sflag:$0x1], $0x80, s28, s0, $0xb8;
	[tilespmem:$0x1D000] =	vst v63  }
0x17c: {  	_ =	swait.ge [sflag:s29], $0x8000  }
0x17d: {  	[sflag:s29] =	ssyncset.done $0x0  }
0x17e: {  	[sflag:s29] =	ssyncadd.s32 $0xFFFF8000  }
0x17f: {  	[bflag:$0x0] =	sbarrier.arrive $0xFFFF  }
0x180: {  	s1 =	rddreg [dreg:$0xe]  }
0x181: {  	s7 =	rddreg [dreg:$0x16]  }
0x182: {  	[hbm:s1], [sflag:s8] =	dma.local @p1 [spmem:s7], $0x500  }
0x183: {  	s7 =	simm.s32 @p1 $0x1  }
0x184: {  	_ =	swait.ge @p1 [sflag:s7], $0x500  }
0x185: {  	[sflag:s7] =	ssyncset.done @p1 $0x0  }
0x186: {  	s1 =	rddreg [dreg:$0xd];
	[sflag:s7] =	ssyncadd.s32 @p1 $0xFFFFFB00;
	s7 =	sshrl.u32 @!p1 s6, $0x3  }
0x187: {  	[hbm:s1], [sflag:s8] =	dma.local @!p1 [spmem:s7], $0x800  }
0x188: {  	s7 =	simm.s32 @!p1 $0x1  }
0x189: {  	_ =	swait.ge @!p1 [sflag:s7], $0x800  }
0x18a: {  	[sflag:s7] =	ssyncset.done @!p1 $0x0  }
0x18b: {  	[sflag:s7] =	ssyncadd.s32 @!p1 $0xFFFFF800  }
.LBB2_4:
0x18c: {  	s23 =	sadd.s32 $0xFFFFFFFF, s23  }
0x18d: {  	p2 =	sne.s32 s23, $0x0  }
.Ltmp1:
0x18e: {  	_ = 	snop;
	(pc) =	sbr.rel @!p2 .LBB2_5-.Ltmp1, $2  }
0x18f: {  	_ =	sdelay $0x2  }
0x190: {  	s7 =	rddreg [dreg:$0x5]  }
.LBB2_1:
0x191: {  	s6 =	sshrl.u32 s7, $0x3;
	s1 =	rddreg [dreg:$0x7]  }
0x192: {  	[spmem:s6], [sflag:s8] =	dma.local [hbm:s1], $0x1F80  }
0x193: {  	_ =	swait.ge [sflag:s29], $0x1F80  }
0x194: {  	[sflag:s29] =	ssyncset.done $0x0;
	s6 =	rddreg [dreg:$0x6]  }
0x195: {  	s9 =	smov.u32 s7;
	[sflag:s29] =	ssyncadd.s32 $0xFFFFE080;
	s7 =	sshrl.u32 s6, $0x3  }
0x196: {  	[spmem:s7], [sflag:s8] =	dma.local [hbm:s1], $0x800  }
0x197: {  	_ =	swait.ge [sflag:s29], $0x800  }
0x198: {  	[sflag:s29] =	ssyncset.done $0x0  }
0x199: {  	[sflag:s29] =	ssyncadd.s32 $0xFFFFF800  }
0x19a: {  	[bflag:$0x0] =	sbarrier.arrive $0xFFFF  }
.Ltmp2:
0x19b: {  	s1 =	rddreg [dreg:$0x1];
	(pc) =	sbr.rel @p0 .LBB2_3-.Ltmp2, $4  }
0x19c: {  	[tilespmem:s30], [sflag:$0x1] =	stream.linear.gather [hbm4b:s1+s5], $0x8000, $0x38;
	[tilespmem:$0x1D000] =	vst v63  }
0x19d: {  	_ =	swait.ge [sflag:s29], $0x8000  }
0x19e: {  	[sflag:s29] =	ssyncset.done $0x0  }
0x19f: {  	[sflag:s29] =	ssyncadd.s32 $0xFFFF8000  }
0x1a0: {  	s1 =	rddreg [dreg:$0xf]  }
0x1a1: {  	[tilespmem:s31], [sflag:$0x1] =	stream.linear.gather [hbm4b:s1+s5], $0x1400, $0x38;
	[tilespmem:$0x1D000] =	vst v63  }
0x1a2: {  	_ =	swait.ge [sflag:s29], $0x1400  }
0x1a3: {  	[sflag:s29] =	ssyncset.done $0x0  }
0x1a4: {  	[sflag:s29] =	ssyncadd.s32 $0xFFFFEC00  }
0x1a5: {  	[spmem:s3] =	stream.indirect.scatter.add.f32 [tilespmem:s30], [sflag:$0x1], $0x80, s31, s0, $0xb8;
	[tilespmem:$0x1D000] =	vst v63  }
0x1a6: {  	_ =	swait.ge [sflag:s29], $0x8000  }
0x1a7: {  	[sflag:s29] =	ssyncset.done $0x0  }
0x1a8: {  	s6 =	simm.s32 $0x13D00;
	[sflag:s29] =	ssyncadd.s32 $0xFFFF8000  }
0x1a9: {  	[spmem:s3] =	stream.indirect.scatter.add.f32 [tilespmem:s30], [sflag:$0x1], $0x80, s6, s0, $0xb8;
	[tilespmem:$0x1D000] =	vst v63  }
0x1aa: {  	_ =	swait.ge [sflag:s29], $0x8000  }
0x1ab: {  	[sflag:s29] =	ssyncset.done $0x0  }
0x1ac: {  	[sflag:s29] =	ssyncadd.s32 $0xFFFF8000  }
0x1ad: {  	[spmem:s3] =	stream.indirect.scatter.add.f32 [tilespmem:s30], [sflag:$0x1], $0x80, s10, s0, $0xb8;
	[tilespmem:$0x1D000] =	vst v63  }
0x1ae: {  	_ =	swait.ge [sflag:s29], $0x8000  }
0x1af: {  	[sflag:s29] =	ssyncset.done $0x0  }
0x1b0: {  	[sflag:s29] =	ssyncadd.s32 $0xFFFF8000  }
0x1b1: {  	[spmem:s3] =	stream.indirect.scatter.add.f32 [tilespmem:s30], [sflag:$0x1], $0x80, s12, s0, $0xb8;
	[tilespmem:$0x1D000] =	vst v63  }
0x1b2: {  	_ =	swait.ge [sflag:s29], $0x8000  }
0x1b3: {  	[sflag:s29] =	ssyncset.done $0x0  }
0x1b4: {  	[sflag:s29] =	ssyncadd.s32 $0xFFFF8000  }
0x1b5: {  	[spmem:s3] =	stream.indirect.scatter.add.f32 [tilespmem:s30], [sflag:$0x1], $0x80, s13, s0, $0xb8;
	[tilespmem:$0x1D000] =	vst v63  }
0x1b6: {  	_ =	swait.ge [sflag:s29], $0x8000  }
0x1b7: {  	[sflag:s29] =	ssyncset.done $0x0  }
0x1b8: {  	[sflag:s29] =	ssyncadd.s32 $0xFFFF8000  }
0x1b9: {  	[spmem:s3] =	stream.indirect.scatter.add.f32 [tilespmem:s30], [sflag:$0x1], $0x80, s14, s0, $0xb8;
	[tilespmem:$0x1D000] =	vst v63  }
0x1ba: {  	_ =	swait.ge [sflag:s29], $0x8000  }
0x1bb: {  	[sflag:s29] =	ssyncset.done $0x0  }
0x1bc: {  	[sflag:s29] =	ssyncadd.s32 $0xFFFF8000  }
0x1bd: {  	[spmem:s3] =	stream.indirect.scatter.add.f32 [tilespmem:s30], [sflag:$0x1], $0x80, s15, s0, $0xb8;
	[tilespmem:$0x1D000] =	vst v63  }
0x1be: {  	_ =	swait.ge [sflag:s29], $0x8000  }
0x1bf: {  	[sflag:s29] =	ssyncset.done $0x0  }
0x1c0: {  	[sflag:s29] =	ssyncadd.s32 $0xFFFF8000  }
0x1c1: {  	[spmem:s3] =	stream.indirect.scatter.add.f32 [tilespmem:s30], [sflag:$0x1], $0x80, s16, s0, $0xb8;
	[tilespmem:$0x1D000] =	vst v63  }
0x1c2: {  	_ =	swait.ge [sflag:s29], $0x8000  }
0x1c3: {  	[sflag:s29] =	ssyncset.done $0x0  }
0x1c4: {  	[sflag:s29] =	ssyncadd.s32 $0xFFFF8000  }
0x1c5: {  	[spmem:s3] =	stream.indirect.scatter.add.f32 [tilespmem:s30], [sflag:$0x1], $0x80, s17, s0, $0xb8;
	[tilespmem:$0x1D000] =	vst v63  }
0x1c6: {  	_ =	swait.ge [sflag:s29], $0x8000  }
0x1c7: {  	[sflag:s29] =	ssyncset.done $0x0  }
0x1c8: {  	[sflag:s29] =	ssyncadd.s32 $0xFFFF8000  }
0x1c9: {  	[spmem:s3] =	stream.indirect.scatter.add.f32 [tilespmem:s30], [sflag:$0x1], $0x80, s18, s0, $0xb8;
	[tilespmem:$0x1D000] =	vst v63  }
0x1ca: {  	_ =	swait.ge [sflag:s29], $0x8000  }
0x1cb: {  	[sflag:s29] =	ssyncset.done $0x0  }
0x1cc: {  	[sflag:s29] =	ssyncadd.s32 $0xFFFF8000  }
0x1cd: {  	[spmem:s3] =	stream.indirect.scatter.add.f32 [tilespmem:s30], [sflag:$0x1], $0x80, s19, s0, $0xb8;
	[tilespmem:$0x1D000] =	vst v63  }
0x1ce: {  	_ =	swait.ge [sflag:s29], $0x8000  }
0x1cf: {  	[sflag:s29] =	ssyncset.done $0x0  }
0x1d0: {  	[sflag:s29] =	ssyncadd.s32 $0xFFFF8000  }
0x1d1: {  	[spmem:s3] =	stream.indirect.scatter.add.f32 [tilespmem:s30], [sflag:$0x1], $0x80, s20, s0, $0xb8;
	[tilespmem:$0x1D000] =	vst v63  }
0x1d2: {  	_ =	swait.ge [sflag:s29], $0x8000  }
0x1d3: {  	[sflag:s29] =	ssyncset.done $0x0  }
0x1d4: {  	[sflag:s29] =	ssyncadd.s32 $0xFFFF8000  }
0x1d5: {  	[spmem:s3] =	stream.indirect.scatter.add.f32 [tilespmem:s30], [sflag:$0x1], $0x80, s21, s0, $0xb8;
	[tilespmem:$0x1D000] =	vst v63  }
0x1d6: {  	_ =	swait.ge [sflag:s29], $0x8000  }
0x1d7: {  	[sflag:s29] =	ssyncset.done $0x0  }
0x1d8: {  	[sflag:s29] =	ssyncadd.s32 $0xFFFF8000  }
0x1d9: {  	[spmem:s3] =	stream.indirect.scatter.add.f32 [tilespmem:s30], [sflag:$0x1], $0x80, s22, s0, $0xb8;
	[tilespmem:$0x1D000] =	vst v63  }
0x1da: {  	_ =	swait.ge [sflag:s29], $0x8000  }
0x1db: {  	[sflag:s29] =	ssyncset.done $0x0  }
0x1dc: {  	[sflag:s29] =	ssyncadd.s32 $0xFFFF8000  }
0x1dd: {  	[spmem:s3] =	stream.indirect.scatter.add.f32 [tilespmem:s30], [sflag:$0x1], $0x80, s24, s0, $0xb8;
	[tilespmem:$0x1D000] =	vst v63  }
0x1de: {  	_ =	swait.ge [sflag:s29], $0x8000  }
0x1df: {  	[sflag:s29] =	ssyncset.done $0x0  }
0x1e0: {  	[sflag:s29] =	ssyncadd.s32 $0xFFFF8000  }
0x1e1: {  	[spmem:s3] =	stream.indirect.scatter.add.f32 [tilespmem:s30], [sflag:$0x1], $0x80, s25, s0, $0xb8;
	[tilespmem:$0x1D000] =	vst v63  }
0x1e2: {  	_ =	swait.ge [sflag:s29], $0x8000  }
0x1e3: {  	[sflag:s29] =	ssyncset.done $0x0  }
0x1e4: {  	[sflag:s29] =	ssyncadd.s32 $0xFFFF8000  }
0x1e5: {  	[spmem:s3] =	stream.indirect.scatter.add.f32 [tilespmem:s30], [sflag:$0x1], $0x80, s2, s0, $0xb8;
	[tilespmem:$0x1D000] =	vst v63  }
0x1e6: {  	_ =	swait.ge [sflag:s29], $0x8000  }
0x1e7: {  	[sflag:s29] =	ssyncset.done $0x0  }
0x1e8: {  	[sflag:s29] =	ssyncadd.s32 $0xFFFF8000  }
0x1e9: {  	[spmem:s3] =	stream.indirect.scatter.add.f32 [tilespmem:s30], [sflag:$0x1], $0x80, s11, s0, $0xb8;
	[tilespmem:$0x1D000] =	vst v63  }
0x1ea: {  	_ =	swait.ge [sflag:s29], $0x8000  }
0x1eb: {  	[sflag:s29] =	ssyncset.done $0x0  }
0x1ec: {  	[sflag:s29] =	ssyncadd.s32 $0xFFFF8000  }
0x1ed: {  	[spmem:s3] =	stream.indirect.scatter.add.f32 [tilespmem:s30], [sflag:$0x1], $0x80, s26, s0, $0xb8;
	[tilespmem:$0x1D000] =	vst v63  }
0x1ee: {  	_ =	swait.ge [sflag:s29], $0x8000  }
0x1ef: {  	[sflag:s29] =	ssyncset.done $0x0  }
0x1f0: {  	[sflag:s29] =	ssyncadd.s32 $0xFFFF8000  }
0x1f1: {  	[spmem:s3] =	stream.indirect.scatter.add.f32 [tilespmem:s30], [sflag:$0x1], $0x80, s28, s0, $0xb8;
	[tilespmem:$0x1D000] =	vst v63  }
0x1f2: {  	_ =	swait.ge [sflag:s29], $0x8000  }
0x1f3: {  	[sflag:s29] =	ssyncset.done $0x0  }
0x1f4: {  	s7 =	rddreg [dreg:$0x9];
	[sflag:s29] =	ssyncadd.s32 $0xFFFF8000  }
0x1f5: {  	[tilespmem:s30], [sflag:$0x1] =	stream.linear.gather [hbm4b:s7+s5], $0x8000, $0x38;
	[tilespmem:$0x1D000] =	vst v63  }
0x1f6: {  	_ =	swait.ge [sflag:s29], $0x8000  }
0x1f7: {  	[sflag:s29] =	ssyncset.done $0x0  }
0x1f8: {  	s7 =	rddreg [dreg:$0x10];
	[sflag:s29] =	ssyncadd.s32 $0xFFFF8000  }
0x1f9: {  	[tilespmem:s31], [sflag:$0x1] =	stream.linear.gather [hbm4b:s7+s5], $0x1400, $0x38;
	[tilespmem:$0x1D000] =	vst v63  }
0x1fa: {  	_ =	swait.ge [sflag:s29], $0x1400  }
0x1fb: {  	[sflag:s29] =	ssyncset.done $0x0  }
0x1fc: {  	[sflag:s29] =	ssyncadd.s32 $0xFFFFEC00  }
0x1fd: {  	[spmem:s3] =	stream.indirect.scatter.add.f32 [tilespmem:s30], [sflag:$0x1], $0x80, s31, s0, $0xb8;
	[tilespmem:$0x1D000] =	vst v63  }
0x1fe: {  	_ =	swait.ge [sflag:s29], $0x8000  }
0x1ff: {  	[sflag:s29] =	ssyncset.done $0x0  }
0x200: {  	[sflag:s29] =	ssyncadd.s32 $0xFFFF8000  }
0x201: {  	[spmem:s3] =	stream.indirect.scatter.add.f32 [tilespmem:s30], [sflag:$0x1], $0x80, s6, s0, $0xb8;
	[tilespmem:$0x1D000] =	vst v63  }
0x202: {  	_ =	swait.ge [sflag:s29], $0x8000  }
0x203: {  	[sflag:s29] =	ssyncset.done $0x0  }
0x204: {  	[sflag:s29] =	ssyncadd.s32 $0xFFFF8000  }
0x205: {  	[spmem:s3] =	stream.indirect.scatter.add.f32 [tilespmem:s30], [sflag:$0x1], $0x80, s10, s0, $0xb8;
	[tilespmem:$0x1D000] =	vst v63  }
0x206: {  	_ =	swait.ge [sflag:s29], $0x8000  }
0x207: {  	[sflag:s29] =	ssyncset.done $0x0  }
0x208: {  	[sflag:s29] =	ssyncadd.s32 $0xFFFF8000  }
0x209: {  	[spmem:s3] =	stream.indirect.scatter.add.f32 [tilespmem:s30], [sflag:$0x1], $0x80, s12, s0, $0xb8;
	[tilespmem:$0x1D000] =	vst v63  }
0x20a: {  	_ =	swait.ge [sflag:s29], $0x8000  }
0x20b: {  	[sflag:s29] =	ssyncset.done $0x0  }
0x20c: {  	[sflag:s29] =	ssyncadd.s32 $0xFFFF8000  }
0x20d: {  	[spmem:s3] =	stream.indirect.scatter.add.f32 [tilespmem:s30], [sflag:$0x1], $0x80, s13, s0, $0xb8;
	[tilespmem:$0x1D000] =	vst v63  }
0x20e: {  	_ =	swait.ge [sflag:s29], $0x8000  }
0x20f: {  	[sflag:s29] =	ssyncset.done $0x0  }
0x210: {  	[sflag:s29] =	ssyncadd.s32 $0xFFFF8000  }
0x211: {  	[spmem:s3] =	stream.indirect.scatter.add.f32 [tilespmem:s30], [sflag:$0x1], $0x80, s14, s0, $0xb8;
	[tilespmem:$0x1D000] =	vst v63  }
0x212: {  	_ =	swait.ge [sflag:s29], $0x8000  }
0x213: {  	[sflag:s29] =	ssyncset.done $0x0  }
0x214: {  	[sflag:s29] =	ssyncadd.s32 $0xFFFF8000  }
0x215: {  	[spmem:s3] =	stream.indirect.scatter.add.f32 [tilespmem:s30], [sflag:$0x1], $0x80, s15, s0, $0xb8;
	[tilespmem:$0x1D000] =	vst v63  }
0x216: {  	_ =	swait.ge [sflag:s29], $0x8000  }
0x217: {  	[sflag:s29] =	ssyncset.done $0x0  }
0x218: {  	[sflag:s29] =	ssyncadd.s32 $0xFFFF8000  }
0x219: {  	[spmem:s3] =	stream.indirect.scatter.add.f32 [tilespmem:s30], [sflag:$0x1], $0x80, s16, s0, $0xb8;
	[tilespmem:$0x1D000] =	vst v63  }
0x21a: {  	_ =	swait.ge [sflag:s29], $0x8000  }
0x21b: {  	[sflag:s29] =	ssyncset.done $0x0  }
0x21c: {  	[sflag:s29] =	ssyncadd.s32 $0xFFFF8000  }
0x21d: {  	[spmem:s3] =	stream.indirect.scatter.add.f32 [tilespmem:s30], [sflag:$0x1], $0x80, s17, s0, $0xb8;
	[tilespmem:$0x1D000] =	vst v63  }
0x21e: {  	_ =	swait.ge [sflag:s29], $0x8000  }
0x21f: {  	[sflag:s29] =	ssyncset.done $0x0  }
0x220: {  	[sflag:s29] =	ssyncadd.s32 $0xFFFF8000  }
0x221: {  	[spmem:s3] =	stream.indirect.scatter.add.f32 [tilespmem:s30], [sflag:$0x1], $0x80, s18, s0, $0xb8;
	[tilespmem:$0x1D000] =	vst v63  }
0x222: {  	_ =	swait.ge [sflag:s29], $0x8000  }
0x223: {  	[sflag:s29] =	ssyncset.done $0x0  }
0x224: {  	[sflag:s29] =	ssyncadd.s32 $0xFFFF8000  }
0x225: {  	[spmem:s3] =	stream.indirect.scatter.add.f32 [tilespmem:s30], [sflag:$0x1], $0x80, s19, s0, $0xb8;
	[tilespmem:$0x1D000] =	vst v63  }
0x226: {  	_ =	swait.ge [sflag:s29], $0x8000  }
0x227: {  	[sflag:s29] =	ssyncset.done $0x0  }
0x228: {  	[sflag:s29] =	ssyncadd.s32 $0xFFFF8000  }
0x229: {  	[spmem:s3] =	stream.indirect.scatter.add.f32 [tilespmem:s30], [sflag:$0x1], $0x80, s20, s0, $0xb8;
	[tilespmem:$0x1D000] =	vst v63  }
0x22a: {  	_ =	swait.ge [sflag:s29], $0x8000  }
0x22b: {  	[sflag:s29] =	ssyncset.done $0x0  }
0x22c: {  	[sflag:s29] =	ssyncadd.s32 $0xFFFF8000  }
0x22d: {  	[spmem:s3] =	stream.indirect.scatter.add.f32 [tilespmem:s30], [sflag:$0x1], $0x80, s21, s0, $0xb8;
	[tilespmem:$0x1D000] =	vst v63  }
0x22e: {  	_ =	swait.ge [sflag:s29], $0x8000  }
0x22f: {  	[sflag:s29] =	ssyncset.done $0x0  }
0x230: {  	[sflag:s29] =	ssyncadd.s32 $0xFFFF8000  }
0x231: {  	[spmem:s3] =	stream.indirect.scatter.add.f32 [tilespmem:s30], [sflag:$0x1], $0x80, s22, s0, $0xb8;
	[tilespmem:$0x1D000] =	vst v63  }
0x232: {  	_ =	swait.ge [sflag:s29], $0x8000  }
0x233: {  	[sflag:s29] =	ssyncset.done $0x0  }
0x234: {  	[sflag:s29] =	ssyncadd.s32 $0xFFFF8000  }
0x235: {  	[spmem:s3] =	stream.indirect.scatter.add.f32 [tilespmem:s30], [sflag:$0x1], $0x80, s24, s0, $0xb8;
	[tilespmem:$0x1D000] =	vst v63  }
0x236: {  	_ =	swait.ge [sflag:s29], $0x8000  }
0x237: {  	[sflag:s29] =	ssyncset.done $0x0  }
0x238: {  	[sflag:s29] =	ssyncadd.s32 $0xFFFF8000  }
0x239: {  	[spmem:s3] =	stream.indirect.scatter.add.f32 [tilespmem:s30], [sflag:$0x1], $0x80, s25, s0, $0xb8;
	[tilespmem:$0x1D000] =	vst v63  }
0x23a: {  	_ =	swait.ge [sflag:s29], $0x8000  }
0x23b: {  	[sflag:s29] =	ssyncset.done $0x0  }
0x23c: {  	[sflag:s29] =	ssyncadd.s32 $0xFFFF8000  }
0x23d: {  	[spmem:s3] =	stream.indirect.scatter.add.f32 [tilespmem:s30], [sflag:$0x1], $0x80, s2, s0, $0xb8;
	[tilespmem:$0x1D000] =	vst v63  }
0x23e: {  	_ =	swait.ge [sflag:s29], $0x8000  }
0x23f: {  	[sflag:s29] =	ssyncset.done $0x0  }
0x240: {  	[sflag:s29] =	ssyncadd.s32 $0xFFFF8000  }
0x241: {  	[spmem:s3] =	stream.indirect.scatter.add.f32 [tilespmem:s30], [sflag:$0x1], $0x80, s11, s0, $0xb8;
	[tilespmem:$0x1D000] =	vst v63  }
0x242: {  	_ =	swait.ge [sflag:s29], $0x8000  }
0x243: {  	[sflag:s29] =	ssyncset.done $0x0  }
0x244: {  	[sflag:s29] =	ssyncadd.s32 $0xFFFF8000  }
0x245: {  	[spmem:s3] =	stream.indirect.scatter.add.f32 [tilespmem:s30], [sflag:$0x1], $0x80, s26, s0, $0xb8;
	[tilespmem:$0x1D000] =	vst v63  }
0x246: {  	_ =	swait.ge [sflag:s29], $0x8000  }
0x247: {  	[sflag:s29] =	ssyncset.done $0x0  }
0x248: {  	[sflag:s29] =	ssyncadd.s32 $0xFFFF8000  }
0x249: {  	[spmem:s3] =	stream.indirect.scatter.add.f32 [tilespmem:s30], [sflag:$0x1], $0x80, s28, s0, $0xb8;
	[tilespmem:$0x1D000] =	vst v63  }
0x24a: {  	_ =	swait.ge [sflag:s29], $0x8000  }
0x24b: {  	[sflag:s29] =	ssyncset.done $0x0  }
0x24c: {  	s7 =	rddreg [dreg:$0x17];
	[sflag:s29] =	ssyncadd.s32 $0xFFFF8000  }
0x24d: {  	[tilespmem:s30], [sflag:$0x1] =	stream.linear.gather [hbm4b:s7+s5], $0x8000, $0x38;
	[tilespmem:$0x1D000] =	vst v63  }
0x24e: {  	_ =	swait.ge [sflag:s29], $0x8000  }
0x24f: {  	[sflag:s29] =	ssyncset.done $0x0  }
0x250: {  	s7 =	rddreg [dreg:$0x11];
	[sflag:s29] =	ssyncadd.s32 $0xFFFF8000  }
0x251: {  	[tilespmem:s31], [sflag:$0x1] =	stream.linear.gather [hbm4b:s7+s5], $0x1400, $0x38;
	[tilespmem:$0x1D000] =	vst v63  }
0x252: {  	_ =	swait.ge [sflag:s29], $0x1400  }
0x253: {  	[sflag:s29] =	ssyncset.done $0x0  }
0x254: {  	[sflag:s29] =	ssyncadd.s32 $0xFFFFEC00  }
0x255: {  	[spmem:s3] =	stream.indirect.scatter.add.f32 [tilespmem:s30], [sflag:$0x1], $0x80, s31, s0, $0xb8;
	[tilespmem:$0x1D000] =	vst v63  }
0x256: {  	_ =	swait.ge [sflag:s29], $0x8000  }
0x257: {  	[sflag:s29] =	ssyncset.done $0x0  }
0x258: {  	[sflag:s29] =	ssyncadd.s32 $0xFFFF8000  }
0x259: {  	[spmem:s3] =	stream.indirect.scatter.add.f32 [tilespmem:s30], [sflag:$0x1], $0x80, s6, s0, $0xb8;
	[tilespmem:$0x1D000] =	vst v63  }
0x25a: {  	_ =	swait.ge [sflag:s29], $0x8000  }
0x25b: {  	[sflag:s29] =	ssyncset.done $0x0  }
0x25c: {  	[sflag:s29] =	ssyncadd.s32 $0xFFFF8000  }
0x25d: {  	[spmem:s3] =	stream.indirect.scatter.add.f32 [tilespmem:s30], [sflag:$0x1], $0x80, s10, s0, $0xb8;
	[tilespmem:$0x1D000] =	vst v63  }
0x25e: {  	_ =	swait.ge [sflag:s29], $0x8000  }
0x25f: {  	[sflag:s29] =	ssyncset.done $0x0  }
0x260: {  	[sflag:s29] =	ssyncadd.s32 $0xFFFF8000  }
0x261: {  	[spmem:s3] =	stream.indirect.scatter.add.f32 [tilespmem:s30], [sflag:$0x1], $0x80, s12, s0, $0xb8;
	[tilespmem:$0x1D000] =	vst v63  }
0x262: {  	_ =	swait.ge [sflag:s29], $0x8000  }
0x263: {  	[sflag:s29] =	ssyncset.done $0x0  }
0x264: {  	[sflag:s29] =	ssyncadd.s32 $0xFFFF8000  }
0x265: {  	[spmem:s3] =	stream.indirect.scatter.add.f32 [tilespmem:s30], [sflag:$0x1], $0x80, s13, s0, $0xb8;
	[tilespmem:$0x1D000] =	vst v63  }
0x266: {  	_ =	swait.ge [sflag:s29], $0x8000  }
0x267: {  	[sflag:s29] =	ssyncset.done $0x0  }
0x268: {  	[sflag:s29] =	ssyncadd.s32 $0xFFFF8000  }
0x269: {  	[spmem:s3] =	stream.indirect.scatter.add.f32 [tilespmem:s30], [sflag:$0x1], $0x80, s14, s0, $0xb8;
	[tilespmem:$0x1D000] =	vst v63  }
0x26a: {  	_ =	swait.ge [sflag:s29], $0x8000  }
0x26b: {  	[sflag:s29] =	ssyncset.done $0x0  }
0x26c: {  	[sflag:s29] =	ssyncadd.s32 $0xFFFF8000  }
0x26d: {  	[spmem:s3] =	stream.indirect.scatter.add.f32 [tilespmem:s30], [sflag:$0x1], $0x80, s15, s0, $0xb8;
	[tilespmem:$0x1D000] =	vst v63  }
0x26e: {  	_ =	swait.ge [sflag:s29], $0x8000  }
0x26f: {  	[sflag:s29] =	ssyncset.done $0x0  }
0x270: {  	[sflag:s29] =	ssyncadd.s32 $0xFFFF8000  }
0x271: {  	[spmem:s3] =	stream.indirect.scatter.add.f32 [tilespmem:s30], [sflag:$0x1], $0x80, s16, s0, $0xb8;
	[tilespmem:$0x1D000] =	vst v63  }
0x272: {  	_ =	swait.ge [sflag:s29], $0x8000  }
0x273: {  	[sflag:s29] =	ssyncset.done $0x0  }
0x274: {  	[sflag:s29] =	ssyncadd.s32 $0xFFFF8000  }
0x275: {  	[spmem:s3] =	stream.indirect.scatter.add.f32 [tilespmem:s30], [sflag:$0x1], $0x80, s17, s0, $0xb8;
	[tilespmem:$0x1D000] =	vst v63  }
0x276: {  	_ =	swait.ge [sflag:s29], $0x8000  }
0x277: {  	[sflag:s29] =	ssyncset.done $0x0  }
0x278: {  	[sflag:s29] =	ssyncadd.s32 $0xFFFF8000  }
0x279: {  	[spmem:s3] =	stream.indirect.scatter.add.f32 [tilespmem:s30], [sflag:$0x1], $0x80, s18, s0, $0xb8;
	[tilespmem:$0x1D000] =	vst v63  }
0x27a: {  	_ =	swait.ge [sflag:s29], $0x8000  }
0x27b: {  	[sflag:s29] =	ssyncset.done $0x0  }
0x27c: {  	[sflag:s29] =	ssyncadd.s32 $0xFFFF8000  }
0x27d: {  	[spmem:s3] =	stream.indirect.scatter.add.f32 [tilespmem:s30], [sflag:$0x1], $0x80, s19, s0, $0xb8;
	[tilespmem:$0x1D000] =	vst v63  }
0x27e: {  	_ =	swait.ge [sflag:s29], $0x8000  }
0x27f: {  	[sflag:s29] =	ssyncset.done $0x0  }
0x280: {  	[sflag:s29] =	ssyncadd.s32 $0xFFFF8000  }
0x281: {  	[spmem:s3] =	stream.indirect.scatter.add.f32 [tilespmem:s30], [sflag:$0x1], $0x80, s20, s0, $0xb8;
	[tilespmem:$0x1D000] =	vst v63  }
0x282: {  	_ =	swait.ge [sflag:s29], $0x8000  }
0x283: {  	[sflag:s29] =	ssyncset.done $0x0  }
0x284: {  	[sflag:s29] =	ssyncadd.s32 $0xFFFF8000  }
0x285: {  	[spmem:s3] =	stream.indirect.scatter.add.f32 [tilespmem:s30], [sflag:$0x1], $0x80, s21, s0, $0xb8;
	[tilespmem:$0x1D000] =	vst v63  }
0x286: {  	_ =	swait.ge [sflag:s29], $0x8000  }
0x287: {  	[sflag:s29] =	ssyncset.done $0x0  }
0x288: {  	[sflag:s29] =	ssyncadd.s32 $0xFFFF8000  }
0x289: {  	[spmem:s3] =	stream.indirect.scatter.add.f32 [tilespmem:s30], [sflag:$0x1], $0x80, s22, s0, $0xb8;
	[tilespmem:$0x1D000] =	vst v63  }
0x28a: {  	_ =	swait.ge [sflag:s29], $0x8000  }
0x28b: {  	[sflag:s29] =	ssyncset.done $0x0  }
0x28c: {  	[sflag:s29] =	ssyncadd.s32 $0xFFFF8000  }
0x28d: {  	[spmem:s3] =	stream.indirect.scatter.add.f32 [tilespmem:s30], [sflag:$0x1], $0x80, s24, s0, $0xb8;
	[tilespmem:$0x1D000] =	vst v63  }
0x28e: {  	_ =	swait.ge [sflag:s29], $0x8000  }
0x28f: {  	[sflag:s29] =	ssyncset.done $0x0  }
0x290: {  	[sflag:s29] =	ssyncadd.s32 $0xFFFF8000  }
0x291: {  	[spmem:s3] =	stream.indirect.scatter.add.f32 [tilespmem:s30], [sflag:$0x1], $0x80, s25, s0, $0xb8;
	[tilespmem:$0x1D000] =	vst v63  }
0x292: {  	_ =	swait.ge [sflag:s29], $0x8000  }
0x293: {  	[sflag:s29] =	ssyncset.done $0x0  }
0x294: {  	[sflag:s29] =	ssyncadd.s32 $0xFFFF8000  }
0x295: {  	[spmem:s3] =	stream.indirect.scatter.add.f32 [tilespmem:s30], [sflag:$0x1], $0x80, s2, s0, $0xb8;
	[tilespmem:$0x1D000] =	vst v63  }
0x296: {  	_ =	swait.ge [sflag:s29], $0x8000  }
0x297: {  	[sflag:s29] =	ssyncset.done $0x0  }
0x298: {  	[sflag:s29] =	ssyncadd.s32 $0xFFFF8000  }
0x299: {  	[spmem:s3] =	stream.indirect.scatter.add.f32 [tilespmem:s30], [sflag:$0x1], $0x80, s11, s0, $0xb8;
	[tilespmem:$0x1D000] =	vst v63  }
0x29a: {  	_ =	swait.ge [sflag:s29], $0x8000  }
0x29b: {  	[sflag:s29] =	ssyncset.done $0x0  }
0x29c: {  	[sflag:s29] =	ssyncadd.s32 $0xFFFF8000  }
0x29d: {  	[spmem:s3] =	stream.indirect.scatter.add.f32 [tilespmem:s30], [sflag:$0x1], $0x80, s26, s0, $0xb8;
	[tilespmem:$0x1D000] =	vst v63  }
0x29e: {  	_ =	swait.ge [sflag:s29], $0x8000  }
0x29f: {  	[sflag:s29] =	ssyncset.done $0x0  }
0x2a0: {  	[sflag:s29] =	ssyncadd.s32 $0xFFFF8000  }
0x2a1: {  	[spmem:s3] =	stream.indirect.scatter.add.f32 [tilespmem:s30], [sflag:$0x1], $0x80, s28, s0, $0xb8;
	[tilespmem:$0x1D000] =	vst v63  }
0x2a2: {  	_ =	swait.ge [sflag:s29], $0x8000  }
0x2a3: {  	[sflag:s29] =	ssyncset.done $0x0  }
0x2a4: {  	s7 =	rddreg [dreg:$0x18];
	[sflag:s29] =	ssyncadd.s32 $0xFFFF8000  }
0x2a5: {  	[tilespmem:s30], [sflag:$0x1] =	stream.linear.gather [hbm4b:s7+s5], $0x8000, $0x38;
	[tilespmem:$0x1D000] =	vst v63  }
0x2a6: {  	_ =	swait.ge [sflag:s29], $0x8000  }
0x2a7: {  	[sflag:s29] =	ssyncset.done $0x0  }
0x2a8: {  	s7 =	rddreg [dreg:$0x12];
	[sflag:s29] =	ssyncadd.s32 $0xFFFF8000  }
0x2a9: {  	[tilespmem:s31], [sflag:$0x1] =	stream.linear.gather [hbm4b:s7+s5], $0x1400, $0x38;
	[tilespmem:$0x1D000] =	vst v63  }
0x2aa: {  	_ =	swait.ge [sflag:s29], $0x1400  }
0x2ab: {  	[sflag:s29] =	ssyncset.done $0x0  }
0x2ac: {  	[sflag:s29] =	ssyncadd.s32 $0xFFFFEC00  }
0x2ad: {  	[spmem:s3] =	stream.indirect.scatter.add.f32 [tilespmem:s30], [sflag:$0x1], $0x80, s31, s0, $0xb8;
	[tilespmem:$0x1D000] =	vst v63  }
0x2ae: {  	_ =	swait.ge [sflag:s29], $0x8000  }
0x2af: {  	[sflag:s29] =	ssyncset.done $0x0  }
0x2b0: {  	[sflag:s29] =	ssyncadd.s32 $0xFFFF8000  }
0x2b1: {  	[spmem:s3] =	stream.indirect.scatter.add.f32 [tilespmem:s30], [sflag:$0x1], $0x80, s6, s0, $0xb8;
	[tilespmem:$0x1D000] =	vst v63  }
0x2b2: {  	_ =	swait.ge [sflag:s29], $0x8000  }
0x2b3: {  	[sflag:s29] =	ssyncset.done $0x0  }
0x2b4: {  	[sflag:s29] =	ssyncadd.s32 $0xFFFF8000  }
0x2b5: {  	[spmem:s3] =	stream.indirect.scatter.add.f32 [tilespmem:s30], [sflag:$0x1], $0x80, s10, s0, $0xb8;
	[tilespmem:$0x1D000] =	vst v63  }
0x2b6: {  	_ =	swait.ge [sflag:s29], $0x8000  }
0x2b7: {  	[sflag:s29] =	ssyncset.done $0x0  }
0x2b8: {  	[sflag:s29] =	ssyncadd.s32 $0xFFFF8000  }
0x2b9: {  	[spmem:s3] =	stream.indirect.scatter.add.f32 [tilespmem:s30], [sflag:$0x1], $0x80, s12, s0, $0xb8;
	[tilespmem:$0x1D000] =	vst v63  }
0x2ba: {  	_ =	swait.ge [sflag:s29], $0x8000  }
0x2bb: {  	[sflag:s29] =	ssyncset.done $0x0  }
0x2bc: {  	[sflag:s29] =	ssyncadd.s32 $0xFFFF8000  }
0x2bd: {  	[spmem:s3] =	stream.indirect.scatter.add.f32 [tilespmem:s30], [sflag:$0x1], $0x80, s13, s0, $0xb8;
	[tilespmem:$0x1D000] =	vst v63  }
0x2be: {  	_ =	swait.ge [sflag:s29], $0x8000  }
0x2bf: {  	[sflag:s29] =	ssyncset.done $0x0  }
0x2c0: {  	[sflag:s29] =	ssyncadd.s32 $0xFFFF8000  }
0x2c1: {  	[spmem:s3] =	stream.indirect.scatter.add.f32 [tilespmem:s30], [sflag:$0x1], $0x80, s14, s0, $0xb8;
	[tilespmem:$0x1D000] =	vst v63  }
0x2c2: {  	_ =	swait.ge [sflag:s29], $0x8000  }
0x2c3: {  	[sflag:s29] =	ssyncset.done $0x0  }
0x2c4: {  	[sflag:s29] =	ssyncadd.s32 $0xFFFF8000  }
0x2c5: {  	[spmem:s3] =	stream.indirect.scatter.add.f32 [tilespmem:s30], [sflag:$0x1], $0x80, s15, s0, $0xb8;
	[tilespmem:$0x1D000] =	vst v63  }
0x2c6: {  	_ =	swait.ge [sflag:s29], $0x8000  }
0x2c7: {  	[sflag:s29] =	ssyncset.done $0x0  }
0x2c8: {  	[sflag:s29] =	ssyncadd.s32 $0xFFFF8000  }
0x2c9: {  	[spmem:s3] =	stream.indirect.scatter.add.f32 [tilespmem:s30], [sflag:$0x1], $0x80, s16, s0, $0xb8;
	[tilespmem:$0x1D000] =	vst v63  }
0x2ca: {  	_ =	swait.ge [sflag:s29], $0x8000  }
0x2cb: {  	[sflag:s29] =	ssyncset.done $0x0  }
0x2cc: {  	[sflag:s29] =	ssyncadd.s32 $0xFFFF8000  }
0x2cd: {  	[spmem:s3] =	stream.indirect.scatter.add.f32 [tilespmem:s30], [sflag:$0x1], $0x80, s17, s0, $0xb8;
	[tilespmem:$0x1D000] =	vst v63  }
0x2ce: {  	_ =	swait.ge [sflag:s29], $0x8000  }
0x2cf: {  	[sflag:s29] =	ssyncset.done $0x0  }
0x2d0: {  	[sflag:s29] =	ssyncadd.s32 $0xFFFF8000  }
0x2d1: {  	[spmem:s3] =	stream.indirect.scatter.add.f32 [tilespmem:s30], [sflag:$0x1], $0x80, s18, s0, $0xb8;
	[tilespmem:$0x1D000] =	vst v63  }
0x2d2: {  	_ =	swait.ge [sflag:s29], $0x8000  }
0x2d3: {  	[sflag:s29] =	ssyncset.done $0x0  }
0x2d4: {  	[sflag:s29] =	ssyncadd.s32 $0xFFFF8000  }
0x2d5: {  	[spmem:s3] =	stream.indirect.scatter.add.f32 [tilespmem:s30], [sflag:$0x1], $0x80, s19, s0, $0xb8;
	[tilespmem:$0x1D000] =	vst v63  }
0x2d6: {  	_ =	swait.ge [sflag:s29], $0x8000  }
0x2d7: {  	[sflag:s29] =	ssyncset.done $0x0  }
0x2d8: {  	[sflag:s29] =	ssyncadd.s32 $0xFFFF8000  }
0x2d9: {  	[spmem:s3] =	stream.indirect.scatter.add.f32 [tilespmem:s30], [sflag:$0x1], $0x80, s20, s0, $0xb8;
	[tilespmem:$0x1D000] =	vst v63  }
0x2da: {  	_ =	swait.ge [sflag:s29], $0x8000  }
0x2db: {  	[sflag:s29] =	ssyncset.done $0x0  }
0x2dc: {  	[sflag:s29] =	ssyncadd.s32 $0xFFFF8000  }
0x2dd: {  	[spmem:s3] =	stream.indirect.scatter.add.f32 [tilespmem:s30], [sflag:$0x1], $0x80, s21, s0, $0xb8;
	[tilespmem:$0x1D000] =	vst v63  }
0x2de: {  	_ =	swait.ge [sflag:s29], $0x8000  }
0x2df: {  	[sflag:s29] =	ssyncset.done $0x0  }
0x2e0: {  	[sflag:s29] =	ssyncadd.s32 $0xFFFF8000  }
0x2e1: {  	[spmem:s3] =	stream.indirect.scatter.add.f32 [tilespmem:s30], [sflag:$0x1], $0x80, s22, s0, $0xb8;
	[tilespmem:$0x1D000] =	vst v63  }
0x2e2: {  	_ =	swait.ge [sflag:s29], $0x8000  }
0x2e3: {  	[sflag:s29] =	ssyncset.done $0x0  }
0x2e4: {  	[sflag:s29] =	ssyncadd.s32 $0xFFFF8000  }
0x2e5: {  	[spmem:s3] =	stream.indirect.scatter.add.f32 [tilespmem:s30], [sflag:$0x1], $0x80, s24, s0, $0xb8;
	[tilespmem:$0x1D000] =	vst v63  }
0x2e6: {  	_ =	swait.ge [sflag:s29], $0x8000  }
0x2e7: {  	[sflag:s29] =	ssyncset.done $0x0  }
0x2e8: {  	[sflag:s29] =	ssyncadd.s32 $0xFFFF8000  }
0x2e9: {  	[spmem:s3] =	stream.indirect.scatter.add.f32 [tilespmem:s30], [sflag:$0x1], $0x80, s25, s0, $0xb8;
	[tilespmem:$0x1D000] =	vst v63  }
0x2ea: {  	_ =	swait.ge [sflag:s29], $0x8000  }
0x2eb: {  	[sflag:s29] =	ssyncset.done $0x0  }
0x2ec: {  	[sflag:s29] =	ssyncadd.s32 $0xFFFF8000  }
0x2ed: {  	[spmem:s3] =	stream.indirect.scatter.add.f32 [tilespmem:s30], [sflag:$0x1], $0x80, s2, s0, $0xb8;
	[tilespmem:$0x1D000] =	vst v63  }
0x2ee: {  	_ =	swait.ge [sflag:s29], $0x8000  }
0x2ef: {  	[sflag:s29] =	ssyncset.done $0x0  }
0x2f0: {  	[sflag:s29] =	ssyncadd.s32 $0xFFFF8000  }
0x2f1: {  	[spmem:s3] =	stream.indirect.scatter.add.f32 [tilespmem:s30], [sflag:$0x1], $0x80, s11, s0, $0xb8;
	[tilespmem:$0x1D000] =	vst v63  }
0x2f2: {  	_ =	swait.ge [sflag:s29], $0x8000  }
0x2f3: {  	[sflag:s29] =	ssyncset.done $0x0  }
0x2f4: {  	[sflag:s29] =	ssyncadd.s32 $0xFFFF8000  }
0x2f5: {  	[spmem:s3] =	stream.indirect.scatter.add.f32 [tilespmem:s30], [sflag:$0x1], $0x80, s26, s0, $0xb8;
	[tilespmem:$0x1D000] =	vst v63  }
0x2f6: {  	_ =	swait.ge [sflag:s29], $0x8000  }
0x2f7: {  	[sflag:s29] =	ssyncset.done $0x0  }
0x2f8: {  	[sflag:s29] =	ssyncadd.s32 $0xFFFF8000  }
0x2f9: {  	[spmem:s3] =	stream.indirect.scatter.add.f32 [tilespmem:s30], [sflag:$0x1], $0x80, s28, s0, $0xb8;
	[tilespmem:$0x1D000] =	vst v63  }
0x2fa: {  	_ =	swait.ge [sflag:s29], $0x8000  }
0x2fb: {  	[sflag:s29] =	ssyncset.done $0x0  }
0x2fc: {  	[sflag:s29] =	ssyncadd.s32 $0xFFFF8000  }
0x2fd: {  	[bflag:$0x0] =	sbarrier.arrive $0xFFFF  }
0x2fe: {  	s1 =	rddreg [dreg:$0x14]  }
0x2ff: {  	s7 =	simm.s32 @p1 $0x1;
	s6 =	rddreg [dreg:$0x15]  }
0x300: {  	[hbm:s1], [sflag:s8] =	dma.local @p1 [spmem:s6], $0x1B80  }
0x301: {  	_ =	swait.ge @p1 [sflag:s7], $0x1B80  }
0x302: {  	[sflag:s7] =	ssyncset.done @p1 $0x0  }
0x303: {  	s1 =	rddreg [dreg:$0x13];
	[sflag:s7] =	ssyncadd.s32 @p1 $0xFFFFE480;
	s7 =	sshrl.u32 @!p1 s9, $0x3  }
0x304: {  	[hbm:s1], [sflag:s8] =	dma.local @!p1 [spmem:s7], $0x1F80  }
.Ltmp3:
0x305: {  	_ = 	snop;
	(pc) =	sbr.rel .LBB2_4-.Ltmp3, $4  }
0x306: {  	s7 =	simm.s32 @!p1 $0x1  }
0x307: {  	_ =	swait.ge @!p1 [sflag:s7], $0x1F80  }
0x308: {  	[sflag:s7] =	ssyncset.done @!p1 $0x0  }
0x309: {  	[sflag:s7] =	ssyncadd.s32 @!p1 $0xFFFFE080  }
.LBB2_5:
0x30a: {  	_ =	sfence.sel $0x180000  }
0x30b: {  	[bflag:$0x0] =	sbarrier.arrive $0xFFFF  }
0x30c: {  	_ =	strace $0x90000047  }
0x30d: {  	s0 =	stileid.u32;
	[bflag:$0x2] =	sbarrier.arrive $0xFFFF  }
0x30e: {  	p0 =	sne.s32 s0, $0x0;
	s0 =	rddreg [dreg:$0x4]  }
0x30f: {  	s0 =	sadd.s32 @!p0 $0x100000, s0  }
0x310: {  	[sflag:s0] =	ssyncadd.tile.s32 @!p0 $0x1;
	_ =	shalt  }
.Lfunc_end2:
_tile_overlayer_lowered:
.L_overlay_start_2:
0x311: {  	(tag) =	ssettag $0x2  }
0x312: {  	s0 =	rddreg [dreg:$0x0];
	s2 =	stileid.u32  }
0x313: {  	s1 =	rddreg [dreg:$0x1];
	p0 =	sne.s32 s2, $0x0  }
0x314: {  	s3 =	rddreg [dreg:$0x2];
	[bflag:$0x3] =	sbarrier.arrive $0xFFFF;
	s2 =	simm.s32 @!p0 $0x1C01  }
0x315: {  	[timem:s3], [sflag:s2] =	dma.local @!p0 [hbm:s0], s1  }
0x316: {  	s0 =	simm.s32 @!p0 $0x1  }
0x317: {  	_ =	swait.ge @!p0 [sflag:s0], s1  }
0x318: {  	s1 =	ssub.s32 @!p0 $0x0, s1;
	[sflag:s0] =	ssyncset.done @!p0 $0x0  }
0x319: {  	[sflag:s0] =	ssyncadd.s32 @!p0 s1  }
0x31a: {  	[bflag:$0x3] =	sbarrier.arrive $0xFFFF  }
0x31b: {  	_ =	shalt  }

// kernel: kernel.14.cloned.1.call-start
scs
__scs_entry_jumppad:
0x0: {  	(pc) =	sbr.rel $0x88, $3  }
0x1: {  	(tag) =	ssettag $0x0;
	lr =	simm.s32 $0x1  }
0x2: {  	[smem:$0x3F87] =	sst lr;
	_ =	strace $0xD0000000  }
0x3: {  	_ = 	snop  }
0x4: {  	_ = 	snop  }
0x5: {  	_ = 	snop  }
0x6: {  	_ = 	snop  }
0x7: {  	_ = 	snop  }
__scs_overlays_trampoline_lowered:
0x8: {  	[smem:$0x3F96] =	sst s0  }
0x9: {  	[smem:$0x3F97] =	sst s1  }
0xa: {  	[smem:$0x3F98] =	sst s2  }
0xb: {  	[smem:$0x3F99] =	sst s3  }
0xc: {  	[smem:$0x3F9A] =	sst s4  }
0xd: {  	[smem:$0x3F9B] =	sst s5  }
0xe: {  	[smem:$0x3F9C] =	sst s6  }
0xf: {  	[smem:$0x3F9D] =	sst s7  }
0x10: {  	[smem:$0x3F9E] =	sst s8  }
0x11: {  	[smem:$0x3F9F] =	sst s9;
	s0 =	simm.s32 @!p0 $0x0  }
0x12: {  	s1 =	sld [smem:$0x3F85];
	s0 =	simm.s32 @p0 $0x1  }
0x13: {  	[smem:$0x3FA0] =	sst s0;
	s0 =	simm.s32 @!p1 $0x0  }
0x14: {  	s2 =	sld [smem:$0x3F84];
	s0 =	simm.s32 @p1 $0x1  }
0x15: {  	[smem:$0x3FA1] =	sst s0;
	s0 =	simm.s32 @!p2 $0x0  }
0x16: {  	s3 =	sld [smem:$0x3FDB];
	s0 =	simm.s32 @p2 $0x1  }
0x17: {  	s4 =	simm.s32 $0x1BF5;
	[smem:$0x3FA3] =	sst s0  }
0x18: {  	s0 =	sld [smem:$0x3F86];
	_ =	swait.ge [sflag:s4], $0x0  }
0x19: {  	s7 =	sld [smem:$0x3F87]  }
0x1a: {  	s8 =	sadd.s32 $0xFFFFE003, lr  }
0x1b: {  	s9 =	sadd.s32 $0xFFFFFEF7, lr;
	s5 =	simm.s32 $0xFFFFFFFF;
	p2 =	slt.u32 s8, $0xFFFFF086  }
0x1c: {  	p1 =	slt.u32 s9, $0xF7A;
	s5 =	simm.s32 @!p2 $0x0  }
0x1d: {  	s5 =	simm.s32 @p1 $0x1;
	p0 =	seq.s32 s7, s2  }
0x1e: {  	s7 =	smul.u32 @!p0 $0xF7A, s2;
	p2 =	seq.s32 @!p0 s5, $0x0  }
0x1f: {  	s9 =	smul.u32 $0xF7A, s1;
	s8 =	simm.s32 @!p0 $0x1BF5;
	p2 =	por !p2, p0  }
0x20: {  	[sflag:s8] =	ssyncset.s32 @!p0 $0xFFFFF086;
	s6 =	sadd.s32 @!p0 s3, s7;
	s7 =	simm.s32 @!p0 $0x108  }
0x21: {  	s3 =	sadd.s32 s3, s9;
	s6 =	sadd.s32 @!p0 $0x88, s6;
	s7 =	simm.s32 @p2 $0x1082  }
0x22: {  	[simem:s7], [sflag:s8] =	dma.local @!p0 [hbm:s6], $0xF7A  }
0x23: {  	s9 =	sor.u32 $0xD0000000, s2;
	s6 =	simm.s32 $0x108;
	_ =	swait.ge @!p0 [sflag:s8], $0x0  }
0x24: {  	s3 =	sadd.s32 $0x88, s3;
	s6 =	simm.s32 @!p1 $0x1082;
	[sflag:s4] =	ssyncset.s32 $0xFFFFF086  }
0x25: {  	[simem:s6], [sflag:s4] =	dma.local [hbm:s3], $0xF7A  }
0x26: {  	[smem:$0x3F87] =	sst s1;
	(tag) =	ssettag s2;
	_ =	strace s9  }
0x27: {  	s1 =	sld [smem:$0x3F97]  }
0x28: {  	s2 =	sld [smem:$0x3F98]  }
0x29: {  	s4 =	sld [smem:$0x3F9A]  }
0x2a: {  	p0 =	seq.s32 s5, $0x0;
	s5 =	sld [smem:$0x3F9B]  }
0x2b: {  	s6 =	sld [smem:$0x3F9C]  }
0x2c: {  	s7 =	sld [smem:$0x3F9D]  }
0x2d: {  	s3 =	simm.s32 $0x108;
	s8 =	sld [smem:$0x3F9E]  }
0x2e: {  	s3 =	simm.s32 @!p0 $0x1082;
	s9 =	sld [smem:$0x3F9F]  }
0x2f: {  	lr =	sadd.s32 s0, s3;
	s0 =	sld [smem:$0x3F96]  }
0x30: {  	s3 =	sld [smem:$0x3F99]  }
0x31: {  	[smem:$0x3FA2] =	sst s10  }
0x32: {  	s10 =	sld [smem:$0x3FA0];
	_ =	sdelay $0x3  }
0x33: {  	p0 =	seq.s32 s10, $0x1;
	s10 =	sld [smem:$0x3FA2];
	_ =	sdelay $0x3  }
0x34: {  	[smem:$0x3FA2] =	sst s10  }
0x35: {  	s10 =	sld [smem:$0x3FA1];
	_ =	sdelay $0x3  }
0x36: {  	p1 =	seq.s32 s10, $0x1;
	s10 =	sld [smem:$0x3FA2];
	_ =	sdelay $0x3  }
0x37: {  	[smem:$0x3FA2] =	sst s10  }
0x38: {  	s10 =	sld [smem:$0x3FA3]  }
0x39: {  	_ = 	snop;
	(pc) =	sbr.ind lr, $3  }
0x3a: {  	_ = 	snop  }
0x3b: {  	_ = 	snop  }
0x3c: {  	p2 =	seq.s32 s10, $0x1;
	s10 =	sld [smem:$0x3FA2]  }
0x3d: {  	_ =	shalt  }
0x3e: {  	_ =	shalt  }
0x3f: {  	_ =	shalt  }
0x40: {  	_ =	shalt  }
0x41: {  	_ =	shalt  }
0x42: {  	_ =	shalt  }
0x43: {  	_ =	shalt  }
0x44: {  	_ =	shalt  }
0x45: {  	_ =	shalt  }
0x46: {  	_ =	shalt  }
0x47: {  	_ =	shalt  }
0x48: {  	_ =	shalt  }
0x49: {  	_ =	shalt  }
0x4a: {  	_ =	shalt  }
0x4b: {  	_ =	shalt  }
0x4c: {  	_ =	shalt  }
0x4d: {  	_ =	shalt  }
0x4e: {  	_ =	shalt  }
0x4f: {  	_ =	shalt  }
0x50: {  	_ =	shalt  }
0x51: {  	_ =	shalt  }
0x52: {  	_ =	shalt  }
0x53: {  	_ =	shalt  }
0x54: {  	_ =	shalt  }
0x55: {  	_ =	shalt  }
0x56: {  	_ =	shalt  }
0x57: {  	_ =	shalt  }
0x58: {  	_ =	shalt  }
0x59: {  	_ =	shalt  }
0x5a: {  	_ =	shalt  }
0x5b: {  	_ =	shalt  }
0x5c: {  	_ =	shalt  }
0x5d: {  	_ =	shalt  }
0x5e: {  	_ =	shalt  }
0x5f: {  	_ =	shalt  }
0x60: {  	_ =	shalt  }
0x61: {  	_ =	shalt  }
0x62: {  	_ =	shalt  }
0x63: {  	_ =	shalt  }
0x64: {  	_ =	shalt  }
0x65: {  	_ =	shalt  }
0x66: {  	_ =	shalt  }
0x67: {  	_ =	shalt  }
0x68: {  	_ =	shalt  }
0x69: {  	_ =	shalt  }
0x6a: {  	_ =	shalt  }
0x6b: {  	_ =	shalt  }
0x6c: {  	_ =	shalt  }
0x6d: {  	_ =	shalt  }
0x6e: {  	_ =	shalt  }
0x6f: {  	_ =	shalt  }
0x70: {  	_ =	shalt  }
0x71: {  	_ =	shalt  }
0x72: {  	_ =	shalt  }
0x73: {  	_ =	shalt  }
0x74: {  	_ =	shalt  }
0x75: {  	_ =	shalt  }
0x76: {  	_ =	shalt  }
0x77: {  	_ =	shalt  }
0x78: {  	_ =	shalt  }
0x79: {  	_ =	shalt  }
0x7a: {  	_ =	shalt  }
0x7b: {  	_ =	shalt  }
0x7c: {  	_ =	shalt  }
0x7d: {  	_ =	shalt  }
0x7e: {  	_ =	shalt  }
0x7f: {  	_ =	shalt  }
0x80: {  	_ =	shalt  }
0x81: {  	_ =	shalt  }
0x82: {  	_ =	shalt  }
0x83: {  	_ =	shalt  }
0x84: {  	_ =	shalt  }
0x85: {  	_ =	shalt  }
0x86: {  	_ =	shalt  }
0x87: {  	_ =	shalt  }
.Lfunc_end0:
.L_simem_size_0:
called_computation.1_lowered:
.L_overlay_start_0:
0x88: {  	s2 =	sld [smem:$0x3FD9]  }
0x89: {  	s3 =	sld [smem:$0x3FFE];
	_ =	sdelay $0x1  }
0x8a: {  	s1 =	srdreg.scid  }
0x8b: {  	s0 =	sand.u32 $0x1, s1  }
0x8c: {  	s14 =	sshll.u32 s0, $0xA;
	s2 =	sadd.s32 s3, s2  }
0x8d: {  	s2 =	sadd.s32 s2, s14  }
0x8e: {  	[smem:$0x3FAE] =	sst s2  }
0x8f: {  	_ = 	snop  }
0x90: {  	s2 =	sld [smem:$0x3FD0];
	_ =	sdelay $0x2  }
0x91: {  	s15 =	simm.s32 $0xA;
	s4 =	simm.s32 $0x10  }
0x92: {  	[smem:s4], [sflag:s15] =	dma.local [hbm:s2], $0x1  }
0x93: {  	_ =	swait.eq [sflag:s15], $0x1  }
0x94: {  	[sflag:s15] =	ssyncset.done $0x0  }
0x95: {  	[sflag:s15] =	ssyncadd.s32 $0xFFFFFFFF  }
0x96: {  	s16 =	sld [smem:$0x11];
	(tm) =	ssettm $0x1  }
0x97: {  	s17 =	sld [smem:$0x3FFB];
	_ =	sdelay $0x3  }
0x98: {  	_ =	strace s17  }
0x99: {  	s3 =	sld [smem:$0x3FFC];
	_ =	sdelay $0x3  }
0x9a: {  	_ =	strace s3  }
0x9b: {  	s3 =	sld [smem:$0x3FFD];
	_ =	sdelay $0x3  }
0x9c: {  	_ =	strace s3  }
0x9d: {  	_ =	strace $0x8FFFFFFF  }
0x9e: {  	s18 =	sld [smem:$0x3FDB];
	_ =	sdelay $0x1  }
0x9f: {  	s19 =	simm.s32 $_scs_section_size  }
0xa0: {  	s5 =	simm.s32 $_size__tile_overlayer_lowered;
	s6 =	simm.s32 $_tile_overlayer_lowered  }
0xa1: {  	s22 =	simm.s32 $0x1BFF;
	s21 =	sshll.u32 s6, $0x1;
	s3 =	sadd.s32 s19, s18  }
0xa2: {  	s7 =	simm.s32 $0x0;
	s20 =	sshll.u32 s5, $0x1;
	s5 =	sadd.s32 s21, s3  }
0xa3: {  	[timem:s7], [sflag:s22] =	dma.local [hbm:s5], s20  }
0xa4: {  	_ =	swait.ge [sflag:s22], s20  }
0xa5: {  	s4 =	ssub.s32 $0x0, s20;
	[sflag:s22] =	ssyncset.done $0x0  }
0xa6: {  	[sflag:s22] =	ssyncadd.s32 s4;
	_ =	sdelay $0x1  }
0xa7: {  	s23 =	simm.s32 $0x1B8B  }
0xa8: {  	_ =	swait.ge [sflag:s23], $0x1  }
0xa9: {  	[sflag:s23] =	ssyncset.done $0x0  }
0xaa: {  	s25 =	simm.s32 $0x1B8E;
	s24 =	sld [smem:$0x3FFE];
	[sflag:s23] =	ssyncadd.s32 $0xFFFFFFFF  }
0xab: {  	s26 =	simm.s32 $execute0_lowered;
	[smem:$0x3FD2] =	sst s25  }
0xac: {  	s5 =	sshll.u32 s26, $0x1;
	_ =	strace $0x80000049;
	[dreg:$0x1] =	wrdreg $0xFFFFFFFF  }
0xad: {  	s28 =	simm.s32 $_size_execute0_lowered;
	s3 =	sadd.s32 s3, s5;
	[dreg:$0x0] =	wrdreg $0x0  }
0xae: {  	s5 =	sshll.u32 s28, $0x1;
	[dreg:$0x2] =	wrdreg s3  }
0xaf: {  	[dreg:$0x3] =	wrdreg s5  }
0xb0: {  	[dreg:$0x4] =	wrdreg $0xC0  }
0xb1: {  	_ =	task [dreg:s7], $0x5FFFF  }
0xb2: {  	[dreg:$0x1] =	wrdreg $0xFFFFFFFF  }
0xb3: {  	[dreg:$0x0] =	wrdreg $0x60  }
0xb4: {  	[dreg:$0x2] =	wrdreg s24  }
0xb5: {  	[dreg:$0x3] =	wrdreg s16  }
0xb6: {  	[dreg:$0x4] =	wrdreg $0x0  }
0xb7: {  	[dreg:$0x5] =	wrdreg $0xFC000  }
0xb8: {  	[dreg:$0x6] =	wrdreg $0x9  }
0xb9: {  	_ =	task.clear_ibuf [dreg:s7], $0x7FFFF;
	_ =	strace $0x90000049  }
0xba: {  	s29 =	simm.s32 $0x9;
	_ =	strace $0x8000004B  }
0xbb: {  	_ =	swait.ge [sflag:s29], $0x1  }
0xbc: {  	[sflag:s29] =	ssyncadd.s32 $0xFFFFFFFF  }
0xbd: {  	_ =	strace $0x9000004B  }
0xbe: {  	_ =	sfence  }
0xbf: {  	s30 =	sld [smem:$0x0];
	_ =	sdelay $0x2  }
0xc0: {  	s31 =	sshll.u32 s1, $0xD;
	s1 =	sshrl.u32 s1, $0x2  }
0xc1: {  	s3 =	sand.u32 $0x4000, s31;
	s1 =	sadd.s32 s1, s30  }
0xc2: {  	s0 =	sor.u32 s3, s0;
	s1 =	sshll.u32 s1, $0x11  }
0xc3: {  	s0 =	sor.u32 s1, s0  }
0xc4: {  	s0 =	sadd.s32 $0x8F2B, s0  }
0xc5: {  	[sflag:s0] =	ssyncadd.remote.s32 $0x1  }
0xc6: {  	_ =	sfence.sel $0xFFFF  }
0xc7: {  	[dreg:$0x0] =	wrdreg $0xFFFFFFFF;
	(pc) =	sbr.abs _section_cstart, $3  }
0xc8: {  	[dreg:$0x1] =	wrdreg $0xFFFFFFFF  }
0xc9: {  	_ =	task.clear_ibuf [dreg:s7], $0x2FFFF;
	_ =	strace $0x9FFFFFFF  }
0xca: {  	(tm) =	ssettm $0x7FFFFFFF  }
0xcb: {  	_ =	shalt  }
tec
execute0_lowered:
.L_overlay_start_1:
0x0: {  	(tag) =	ssettag $0x1  }
0x1: {  	s0 =	rddreg [dreg:$0x0]  }
0x2: {  	s2 =	rddreg [dreg:$0x1]  }
0x3: {  	s1 =	rddreg [dreg:$0x2]  }
0x4: {  	s3 =	rddreg [dreg:$0x3];
	s15 =	stileid.u32  }
0x5: {  	s4 =	simm.s32 $0x0;
	s6 =	srdreg.scid;
	s5 =	smul.u32 $0x280, s15  }
0x6: {  	[smem:$0x7FF] =	sst s4;
	s8 =	sand.u32 $0x1, s6;
	s21 =	smul.u32 $0x1F80, s15  }
0x7: {  	s10 =	sshll.u32 s15, $0xB;
	s11 =	smul.u32 $0x3F000, s15;
	s23 =	sshll.u32 s15, $0x6  }
0x8: {  	s24 =	sshll.u32 s15, $0xE;
	p2 =	seq.s32 s15, $0xF;
	s15 =	simm.s32 $0x16400  }
0x9: {  	_ =	strace $0x8000004A;
	s6 =	ssub.s32 $0x2, s8;
	s13 =	sadd.s32 s10, s0  }
0xa: {  	s31 =	sadd.s32 s24, s3;
	s25 =	sadd.s32 s2, s10;
	s2 =	sadd.s32 $0x7800, s2  }
0xb: {  	s17 =	sadd.s32 s24, s1;
	p0 =	seq.s32 s8, $0x0;
	[dreg:$0x5] =	wrdreg s25  }
0xc: {  	s9 =	sadd.s32 s5, s0;
	[dreg:$0x6] =	wrdreg s2;
	s19 =	sadd.s32 $0xD3600, s13  }
0xd: {  	p1 =	sne.s32 s8, $0x0;
	s26 =	sadd.s32 $0x22E00, s9;
	[dreg:$0x10] =	wrdreg s19  }
0xe: {  	s12 =	sadd.s32 s21, s0;
	s28 =	sadd.s32 $0x9E00, s9;
	[dreg:$0x7] =	wrdreg s26  }
0xf: {  	s24 =	sadd.s32 $0x56600, s0;
	s29 =	sadd.s32 $0xB4200, s12;
	[dreg:$0x8] =	wrdreg s28  }
0x10: {  	s7 =	sshrl.u32 s6, $0x1;
	s30 =	sadd.s32 $0x18E00, s9;
	[dreg:$0x9] =	wrdreg s29  }
0x11: {  	s14 =	ssub.s32 s6, s7;
	s7 =	sadd.s32 $0x7600, s9;
	[dreg:$0xa] =	wrdreg s30  }
0x12: {  	s8 =	sadd.s32 $0x3C000, s3;
	s10 =	sadd.s32 $0x94E00, s12;
	[dreg:$0xb] =	wrdreg s7  }
0x13: {  	s22 =	sshrl.u32 s11, $0x2;
	s12 =	sadd.s32 $0x4E800, s13;
	[dreg:$0xc] =	wrdreg s10  }
0x14: {  	s25 =	sadd.s32 $0x75A00, s0;
	s16 =	sadd.s32 $0x16600, s9;
	[dreg:$0xd] =	wrdreg s12  }
0x15: {  	s11 =	simm.s32 $0x3;
	s18 =	sadd.s32 $0xC600, s9;
	[dreg:$0xe] =	wrdreg s16  }
0x16: {  	s5 =	sadd.s32 s22, s1;
	s20 =	sadd.s32 $0x20600, s9;
	[dreg:$0xf] =	wrdreg s18  }
0x17: {  	s6 =	sor.u32 $0x1C03, s23;
	s21 =	sadd.s32 $0xEE00, s9;
	[dreg:$0x11] =	wrdreg s20  }
0x18: {  	s22 =	sadd.s32 $0xDB400, s13;
	s23 =	sadd.s32 $0xD1A80, s0;
	[dreg:$0x12] =	wrdreg s21  }
0x19: {  	s9 =	sadd.s32 $0xEC400, s1;
	s13 =	simm.s32 $0x15000;
	[dreg:$0x13] =	wrdreg s22  }
0x1a: {  	s19 =	simm.s32 $0x2;
	s26 =	sadd.s32 $0x25600, s0;
	[dreg:$0x14] =	wrdreg s23  }
0x1b: {  	s28 =	sadd.s32 $0xB2680, s0;
	s29 =	sadd.s32 $0x56000, s0;
	s30 =	sadd.s32 $0xDAE00, s0  }
.Ltmp0:
0x1c: {  	s0 =	sadd.s32 $0xE2C00, s0;
	s2 =	smax.u32 s14, $0x1;
	(pc) =	sbr.rel .LBB2_1-.Ltmp0, $4  }
0x1d: {  	s10 =	sadd.s32 $0x3C000, s1;
	s12 =	simm.s32 $0x13C00;
	[dreg:$0x15] =	wrdreg s28  }
0x1e: {  	s14 =	simm.s32 $0x80;
	s16 =	simm.s32 $0x1;
	[dreg:$0x16] =	wrdreg s29  }
0x1f: {  	s18 =	simm.s32 $0x1A400;
	s20 =	simm.s32 $0x14F80;
	[dreg:$0x17] =	wrdreg s30  }
0x20: {  	s21 =	simm.s32 $0x16300;
	s22 =	simm.s32 $0x16380;
	[dreg:$0x18] =	wrdreg s0  }
.LBB2_14:
0x21: {  	[sflag:s11] =	ssyncadd.s32 $0xFFFFC000  }
0x22: {  	_ =	swait.ge [sflag:s16], $0x4000  }
0x23: {  	[sflag:s16] =	ssyncset.done $0x0  }
0x24: {  	[sflag:s16] =	ssyncadd.s32 $0xFFFFC000  }
0x25: {  	[tilespmem:s18], [sflag:$0x2] =	stream.indirect.gather [hbm4b:s25+s14], $0x80, s20, s14, $0xb8;
	[tilespmem:$0x1E400] =	vst v63  }
0x26: {  	_ = 	snop  }
0x27: {  	[spmem:s1] =	stream.indirect.scatter.add.f32 [tilespmem:s15], [sflag:$0x3], $0x80, s21, s14, $0xb8;
	[tilespmem:$0x1E400] =	vst v63  }
0x28: {  	_ =	swait.ge [sflag:s11], $0x4000  }
0x29: {  	[sflag:s11] =	ssyncset.done $0x0  }
0x2a: {  	[sflag:s11] =	ssyncadd.s32 $0xFFFFC000  }
0x2b: {  	_ =	swait.ge [sflag:s19], $0x4000  }
0x2c: {  	[sflag:s19] =	ssyncset.done $0x0  }
0x2d: {  	[sflag:s19] =	ssyncadd.s32 $0xFFFFC000  }
0x2e: {  	[spmem:s1] =	stream.indirect.scatter.add.f32 [tilespmem:s18], [sflag:$0x3], $0x80, s22, s14, $0xb8;
	[tilespmem:$0x1E400] =	vst v63  }
0x2f: {  	_ =	swait.ge [sflag:s11], $0x4000  }
0x30: {  	[sflag:s11] =	ssyncset.done $0x0  }
0x31: {  	[sflag:s11] =	ssyncadd.s32 $0xFFFFC000  }
0x32: {  	[bflag:$0x0] =	sbarrier.arrive $0xFFFF  }
0x33: {  	s0 =	rddreg [dreg:$0x17]  }
0x34: {  	[hbm:s0], [sflag:s6] =	dma.local @p2 [spmem:s28], $0x500  }
0x35: {  	s0 =	simm.s32 @p2 $0x3  }
0x36: {  	_ =	swait.ge @p2 [sflag:s0], $0x500  }
0x37: {  	[sflag:s0] =	ssyncset.done @p2 $0x0  }
0x38: {  	[sflag:s0] =	ssyncadd.s32 @p2 $0xFFFFFB00;
	s0 =	rddreg [dreg:$0x10]  }
0x39: {  	[hbm:s0], [sflag:s6] =	dma.local @!p2 [spmem:s23], $0x800  }
0x3a: {  	s0 =	simm.s32 @!p2 $0x3  }
0x3b: {  	_ =	swait.ge @!p2 [sflag:s0], $0x800  }
0x3c: {  	[sflag:s0] =	ssyncset.done @!p2 $0x0  }
0x3d: {  	[sflag:s0] =	ssyncadd.s32 @!p2 $0xFFFFF800  }
.LBB2_15:
0x3e: {  	s4 =	sadd.s32 $0x1, s4  }
0x3f: {  	p3 =	sne.s32 s4, s2  }
.Ltmp1:
0x40: {  	_ = 	snop;
	(pc) =	sbr.rel @!p3 .LBB2_16-.Ltmp1, $1  }
0x41: {  	_ =	sdelay $0x3  }
.LBB2_1:
.Ltmp2:
0x42: {  	s23 =	sshrl.u32 s5, $0x3;
	(pc) =	sbr.rel @!p0 .LBB2_2-.Ltmp2, $4  }
0x43: {  	[spmem:s23], [sflag:s6] =	dma.local [hbm:s26], $0x1F80  }
0x44: {  	_ =	swait.ge [sflag:s11], $0x1F80  }
0x45: {  	s28 =	sshrl.u32 @p2 s9, $0x3;
	s30 =	sshrl.u32 @p2 s8, $0x3;
	[sflag:s11] =	ssyncset.done $0x0  }
0x46: {  	s29 =	sshrl.u32 @!p2 s31, $0x3;
	s23 =	sshrl.u32 @!p2 s5, $0x3;
	[sflag:s11] =	ssyncadd.s32 $0xFFFFE080  }
0x47: {  	[bflag:$0x0] =	sbarrier.arrive $0xFFFF  }
0x48: {  	s13 =	smov.u32 s31;
	s31 =	simm.s32 $0x0;
	s0 =	rddreg [dreg:$0xa]  }
0x49: {  	[tilespmem:s12], [sflag:$0x3] =	stream.linear.gather [hbm4b:s0+s31], $0x1400, $0x38;
	[tilespmem:$0x1E400] =	vst v63  }
0x4a: {  	_ =	swait.ge [sflag:s11], $0x1400  }
0x4b: {  	[sflag:s11] =	ssyncset.done $0x0  }
0x4c: {  	s7 =	simm.s32 $0x15000;
	s0 =	rddreg [dreg:$0xb];
	[sflag:s11] =	ssyncadd.s32 $0xFFFFEC00  }
0x4d: {  	[tilespmem:s7], [sflag:$0x3] =	stream.linear.gather [hbm4b:s0+s31], $0x1400, $0x38;
	[tilespmem:$0x1E400] =	vst v63  }
0x4e: {  	_ =	swait.ge [sflag:s11], $0x1400  }
0x4f: {  	[sflag:s11] =	ssyncset.done $0x0  }
0x50: {  	[sflag:s11] =	ssyncadd.s32 $0xFFFFEC00  }
0x51: {  	[tilespmem:s15], [sflag:$0x1] =	stream.indirect.gather [hbm4b:s24+s14], $0x80, s12, s14, $0xb8;
	[tilespmem:$0x1E400] =	vst v63  }
0x52: {  	_ =	swait.ge [sflag:s16], $0x4000  }
0x53: {  	[sflag:s16] =	ssyncset.done $0x0  }
0x54: {  	s31 =	simm.s32 $0x13C80;
	[sflag:s16] =	ssyncadd.s32 $0xFFFFC000  }
0x55: {  	[tilespmem:s18], [sflag:$0x2] =	stream.indirect.gather [hbm4b:s24+s14], $0x80, s31, s14, $0xb8;
	[tilespmem:$0x1E400] =	vst v63  }
0x56: {  	s31 =	simm.s32 $0x15000  }
0x57: {  	[spmem:s1] =	stream.indirect.scatter.add.f32 [tilespmem:s15], [sflag:$0x3], $0x80, s31, s14, $0xb8;
	[tilespmem:$0x1E400] =	vst v63  }
0x58: {  	_ =	swait.ge [sflag:s11], $0x4000  }
0x59: {  	[sflag:s11] =	ssyncset.done $0x0  }
0x5a: {  	[sflag:s11] =	ssyncadd.s32 $0xFFFFC000  }
0x5b: {  	_ =	swait.ge [sflag:s19], $0x4000  }
0x5c: {  	[sflag:s19] =	ssyncset.done $0x0  }
0x5d: {  	s31 =	simm.s32 $0x13D00;
	[sflag:s19] =	ssyncadd.s32 $0xFFFFC000  }
0x5e: {  	[tilespmem:s15], [sflag:$0x1] =	stream.indirect.gather [hbm4b:s24+s14], $0x80, s31, s14, $0xb8;
	[tilespmem:$0x1E400] =	vst v63  }
0x5f: {  	s31 =	simm.s32 $0x15080  }
0x60: {  	[spmem:s1] =	stream.indirect.scatter.add.f32 [tilespmem:s18], [sflag:$0x3], $0x80, s31, s14, $0xb8;
	[tilespmem:$0x1E400] =	vst v63  }
0x61: {  	_ =	swait.ge [sflag:s11], $0x4000  }
0x62: {  	s31 =	simm.s32 $0x400;
	[sflag:s11] =	ssyncset.done $0x0  }
.LBB2_6:
0x63: {  	p3 =	sne.s32 s31, $0x4800  }
0x64: {  	[sflag:s11] =	ssyncadd.s32 $0xFFFFC000;
	s0 =	smov.u32 s31;
	s31 =	sadd.s32 $0x400, s31  }
0x65: {  	_ = 	snop  }
0x66: {  	_ =	swait.ge [sflag:s16], $0x4000  }
0x67: {  	s0 =	sshra.s32 s0, $0x2;
	[sflag:s16] =	ssyncset.done $0x0  }
0x68: {  	s7 =	sadd.s32 $0x13C80, s0;
	[sflag:s16] =	ssyncadd.s32 $0xFFFFC000  }
0x69: {  	[tilespmem:s18], [sflag:$0x2] =	stream.indirect.gather [hbm4b:s24+s14], $0x80, s7, s14, $0xb8;
	[tilespmem:$0x1E400] =	vst v63  }
0x6a: {  	s7 =	sadd.s32 $0x15000, s0  }
0x6b: {  	[spmem:s1] =	stream.indirect.scatter.add.f32 [tilespmem:s15], [sflag:$0x3], $0x80, s7, s14, $0xb8;
	[tilespmem:$0x1E400] =	vst v63  }
0x6c: {  	_ =	swait.ge [sflag:s11], $0x4000  }
0x6d: {  	[sflag:s11] =	ssyncset.done $0x0  }
0x6e: {  	[sflag:s11] =	ssyncadd.s32 $0xFFFFC000  }
0x6f: {  	_ =	swait.ge [sflag:s19], $0x4000  }
0x70: {  	[sflag:s19] =	ssyncset.done $0x0  }
0x71: {  	s7 =	sadd.s32 $0x13D00, s0;
	[sflag:s19] =	ssyncadd.s32 $0xFFFFC000  }
0x72: {  	[tilespmem:s15], [sflag:$0x1] =	stream.indirect.gather [hbm4b:s24+s14], $0x80, s7, s14, $0xb8;
	[tilespmem:$0x1E400] =	vst v63  }
.Ltmp3:
0x73: {  	_ = 	snop;
	(pc) =	sbr.rel @p3 .LBB2_6-.Ltmp3, $4  }
0x74: {  	s0 =	sadd.s32 $0x15080, s0  }
0x75: {  	[spmem:s1] =	stream.indirect.scatter.add.f32 [tilespmem:s18], [sflag:$0x3], $0x80, s0, s14, $0xb8;
	[tilespmem:$0x1E400] =	vst v63  }
0x76: {  	_ =	swait.ge [sflag:s11], $0x4000  }
0x77: {  	[sflag:s11] =	ssyncset.done $0x0  }
0x78: {  	[sflag:s11] =	ssyncadd.s32 $0xFFFFC000  }
0x79: {  	_ =	swait.ge [sflag:s16], $0x4000  }
0x7a: {  	[sflag:s16] =	ssyncset.done $0x0  }
0x7b: {  	[sflag:s16] =	ssyncadd.s32 $0xFFFFC000  }
0x7c: {  	[tilespmem:s18], [sflag:$0x2] =	stream.indirect.gather [hbm4b:s24+s14], $0x80, s20, s14, $0xb8;
	[tilespmem:$0x1E400] =	vst v63  }
0x7d: {  	_ = 	snop  }
0x7e: {  	[spmem:s1] =	stream.indirect.scatter.add.f32 [tilespmem:s15], [sflag:$0x3], $0x80, s21, s14, $0xb8;
	[tilespmem:$0x1E400] =	vst v63  }
0x7f: {  	_ =	swait.ge [sflag:s11], $0x4000  }
0x80: {  	[sflag:s11] =	ssyncset.done $0x0  }
0x81: {  	[sflag:s11] =	ssyncadd.s32 $0xFFFFC000  }
0x82: {  	_ =	swait.ge [sflag:s19], $0x4000  }
0x83: {  	[sflag:s19] =	ssyncset.done $0x0  }
0x84: {  	[sflag:s19] =	ssyncadd.s32 $0xFFFFC000  }
0x85: {  	[spmem:s1] =	stream.indirect.scatter.add.f32 [tilespmem:s18], [sflag:$0x3], $0x80, s22, s14, $0xb8;
	[tilespmem:$0x1E400] =	vst v63  }
0x86: {  	_ =	swait.ge [sflag:s11], $0x4000  }
0x87: {  	[sflag:s11] =	ssyncset.done $0x0  }
0x88: {  	[sflag:s11] =	ssyncadd.s32 $0xFFFFC000  }
0x89: {  	[bflag:$0x0] =	sbarrier.arrive $0xFFFF  }
0x8a: {  	s0 =	rddreg [dreg:$0x15]  }
0x8b: {  	[hbm:s0], [sflag:s6] =	dma.local @p2 [spmem:s28], $0x1B80  }
0x8c: {  	s0 =	simm.s32 @p2 $0x3  }
0x8d: {  	_ =	swait.ge @p2 [sflag:s0], $0x1B80  }
0x8e: {  	[sflag:s0] =	ssyncset.done @p2 $0x0  }
0x8f: {  	s7 =	rddreg [dreg:$0x16];
	[sflag:s0] =	ssyncadd.s32 @p2 $0xFFFFE480  }
0x90: {  	[spmem:s30], [sflag:s6] =	dma.local @p2 [hbm:s7], $0x500  }
0x91: {  	_ =	swait.ge @p2 [sflag:s0], $0x500  }
0x92: {  	[sflag:s0] =	ssyncset.done @p2 $0x0  }
0x93: {  	[sflag:s0] =	ssyncadd.s32 @p2 $0xFFFFFB00;
	s0 =	rddreg [dreg:$0xc]  }
0x94: {  	[hbm:s0], [sflag:s6] =	dma.local @!p2 [spmem:s23], $0x1F80  }
0x95: {  	s0 =	simm.s32 @!p2 $0x3  }
0x96: {  	_ =	swait.ge @!p2 [sflag:s0], $0x1F80  }
0x97: {  	[sflag:s0] =	ssyncset.done @!p2 $0x0  }
.Ltmp4:
0x98: {  	s7 =	rddreg [dreg:$0xd];
	[sflag:s0] =	ssyncadd.s32 @!p2 $0xFFFFE080;
	(pc) =	sbr.rel .LBB2_8-.Ltmp4, $4  }
0x99: {  	[spmem:s29], [sflag:s6] =	dma.local @!p2 [hbm:s7], $0x800  }
0x9a: {  	_ =	swait.ge @!p2 [sflag:s0], $0x800  }
0x9b: {  	[sflag:s0] =	ssyncset.done @!p2 $0x0  }
0x9c: {  	s31 =	smov.u32 s13;
	s13 =	simm.s32 $0x15000;
	[sflag:s0] =	ssyncadd.s32 @!p2 $0xFFFFF800  }
.LBB2_2:
0x9d: {  	s0 =	rddreg [dreg:$0x6]  }
0x9e: {  	[spmem:s30], [sflag:s6] =	dma.local @p2 [hbm:s0], $0x500  }
0x9f: {  	s30 =	simm.s32 @p2 $0x3  }
0xa0: {  	_ =	swait.ge @p2 [sflag:s30], $0x500  }
0xa1: {  	[sflag:s30] =	ssyncset.done @p2 $0x0  }
0xa2: {  	s0 =	rddreg [dreg:$0x5];
	[sflag:s30] =	ssyncadd.s32 @p2 $0xFFFFFB00  }
0xa3: {  	[spmem:s29], [sflag:s6] =	dma.local @!p2 [hbm:s0], $0x800  }
0xa4: {  	s29 =	simm.s32 @!p2 $0x3  }
0xa5: {  	_ =	swait.ge @!p2 [sflag:s29], $0x800  }
0xa6: {  	[sflag:s29] =	ssyncset.done @!p2 $0x0  }
0xa7: {  	[sflag:s29] =	ssyncadd.s32 @!p2 $0xFFFFF800  }
0xa8: {  	[bflag:$0x0] =	sbarrier.arrive $0xFFFF  }
0xa9: {  	s29 =	simm.s32 $0x0;
	s7 =	rddreg [dreg:$0x7]  }
0xaa: {  	[tilespmem:s12], [sflag:$0x3] =	stream.linear.gather [hbm4b:s7+s29], $0x1400, $0x38;
	[tilespmem:$0x1E400] =	vst v63  }
0xab: {  	_ =	swait.ge [sflag:s11], $0x1400  }
0xac: {  	[sflag:s11] =	ssyncset.done $0x0  }
0xad: {  	s30 =	rddreg [dreg:$0x8];
	[sflag:s11] =	ssyncadd.s32 $0xFFFFEC00  }
0xae: {  	[tilespmem:s13], [sflag:$0x3] =	stream.linear.gather [hbm4b:s30+s29], $0x1400, $0x38;
	[tilespmem:$0x1E400] =	vst v63  }
0xaf: {  	_ =	swait.ge [sflag:s11], $0x1400  }
0xb0: {  	[sflag:s11] =	ssyncset.done $0x0  }
0xb1: {  	[sflag:s11] =	ssyncadd.s32 $0xFFFFEC00  }
0xb2: {  	[tilespmem:s15], [sflag:$0x1] =	stream.indirect.gather [spmem:s3], $0x80, s12, s14, $0xb8;
	[tilespmem:$0x1E400] =	vst v63  }
0xb3: {  	_ =	swait.ge [sflag:s16], $0x4000  }
0xb4: {  	[sflag:s16] =	ssyncset.done $0x0  }
0xb5: {  	s7 =	simm.s32 $0x13C80;
	[sflag:s16] =	ssyncadd.s32 $0xFFFFC000  }
0xb6: {  	[tilespmem:s18], [sflag:$0x2] =	stream.indirect.gather [spmem:s3], $0x80, s7, s14, $0xb8;
	[tilespmem:$0x1E400] =	vst v63  }
0xb7: {  	s30 =	simm.s32 $0x15000  }
0xb8: {  	[spmem:s1] =	stream.indirect.scatter.add.f32 [tilespmem:s15], [sflag:$0x3], $0x80, s30, s14, $0xb8;
	[tilespmem:$0x1E400] =	vst v63  }
0xb9: {  	_ =	swait.ge [sflag:s11], $0x4000  }
0xba: {  	[sflag:s11] =	ssyncset.done $0x0  }
0xbb: {  	[sflag:s11] =	ssyncadd.s32 $0xFFFFC000  }
0xbc: {  	_ =	swait.ge [sflag:s19], $0x4000  }
0xbd: {  	[sflag:s19] =	ssyncset.done $0x0  }
0xbe: {  	s7 =	simm.s32 $0x13D00;
	[sflag:s19] =	ssyncadd.s32 $0xFFFFC000  }
0xbf: {  	[tilespmem:s15], [sflag:$0x1] =	stream.indirect.gather [spmem:s3], $0x80, s7, s14, $0xb8;
	[tilespmem:$0x1E400] =	vst v63  }
0xc0: {  	s30 =	simm.s32 $0x15080  }
0xc1: {  	[spmem:s1] =	stream.indirect.scatter.add.f32 [tilespmem:s18], [sflag:$0x3], $0x80, s30, s14, $0xb8;
	[tilespmem:$0x1E400] =	vst v63  }
0xc2: {  	_ =	swait.ge [sflag:s11], $0x4000  }
0xc3: {  	s29 =	simm.s32 $0x400;
	[sflag:s11] =	ssyncset.done $0x0  }
.LBB2_3:
0xc4: {  	p3 =	sne.s32 s29, $0x4800  }
0xc5: {  	[sflag:s11] =	ssyncadd.s32 $0xFFFFC000;
	s0 =	smov.u32 s29;
	s29 =	sadd.s32 $0x400, s29  }
0xc6: {  	_ = 	snop  }
0xc7: {  	_ =	swait.ge [sflag:s16], $0x4000  }
0xc8: {  	s0 =	sshra.s32 s0, $0x2;
	[sflag:s16] =	ssyncset.done $0x0  }
0xc9: {  	s7 =	sadd.s32 $0x13C80, s0;
	[sflag:s16] =	ssyncadd.s32 $0xFFFFC000  }
0xca: {  	[tilespmem:s18], [sflag:$0x2] =	stream.indirect.gather [spmem:s3], $0x80, s7, s14, $0xb8;
	[tilespmem:$0x1E400] =	vst v63  }
0xcb: {  	s7 =	sadd.s32 $0x15000, s0  }
0xcc: {  	[spmem:s1] =	stream.indirect.scatter.add.f32 [tilespmem:s15], [sflag:$0x3], $0x80, s7, s14, $0xb8;
	[tilespmem:$0x1E400] =	vst v63  }
0xcd: {  	_ =	swait.ge [sflag:s11], $0x4000  }
0xce: {  	[sflag:s11] =	ssyncset.done $0x0  }
0xcf: {  	[sflag:s11] =	ssyncadd.s32 $0xFFFFC000  }
0xd0: {  	_ =	swait.ge [sflag:s19], $0x4000  }
0xd1: {  	[sflag:s19] =	ssyncset.done $0x0  }
0xd2: {  	s7 =	sadd.s32 $0x13D00, s0;
	[sflag:s19] =	ssyncadd.s32 $0xFFFFC000  }
0xd3: {  	[tilespmem:s15], [sflag:$0x1] =	stream.indirect.gather [spmem:s3], $0x80, s7, s14, $0xb8;
	[tilespmem:$0x1E400] =	vst v63  }
.Ltmp5:
0xd4: {  	_ = 	snop;
	(pc) =	sbr.rel @p3 .LBB2_3-.Ltmp5, $4  }
0xd5: {  	s0 =	sadd.s32 $0x15080, s0  }
0xd6: {  	[spmem:s1] =	stream.indirect.scatter.add.f32 [tilespmem:s18], [sflag:$0x3], $0x80, s0, s14, $0xb8;
	[tilespmem:$0x1E400] =	vst v63  }
0xd7: {  	_ =	swait.ge [sflag:s11], $0x4000  }
0xd8: {  	[sflag:s11] =	ssyncset.done $0x0  }
0xd9: {  	[sflag:s11] =	ssyncadd.s32 $0xFFFFC000  }
0xda: {  	_ =	swait.ge [sflag:s16], $0x4000  }
0xdb: {  	[sflag:s16] =	ssyncset.done $0x0  }
0xdc: {  	[sflag:s16] =	ssyncadd.s32 $0xFFFFC000  }
0xdd: {  	[tilespmem:s18], [sflag:$0x2] =	stream.indirect.gather [spmem:s3], $0x80, s20, s14, $0xb8;
	[tilespmem:$0x1E400] =	vst v63  }
0xde: {  	_ = 	snop  }
0xdf: {  	[spmem:s1] =	stream.indirect.scatter.add.f32 [tilespmem:s15], [sflag:$0x3], $0x80, s21, s14, $0xb8;
	[tilespmem:$0x1E400] =	vst v63  }
0xe0: {  	_ =	swait.ge [sflag:s11], $0x4000  }
0xe1: {  	[sflag:s11] =	ssyncset.done $0x0  }
0xe2: {  	[sflag:s11] =	ssyncadd.s32 $0xFFFFC000  }
0xe3: {  	_ =	swait.ge [sflag:s19], $0x4000  }
0xe4: {  	[sflag:s19] =	ssyncset.done $0x0  }
0xe5: {  	[sflag:s19] =	ssyncadd.s32 $0xFFFFC000  }
0xe6: {  	[spmem:s1] =	stream.indirect.scatter.add.f32 [tilespmem:s18], [sflag:$0x3], $0x80, s22, s14, $0xb8;
	[tilespmem:$0x1E400] =	vst v63  }
0xe7: {  	_ =	swait.ge [sflag:s11], $0x4000  }
0xe8: {  	[sflag:s11] =	ssyncset.done $0x0  }
0xe9: {  	[sflag:s11] =	ssyncadd.s32 $0xFFFFC000  }
0xea: {  	[bflag:$0x0] =	sbarrier.arrive $0xFFFF  }
0xeb: {  	s0 =	rddreg [dreg:$0x14]  }
0xec: {  	[hbm:s0], [sflag:s6] =	dma.local @p2 [spmem:s28], $0x1B80  }
0xed: {  	s0 =	simm.s32 @p2 $0x3  }
0xee: {  	_ =	swait.ge @p2 [sflag:s0], $0x1B80  }
0xef: {  	[sflag:s0] =	ssyncset.done @p2 $0x0  }
0xf0: {  	[sflag:s0] =	ssyncadd.s32 @p2 $0xFFFFE480;
	s0 =	rddreg [dreg:$0x9]  }
0xf1: {  	[hbm:s0], [sflag:s6] =	dma.local @!p2 [spmem:s23], $0x1F80  }
0xf2: {  	s0 =	simm.s32 @!p2 $0x3  }
0xf3: {  	_ =	swait.ge @!p2 [sflag:s0], $0x1F80  }
0xf4: {  	[sflag:s0] =	ssyncset.done @!p2 $0x0  }
0xf5: {  	[sflag:s0] =	ssyncadd.s32 @!p2 $0xFFFFE080  }
.LBB2_8:
0xf6: {  	[bflag:$0x0] =	sbarrier.arrive $0xFFFF;
	s0 =	sshrl.u32 s17, $0x3  }
0xf7: {  	[spmem:s0], [sflag:s6] =	dma.local [hbm:s26], $0x800  }
.Ltmp6:
0xf8: {  	_ =	swait.ge [sflag:s11], $0x800;
	(pc) =	sbr.rel @p1 .LBB2_12-.Ltmp6, $4  }
0xf9: {  	[sflag:s11] =	ssyncset.done $0x0  }
0xfa: {  	[sflag:s11] =	ssyncadd.s32 $0xFFFFF800  }
0xfb: {  	[bflag:$0x0] =	sbarrier.arrive $0xFFFF  }
0xfc: {  	s28 =	sshrl.u32 @p2 s10, $0x3;
	s23 =	sshrl.u32 @!p2 s17, $0x3;
	s0 =	simm.s32 $0x0  }
0xfd: {  	s7 =	rddreg [dreg:$0x11]  }
0xfe: {  	[tilespmem:s12], [sflag:$0x3] =	stream.linear.gather [hbm4b:s7+s0], $0x1400, $0x38;
	[tilespmem:$0x1E400] =	vst v63  }
0xff: {  	_ =	swait.ge [sflag:s11], $0x1400  }
0x100: {  	[sflag:s11] =	ssyncset.done $0x0  }
0x101: {  	s30 =	rddreg [dreg:$0x12];
	[sflag:s11] =	ssyncadd.s32 $0xFFFFEC00  }
0x102: {  	[tilespmem:s13], [sflag:$0x3] =	stream.linear.gather [hbm4b:s30+s0], $0x1400, $0x38;
	[tilespmem:$0x1E400] =	vst v63  }
0x103: {  	_ =	swait.ge [sflag:s11], $0x1400  }
0x104: {  	[sflag:s11] =	ssyncset.done $0x0  }
0x105: {  	[sflag:s11] =	ssyncadd.s32 $0xFFFFEC00  }
0x106: {  	[tilespmem:s15], [sflag:$0x1] =	stream.indirect.gather [spmem:s3], $0x80, s12, s14, $0xb8;
	[tilespmem:$0x1E400] =	vst v63  }
0x107: {  	_ =	swait.ge [sflag:s16], $0x4000  }
0x108: {  	[sflag:s16] =	ssyncset.done $0x0  }
0x109: {  	s7 =	simm.s32 $0x13C80;
	[sflag:s16] =	ssyncadd.s32 $0xFFFFC000  }
0x10a: {  	[tilespmem:s18], [sflag:$0x2] =	stream.indirect.gather [spmem:s3], $0x80, s7, s14, $0xb8;
	[tilespmem:$0x1E400] =	vst v63  }
0x10b: {  	s30 =	simm.s32 $0x15000  }
0x10c: {  	[spmem:s1] =	stream.indirect.scatter.add.f32 [tilespmem:s15], [sflag:$0x3], $0x80, s30, s14, $0xb8;
	[tilespmem:$0x1E400] =	vst v63  }
0x10d: {  	_ =	swait.ge [sflag:s11], $0x4000  }
0x10e: {  	[sflag:s11] =	ssyncset.done $0x0  }
0x10f: {  	[sflag:s11] =	ssyncadd.s32 $0xFFFFC000  }
0x110: {  	_ =	swait.ge [sflag:s19], $0x4000  }
0x111: {  	[sflag:s19] =	ssyncset.done $0x0  }
0x112: {  	s7 =	simm.s32 $0x13D00;
	[sflag:s19] =	ssyncadd.s32 $0xFFFFC000  }
0x113: {  	[tilespmem:s15], [sflag:$0x1] =	stream.indirect.gather [spmem:s3], $0x80, s7, s14, $0xb8;
	[tilespmem:$0x1E400] =	vst v63  }
0x114: {  	s30 =	simm.s32 $0x15080  }
0x115: {  	[spmem:s1] =	stream.indirect.scatter.add.f32 [tilespmem:s18], [sflag:$0x3], $0x80, s30, s14, $0xb8;
	[tilespmem:$0x1E400] =	vst v63  }
0x116: {  	_ =	swait.ge [sflag:s11], $0x4000  }
0x117: {  	s29 =	simm.s32 $0x400;
	[sflag:s11] =	ssyncset.done $0x0  }
.LBB2_10:
0x118: {  	p3 =	sne.s32 s29, $0x4800  }
0x119: {  	[sflag:s11] =	ssyncadd.s32 $0xFFFFC000;
	s0 =	smov.u32 s29;
	s29 =	sadd.s32 $0x400, s29  }
0x11a: {  	_ = 	snop  }
0x11b: {  	_ =	swait.ge [sflag:s16], $0x4000  }
0x11c: {  	s0 =	sshra.s32 s0, $0x2;
	[sflag:s16] =	ssyncset.done $0x0  }
0x11d: {  	s7 =	sadd.s32 $0x13C80, s0;
	[sflag:s16] =	ssyncadd.s32 $0xFFFFC000  }
0x11e: {  	[tilespmem:s18], [sflag:$0x2] =	stream.indirect.gather [spmem:s3], $0x80, s7, s14, $0xb8;
	[tilespmem:$0x1E400] =	vst v63  }
0x11f: {  	s7 =	sadd.s32 $0x15000, s0  }
0x120: {  	[spmem:s1] =	stream.indirect.scatter.add.f32 [tilespmem:s15], [sflag:$0x3], $0x80, s7, s14, $0xb8;
	[tilespmem:$0x1E400] =	vst v63  }
0x121: {  	_ =	swait.ge [sflag:s11], $0x4000  }
0x122: {  	[sflag:s11] =	ssyncset.done $0x0  }
0x123: {  	[sflag:s11] =	ssyncadd.s32 $0xFFFFC000  }
0x124: {  	_ =	swait.ge [sflag:s19], $0x4000  }
0x125: {  	[sflag:s19] =	ssyncset.done $0x0  }
0x126: {  	s7 =	sadd.s32 $0x13D00, s0;
	[sflag:s19] =	ssyncadd.s32 $0xFFFFC000  }
0x127: {  	[tilespmem:s15], [sflag:$0x1] =	stream.indirect.gather [spmem:s3], $0x80, s7, s14, $0xb8;
	[tilespmem:$0x1E400] =	vst v63  }
.Ltmp7:
0x128: {  	_ = 	snop;
	(pc) =	sbr.rel @p3 .LBB2_10-.Ltmp7, $4  }
0x129: {  	s0 =	sadd.s32 $0x15080, s0  }
0x12a: {  	[spmem:s1] =	stream.indirect.scatter.add.f32 [tilespmem:s18], [sflag:$0x3], $0x80, s0, s14, $0xb8;
	[tilespmem:$0x1E400] =	vst v63  }
0x12b: {  	_ =	swait.ge [sflag:s11], $0x4000  }
0x12c: {  	[sflag:s11] =	ssyncset.done $0x0  }
0x12d: {  	[sflag:s11] =	ssyncadd.s32 $0xFFFFC000  }
0x12e: {  	_ =	swait.ge [sflag:s16], $0x4000  }
0x12f: {  	[sflag:s16] =	ssyncset.done $0x0  }
0x130: {  	[sflag:s16] =	ssyncadd.s32 $0xFFFFC000  }
0x131: {  	[tilespmem:s18], [sflag:$0x2] =	stream.indirect.gather [spmem:s3], $0x80, s20, s14, $0xb8;
	[tilespmem:$0x1E400] =	vst v63  }
0x132: {  	_ = 	snop  }
0x133: {  	[spmem:s1] =	stream.indirect.scatter.add.f32 [tilespmem:s15], [sflag:$0x3], $0x80, s21, s14, $0xb8;
	[tilespmem:$0x1E400] =	vst v63  }
0x134: {  	_ =	swait.ge [sflag:s11], $0x4000  }
0x135: {  	[sflag:s11] =	ssyncset.done $0x0  }
0x136: {  	[sflag:s11] =	ssyncadd.s32 $0xFFFFC000  }
0x137: {  	_ =	swait.ge [sflag:s19], $0x4000  }
0x138: {  	[sflag:s19] =	ssyncset.done $0x0  }
0x139: {  	[sflag:s19] =	ssyncadd.s32 $0xFFFFC000  }
0x13a: {  	[spmem:s1] =	stream.indirect.scatter.add.f32 [tilespmem:s18], [sflag:$0x3], $0x80, s22, s14, $0xb8;
	[tilespmem:$0x1E400] =	vst v63  }
0x13b: {  	_ =	swait.ge [sflag:s11], $0x4000  }
0x13c: {  	[sflag:s11] =	ssyncset.done $0x0  }
0x13d: {  	[sflag:s11] =	ssyncadd.s32 $0xFFFFC000  }
0x13e: {  	[bflag:$0x0] =	sbarrier.arrive $0xFFFF  }
0x13f: {  	s0 =	rddreg [dreg:$0x18]  }
0x140: {  	[hbm:s0], [sflag:s6] =	dma.local @p2 [spmem:s28], $0x500  }
0x141: {  	s0 =	simm.s32 @p2 $0x3  }
0x142: {  	_ =	swait.ge @p2 [sflag:s0], $0x500  }
0x143: {  	[sflag:s0] =	ssyncset.done @p2 $0x0  }
0x144: {  	[sflag:s0] =	ssyncadd.s32 @p2 $0xFFFFFB00;
	s0 =	rddreg [dreg:$0x13]  }
0x145: {  	[hbm:s0], [sflag:s6] =	dma.local @!p2 [spmem:s23], $0x800  }
.Ltmp8:
0x146: {  	_ = 	snop;
	(pc) =	sbr.rel .LBB2_15-.Ltmp8, $4  }
0x147: {  	s0 =	simm.s32 @!p2 $0x3  }
0x148: {  	_ =	swait.ge @!p2 [sflag:s0], $0x800  }
0x149: {  	[sflag:s0] =	ssyncset.done @!p2 $0x0  }
0x14a: {  	[sflag:s0] =	ssyncadd.s32 @!p2 $0xFFFFF800  }
.LBB2_12:
0x14b: {  	s7 =	rddreg [dreg:$0xe]  }
0x14c: {  	[tilespmem:s12], [sflag:$0x3] =	stream.linear.gather [hbm4b:s7+s0], $0x1400, $0x38;
	[tilespmem:$0x1E400] =	vst v63  }
0x14d: {  	_ =	swait.ge [sflag:s11], $0x1400  }
0x14e: {  	[sflag:s11] =	ssyncset.done $0x0  }
0x14f: {  	s30 =	rddreg [dreg:$0xf];
	[sflag:s11] =	ssyncadd.s32 $0xFFFFEC00  }
0x150: {  	[tilespmem:s13], [sflag:$0x3] =	stream.linear.gather [hbm4b:s30+s0], $0x1400, $0x38;
	[tilespmem:$0x1E400] =	vst v63  }
0x151: {  	_ =	swait.ge [sflag:s11], $0x1400  }
0x152: {  	[sflag:s11] =	ssyncset.done $0x0  }
0x153: {  	[sflag:s11] =	ssyncadd.s32 $0xFFFFEC00  }
0x154: {  	[tilespmem:s15], [sflag:$0x1] =	stream.indirect.gather [hbm4b:s25+s14], $0x80, s12, s14, $0xb8;
	[tilespmem:$0x1E400] =	vst v63  }
0x155: {  	_ =	swait.ge [sflag:s16], $0x4000  }
0x156: {  	[sflag:s16] =	ssyncset.done $0x0  }
0x157: {  	s7 =	simm.s32 $0x13C80;
	[sflag:s16] =	ssyncadd.s32 $0xFFFFC000  }
0x158: {  	[tilespmem:s18], [sflag:$0x2] =	stream.indirect.gather [hbm4b:s25+s14], $0x80, s7, s14, $0xb8;
	[tilespmem:$0x1E400] =	vst v63  }
0x159: {  	s30 =	simm.s32 $0x15000  }
0x15a: {  	[spmem:s1] =	stream.indirect.scatter.add.f32 [tilespmem:s15], [sflag:$0x3], $0x80, s30, s14, $0xb8;
	[tilespmem:$0x1E400] =	vst v63  }
0x15b: {  	_ =	swait.ge [sflag:s11], $0x4000  }
0x15c: {  	[sflag:s11] =	ssyncset.done $0x0  }
0x15d: {  	[sflag:s11] =	ssyncadd.s32 $0xFFFFC000  }
0x15e: {  	_ =	swait.ge [sflag:s19], $0x4000  }
0x15f: {  	[sflag:s19] =	ssyncset.done $0x0  }
0x160: {  	s7 =	simm.s32 $0x13D00;
	[sflag:s19] =	ssyncadd.s32 $0xFFFFC000  }
0x161: {  	[tilespmem:s15], [sflag:$0x1] =	stream.indirect.gather [hbm4b:s25+s14], $0x80, s7, s14, $0xb8;
	[tilespmem:$0x1E400] =	vst v63  }
0x162: {  	s30 =	simm.s32 $0x15080  }
0x163: {  	[spmem:s1] =	stream.indirect.scatter.add.f32 [tilespmem:s18], [sflag:$0x3], $0x80, s30, s14, $0xb8;
	[tilespmem:$0x1E400] =	vst v63  }
0x164: {  	_ =	swait.ge [sflag:s11], $0x4000  }
0x165: {  	s29 =	simm.s32 $0x400;
	[sflag:s11] =	ssyncset.done $0x0  }
.LBB2_13:
0x166: {  	p3 =	sne.s32 s29, $0x4800  }
0x167: {  	[sflag:s11] =	ssyncadd.s32 $0xFFFFC000;
	s0 =	smov.u32 s29;
	s29 =	sadd.s32 $0x400, s29  }
0x168: {  	_ = 	snop  }
0x169: {  	_ =	swait.ge [sflag:s16], $0x4000  }
0x16a: {  	s0 =	sshra.s32 s0, $0x2;
	[sflag:s16] =	ssyncset.done $0x0  }
0x16b: {  	s7 =	sadd.s32 $0x13C80, s0;
	[sflag:s16] =	ssyncadd.s32 $0xFFFFC000  }
0x16c: {  	[tilespmem:s18], [sflag:$0x2] =	stream.indirect.gather [hbm4b:s25+s14], $0x80, s7, s14, $0xb8;
	[tilespmem:$0x1E400] =	vst v63  }
0x16d: {  	s7 =	sadd.s32 $0x15000, s0  }
0x16e: {  	[spmem:s1] =	stream.indirect.scatter.add.f32 [tilespmem:s15], [sflag:$0x3], $0x80, s7, s14, $0xb8;
	[tilespmem:$0x1E400] =	vst v63  }
0x16f: {  	_ =	swait.ge [sflag:s11], $0x4000  }
0x170: {  	[sflag:s11] =	ssyncset.done $0x0  }
0x171: {  	[sflag:s11] =	ssyncadd.s32 $0xFFFFC000  }
0x172: {  	_ =	swait.ge [sflag:s19], $0x4000  }
0x173: {  	[sflag:s19] =	ssyncset.done $0x0  }
0x174: {  	s7 =	sadd.s32 $0x13D00, s0;
	[sflag:s19] =	ssyncadd.s32 $0xFFFFC000  }
0x175: {  	[tilespmem:s15], [sflag:$0x1] =	stream.indirect.gather [hbm4b:s25+s14], $0x80, s7, s14, $0xb8;
	[tilespmem:$0x1E400] =	vst v63  }
.Ltmp9:
0x176: {  	_ = 	snop;
	(pc) =	sbr.rel @p3 .LBB2_13-.Ltmp9, $4  }
0x177: {  	s0 =	sadd.s32 $0x15080, s0  }
0x178: {  	[spmem:s1] =	stream.indirect.scatter.add.f32 [tilespmem:s18], [sflag:$0x3], $0x80, s0, s14, $0xb8;
	[tilespmem:$0x1E400] =	vst v63  }
0x179: {  	_ =	swait.ge [sflag:s11], $0x4000  }
0x17a: {  	[sflag:s11] =	ssyncset.done $0x0  }
.Ltmp10:
0x17b: {  	_ = 	snop;
	(pc) =	sbr.rel .LBB2_14-.Ltmp10, $1  }
0x17c: {  	_ =	sdelay $0x3  }
.LBB2_16:
0x17d: {  	_ =	sfence.sel $0x180000  }
0x17e: {  	[bflag:$0x0] =	sbarrier.arrive $0xFFFF  }
0x17f: {  	_ =	strace $0x9000004A  }
0x180: {  	s0 =	stileid.u32;
	[bflag:$0x2] =	sbarrier.arrive $0xFFFF  }
0x181: {  	p0 =	sne.s32 s0, $0x0;
	s0 =	rddreg [dreg:$0x4]  }
0x182: {  	s0 =	sadd.s32 @!p0 $0x100000, s0  }
0x183: {  	[sflag:s0] =	ssyncadd.tile.s32 @!p0 $0x1;
	_ =	shalt  }
.Lfunc_end2:
_tile_overlayer_lowered:
.L_overlay_start_2:
0x184: {  	(tag) =	ssettag $0x2  }
0x185: {  	s0 =	rddreg [dreg:$0x0];
	s2 =	stileid.u32  }
0x186: {  	s1 =	rddreg [dreg:$0x1];
	p0 =	sne.s32 s2, $0x0  }
0x187: {  	s3 =	rddreg [dreg:$0x2];
	[bflag:$0x3] =	sbarrier.arrive $0xFFFF;
	s2 =	simm.s32 @!p0 $0x1C03  }
0x188: {  	[timem:s3], [sflag:s2] =	dma.local @!p0 [hbm:s0], s1  }
0x189: {  	s0 =	simm.s32 @!p0 $0x3  }
0x18a: {  	_ =	swait.ge @!p0 [sflag:s0], s1  }
0x18b: {  	s1 =	ssub.s32 @!p0 $0x0, s1;
	[sflag:s0] =	ssyncset.done @!p0 $0x0  }
0x18c: {  	[sflag:s0] =	ssyncadd.s32 @!p0 s1  }
0x18d: {  	[bflag:$0x3] =	sbarrier.arrive $0xFFFF  }
0x18e: {  	_ =	shalt  }

// kernel: kernel.17.cloned.1.call-start
scs
__scs_entry_jumppad:
0x0: {  	(pc) =	sbr.rel $0x88, $3  }
0x1: {  	(tag) =	ssettag $0x0;
	lr =	simm.s32 $0x1  }
0x2: {  	[smem:$0x3F87] =	sst lr;
	_ =	strace $0xD0000000  }
0x3: {  	_ = 	snop  }
0x4: {  	_ = 	snop  }
0x5: {  	_ = 	snop  }
0x6: {  	_ = 	snop  }
0x7: {  	_ = 	snop  }
__scs_overlays_trampoline_lowered:
0x8: {  	[smem:$0x3F96] =	sst s0  }
0x9: {  	[smem:$0x3F97] =	sst s1  }
0xa: {  	[smem:$0x3F98] =	sst s2  }
0xb: {  	[smem:$0x3F99] =	sst s3  }
0xc: {  	[smem:$0x3F9A] =	sst s4  }
0xd: {  	[smem:$0x3F9B] =	sst s5  }
0xe: {  	[smem:$0x3F9C] =	sst s6  }
0xf: {  	[smem:$0x3F9D] =	sst s7  }
0x10: {  	[smem:$0x3F9E] =	sst s8  }
0x11: {  	[smem:$0x3F9F] =	sst s9;
	s0 =	simm.s32 @!p0 $0x0  }
0x12: {  	s1 =	sld [smem:$0x3F85];
	s0 =	simm.s32 @p0 $0x1  }
0x13: {  	[smem:$0x3FA0] =	sst s0;
	s0 =	simm.s32 @!p1 $0x0  }
0x14: {  	s2 =	sld [smem:$0x3F84];
	s0 =	simm.s32 @p1 $0x1  }
0x15: {  	[smem:$0x3FA1] =	sst s0;
	s0 =	simm.s32 @!p2 $0x0  }
0x16: {  	s3 =	sld [smem:$0x3FDB];
	s0 =	simm.s32 @p2 $0x1  }
0x17: {  	s4 =	simm.s32 $0x1BF5;
	[smem:$0x3FA3] =	sst s0  }
0x18: {  	s0 =	sld [smem:$0x3F86];
	_ =	swait.ge [sflag:s4], $0x0  }
0x19: {  	s7 =	sld [smem:$0x3F87]  }
0x1a: {  	s8 =	sadd.s32 $0xFFFFE003, lr  }
0x1b: {  	s9 =	sadd.s32 $0xFFFFFEF7, lr;
	s5 =	simm.s32 $0xFFFFFFFF;
	p2 =	slt.u32 s8, $0xFFFFF086  }
0x1c: {  	p1 =	slt.u32 s9, $0xF7A;
	s5 =	simm.s32 @!p2 $0x0  }
0x1d: {  	s5 =	simm.s32 @p1 $0x1;
	p0 =	seq.s32 s7, s2  }
0x1e: {  	s7 =	smul.u32 @!p0 $0xF7A, s2;
	p2 =	seq.s32 @!p0 s5, $0x0  }
0x1f: {  	s9 =	smul.u32 $0xF7A, s1;
	s8 =	simm.s32 @!p0 $0x1BF5;
	p2 =	por !p2, p0  }
0x20: {  	[sflag:s8] =	ssyncset.s32 @!p0 $0xFFFFF086;
	s6 =	sadd.s32 @!p0 s3, s7;
	s7 =	simm.s32 @!p0 $0x108  }
0x21: {  	s3 =	sadd.s32 s3, s9;
	s6 =	sadd.s32 @!p0 $0x88, s6;
	s7 =	simm.s32 @p2 $0x1082  }
0x22: {  	[simem:s7], [sflag:s8] =	dma.local @!p0 [hbm:s6], $0xF7A  }
0x23: {  	s9 =	sor.u32 $0xD0000000, s2;
	s6 =	simm.s32 $0x108;
	_ =	swait.ge @!p0 [sflag:s8], $0x0  }
0x24: {  	s3 =	sadd.s32 $0x88, s3;
	s6 =	simm.s32 @!p1 $0x1082;
	[sflag:s4] =	ssyncset.s32 $0xFFFFF086  }
0x25: {  	[simem:s6], [sflag:s4] =	dma.local [hbm:s3], $0xF7A  }
0x26: {  	[smem:$0x3F87] =	sst s1;
	(tag) =	ssettag s2;
	_ =	strace s9  }
0x27: {  	s1 =	sld [smem:$0x3F97]  }
0x28: {  	s2 =	sld [smem:$0x3F98]  }
0x29: {  	s4 =	sld [smem:$0x3F9A]  }
0x2a: {  	p0 =	seq.s32 s5, $0x0;
	s5 =	sld [smem:$0x3F9B]  }
0x2b: {  	s6 =	sld [smem:$0x3F9C]  }
0x2c: {  	s7 =	sld [smem:$0x3F9D]  }
0x2d: {  	s3 =	simm.s32 $0x108;
	s8 =	sld [smem:$0x3F9E]  }
0x2e: {  	s3 =	simm.s32 @!p0 $0x1082;
	s9 =	sld [smem:$0x3F9F]  }
0x2f: {  	lr =	sadd.s32 s0, s3;
	s0 =	sld [smem:$0x3F96]  }
0x30: {  	s3 =	sld [smem:$0x3F99]  }
0x31: {  	[smem:$0x3FA2] =	sst s10  }
0x32: {  	s10 =	sld [smem:$0x3FA0];
	_ =	sdelay $0x3  }
0x33: {  	p0 =	seq.s32 s10, $0x1;
	s10 =	sld [smem:$0x3FA2];
	_ =	sdelay $0x3  }
0x34: {  	[smem:$0x3FA2] =	sst s10  }
0x35: {  	s10 =	sld [smem:$0x3FA1];
	_ =	sdelay $0x3  }
0x36: {  	p1 =	seq.s32 s10, $0x1;
	s10 =	sld [smem:$0x3FA2];
	_ =	sdelay $0x3  }
0x37: {  	[smem:$0x3FA2] =	sst s10  }
0x38: {  	s10 =	sld [smem:$0x3FA3]  }
0x39: {  	_ = 	snop;
	(pc) =	sbr.ind lr, $3  }
0x3a: {  	_ = 	snop  }
0x3b: {  	_ = 	snop  }
0x3c: {  	p2 =	seq.s32 s10, $0x1;
	s10 =	sld [smem:$0x3FA2]  }
0x3d: {  	_ =	shalt  }
0x3e: {  	_ =	shalt  }
0x3f: {  	_ =	shalt  }
0x40: {  	_ =	shalt  }
0x41: {  	_ =	shalt  }
0x42: {  	_ =	shalt  }
0x43: {  	_ =	shalt  }
0x44: {  	_ =	shalt  }
0x45: {  	_ =	shalt  }
0x46: {  	_ =	shalt  }
0x47: {  	_ =	shalt  }
0x48: {  	_ =	shalt  }
0x49: {  	_ =	shalt  }
0x4a: {  	_ =	shalt  }
0x4b: {  	_ =	shalt  }
0x4c: {  	_ =	shalt  }
0x4d: {  	_ =	shalt  }
0x4e: {  	_ =	shalt  }
0x4f: {  	_ =	shalt  }
0x50: {  	_ =	shalt  }
0x51: {  	_ =	shalt  }
0x52: {  	_ =	shalt  }
0x53: {  	_ =	shalt  }
0x54: {  	_ =	shalt  }
0x55: {  	_ =	shalt  }
0x56: {  	_ =	shalt  }
0x57: {  	_ =	shalt  }
0x58: {  	_ =	shalt  }
0x59: {  	_ =	shalt  }
0x5a: {  	_ =	shalt  }
0x5b: {  	_ =	shalt  }
0x5c: {  	_ =	shalt  }
0x5d: {  	_ =	shalt  }
0x5e: {  	_ =	shalt  }
0x5f: {  	_ =	shalt  }
0x60: {  	_ =	shalt  }
0x61: {  	_ =	shalt  }
0x62: {  	_ =	shalt  }
0x63: {  	_ =	shalt  }
0x64: {  	_ =	shalt  }
0x65: {  	_ =	shalt  }
0x66: {  	_ =	shalt  }
0x67: {  	_ =	shalt  }
0x68: {  	_ =	shalt  }
0x69: {  	_ =	shalt  }
0x6a: {  	_ =	shalt  }
0x6b: {  	_ =	shalt  }
0x6c: {  	_ =	shalt  }
0x6d: {  	_ =	shalt  }
0x6e: {  	_ =	shalt  }
0x6f: {  	_ =	shalt  }
0x70: {  	_ =	shalt  }
0x71: {  	_ =	shalt  }
0x72: {  	_ =	shalt  }
0x73: {  	_ =	shalt  }
0x74: {  	_ =	shalt  }
0x75: {  	_ =	shalt  }
0x76: {  	_ =	shalt  }
0x77: {  	_ =	shalt  }
0x78: {  	_ =	shalt  }
0x79: {  	_ =	shalt  }
0x7a: {  	_ =	shalt  }
0x7b: {  	_ =	shalt  }
0x7c: {  	_ =	shalt  }
0x7d: {  	_ =	shalt  }
0x7e: {  	_ =	shalt  }
0x7f: {  	_ =	shalt  }
0x80: {  	_ =	shalt  }
0x81: {  	_ =	shalt  }
0x82: {  	_ =	shalt  }
0x83: {  	_ =	shalt  }
0x84: {  	_ =	shalt  }
0x85: {  	_ =	shalt  }
0x86: {  	_ =	shalt  }
0x87: {  	_ =	shalt  }
.Lfunc_end0:
.L_simem_size_0:
called_computation.2_lowered:
.L_overlay_start_0:
0x88: {  	s2 =	sld [smem:$0x3FD9]  }
0x89: {  	s3 =	sld [smem:$0x3FFE];
	_ =	sdelay $0x1  }
0x8a: {  	s1 =	srdreg.scid  }
0x8b: {  	s0 =	sand.u32 $0x1, s1  }
0x8c: {  	s14 =	sshll.u32 s0, $0xA;
	s2 =	sadd.s32 s3, s2  }
0x8d: {  	s2 =	sadd.s32 s2, s14  }
0x8e: {  	[smem:$0x3FAE] =	sst s2  }
0x8f: {  	_ = 	snop  }
0x90: {  	s2 =	sld [smem:$0x3FD0];
	_ =	sdelay $0x2  }
0x91: {  	s15 =	simm.s32 $0xA;
	s4 =	simm.s32 $0x10  }
0x92: {  	[smem:s4], [sflag:s15] =	dma.local [hbm:s2], $0x1  }
0x93: {  	_ =	swait.eq [sflag:s15], $0x1  }
0x94: {  	[sflag:s15] =	ssyncset.done $0x0  }
0x95: {  	[sflag:s15] =	ssyncadd.s32 $0xFFFFFFFF  }
0x96: {  	s16 =	sld [smem:$0x11];
	(tm) =	ssettm $0x1  }
0x97: {  	s17 =	sld [smem:$0x3FFB];
	_ =	sdelay $0x3  }
0x98: {  	_ =	strace s17  }
0x99: {  	s3 =	sld [smem:$0x3FFC];
	_ =	sdelay $0x3  }
0x9a: {  	_ =	strace s3  }
0x9b: {  	s3 =	sld [smem:$0x3FFD];
	_ =	sdelay $0x3  }
0x9c: {  	_ =	strace s3  }
0x9d: {  	_ =	strace $0x8FFFFFFF  }
0x9e: {  	s18 =	sld [smem:$0x3FDB];
	_ =	sdelay $0x1  }
0x9f: {  	s19 =	simm.s32 $_scs_section_size  }
0xa0: {  	s5 =	simm.s32 $_size__tile_overlayer_lowered;
	s6 =	simm.s32 $_tile_overlayer_lowered  }
0xa1: {  	s22 =	simm.s32 $0x1BFF;
	s21 =	sshll.u32 s6, $0x1;
	s3 =	sadd.s32 s19, s18  }
0xa2: {  	s7 =	simm.s32 $0x0;
	s20 =	sshll.u32 s5, $0x1;
	s5 =	sadd.s32 s21, s3  }
0xa3: {  	[timem:s7], [sflag:s22] =	dma.local [hbm:s5], s20  }
0xa4: {  	_ =	swait.ge [sflag:s22], s20  }
0xa5: {  	s4 =	ssub.s32 $0x0, s20;
	[sflag:s22] =	ssyncset.done $0x0  }
0xa6: {  	[sflag:s22] =	ssyncadd.s32 s4;
	_ =	sdelay $0x1  }
0xa7: {  	s23 =	simm.s32 $0x1B8B  }
0xa8: {  	_ =	swait.ge [sflag:s23], $0x1  }
0xa9: {  	[sflag:s23] =	ssyncset.done $0x0  }
0xaa: {  	s25 =	simm.s32 $0x1B8E;
	s24 =	sld [smem:$0x3FFE];
	[sflag:s23] =	ssyncadd.s32 $0xFFFFFFFF  }
0xab: {  	s26 =	simm.s32 $execute0_lowered;
	[smem:$0x3FD2] =	sst s25  }
0xac: {  	s5 =	sshll.u32 s26, $0x1;
	_ =	strace $0x8000004C;
	[dreg:$0x1] =	wrdreg $0xFFFFFFFF  }
0xad: {  	s28 =	simm.s32 $_size_execute0_lowered;
	s3 =	sadd.s32 s3, s5;
	[dreg:$0x0] =	wrdreg $0x0  }
0xae: {  	s5 =	sshll.u32 s28, $0x1;
	[dreg:$0x2] =	wrdreg s3  }
0xaf: {  	[dreg:$0x3] =	wrdreg s5  }
0xb0: {  	[dreg:$0x4] =	wrdreg $0xC0  }
0xb1: {  	_ =	task [dreg:s7], $0x5FFFF  }
0xb2: {  	[dreg:$0x1] =	wrdreg $0xFFFFFFFF  }
0xb3: {  	[dreg:$0x0] =	wrdreg $0x60  }
0xb4: {  	[dreg:$0x2] =	wrdreg s24  }
0xb5: {  	[dreg:$0x3] =	wrdreg s16  }
0xb6: {  	[dreg:$0x4] =	wrdreg $0x0  }
0xb7: {  	[dreg:$0x5] =	wrdreg $0xFC000  }
0xb8: {  	[dreg:$0x6] =	wrdreg $0x9  }
0xb9: {  	_ =	task.clear_ibuf [dreg:s7], $0x7FFFF;
	_ =	strace $0x9000004C  }
0xba: {  	s29 =	simm.s32 $0x9;
	_ =	strace $0x8000004E  }
0xbb: {  	_ =	swait.ge [sflag:s29], $0x1  }
0xbc: {  	[sflag:s29] =	ssyncadd.s32 $0xFFFFFFFF  }
0xbd: {  	_ =	strace $0x9000004E  }
0xbe: {  	_ =	sfence  }
0xbf: {  	s30 =	sld [smem:$0x0];
	_ =	sdelay $0x2  }
0xc0: {  	s31 =	sshll.u32 s1, $0xD;
	s1 =	sshrl.u32 s1, $0x2  }
0xc1: {  	s3 =	sand.u32 $0x4000, s31;
	s1 =	sadd.s32 s1, s30  }
0xc2: {  	s0 =	sor.u32 s3, s0;
	s1 =	sshll.u32 s1, $0x11  }
0xc3: {  	s0 =	sor.u32 s1, s0  }
0xc4: {  	s0 =	sadd.s32 $0x8F2B, s0  }
0xc5: {  	[sflag:s0] =	ssyncadd.remote.s32 $0x1  }
0xc6: {  	_ =	sfence.sel $0xFFFF  }
0xc7: {  	[dreg:$0x0] =	wrdreg $0xFFFFFFFF;
	(pc) =	sbr.abs _section_cstart, $3  }
0xc8: {  	[dreg:$0x1] =	wrdreg $0xFFFFFFFF  }
0xc9: {  	_ =	task.clear_ibuf [dreg:s7], $0x2FFFF;
	_ =	strace $0x9FFFFFFF  }
0xca: {  	(tm) =	ssettm $0x7FFFFFFF  }
0xcb: {  	_ =	shalt  }
tec
execute0_lowered:
.L_overlay_start_1:
0x0: {  	(tag) =	ssettag $0x1  }
0x1: {  	s0 =	rddreg [dreg:$0x0]  }
0x2: {  	s2 =	rddreg [dreg:$0x1]  }
0x3: {  	s1 =	rddreg [dreg:$0x2]  }
0x4: {  	s3 =	rddreg [dreg:$0x3];
	s15 =	stileid.u32  }
0x5: {  	s4 =	simm.s32 $0x0;
	s6 =	srdreg.scid;
	s5 =	smul.u32 $0x280, s15  }
0x6: {  	[smem:$0x7FF] =	sst s4;
	s8 =	sand.u32 $0x1, s6;
	s21 =	smul.u32 $0x1F80, s15  }
0x7: {  	s10 =	sshll.u32 s15, $0xB;
	s11 =	smul.u32 $0x3F000, s15;
	s23 =	sshll.u32 s15, $0x6  }
0x8: {  	s24 =	sshll.u32 s15, $0xE;
	p2 =	seq.s32 s15, $0xF;
	s15 =	simm.s32 $0x16400  }
0x9: {  	_ =	strace $0x8000004D;
	s6 =	ssub.s32 $0x2, s8;
	s13 =	sadd.s32 s10, s0  }
0xa: {  	s31 =	sadd.s32 s24, s3;
	s25 =	sadd.s32 s2, s10;
	s2 =	sadd.s32 $0x7800, s2  }
0xb: {  	s17 =	sadd.s32 s24, s1;
	p0 =	seq.s32 s8, $0x0;
	[dreg:$0x5] =	wrdreg s25  }
0xc: {  	s9 =	sadd.s32 s5, s0;
	[dreg:$0x6] =	wrdreg s2;
	s19 =	sadd.s32 $0x8D000, s13  }
0xd: {  	p1 =	sne.s32 s8, $0x0;
	s26 =	sadd.s32 $0x22E00, s9;
	[dreg:$0x10] =	wrdreg s19  }
0xe: {  	s12 =	sadd.s32 s21, s0;
	s28 =	sadd.s32 $0x9E00, s9;
	[dreg:$0x7] =	wrdreg s26  }
0xf: {  	s24 =	sadd.s32 $0x4E800, s0;
	s29 =	sadd.s32 $0xBC000, s12;
	[dreg:$0x8] =	wrdreg s28  }
0x10: {  	s7 =	sshrl.u32 s6, $0x1;
	s30 =	sadd.s32 $0x18E00, s9;
	[dreg:$0x9] =	wrdreg s29  }
0x11: {  	s14 =	ssub.s32 s6, s7;
	s7 =	sadd.s32 $0x7600, s9;
	[dreg:$0xa] =	wrdreg s30  }
0x12: {  	s8 =	sadd.s32 $0x3C000, s3;
	s10 =	sadd.s32 $0x9CC00, s12;
	[dreg:$0xb] =	wrdreg s7  }
0x13: {  	s22 =	sshrl.u32 s11, $0x2;
	s12 =	sadd.s32 $0x27600, s13;
	[dreg:$0xc] =	wrdreg s10  }
0x14: {  	s25 =	sadd.s32 $0x6DC00, s0;
	s16 =	sadd.s32 $0x16600, s9;
	[dreg:$0xd] =	wrdreg s12  }
0x15: {  	s11 =	simm.s32 $0x3;
	s18 =	sadd.s32 $0xC600, s9;
	[dreg:$0xe] =	wrdreg s16  }
0x16: {  	s5 =	sadd.s32 s22, s1;
	s20 =	sadd.s32 $0x20600, s9;
	[dreg:$0xf] =	wrdreg s18  }
0x17: {  	s6 =	sor.u32 $0x1C03, s23;
	s21 =	sadd.s32 $0xEE00, s9;
	[dreg:$0x11] =	wrdreg s20  }
0x18: {  	s22 =	sadd.s32 $0x94E00, s13;
	s23 =	sadd.s32 $0xD9880, s0;
	[dreg:$0x12] =	wrdreg s21  }
0x19: {  	s9 =	sadd.s32 $0xEC400, s1;
	s13 =	simm.s32 $0x15000;
	[dreg:$0x13] =	wrdreg s22  }
0x1a: {  	s19 =	simm.s32 $0x2;
	s26 =	sadd.s32 $0x25600, s0;
	[dreg:$0x14] =	wrdreg s23  }
0x1b: {  	s28 =	sadd.s32 $0xBA480, s0;
	s29 =	sadd.s32 $0x2EE00, s0;
	s30 =	sadd.s32 $0x94800, s0  }
.Ltmp0:
0x1c: {  	s0 =	sadd.s32 $0x9C600, s0;
	s2 =	smax.u32 s14, $0x1;
	(pc) =	sbr.rel .LBB2_1-.Ltmp0, $4  }
0x1d: {  	s10 =	sadd.s32 $0x3C000, s1;
	s12 =	simm.s32 $0x13C00;
	[dreg:$0x15] =	wrdreg s28  }
0x1e: {  	s14 =	simm.s32 $0x80;
	s16 =	simm.s32 $0x1;
	[dreg:$0x16] =	wrdreg s29  }
0x1f: {  	s18 =	simm.s32 $0x1A400;
	s20 =	simm.s32 $0x14F80;
	[dreg:$0x17] =	wrdreg s30  }
0x20: {  	s21 =	simm.s32 $0x16300;
	s22 =	simm.s32 $0x16380;
	[dreg:$0x18] =	wrdreg s0  }
.LBB2_14:
0x21: {  	[sflag:s11] =	ssyncadd.s32 $0xFFFFC000  }
0x22: {  	_ =	swait.ge [sflag:s16], $0x4000  }
0x23: {  	[sflag:s16] =	ssyncset.done $0x0  }
0x24: {  	[sflag:s16] =	ssyncadd.s32 $0xFFFFC000  }
0x25: {  	[tilespmem:s18], [sflag:$0x2] =	stream.indirect.gather [hbm4b:s25+s14], $0x80, s20, s14, $0xb8;
	[tilespmem:$0x1E400] =	vst v63  }
0x26: {  	_ = 	snop  }
0x27: {  	[spmem:s1] =	stream.indirect.scatter.add.f32 [tilespmem:s15], [sflag:$0x3], $0x80, s21, s14, $0xb8;
	[tilespmem:$0x1E400] =	vst v63  }
0x28: {  	_ =	swait.ge [sflag:s11], $0x4000  }
0x29: {  	[sflag:s11] =	ssyncset.done $0x0  }
0x2a: {  	[sflag:s11] =	ssyncadd.s32 $0xFFFFC000  }
0x2b: {  	_ =	swait.ge [sflag:s19], $0x4000  }
0x2c: {  	[sflag:s19] =	ssyncset.done $0x0  }
0x2d: {  	[sflag:s19] =	ssyncadd.s32 $0xFFFFC000  }
0x2e: {  	[spmem:s1] =	stream.indirect.scatter.add.f32 [tilespmem:s18], [sflag:$0x3], $0x80, s22, s14, $0xb8;
	[tilespmem:$0x1E400] =	vst v63  }
0x2f: {  	_ =	swait.ge [sflag:s11], $0x4000  }
0x30: {  	[sflag:s11] =	ssyncset.done $0x0  }
0x31: {  	[sflag:s11] =	ssyncadd.s32 $0xFFFFC000  }
0x32: {  	[bflag:$0x0] =	sbarrier.arrive $0xFFFF  }
0x33: {  	s0 =	rddreg [dreg:$0x17]  }
0x34: {  	[hbm:s0], [sflag:s6] =	dma.local @p2 [spmem:s28], $0x500  }
0x35: {  	s0 =	simm.s32 @p2 $0x3  }
0x36: {  	_ =	swait.ge @p2 [sflag:s0], $0x500  }
0x37: {  	[sflag:s0] =	ssyncset.done @p2 $0x0  }
0x38: {  	[sflag:s0] =	ssyncadd.s32 @p2 $0xFFFFFB00;
	s0 =	rddreg [dreg:$0x10]  }
0x39: {  	[hbm:s0], [sflag:s6] =	dma.local @!p2 [spmem:s23], $0x800  }
0x3a: {  	s0 =	simm.s32 @!p2 $0x3  }
0x3b: {  	_ =	swait.ge @!p2 [sflag:s0], $0x800  }
0x3c: {  	[sflag:s0] =	ssyncset.done @!p2 $0x0  }
0x3d: {  	[sflag:s0] =	ssyncadd.s32 @!p2 $0xFFFFF800  }
.LBB2_15:
0x3e: {  	s4 =	sadd.s32 $0x1, s4  }
0x3f: {  	p3 =	sne.s32 s4, s2  }
.Ltmp1:
0x40: {  	_ = 	snop;
	(pc) =	sbr.rel @!p3 .LBB2_16-.Ltmp1, $1  }
0x41: {  	_ =	sdelay $0x3  }
.LBB2_1:
.Ltmp2:
0x42: {  	s23 =	sshrl.u32 s5, $0x3;
	(pc) =	sbr.rel @!p0 .LBB2_2-.Ltmp2, $4  }
0x43: {  	[spmem:s23], [sflag:s6] =	dma.local [hbm:s26], $0x1F80  }
0x44: {  	_ =	swait.ge [sflag:s11], $0x1F80  }
0x45: {  	s28 =	sshrl.u32 @p2 s9, $0x3;
	s30 =	sshrl.u32 @p2 s8, $0x3;
	[sflag:s11] =	ssyncset.done $0x0  }
0x46: {  	s29 =	sshrl.u32 @!p2 s31, $0x3;
	s23 =	sshrl.u32 @!p2 s5, $0x3;
	[sflag:s11] =	ssyncadd.s32 $0xFFFFE080  }
0x47: {  	[bflag:$0x0] =	sbarrier.arrive $0xFFFF  }
0x48: {  	s13 =	smov.u32 s31;
	s31 =	simm.s32 $0x0;
	s0 =	rddreg [dreg:$0xa]  }
0x49: {  	[tilespmem:s12], [sflag:$0x3] =	stream.linear.gather [hbm4b:s0+s31], $0x1400, $0x38;
	[tilespmem:$0x1E400] =	vst v63  }
0x4a: {  	_ =	swait.ge [sflag:s11], $0x1400  }
0x4b: {  	[sflag:s11] =	ssyncset.done $0x0  }
0x4c: {  	s7 =	simm.s32 $0x15000;
	s0 =	rddreg [dreg:$0xb];
	[sflag:s11] =	ssyncadd.s32 $0xFFFFEC00  }
0x4d: {  	[tilespmem:s7], [sflag:$0x3] =	stream.linear.gather [hbm4b:s0+s31], $0x1400, $0x38;
	[tilespmem:$0x1E400] =	vst v63  }
0x4e: {  	_ =	swait.ge [sflag:s11], $0x1400  }
0x4f: {  	[sflag:s11] =	ssyncset.done $0x0  }
0x50: {  	[sflag:s11] =	ssyncadd.s32 $0xFFFFEC00  }
0x51: {  	[tilespmem:s15], [sflag:$0x1] =	stream.indirect.gather [hbm4b:s24+s14], $0x80, s12, s14, $0xb8;
	[tilespmem:$0x1E400] =	vst v63  }
0x52: {  	_ =	swait.ge [sflag:s16], $0x4000  }
0x53: {  	[sflag:s16] =	ssyncset.done $0x0  }
0x54: {  	s31 =	simm.s32 $0x13C80;
	[sflag:s16] =	ssyncadd.s32 $0xFFFFC000  }
0x55: {  	[tilespmem:s18], [sflag:$0x2] =	stream.indirect.gather [hbm4b:s24+s14], $0x80, s31, s14, $0xb8;
	[tilespmem:$0x1E400] =	vst v63  }
0x56: {  	s31 =	simm.s32 $0x15000  }
0x57: {  	[spmem:s1] =	stream.indirect.scatter.add.f32 [tilespmem:s15], [sflag:$0x3], $0x80, s31, s14, $0xb8;
	[tilespmem:$0x1E400] =	vst v63  }
0x58: {  	_ =	swait.ge [sflag:s11], $0x4000  }
0x59: {  	[sflag:s11] =	ssyncset.done $0x0  }
0x5a: {  	[sflag:s11] =	ssyncadd.s32 $0xFFFFC000  }
0x5b: {  	_ =	swait.ge [sflag:s19], $0x4000  }
0x5c: {  	[sflag:s19] =	ssyncset.done $0x0  }
0x5d: {  	s31 =	simm.s32 $0x13D00;
	[sflag:s19] =	ssyncadd.s32 $0xFFFFC000  }
0x5e: {  	[tilespmem:s15], [sflag:$0x1] =	stream.indirect.gather [hbm4b:s24+s14], $0x80, s31, s14, $0xb8;
	[tilespmem:$0x1E400] =	vst v63  }
0x5f: {  	s31 =	simm.s32 $0x15080  }
0x60: {  	[spmem:s1] =	stream.indirect.scatter.add.f32 [tilespmem:s18], [sflag:$0x3], $0x80, s31, s14, $0xb8;
	[tilespmem:$0x1E400] =	vst v63  }
0x61: {  	_ =	swait.ge [sflag:s11], $0x4000  }
0x62: {  	s31 =	simm.s32 $0x400;
	[sflag:s11] =	ssyncset.done $0x0  }
.LBB2_6:
0x63: {  	p3 =	sne.s32 s31, $0x4800  }
0x64: {  	[sflag:s11] =	ssyncadd.s32 $0xFFFFC000;
	s0 =	smov.u32 s31;
	s31 =	sadd.s32 $0x400, s31  }
0x65: {  	_ = 	snop  }
0x66: {  	_ =	swait.ge [sflag:s16], $0x4000  }
0x67: {  	s0 =	sshra.s32 s0, $0x2;
	[sflag:s16] =	ssyncset.done $0x0  }
0x68: {  	s7 =	sadd.s32 $0x13C80, s0;
	[sflag:s16] =	ssyncadd.s32 $0xFFFFC000  }
0x69: {  	[tilespmem:s18], [sflag:$0x2] =	stream.indirect.gather [hbm4b:s24+s14], $0x80, s7, s14, $0xb8;
	[tilespmem:$0x1E400] =	vst v63  }
0x6a: {  	s7 =	sadd.s32 $0x15000, s0  }
0x6b: {  	[spmem:s1] =	stream.indirect.scatter.add.f32 [tilespmem:s15], [sflag:$0x3], $0x80, s7, s14, $0xb8;
	[tilespmem:$0x1E400] =	vst v63  }
0x6c: {  	_ =	swait.ge [sflag:s11], $0x4000  }
0x6d: {  	[sflag:s11] =	ssyncset.done $0x0  }
0x6e: {  	[sflag:s11] =	ssyncadd.s32 $0xFFFFC000  }
0x6f: {  	_ =	swait.ge [sflag:s19], $0x4000  }
0x70: {  	[sflag:s19] =	ssyncset.done $0x0  }
0x71: {  	s7 =	sadd.s32 $0x13D00, s0;
	[sflag:s19] =	ssyncadd.s32 $0xFFFFC000  }
0x72: {  	[tilespmem:s15], [sflag:$0x1] =	stream.indirect.gather [hbm4b:s24+s14], $0x80, s7, s14, $0xb8;
	[tilespmem:$0x1E400] =	vst v63  }
.Ltmp3:
0x73: {  	_ = 	snop;
	(pc) =	sbr.rel @p3 .LBB2_6-.Ltmp3, $4  }
0x74: {  	s0 =	sadd.s32 $0x15080, s0  }
0x75: {  	[spmem:s1] =	stream.indirect.scatter.add.f32 [tilespmem:s18], [sflag:$0x3], $0x80, s0, s14, $0xb8;
	[tilespmem:$0x1E400] =	vst v63  }
0x76: {  	_ =	swait.ge [sflag:s11], $0x4000  }
0x77: {  	[sflag:s11] =	ssyncset.done $0x0  }
0x78: {  	[sflag:s11] =	ssyncadd.s32 $0xFFFFC000  }
0x79: {  	_ =	swait.ge [sflag:s16], $0x4000  }
0x7a: {  	[sflag:s16] =	ssyncset.done $0x0  }
0x7b: {  	[sflag:s16] =	ssyncadd.s32 $0xFFFFC000  }
0x7c: {  	[tilespmem:s18], [sflag:$0x2] =	stream.indirect.gather [hbm4b:s24+s14], $0x80, s20, s14, $0xb8;
	[tilespmem:$0x1E400] =	vst v63  }
0x7d: {  	_ = 	snop  }
0x7e: {  	[spmem:s1] =	stream.indirect.scatter.add.f32 [tilespmem:s15], [sflag:$0x3], $0x80, s21, s14, $0xb8;
	[tilespmem:$0x1E400] =	vst v63  }
0x7f: {  	_ =	swait.ge [sflag:s11], $0x4000  }
0x80: {  	[sflag:s11] =	ssyncset.done $0x0  }
0x81: {  	[sflag:s11] =	ssyncadd.s32 $0xFFFFC000  }
0x82: {  	_ =	swait.ge [sflag:s19], $0x4000  }
0x83: {  	[sflag:s19] =	ssyncset.done $0x0  }
0x84: {  	[sflag:s19] =	ssyncadd.s32 $0xFFFFC000  }
0x85: {  	[spmem:s1] =	stream.indirect.scatter.add.f32 [tilespmem:s18], [sflag:$0x3], $0x80, s22, s14, $0xb8;
	[tilespmem:$0x1E400] =	vst v63  }
0x86: {  	_ =	swait.ge [sflag:s11], $0x4000  }
0x87: {  	[sflag:s11] =	ssyncset.done $0x0  }
0x88: {  	[sflag:s11] =	ssyncadd.s32 $0xFFFFC000  }
0x89: {  	[bflag:$0x0] =	sbarrier.arrive $0xFFFF  }
0x8a: {  	s0 =	rddreg [dreg:$0x15]  }
0x8b: {  	[hbm:s0], [sflag:s6] =	dma.local @p2 [spmem:s28], $0x1B80  }
0x8c: {  	s0 =	simm.s32 @p2 $0x3  }
0x8d: {  	_ =	swait.ge @p2 [sflag:s0], $0x1B80  }
0x8e: {  	[sflag:s0] =	ssyncset.done @p2 $0x0  }
0x8f: {  	s7 =	rddreg [dreg:$0x16];
	[sflag:s0] =	ssyncadd.s32 @p2 $0xFFFFE480  }
0x90: {  	[spmem:s30], [sflag:s6] =	dma.local @p2 [hbm:s7], $0x500  }
0x91: {  	_ =	swait.ge @p2 [sflag:s0], $0x500  }
0x92: {  	[sflag:s0] =	ssyncset.done @p2 $0x0  }
0x93: {  	[sflag:s0] =	ssyncadd.s32 @p2 $0xFFFFFB00;
	s0 =	rddreg [dreg:$0xc]  }
0x94: {  	[hbm:s0], [sflag:s6] =	dma.local @!p2 [spmem:s23], $0x1F80  }
0x95: {  	s0 =	simm.s32 @!p2 $0x3  }
0x96: {  	_ =	swait.ge @!p2 [sflag:s0], $0x1F80  }
0x97: {  	[sflag:s0] =	ssyncset.done @!p2 $0x0  }
.Ltmp4:
0x98: {  	s7 =	rddreg [dreg:$0xd];
	[sflag:s0] =	ssyncadd.s32 @!p2 $0xFFFFE080;
	(pc) =	sbr.rel .LBB2_8-.Ltmp4, $4  }
0x99: {  	[spmem:s29], [sflag:s6] =	dma.local @!p2 [hbm:s7], $0x800  }
0x9a: {  	_ =	swait.ge @!p2 [sflag:s0], $0x800  }
0x9b: {  	[sflag:s0] =	ssyncset.done @!p2 $0x0  }
0x9c: {  	s31 =	smov.u32 s13;
	s13 =	simm.s32 $0x15000;
	[sflag:s0] =	ssyncadd.s32 @!p2 $0xFFFFF800  }
.LBB2_2:
0x9d: {  	s0 =	rddreg [dreg:$0x6]  }
0x9e: {  	[spmem:s30], [sflag:s6] =	dma.local @p2 [hbm:s0], $0x500  }
0x9f: {  	s30 =	simm.s32 @p2 $0x3  }
0xa0: {  	_ =	swait.ge @p2 [sflag:s30], $0x500  }
0xa1: {  	[sflag:s30] =	ssyncset.done @p2 $0x0  }
0xa2: {  	s0 =	rddreg [dreg:$0x5];
	[sflag:s30] =	ssyncadd.s32 @p2 $0xFFFFFB00  }
0xa3: {  	[spmem:s29], [sflag:s6] =	dma.local @!p2 [hbm:s0], $0x800  }
0xa4: {  	s29 =	simm.s32 @!p2 $0x3  }
0xa5: {  	_ =	swait.ge @!p2 [sflag:s29], $0x800  }
0xa6: {  	[sflag:s29] =	ssyncset.done @!p2 $0x0  }
0xa7: {  	[sflag:s29] =	ssyncadd.s32 @!p2 $0xFFFFF800  }
0xa8: {  	[bflag:$0x0] =	sbarrier.arrive $0xFFFF  }
0xa9: {  	s29 =	simm.s32 $0x0;
	s7 =	rddreg [dreg:$0x7]  }
0xaa: {  	[tilespmem:s12], [sflag:$0x3] =	stream.linear.gather [hbm4b:s7+s29], $0x1400, $0x38;
	[tilespmem:$0x1E400] =	vst v63  }
0xab: {  	_ =	swait.ge [sflag:s11], $0x1400  }
0xac: {  	[sflag:s11] =	ssyncset.done $0x0  }
0xad: {  	s30 =	rddreg [dreg:$0x8];
	[sflag:s11] =	ssyncadd.s32 $0xFFFFEC00  }
0xae: {  	[tilespmem:s13], [sflag:$0x3] =	stream.linear.gather [hbm4b:s30+s29], $0x1400, $0x38;
	[tilespmem:$0x1E400] =	vst v63  }
0xaf: {  	_ =	swait.ge [sflag:s11], $0x1400  }
0xb0: {  	[sflag:s11] =	ssyncset.done $0x0  }
0xb1: {  	[sflag:s11] =	ssyncadd.s32 $0xFFFFEC00  }
0xb2: {  	[tilespmem:s15], [sflag:$0x1] =	stream.indirect.gather [spmem:s3], $0x80, s12, s14, $0xb8;
	[tilespmem:$0x1E400] =	vst v63  }
0xb3: {  	_ =	swait.ge [sflag:s16], $0x4000  }
0xb4: {  	[sflag:s16] =	ssyncset.done $0x0  }
0xb5: {  	s7 =	simm.s32 $0x13C80;
	[sflag:s16] =	ssyncadd.s32 $0xFFFFC000  }
0xb6: {  	[tilespmem:s18], [sflag:$0x2] =	stream.indirect.gather [spmem:s3], $0x80, s7, s14, $0xb8;
	[tilespmem:$0x1E400] =	vst v63  }
0xb7: {  	s30 =	simm.s32 $0x15000  }
0xb8: {  	[spmem:s1] =	stream.indirect.scatter.add.f32 [tilespmem:s15], [sflag:$0x3], $0x80, s30, s14, $0xb8;
	[tilespmem:$0x1E400] =	vst v63  }
0xb9: {  	_ =	swait.ge [sflag:s11], $0x4000  }
0xba: {  	[sflag:s11] =	ssyncset.done $0x0  }
0xbb: {  	[sflag:s11] =	ssyncadd.s32 $0xFFFFC000  }
0xbc: {  	_ =	swait.ge [sflag:s19], $0x4000  }
0xbd: {  	[sflag:s19] =	ssyncset.done $0x0  }
0xbe: {  	s7 =	simm.s32 $0x13D00;
	[sflag:s19] =	ssyncadd.s32 $0xFFFFC000  }
0xbf: {  	[tilespmem:s15], [sflag:$0x1] =	stream.indirect.gather [spmem:s3], $0x80, s7, s14, $0xb8;
	[tilespmem:$0x1E400] =	vst v63  }
0xc0: {  	s30 =	simm.s32 $0x15080  }
0xc1: {  	[spmem:s1] =	stream.indirect.scatter.add.f32 [tilespmem:s18], [sflag:$0x3], $0x80, s30, s14, $0xb8;
	[tilespmem:$0x1E400] =	vst v63  }
0xc2: {  	_ =	swait.ge [sflag:s11], $0x4000  }
0xc3: {  	s29 =	simm.s32 $0x400;
	[sflag:s11] =	ssyncset.done $0x0  }
.LBB2_3:
0xc4: {  	p3 =	sne.s32 s29, $0x4800  }
0xc5: {  	[sflag:s11] =	ssyncadd.s32 $0xFFFFC000;
	s0 =	smov.u32 s29;
	s29 =	sadd.s32 $0x400, s29  }
0xc6: {  	_ = 	snop  }
0xc7: {  	_ =	swait.ge [sflag:s16], $0x4000  }
0xc8: {  	s0 =	sshra.s32 s0, $0x2;
	[sflag:s16] =	ssyncset.done $0x0  }
0xc9: {  	s7 =	sadd.s32 $0x13C80, s0;
	[sflag:s16] =	ssyncadd.s32 $0xFFFFC000  }
0xca: {  	[tilespmem:s18], [sflag:$0x2] =	stream.indirect.gather [spmem:s3], $0x80, s7, s14, $0xb8;
	[tilespmem:$0x1E400] =	vst v63  }
0xcb: {  	s7 =	sadd.s32 $0x15000, s0  }
0xcc: {  	[spmem:s1] =	stream.indirect.scatter.add.f32 [tilespmem:s15], [sflag:$0x3], $0x80, s7, s14, $0xb8;
	[tilespmem:$0x1E400] =	vst v63  }
0xcd: {  	_ =	swait.ge [sflag:s11], $0x4000  }
0xce: {  	[sflag:s11] =	ssyncset.done $0x0  }
0xcf: {  	[sflag:s11] =	ssyncadd.s32 $0xFFFFC000  }
0xd0: {  	_ =	swait.ge [sflag:s19], $0x4000  }
0xd1: {  	[sflag:s19] =	ssyncset.done $0x0  }
0xd2: {  	s7 =	sadd.s32 $0x13D00, s0;
	[sflag:s19] =	ssyncadd.s32 $0xFFFFC000  }
0xd3: {  	[tilespmem:s15], [sflag:$0x1] =	stream.indirect.gather [spmem:s3], $0x80, s7, s14, $0xb8;
	[tilespmem:$0x1E400] =	vst v63  }
.Ltmp5:
0xd4: {  	_ = 	snop;
	(pc) =	sbr.rel @p3 .LBB2_3-.Ltmp5, $4  }
0xd5: {  	s0 =	sadd.s32 $0x15080, s0  }
0xd6: {  	[spmem:s1] =	stream.indirect.scatter.add.f32 [tilespmem:s18], [sflag:$0x3], $0x80, s0, s14, $0xb8;
	[tilespmem:$0x1E400] =	vst v63  }
0xd7: {  	_ =	swait.ge [sflag:s11], $0x4000  }
0xd8: {  	[sflag:s11] =	ssyncset.done $0x0  }
0xd9: {  	[sflag:s11] =	ssyncadd.s32 $0xFFFFC000  }
0xda: {  	_ =	swait.ge [sflag:s16], $0x4000  }
0xdb: {  	[sflag:s16] =	ssyncset.done $0x0  }
0xdc: {  	[sflag:s16] =	ssyncadd.s32 $0xFFFFC000  }
0xdd: {  	[tilespmem:s18], [sflag:$0x2] =	stream.indirect.gather [spmem:s3], $0x80, s20, s14, $0xb8;
	[tilespmem:$0x1E400] =	vst v63  }
0xde: {  	_ = 	snop  }
0xdf: {  	[spmem:s1] =	stream.indirect.scatter.add.f32 [tilespmem:s15], [sflag:$0x3], $0x80, s21, s14, $0xb8;
	[tilespmem:$0x1E400] =	vst v63  }
0xe0: {  	_ =	swait.ge [sflag:s11], $0x4000  }
0xe1: {  	[sflag:s11] =	ssyncset.done $0x0  }
0xe2: {  	[sflag:s11] =	ssyncadd.s32 $0xFFFFC000  }
0xe3: {  	_ =	swait.ge [sflag:s19], $0x4000  }
0xe4: {  	[sflag:s19] =	ssyncset.done $0x0  }
0xe5: {  	[sflag:s19] =	ssyncadd.s32 $0xFFFFC000  }
0xe6: {  	[spmem:s1] =	stream.indirect.scatter.add.f32 [tilespmem:s18], [sflag:$0x3], $0x80, s22, s14, $0xb8;
	[tilespmem:$0x1E400] =	vst v63  }
0xe7: {  	_ =	swait.ge [sflag:s11], $0x4000  }
0xe8: {  	[sflag:s11] =	ssyncset.done $0x0  }
0xe9: {  	[sflag:s11] =	ssyncadd.s32 $0xFFFFC000  }
0xea: {  	[bflag:$0x0] =	sbarrier.arrive $0xFFFF  }
0xeb: {  	s0 =	rddreg [dreg:$0x14]  }
0xec: {  	[hbm:s0], [sflag:s6] =	dma.local @p2 [spmem:s28], $0x1B80  }
0xed: {  	s0 =	simm.s32 @p2 $0x3  }
0xee: {  	_ =	swait.ge @p2 [sflag:s0], $0x1B80  }
0xef: {  	[sflag:s0] =	ssyncset.done @p2 $0x0  }
0xf0: {  	[sflag:s0] =	ssyncadd.s32 @p2 $0xFFFFE480;
	s0 =	rddreg [dreg:$0x9]  }
0xf1: {  	[hbm:s0], [sflag:s6] =	dma.local @!p2 [spmem:s23], $0x1F80  }
0xf2: {  	s0 =	simm.s32 @!p2 $0x3  }
0xf3: {  	_ =	swait.ge @!p2 [sflag:s0], $0x1F80  }
0xf4: {  	[sflag:s0] =	ssyncset.done @!p2 $0x0  }
0xf5: {  	[sflag:s0] =	ssyncadd.s32 @!p2 $0xFFFFE080  }
.LBB2_8:
0xf6: {  	[bflag:$0x0] =	sbarrier.arrive $0xFFFF;
	s0 =	sshrl.u32 s17, $0x3  }
0xf7: {  	[spmem:s0], [sflag:s6] =	dma.local [hbm:s26], $0x800  }
.Ltmp6:
0xf8: {  	_ =	swait.ge [sflag:s11], $0x800;
	(pc) =	sbr.rel @p1 .LBB2_12-.Ltmp6, $4  }
0xf9: {  	[sflag:s11] =	ssyncset.done $0x0  }
0xfa: {  	[sflag:s11] =	ssyncadd.s32 $0xFFFFF800  }
0xfb: {  	[bflag:$0x0] =	sbarrier.arrive $0xFFFF  }
0xfc: {  	s28 =	sshrl.u32 @p2 s10, $0x3;
	s23 =	sshrl.u32 @!p2 s17, $0x3;
	s0 =	simm.s32 $0x0  }
0xfd: {  	s7 =	rddreg [dreg:$0x11]  }
0xfe: {  	[tilespmem:s12], [sflag:$0x3] =	stream.linear.gather [hbm4b:s7+s0], $0x1400, $0x38;
	[tilespmem:$0x1E400] =	vst v63  }
0xff: {  	_ =	swait.ge [sflag:s11], $0x1400  }
0x100: {  	[sflag:s11] =	ssyncset.done $0x0  }
0x101: {  	s30 =	rddreg [dreg:$0x12];
	[sflag:s11] =	ssyncadd.s32 $0xFFFFEC00  }
0x102: {  	[tilespmem:s13], [sflag:$0x3] =	stream.linear.gather [hbm4b:s30+s0], $0x1400, $0x38;
	[tilespmem:$0x1E400] =	vst v63  }
0x103: {  	_ =	swait.ge [sflag:s11], $0x1400  }
0x104: {  	[sflag:s11] =	ssyncset.done $0x0  }
0x105: {  	[sflag:s11] =	ssyncadd.s32 $0xFFFFEC00  }
0x106: {  	[tilespmem:s15], [sflag:$0x1] =	stream.indirect.gather [spmem:s3], $0x80, s12, s14, $0xb8;
	[tilespmem:$0x1E400] =	vst v63  }
0x107: {  	_ =	swait.ge [sflag:s16], $0x4000  }
0x108: {  	[sflag:s16] =	ssyncset.done $0x0  }
0x109: {  	s7 =	simm.s32 $0x13C80;
	[sflag:s16] =	ssyncadd.s32 $0xFFFFC000  }
0x10a: {  	[tilespmem:s18], [sflag:$0x2] =	stream.indirect.gather [spmem:s3], $0x80, s7, s14, $0xb8;
	[tilespmem:$0x1E400] =	vst v63  }
0x10b: {  	s30 =	simm.s32 $0x15000  }
0x10c: {  	[spmem:s1] =	stream.indirect.scatter.add.f32 [tilespmem:s15], [sflag:$0x3], $0x80, s30, s14, $0xb8;
	[tilespmem:$0x1E400] =	vst v63  }
0x10d: {  	_ =	swait.ge [sflag:s11], $0x4000  }
0x10e: {  	[sflag:s11] =	ssyncset.done $0x0  }
0x10f: {  	[sflag:s11] =	ssyncadd.s32 $0xFFFFC000  }
0x110: {  	_ =	swait.ge [sflag:s19], $0x4000  }
0x111: {  	[sflag:s19] =	ssyncset.done $0x0  }
0x112: {  	s7 =	simm.s32 $0x13D00;
	[sflag:s19] =	ssyncadd.s32 $0xFFFFC000  }
0x113: {  	[tilespmem:s15], [sflag:$0x1] =	stream.indirect.gather [spmem:s3], $0x80, s7, s14, $0xb8;
	[tilespmem:$0x1E400] =	vst v63  }
0x114: {  	s30 =	simm.s32 $0x15080  }
0x115: {  	[spmem:s1] =	stream.indirect.scatter.add.f32 [tilespmem:s18], [sflag:$0x3], $0x80, s30, s14, $0xb8;
	[tilespmem:$0x1E400] =	vst v63  }
0x116: {  	_ =	swait.ge [sflag:s11], $0x4000  }
0x117: {  	s29 =	simm.s32 $0x400;
	[sflag:s11] =	ssyncset.done $0x0  }
.LBB2_10:
0x118: {  	p3 =	sne.s32 s29, $0x4800  }
0x119: {  	[sflag:s11] =	ssyncadd.s32 $0xFFFFC000;
	s0 =	smov.u32 s29;
	s29 =	sadd.s32 $0x400, s29  }
0x11a: {  	_ = 	snop  }
0x11b: {  	_ =	swait.ge [sflag:s16], $0x4000  }
0x11c: {  	s0 =	sshra.s32 s0, $0x2;
	[sflag:s16] =	ssyncset.done $0x0  }
0x11d: {  	s7 =	sadd.s32 $0x13C80, s0;
	[sflag:s16] =	ssyncadd.s32 $0xFFFFC000  }
0x11e: {  	[tilespmem:s18], [sflag:$0x2] =	stream.indirect.gather [spmem:s3], $0x80, s7, s14, $0xb8;
	[tilespmem:$0x1E400] =	vst v63  }
0x11f: {  	s7 =	sadd.s32 $0x15000, s0  }
0x120: {  	[spmem:s1] =	stream.indirect.scatter.add.f32 [tilespmem:s15], [sflag:$0x3], $0x80, s7, s14, $0xb8;
	[tilespmem:$0x1E400] =	vst v63  }
0x121: {  	_ =	swait.ge [sflag:s11], $0x4000  }
0x122: {  	[sflag:s11] =	ssyncset.done $0x0  }
0x123: {  	[sflag:s11] =	ssyncadd.s32 $0xFFFFC000  }
0x124: {  	_ =	swait.ge [sflag:s19], $0x4000  }
0x125: {  	[sflag:s19] =	ssyncset.done $0x0  }
0x126: {  	s7 =	sadd.s32 $0x13D00, s0;
	[sflag:s19] =	ssyncadd.s32 $0xFFFFC000  }
0x127: {  	[tilespmem:s15], [sflag:$0x1] =	stream.indirect.gather [spmem:s3], $0x80, s7, s14, $0xb8;
	[tilespmem:$0x1E400] =	vst v63  }
.Ltmp7:
0x128: {  	_ = 	snop;
	(pc) =	sbr.rel @p3 .LBB2_10-.Ltmp7, $4  }
0x129: {  	s0 =	sadd.s32 $0x15080, s0  }
0x12a: {  	[spmem:s1] =	stream.indirect.scatter.add.f32 [tilespmem:s18], [sflag:$0x3], $0x80, s0, s14, $0xb8;
	[tilespmem:$0x1E400] =	vst v63  }
0x12b: {  	_ =	swait.ge [sflag:s11], $0x4000  }
0x12c: {  	[sflag:s11] =	ssyncset.done $0x0  }
0x12d: {  	[sflag:s11] =	ssyncadd.s32 $0xFFFFC000  }
0x12e: {  	_ =	swait.ge [sflag:s16], $0x4000  }
0x12f: {  	[sflag:s16] =	ssyncset.done $0x0  }
0x130: {  	[sflag:s16] =	ssyncadd.s32 $0xFFFFC000  }
0x131: {  	[tilespmem:s18], [sflag:$0x2] =	stream.indirect.gather [spmem:s3], $0x80, s20, s14, $0xb8;
	[tilespmem:$0x1E400] =	vst v63  }
0x132: {  	_ = 	snop  }
0x133: {  	[spmem:s1] =	stream.indirect.scatter.add.f32 [tilespmem:s15], [sflag:$0x3], $0x80, s21, s14, $0xb8;
	[tilespmem:$0x1E400] =	vst v63  }
0x134: {  	_ =	swait.ge [sflag:s11], $0x4000  }
0x135: {  	[sflag:s11] =	ssyncset.done $0x0  }
0x136: {  	[sflag:s11] =	ssyncadd.s32 $0xFFFFC000  }
0x137: {  	_ =	swait.ge [sflag:s19], $0x4000  }
0x138: {  	[sflag:s19] =	ssyncset.done $0x0  }
0x139: {  	[sflag:s19] =	ssyncadd.s32 $0xFFFFC000  }
0x13a: {  	[spmem:s1] =	stream.indirect.scatter.add.f32 [tilespmem:s18], [sflag:$0x3], $0x80, s22, s14, $0xb8;
	[tilespmem:$0x1E400] =	vst v63  }
0x13b: {  	_ =	swait.ge [sflag:s11], $0x4000  }
0x13c: {  	[sflag:s11] =	ssyncset.done $0x0  }
0x13d: {  	[sflag:s11] =	ssyncadd.s32 $0xFFFFC000  }
0x13e: {  	[bflag:$0x0] =	sbarrier.arrive $0xFFFF  }
0x13f: {  	s0 =	rddreg [dreg:$0x18]  }
0x140: {  	[hbm:s0], [sflag:s6] =	dma.local @p2 [spmem:s28], $0x500  }
0x141: {  	s0 =	simm.s32 @p2 $0x3  }
0x142: {  	_ =	swait.ge @p2 [sflag:s0], $0x500  }
0x143: {  	[sflag:s0] =	ssyncset.done @p2 $0x0  }
0x144: {  	[sflag:s0] =	ssyncadd.s32 @p2 $0xFFFFFB00;
	s0 =	rddreg [dreg:$0x13]  }
0x145: {  	[hbm:s0], [sflag:s6] =	dma.local @!p2 [spmem:s23], $0x800  }
.Ltmp8:
0x146: {  	_ = 	snop;
	(pc) =	sbr.rel .LBB2_15-.Ltmp8, $4  }
0x147: {  	s0 =	simm.s32 @!p2 $0x3  }
0x148: {  	_ =	swait.ge @!p2 [sflag:s0], $0x800  }
0x149: {  	[sflag:s0] =	ssyncset.done @!p2 $0x0  }
0x14a: {  	[sflag:s0] =	ssyncadd.s32 @!p2 $0xFFFFF800  }
.LBB2_12:
0x14b: {  	s7 =	rddreg [dreg:$0xe]  }
0x14c: {  	[tilespmem:s12], [sflag:$0x3] =	stream.linear.gather [hbm4b:s7+s0], $0x1400, $0x38;
	[tilespmem:$0x1E400] =	vst v63  }
0x14d: {  	_ =	swait.ge [sflag:s11], $0x1400  }
0x14e: {  	[sflag:s11] =	ssyncset.done $0x0  }
0x14f: {  	s30 =	rddreg [dreg:$0xf];
	[sflag:s11] =	ssyncadd.s32 $0xFFFFEC00  }
0x150: {  	[tilespmem:s13], [sflag:$0x3] =	stream.linear.gather [hbm4b:s30+s0], $0x1400, $0x38;
	[tilespmem:$0x1E400] =	vst v63  }
0x151: {  	_ =	swait.ge [sflag:s11], $0x1400  }
0x152: {  	[sflag:s11] =	ssyncset.done $0x0  }
0x153: {  	[sflag:s11] =	ssyncadd.s32 $0xFFFFEC00  }
0x154: {  	[tilespmem:s15], [sflag:$0x1] =	stream.indirect.gather [hbm4b:s25+s14], $0x80, s12, s14, $0xb8;
	[tilespmem:$0x1E400] =	vst v63  }
0x155: {  	_ =	swait.ge [sflag:s16], $0x4000  }
0x156: {  	[sflag:s16] =	ssyncset.done $0x0  }
0x157: {  	s7 =	simm.s32 $0x13C80;
	[sflag:s16] =	ssyncadd.s32 $0xFFFFC000  }
0x158: {  	[tilespmem:s18], [sflag:$0x2] =	stream.indirect.gather [hbm4b:s25+s14], $0x80, s7, s14, $0xb8;
	[tilespmem:$0x1E400] =	vst v63  }
0x159: {  	s30 =	simm.s32 $0x15000  }
0x15a: {  	[spmem:s1] =	stream.indirect.scatter.add.f32 [tilespmem:s15], [sflag:$0x3], $0x80, s30, s14, $0xb8;
	[tilespmem:$0x1E400] =	vst v63  }
0x15b: {  	_ =	swait.ge [sflag:s11], $0x4000  }
0x15c: {  	[sflag:s11] =	ssyncset.done $0x0  }
0x15d: {  	[sflag:s11] =	ssyncadd.s32 $0xFFFFC000  }
0x15e: {  	_ =	swait.ge [sflag:s19], $0x4000  }
0x15f: {  	[sflag:s19] =	ssyncset.done $0x0  }
0x160: {  	s7 =	simm.s32 $0x13D00;
	[sflag:s19] =	ssyncadd.s32 $0xFFFFC000  }
0x161: {  	[tilespmem:s15], [sflag:$0x1] =	stream.indirect.gather [hbm4b:s25+s14], $0x80, s7, s14, $0xb8;
	[tilespmem:$0x1E400] =	vst v63  }
0x162: {  	s30 =	simm.s32 $0x15080  }
0x163: {  	[spmem:s1] =	stream.indirect.scatter.add.f32 [tilespmem:s18], [sflag:$0x3], $0x80, s30, s14, $0xb8;
	[tilespmem:$0x1E400] =	vst v63  }
0x164: {  	_ =	swait.ge [sflag:s11], $0x4000  }
0x165: {  	s29 =	simm.s32 $0x400;
	[sflag:s11] =	ssyncset.done $0x0  }
.LBB2_13:
0x166: {  	p3 =	sne.s32 s29, $0x4800  }
0x167: {  	[sflag:s11] =	ssyncadd.s32 $0xFFFFC000;
	s0 =	smov.u32 s29;
	s29 =	sadd.s32 $0x400, s29  }
0x168: {  	_ = 	snop  }
0x169: {  	_ =	swait.ge [sflag:s16], $0x4000  }
0x16a: {  	s0 =	sshra.s32 s0, $0x2;
	[sflag:s16] =	ssyncset.done $0x0  }
0x16b: {  	s7 =	sadd.s32 $0x13C80, s0;
	[sflag:s16] =	ssyncadd.s32 $0xFFFFC000  }
0x16c: {  	[tilespmem:s18], [sflag:$0x2] =	stream.indirect.gather [hbm4b:s25+s14], $0x80, s7, s14, $0xb8;
	[tilespmem:$0x1E400] =	vst v63  }
0x16d: {  	s7 =	sadd.s32 $0x15000, s0  }
0x16e: {  	[spmem:s1] =	stream.indirect.scatter.add.f32 [tilespmem:s15], [sflag:$0x3], $0x80, s7, s14, $0xb8;
	[tilespmem:$0x1E400] =	vst v63  }
0x16f: {  	_ =	swait.ge [sflag:s11], $0x4000  }
0x170: {  	[sflag:s11] =	ssyncset.done $0x0  }
0x171: {  	[sflag:s11] =	ssyncadd.s32 $0xFFFFC000  }
0x172: {  	_ =	swait.ge [sflag:s19], $0x4000  }
0x173: {  	[sflag:s19] =	ssyncset.done $0x0  }
0x174: {  	s7 =	sadd.s32 $0x13D00, s0;
	[sflag:s19] =	ssyncadd.s32 $0xFFFFC000  }
0x175: {  	[tilespmem:s15], [sflag:$0x1] =	stream.indirect.gather [hbm4b:s25+s14], $0x80, s7, s14, $0xb8;
	[tilespmem:$0x1E400] =	vst v63  }
.Ltmp9:
0x176: {  	_ = 	snop;
	(pc) =	sbr.rel @p3 .LBB2_13-.Ltmp9, $4  }
0x177: {  	s0 =	sadd.s32 $0x15080, s0  }
0x178: {  	[spmem:s1] =	stream.indirect.scatter.add.f32 [tilespmem:s18], [sflag:$0x3], $0x80, s0, s14, $0xb8;
	[tilespmem:$0x1E400] =	vst v63  }
0x179: {  	_ =	swait.ge [sflag:s11], $0x4000  }
0x17a: {  	[sflag:s11] =	ssyncset.done $0x0  }
.Ltmp10:
0x17b: {  	_ = 	snop;
	(pc) =	sbr.rel .LBB2_14-.Ltmp10, $1  }
0x17c: {  	_ =	sdelay $0x3  }
.LBB2_16:
0x17d: {  	_ =	sfence.sel $0x180000  }
0x17e: {  	[bflag:$0x0] =	sbarrier.arrive $0xFFFF  }
0x17f: {  	_ =	strace $0x9000004D  }
0x180: {  	s0 =	stileid.u32;
	[bflag:$0x2] =	sbarrier.arrive $0xFFFF  }
0x181: {  	p0 =	sne.s32 s0, $0x0;
	s0 =	rddreg [dreg:$0x4]  }
0x182: {  	s0 =	sadd.s32 @!p0 $0x100000, s0  }
0x183: {  	[sflag:s0] =	ssyncadd.tile.s32 @!p0 $0x1;
	_ =	shalt  }
.Lfunc_end2:
_tile_overlayer_lowered:
.L_overlay_start_2:
0x184: {  	(tag) =	ssettag $0x2  }
0x185: {  	s0 =	rddreg [dreg:$0x0];
	s2 =	stileid.u32  }
0x186: {  	s1 =	rddreg [dreg:$0x1];
	p0 =	sne.s32 s2, $0x0  }
0x187: {  	s3 =	rddreg [dreg:$0x2];
	[bflag:$0x3] =	sbarrier.arrive $0xFFFF;
	s2 =	simm.s32 @!p0 $0x1C03  }
0x188: {  	[timem:s3], [sflag:s2] =	dma.local @!p0 [hbm:s0], s1  }
0x189: {  	s0 =	simm.s32 @!p0 $0x3  }
0x18a: {  	_ =	swait.ge @!p0 [sflag:s0], s1  }
0x18b: {  	s1 =	ssub.s32 @!p0 $0x0, s1;
	[sflag:s0] =	ssyncset.done @!p0 $0x0  }
0x18c: {  	[sflag:s0] =	ssyncadd.s32 @!p0 s1  }
0x18d: {  	[bflag:$0x3] =	sbarrier.arrive $0xFFFF  }
0x18e: {  	_ =	shalt  }

</sc_bundles>
